<compile_context>
chip_gen: v7x
topology: tpu7x:2x2x1
jax: 0.10.2.dev20260603
libtpu: 0.0.44.dev20260713+nightly
codegen_flags: <defaults>
</compile_context>

<pallas_src>
import functools

import jax
import jax.numpy as jnp
from jax import lax
from jax.experimental import pallas as pl
from jax.experimental.pallas import tpu as pltpu
from jax.experimental.pallas import tpu_sc as plsc

N = 10000
D_IN = 128
D_HID = 16
D_OUT = 128

NC = 2
NS = 16
NW = NC * NS
CHUNK = 128
NCH = 2500
CPT = NCH // NW
CREM = NCH % NW
UPT = N // NS

_MESH = dict(core_axis_name="c", subcore_axis_name="s")
_SC_PARAMS = pltpu.CompilerParams(use_tc_tiling_on_sc=False,
                                  needs_layout_passes=False)


def _tile_range(wid):
    cnt = jnp.where(wid < CREM, CPT + 1, CPT)
    base = wid * CPT + jnp.minimum(wid, CREM)
    return base, cnt


def _load_chunks(ei_hbm, which, wid, idx_v):
    base, _ = _tile_range(wid)

    @pl.when(wid < CREM)
    def _():
        pltpu.sync_copy(ei_hbm.at[which, pl.ds(base, CPT + 1)], idx_v)

    @pl.when(wid >= CREM)
    def _():
        pltpu.sync_copy(ei_hbm.at[which, pl.ds(base, CPT)],
                        idx_v.at[pl.ds(0, CPT)])


DEG_ROWS = 10240
DPT = DEG_ROWS // NS


def _sc_deg(ei3):

    @functools.partial(
        pl.kernel,
        out_type=jax.ShapeDtypeStruct((NC, DEG_ROWS), jnp.float32),
        mesh=plsc.VectorSubcoreMesh(**_MESH),
        scratch_types=[
            pltpu.VMEM_SHARED((DEG_ROWS,), jnp.float32),
            pltpu.VMEM((CPT + 1, CHUNK), jnp.int32),
            pltpu.VMEM((CHUNK,), jnp.float32),
            pltpu.VMEM((DPT,), jnp.float32),
            pltpu.SemaphoreType.DMA,
        ],
        compiler_params=_SC_PARAMS,
    )
    def k(ei_hbm, out_hbm, acc_sh, idx_v, ones_v, stage_v, sem):
        c = lax.axis_index("c")
        s = lax.axis_index("s")
        wid = c * NS + s
        _, cnt = _tile_range(wid)

        def fill_zero(i, carry):
            stage_v[pl.ds(i * 16, 16)] = jnp.zeros((16,), jnp.float32)
            return carry

        lax.fori_loop(0, DPT // 16, fill_zero, 0)

        def fill_one(i, carry):
            ones_v[pl.ds(i * 16, 16)] = jnp.ones((16,), jnp.float32)
            return carry

        lax.fori_loop(0, CHUNK // 16, fill_one, 0)

        pltpu.sync_copy(stage_v, acc_sh.at[pl.ds(s * DPT, DPT)])
        _load_chunks(ei_hbm, 1, wid, idx_v)
        plsc.subcore_barrier()

        n_grp = cnt // 8

        def body(g, carry):
            j0 = g * 8
            for k in range(8):
                pltpu.async_copy(ones_v, acc_sh.at[idx_v.at[j0 + k]], sem,
                                 add=True)
            for k in range(8):
                pltpu.make_async_copy(
                    ones_v, acc_sh.at[idx_v.at[j0]], sem).wait()
            return carry

        lax.fori_loop(0, n_grp, body, 0)

        def tail(j, carry):
            pltpu.sync_copy(ones_v, acc_sh.at[idx_v.at[j]], add=True)
            return carry

        lax.fori_loop(n_grp * 8, cnt, tail, 0)
        plsc.subcore_barrier()
        pltpu.sync_copy(acc_sh.at[pl.ds(s * DPT, DPT)], stage_v)
        pltpu.sync_copy(stage_v, out_hbm.at[c, pl.ds(s * DPT, DPT)])

    return k(ei3)


GRP = 8


def _edge_loop(ei_hbm, wid, srcv, dstv, rows_v, u_sh, acc_sh, sem_g, sem_s):
    _load_chunks(ei_hbm, 0, wid, srcv)
    _load_chunks(ei_hbm, 1, wid, dstv)
    plsc.subcore_barrier()
    _, cnt = _tile_range(wid)
    n_grp = cnt // GRP

    for k in range(GRP):
        pltpu.async_copy(u_sh.at[srcv.at[k]], rows_v.at[0, k], sem_g)

    def body(g, carry):
        j0 = g * GRP
        p = lax.rem(g, 2)
        for k in range(GRP):
            pltpu.make_async_copy(
                u_sh.at[srcv.at[0]], rows_v.at[p, k], sem_g).wait()
        for k in range(GRP):
            pltpu.async_copy(
                rows_v.at[p, k], acc_sh.at[dstv.at[j0 + k]], sem_s,
                add=True)

        @pl.when(g + 1 < n_grp)
        def _():
            for k in range(GRP):
                pltpu.async_copy(
                    u_sh.at[srcv.at[j0 + GRP + k]], rows_v.at[1 - p, k],
                    sem_g)

        for k in range(GRP):
            pltpu.make_async_copy(
                rows_v.at[p, k], acc_sh.at[dstv.at[j0]], sem_s).wait()
        return carry

    lax.fori_loop(0, n_grp, body, 0)

    def tail(j, carry):
        pltpu.async_copy(u_sh.at[srcv.at[j]], rows_v.at[0, 0], sem_g).wait()
        pltpu.sync_copy(rows_v.at[0, 0], acc_sh.at[dstv.at[j]], add=True)
        return carry

    lax.fori_loop(n_grp * GRP, cnt, tail, 0)
    plsc.subcore_barrier()



DGB = 648


def _head_dinv(deg_hbm, dg0, dg1, dinv_v, s):
    start = s * UPT
    astart = (start // 8) * 8
    off = start - astart
    pltpu.sync_copy(deg_hbm.at[0, pl.ds(astart, DGB)], dg0)
    pltpu.sync_copy(deg_hbm.at[1, pl.ds(astart, DGB)], dg1)

    def ch(t, carry):
        d = dg0[pl.ds(off + 16 * t, 16)] + dg1[pl.ds(off + 16 * t, 16)] + 1.0
        i32 = plsc.bitcast(d, jnp.int32)
        i32 = 0x5F3759DF - lax.shift_right_logical(i32, 1)
        y = plsc.bitcast(i32, jnp.float32)
        y = y * (1.5 - 0.5 * d * y * y)
        y = y * (1.5 - 0.5 * d * y * y)
        y = y * (1.5 - 0.5 * d * y * y)
        dinv_v[pl.ds(16 * t, 16)] = y
        return carry

    lax.fori_loop(0, (DGB - 8) // 16, ch, 0)


def _bcast_row(dinv_v, i):
    return plsc.load_gather(dinv_v, [jnp.full((16,), i, jnp.int32)])

def _zero_acc(stage_v, acc_sh, s):
    def fill_zero(i, carry):
        stage_v[i] = jnp.zeros((D_HID,), jnp.float32)
        return carry

    lax.fori_loop(0, UPT, fill_zero, 0)
    pltpu.sync_copy(stage_v, acc_sh.at[pl.ds(s * UPT, UPT)])


def _sc_edge1(p1, deg_part, ei3):

    @functools.partial(
        pl.kernel,
        out_type=jax.ShapeDtypeStruct((NC, N, D_HID), jnp.float32),
        mesh=plsc.VectorSubcoreMesh(**_MESH),
        scratch_types=[
            pltpu.VMEM_SHARED((N, D_HID), jnp.float32),
            pltpu.VMEM_SHARED((N, D_HID), jnp.float32),
            pltpu.VMEM((CPT + 1, CHUNK), jnp.int32),
            pltpu.VMEM((CPT + 1, CHUNK), jnp.int32),
            pltpu.VMEM((2, GRP, CHUNK, D_HID), jnp.float32),
            pltpu.VMEM((UPT, D_HID), jnp.float32),
            pltpu.VMEM((UPT, D_HID), jnp.float32),
            pltpu.VMEM((DGB,), jnp.float32),
            pltpu.VMEM((DGB,), jnp.float32),
            pltpu.VMEM((DGB - 8,), jnp.float32),
            pltpu.SemaphoreType.DMA,
            pltpu.SemaphoreType.DMA,
        ],
        compiler_params=_SC_PARAMS,
    )
    def k(p_hbm, deg_hbm, ei_hbm, out_hbm,
          acc_sh, u_sh, srcv, dstv, rows_v, ubuf, dbuf,
          dg0, dg1, dinv_v, sem_g, sem_s):
        c = lax.axis_index("c")
        s = lax.axis_index("s")
        wid = c * NS + s

        pltpu.sync_copy(p_hbm.at[pl.ds(s * UPT, UPT)], ubuf)
        _head_dinv(deg_hbm, dg0, dg1, dinv_v, s)

        def scale(i, carry):
            ubuf[i] = ubuf[i] * _bcast_row(dinv_v, i)
            return carry

        lax.fori_loop(0, UPT, scale, 0)
        pltpu.sync_copy(ubuf, u_sh.at[pl.ds(s * UPT, UPT)])
        _zero_acc(dbuf, acc_sh, s)

        _edge_loop(ei_hbm, wid, srcv, dstv, rows_v, u_sh, acc_sh, sem_g, sem_s)

        pltpu.sync_copy(acc_sh.at[pl.ds(s * UPT, UPT)], ubuf)
        pltpu.sync_copy(ubuf, out_hbm.at[c, pl.ds(s * UPT, UPT)])

    return k(p1, deg_part, ei3)


def _sc_edge2(s1, p1, deg_part, b1, ei3):

    @functools.partial(
        pl.kernel,
        out_type=jax.ShapeDtypeStruct((NC, N, D_HID), jnp.float32),
        mesh=plsc.VectorSubcoreMesh(**_MESH),
        scratch_types=[
            pltpu.VMEM_SHARED((N, D_HID), jnp.float32),
            pltpu.VMEM_SHARED((N, D_HID), jnp.float32),
            pltpu.VMEM((CPT + 1, CHUNK), jnp.int32),
            pltpu.VMEM((CPT + 1, CHUNK), jnp.int32),
            pltpu.VMEM((2, GRP, CHUNK, D_HID), jnp.float32),
            pltpu.VMEM((UPT, D_HID), jnp.float32),
            pltpu.VMEM((UPT, D_HID), jnp.float32),
            pltpu.VMEM((UPT, D_HID), jnp.float32),
            pltpu.VMEM((UPT, D_HID), jnp.float32),
            pltpu.VMEM((16,), jnp.float32),
            pltpu.VMEM((DGB,), jnp.float32),
            pltpu.VMEM((DGB,), jnp.float32),
            pltpu.VMEM((DGB - 8,), jnp.float32),
            pltpu.SemaphoreType.DMA,
            pltpu.SemaphoreType.DMA,
        ],
        compiler_params=_SC_PARAMS,
    )
    def k(s1_hbm, p_hbm, deg_hbm, b_hbm, ei_hbm, out_hbm,
          acc_sh, u_sh, srcv, dstv, rows_v, ubuf, dbuf, t0, t1, bv,
          dg0, dg1, dinv_v, sem_g, sem_s):
        c = lax.axis_index("c")
        s = lax.axis_index("s")
        wid = c * NS + s

        pltpu.sync_copy(p_hbm.at[pl.ds(s * UPT, UPT)], ubuf)
        pltpu.sync_copy(s1_hbm.at[0, pl.ds(s * UPT, UPT)], t0)
        pltpu.sync_copy(s1_hbm.at[1, pl.ds(s * UPT, UPT)], t1)
        pltpu.sync_copy(b_hbm, bv)
        bias = bv[...]
        _head_dinv(deg_hbm, dg0, dg1, dinv_v, s)

        def head(i, carry):
            d = _bcast_row(dinv_v, i)
            agg = d * (t0[i] + t1[i] + ubuf[i] * d)
            ubuf[i] = jnp.maximum(agg + bias, 0.0) * d
            return carry

        lax.fori_loop(0, UPT, head, 0)
        pltpu.sync_copy(ubuf, u_sh.at[pl.ds(s * UPT, UPT)])
        _zero_acc(dbuf, acc_sh, s)

        _edge_loop(ei_hbm, wid, srcv, dstv, rows_v, u_sh, acc_sh, sem_g, sem_s)

        pltpu.sync_copy(acc_sh.at[pl.ds(s * UPT, UPT)], ubuf)
        pltpu.sync_copy(ubuf, out_hbm.at[c, pl.ds(s * UPT, UPT)])

    return k(s1, p1, deg_part, b1, ei3)


def _tc_mm(x, w1):

    def body(x_ref, w_ref, p_ref):
        p_ref[...] = jnp.dot(x_ref[...], w_ref[...],
                             preferred_element_type=jnp.float32)

    return pl.pallas_call(
        body, out_shape=jax.ShapeDtypeStruct((N, D_HID), jnp.float32),
    )(x, w1)


def _tc_out(s1, s2, p1, deg_t, b1, w2, b2):
    BLK = 2000

    def body(s1_ref, s2_ref, p_ref, dt_ref, b1_ref, w_ref, b2_ref, out_ref):
        d = lax.rsqrt(dt_ref[:, 0:1] + dt_ref[:, 1:2] + 1.0)
        u1 = p_ref[...] * d
        u2 = jnp.maximum(d * (s1_ref[0] + s1_ref[1] + u1) + b1_ref[...],
                         0.0) * d
        agg = d * (s2_ref[0] + s2_ref[1] + u2)
        out_ref[...] = (
            jnp.dot(agg, w_ref[...], preferred_element_type=jnp.float32)
            + b2_ref[...])

    return pl.pallas_call(
        body,
        grid=(N // BLK,),
        in_specs=[
            pl.BlockSpec((NC, BLK, D_HID), lambda i: (0, i, 0)),
            pl.BlockSpec((NC, BLK, D_HID), lambda i: (0, i, 0)),
            pl.BlockSpec((BLK, D_HID), lambda i: (i, 0)),
            pl.BlockSpec((BLK, NC), lambda i: (i, 0)),
            pl.BlockSpec((1, D_HID), lambda i: (0, 0)),
            pl.BlockSpec((D_HID, D_OUT), lambda i: (0, 0)),
            pl.BlockSpec((1, D_OUT), lambda i: (0, 0)),
        ],
        out_specs=pl.BlockSpec((BLK, D_OUT), lambda i: (i, 0)),
        out_shape=jax.ShapeDtypeStruct((N, D_OUT), jnp.float32),
        compiler_params=pltpu.CompilerParams(
            dimension_semantics=("arbitrary",)),
    )(s1, s2, p1, deg_t, b1, w2, b2)


def kernel(x_graph, edge_index, W1, b1, W2, b2):
    ei3 = edge_index.reshape(2, NCH, CHUNK)

    deg_part = _sc_deg(ei3)
    p1 = _tc_mm(x_graph, W1)

    s1 = _sc_edge1(p1, deg_part, ei3)
    s2 = _sc_edge2(s1, p1, deg_part, b1, ei3)
    return _tc_out(s1, s2, p1, deg_part[:, :N].T,
                   b1.reshape(1, D_HID), W2, b2.reshape(1, D_OUT))

# --- scband reference (transcript-rebuilt; emitter-appended) ---
"""Pipeline reference for scband-graph-behavioral-expert-4002909520308 (READ-ONLY COPY).

The authoritative reference and input builder live on the scoring server;
editing this copy changes nothing except your own understanding.
"""

import jax, jax.numpy as jnp
import numpy as np

N_NODES = 10000
N_EDGES = 320000
D_IN = 128
D_HID = 16
D_OUT = 128


def gcn_conv(x, edge_index, W, b):
    N = x.shape[0]
    src = edge_index[0]
    dst = edge_index[1]
    loop = jnp.arange(N, dtype=src.dtype)
    src = jnp.concatenate([src, loop])
    dst = jnp.concatenate([dst, loop])
    ones = jnp.ones(src.shape[0], dtype=x.dtype)
    deg = jax.ops.segment_sum(ones, dst, num_segments=N)
    dinv = jnp.where(deg > 0, deg ** -0.5, 0.0)
    norm = dinv[src] * dinv[dst]
    h = x @ W
    msgs = h[src] * norm[:, None]
    out = jax.ops.segment_sum(msgs, dst, num_segments=N)
    return out + b


def setup_inputs(seed: int = 0) -> dict:
    key = jax.random.key(seed)
    k1, k2, k3, k4, k5 = jax.random.split(key, 5)
    x_graph = jax.random.normal(k1, (N_NODES, D_IN), dtype=jnp.float32)
    edge_index = jax.random.randint(k2, (2, N_EDGES), 0, N_NODES).astype(jnp.int32)
    W1 = jax.random.normal(k3, (D_IN, D_HID), dtype=jnp.float32) * (1.0 / np.sqrt(D_IN))
    b1 = jnp.zeros((D_HID,), dtype=jnp.float32)
    W2 = jax.random.normal(k4, (D_HID, D_OUT), dtype=jnp.float32) * (1.0 / np.sqrt(D_HID))
    b2 = jnp.zeros((D_OUT,), dtype=jnp.float32)
    return {"x_graph": x_graph, "edge_index": edge_index, "W1": W1, "b1": b1, "W2": W2, "b2": b2}


def reference(x_graph, edge_index, W1, b1, W2, b2):
    h = jax.nn.relu(gcn_conv(x_graph, edge_index, W1, b1))
    out = gcn_conv(h, edge_index, W2, b2)
    return out

if __name__ == "__main__":
    import jax
    _d = setup_inputs()
    print(jax.jit(kernel)(*tuple(_d.values())))

</pallas_src>

<mosaic_0001>
#map = affine_map<(d0, d1) -> (0, 0)>
#map1 = affine_map<(d0, d1) -> (0, 0, 0)>
module attributes {stable_mosaic.version = 14 : i64} {
  func.func @k(%arg0: i32, %arg1: i32, %arg2: memref<10000x16xf32, #tpu.memory_space<hbm>>, %arg3: memref<2x10240xf32, #tpu.memory_space<hbm>>, %arg4: memref<2x2500x128xi32, #tpu.memory_space<hbm>>, %arg5: memref<2x10000x16xf32, #tpu.memory_space<hbm>>, %arg6: memref<10000x16xf32, #tpu.memory_space<vmem_shared>>, %arg7: memref<10000x16xf32, #tpu.memory_space<vmem_shared>>, %arg8: memref<79x128xi32, #tpu.memory_space<vmem>>, %arg9: memref<79x128xi32, #tpu.memory_space<vmem>>, %arg10: memref<2x8x128x16xf32, #tpu.memory_space<vmem>>, %arg11: memref<625x16xf32, #tpu.memory_space<vmem>>, %arg12: memref<625x16xf32, #tpu.memory_space<vmem>>, %arg13: memref<648xf32, #tpu.memory_space<vmem>>, %arg14: memref<648xf32, #tpu.memory_space<vmem>>, %arg15: memref<640xf32, #tpu.memory_space<vmem>>, %arg16: memref<!tpu.dma_semaphore, #tpu.memory_space<semaphore_mem>>, %arg17: memref<!tpu.dma_semaphore, #tpu.memory_space<semaphore_mem>>) attributes {dimension_semantics = [#tpu.dimension_semantics<core_parallel>, #tpu.dimension_semantics<subcore_parallel>], iteration_bounds = array<i64: 2, 16>, scalar_prefetch = 0 : i64, scratch_operands = 12 : i64, tpu.core_type = #tpu.core_type<sc_vector_subcore>, window_params = [{transform_indices = #map}, {transform_indices = #map}, {transform_indices = #map1}, {transform_indices = #map1}]} {
    %mul3A = arith.constant 16 : i32
    %mul3A_0 = arith.muli %arg0, %mul3A : i32
    %add3A = arith.addi %mul3A_0, %arg1 : i32
    %mul3A_1 = arith.constant 625 : i32
    %mul3A_2 = arith.muli %arg1, %mul3A_1 : i32
    "tpu.region"() ({
      %run_scoped3A_243 = tpu.sem_alloc : memref<!tpu.dma_semaphore, #tpu.memory_space<semaphore_mem>>
      %dma_start3A_244 = arith.constant 0 : i32
      %dma_start3A_245 = tpu.memref_slice %arg2[%mul3A_2, %dma_start3A_244] : memref<10000x16xf32, #tpu.memory_space<hbm>> -> memref<625x16xf32, #tpu.memory_space<hbm>>
      %dma_start3A_246 = arith.constant 0 : i32
      %dma_start3A_247 = tpu.memref_slice %arg2[%mul3A_2, %dma_start3A_246] : memref<10000x16xf32, #tpu.memory_space<hbm>> -> memref<625x16xf32, #tpu.memory_space<hbm>>
      tpu.enqueue_dma source(%dma_start3A_247 : memref<625x16xf32, #tpu.memory_space<hbm>>) target(%arg11 : memref<625x16xf32, #tpu.memory_space<vmem>>) target_semaphore(%run_scoped3A_243 : memref<!tpu.dma_semaphore, #tpu.memory_space<semaphore_mem>>)
      %dma_wait3A = arith.constant 0 : i32
      %dma_wait3A_248 = tpu.memref_slice %arg2[%mul3A_2, %dma_wait3A] : memref<10000x16xf32, #tpu.memory_space<hbm>> -> memref<625x16xf32, #tpu.memory_space<hbm>>
      %dma_wait3A_249 = arith.constant 0 : i32
      %dma_wait3A_250 = tpu.memref_slice %arg2[%mul3A_2, %dma_wait3A_249] : memref<10000x16xf32, #tpu.memory_space<hbm>> -> memref<625x16xf32, #tpu.memory_space<hbm>>
      tpu.wait_dma2 semaphore(%run_scoped3A_243 : memref<!tpu.dma_semaphore, #tpu.memory_space<semaphore_mem>>) src(%dma_wait3A_250 : memref<625x16xf32, #tpu.memory_space<hbm>>) dst(%arg11 : memref<625x16xf32, #tpu.memory_space<vmem>>)
      tpu.yield
    }) : () -> ()
    %mul3A_3 = arith.constant 625 : i32
    %mul3A_4 = arith.muli %arg1, %mul3A_3 : i32
    %jit3A = arith.constant 8 : i32
    %div3A = arith.divsi %mul3A_4, %jit3A : i32
    %sign3A = arith.constant 0 : i32
    %sign3A_5 = arith.cmpi sgt, %mul3A_4, %sign3A : i32
    %sign3A_6 = arith.extui %sign3A_5 : i1 to i32
    %sign3A_7 = arith.constant 0 : i32
    %sign3A_8 = arith.cmpi slt, %mul3A_4, %sign3A_7 : i32
    %sign3A_9 = arith.extui %sign3A_8 : i1 to i32
    %sign3A_10 = arith.subi %sign3A_6, %sign3A_9 : i32
    %sign3A_11 = arith.constant 0 : i32
    %sign3A_12 = arith.cmpi sgt, %jit3A, %sign3A_11 : i32
    %sign3A_13 = arith.extui %sign3A_12 : i1 to i32
    %sign3A_14 = arith.constant 0 : i32
    %sign3A_15 = arith.cmpi slt, %jit3A, %sign3A_14 : i32
    %sign3A_16 = arith.extui %sign3A_15 : i1 to i32
    %sign3A_17 = arith.subi %sign3A_13, %sign3A_16 : i32
    %ne3A = arith.cmpi ne, %sign3A_10, %sign3A_17 : i32
    %rem3A = arith.remsi %mul3A_4, %jit3A : i32
    %ne3A_18 = arith.constant 0 : i32
    %ne3A_19 = arith.cmpi ne, %rem3A, %ne3A_18 : i32
    %and3A = arith.andi %ne3A, %ne3A_19 : i1
    %sub3A = arith.constant 1 : i32
    %sub3A_20 = arith.subi %div3A, %sub3A : i32
    %select_n3A = arith.select %and3A, %sub3A_20, %div3A : i32
    %mul3A_21 = arith.constant 8 : i32
    %mul3A_22 = arith.muli %select_n3A, %mul3A_21 : i32
    %sub3A_23 = arith.subi %mul3A_4, %mul3A_22 : i32
    %run_scoped3A = arith.constant 0 : i32
    "tpu.region"() ({
      %run_scoped3A_243 = tpu.sem_alloc : memref<!tpu.dma_semaphore, #tpu.memory_space<semaphore_mem>>
      %dma_start3A_244 = tpu.memref_slice %arg3[%run_scoped3A, %mul3A_22] : memref<2x10240xf32, #tpu.memory_space<hbm>> -> memref<1x648xf32, #tpu.memory_space<hbm>>
      %dma_start3A_245 = tpu.memref_squeeze %dma_start3A_244 : memref<1x648xf32, #tpu.memory_space<hbm>> -> memref<648xf32, #tpu.memory_space<hbm>>
      %dma_start3A_246 = tpu.memref_slice %arg3[%run_scoped3A, %mul3A_22] : memref<2x10240xf32, #tpu.memory_space<hbm>> -> memref<1x648xf32, #tpu.memory_space<hbm>>
      %dma_start3A_247 = tpu.memref_squeeze %dma_start3A_246 : memref<1x648xf32, #tpu.memory_space<hbm>> -> memref<648xf32, #tpu.memory_space<hbm>>
      tpu.enqueue_dma source(%dma_start3A_247 : memref<648xf32, #tpu.memory_space<hbm>>) target(%arg13 : memref<648xf32, #tpu.memory_space<vmem>>) target_semaphore(%run_scoped3A_243 : memref<!tpu.dma_semaphore, #tpu.memory_space<semaphore_mem>>)
      %dma_wait3A = tpu.memref_slice %arg3[%run_scoped3A, %mul3A_22] : memref<2x10240xf32, #tpu.memory_space<hbm>> -> memref<1x648xf32, #tpu.memory_space<hbm>>
      %dma_wait3A_248 = tpu.memref_squeeze %dma_wait3A : memref<1x648xf32, #tpu.memory_space<hbm>> -> memref<648xf32, #tpu.memory_space<hbm>>
      %dma_wait3A_249 = tpu.memref_slice %arg3[%run_scoped3A, %mul3A_22] : memref<2x10240xf32, #tpu.memory_space<hbm>> -> memref<1x648xf32, #tpu.memory_space<hbm>>
      %dma_wait3A_250 = tpu.memref_squeeze %dma_wait3A_249 : memref<1x648xf32, #tpu.memory_space<hbm>> -> memref<648xf32, #tpu.memory_space<hbm>>
      tpu.wait_dma2 semaphore(%run_scoped3A_243 : memref<!tpu.dma_semaphore, #tpu.memory_space<semaphore_mem>>) src(%dma_wait3A_250 : memref<648xf32, #tpu.memory_space<hbm>>) dst(%arg13 : memref<648xf32, #tpu.memory_space<vmem>>)
      tpu.yield
    }) : () -> ()
    %run_scoped3A_24 = arith.constant 1 : i32
    "tpu.region"() ({
      %run_scoped3A_243 = tpu.sem_alloc : memref<!tpu.dma_semaphore, #tpu.memory_space<semaphore_mem>>
      %dma_start3A_244 = tpu.memref_slice %arg3[%run_scoped3A_24, %mul3A_22] : memref<2x10240xf32, #tpu.memory_space<hbm>> -> memref<1x648xf32, #tpu.memory_space<hbm>>
      %dma_start3A_245 = tpu.memref_squeeze %dma_start3A_244 : memref<1x648xf32, #tpu.memory_space<hbm>> -> memref<648xf32, #tpu.memory_space<hbm>>
      %dma_start3A_246 = tpu.memref_slice %arg3[%run_scoped3A_24, %mul3A_22] : memref<2x10240xf32, #tpu.memory_space<hbm>> -> memref<1x648xf32, #tpu.memory_space<hbm>>
      %dma_start3A_247 = tpu.memref_squeeze %dma_start3A_246 : memref<1x648xf32, #tpu.memory_space<hbm>> -> memref<648xf32, #tpu.memory_space<hbm>>
      tpu.enqueue_dma source(%dma_start3A_247 : memref<648xf32, #tpu.memory_space<hbm>>) target(%arg14 : memref<648xf32, #tpu.memory_space<vmem>>) target_semaphore(%run_scoped3A_243 : memref<!tpu.dma_semaphore, #tpu.memory_space<semaphore_mem>>)
      %dma_wait3A = tpu.memref_slice %arg3[%run_scoped3A_24, %mul3A_22] : memref<2x10240xf32, #tpu.memory_space<hbm>> -> memref<1x648xf32, #tpu.memory_space<hbm>>
      %dma_wait3A_248 = tpu.memref_squeeze %dma_wait3A : memref<1x648xf32, #tpu.memory_space<hbm>> -> memref<648xf32, #tpu.memory_space<hbm>>
      %dma_wait3A_249 = tpu.memref_slice %arg3[%run_scoped3A_24, %mul3A_22] : memref<2x10240xf32, #tpu.memory_space<hbm>> -> memref<1x648xf32, #tpu.memory_space<hbm>>
      %dma_wait3A_250 = tpu.memref_squeeze %dma_wait3A_249 : memref<1x648xf32, #tpu.memory_space<hbm>> -> memref<648xf32, #tpu.memory_space<hbm>>
      tpu.wait_dma2 semaphore(%run_scoped3A_243 : memref<!tpu.dma_semaphore, #tpu.memory_space<semaphore_mem>>) src(%dma_wait3A_250 : memref<648xf32, #tpu.memory_space<hbm>>) dst(%arg14 : memref<648xf32, #tpu.memory_space<vmem>>)
      tpu.yield
    }) : () -> ()
    %scan3A = arith.constant 0 : i32
    %scan3A_25 = arith.constant 0 : i32
    %scan3A_26 = arith.constant 40 : i32
    %scan3A_27 = arith.addi %scan3A_25, %scan3A_26 : i32
    %scan3A_28 = arith.constant 1 : i32
    scf.for %scan3A_243 = %scan3A_25 to %scan3A_27 step %scan3A_28  : i32 {
      %mul3A_244 = arith.constant 16 : i32
      %mul3A_245 = arith.muli %mul3A_244, %scan3A_243 : i32
      %add3A_246 = arith.addi %sub3A_23, %mul3A_245 : i32
      %get3A = arith.index_cast %add3A_246 : i32 to index
      %get3A_247 = tpu.vector_load %arg13[%get3A] {strides = array<i32>} : memref<648xf32, #tpu.memory_space<vmem>>, vector<16xf32>,
      %mul3A_248 = arith.constant 16 : i32
      %mul3A_249 = arith.muli %mul3A_248, %scan3A_243 : i32
      %add3A_250 = arith.addi %sub3A_23, %mul3A_249 : i32
      %get3A_251 = arith.index_cast %add3A_250 : i32 to index
      %get3A_252 = tpu.vector_load %arg14[%get3A_251] {strides = array<i32>} : memref<648xf32, #tpu.memory_space<vmem>>, vector<16xf32>,
      %add3A_253 = arith.addf %get3A_247, %get3A_252 : vector<16xf32>
      %add3A_254 = arith.constant 1.000000e+00 : f32
      %add3A_255 = vector.broadcast %add3A_254 : f32 to vector<16xf32>
      %add3A_256 = arith.addf %add3A_253, %add3A_255 : vector<16xf32>
      %bitcast3A = vector.bitcast %add3A_256 : vector<16xf32> to vector<16xi32>
      %shift_right_logical3A = arith.constant 1 : i32
      %shift_right_logical3A_257 = vector.broadcast %shift_right_logical3A : i32 to vector<16xi32>
      %shift_right_logical3A_258 = arith.shrui %bitcast3A, %shift_right_logical3A_257 : vector<16xi32>
      %sub3A_259 = arith.constant 1597463007 : i32
      %sub3A_260 = vector.broadcast %sub3A_259 : i32 to vector<16xi32>
      %sub3A_261 = arith.subi %sub3A_260, %shift_right_logical3A_258 : vector<16xi32>
      %bitcast3A_262 = vector.bitcast %sub3A_261 : vector<16xi32> to vector<16xf32>
      %mul3A_263 = arith.constant 5.000000e-01 : f32
      %mul3A_264 = vector.broadcast %mul3A_263 : f32 to vector<16xf32>
      %mul3A_265 = arith.mulf %mul3A_264, %add3A_256 : vector<16xf32>
      %mul3A_266 = arith.mulf %mul3A_265, %bitcast3A_262 : vector<16xf32>
      %mul3A_267 = arith.mulf %mul3A_266, %bitcast3A_262 : vector<16xf32>
      %sub3A_268 = arith.constant 1.500000e+00 : f32
      %sub3A_269 = vector.broadcast %sub3A_268 : f32 to vector<16xf32>
      %sub3A_270 = arith.subf %sub3A_269, %mul3A_267 : vector<16xf32>
      %mul3A_271 = arith.mulf %bitcast3A_262, %sub3A_270 : vector<16xf32>
      %mul3A_272 = arith.constant 5.000000e-01 : f32
      %mul3A_273 = vector.broadcast %mul3A_272 : f32 to vector<16xf32>
      %mul3A_274 = arith.mulf %mul3A_273, %add3A_256 : vector<16xf32>
      %mul3A_275 = arith.mulf %mul3A_274, %mul3A_271 : vector<16xf32>
      %mul3A_276 = arith.mulf %mul3A_275, %mul3A_271 : vector<16xf32>
      %sub3A_277 = arith.constant 1.500000e+00 : f32
      %sub3A_278 = vector.broadcast %sub3A_277 : f32 to vector<16xf32>
      %sub3A_279 = arith.subf %sub3A_278, %mul3A_276 : vector<16xf32>
      %mul3A_280 = arith.mulf %mul3A_271, %sub3A_279 : vector<16xf32>
      %mul3A_281 = arith.constant 5.000000e-01 : f32
      %mul3A_282 = vector.broadcast %mul3A_281 : f32 to vector<16xf32>
      %mul3A_283 = arith.mulf %mul3A_282, %add3A_256 : vector<16xf32>
      %mul3A_284 = arith.mulf %mul3A_283, %mul3A_280 : vector<16xf32>
      %mul3A_285 = arith.mulf %mul3A_284, %mul3A_280 : vector<16xf32>
      %sub3A_286 = arith.constant 1.500000e+00 : f32
      %sub3A_287 = vector.broadcast %sub3A_286 : f32 to vector<16xf32>
      %sub3A_288 = arith.subf %sub3A_287, %mul3A_285 : vector<16xf32>
      %mul3A_289 = arith.mulf %mul3A_280, %sub3A_288 : vector<16xf32>
      %mul3A_290 = arith.constant 16 : i32
      %mul3A_291 = arith.muli %mul3A_290, %scan3A_243 : i32
      %swap3A = arith.index_cast %mul3A_291 : i32 to index
      %swap3A_292 = tpu.vector_load %arg15[%swap3A] {strides = array<i32>} : memref<640xf32, #tpu.memory_space<vmem>>, vector<16xf32>,
      tpu.vector_store %arg15[%swap3A], %mul3A_289 {strides = array<i32>} : memref<640xf32, #tpu.memory_space<vmem>>, vector<16xf32>,
    }
    %scan3A_29 = arith.constant 40 : i32
    %scan3A_30 = arith.constant 0 : i32
    %scan3A_31 = arith.constant 0 : i32
    %scan3A_32 = arith.constant 625 : i32
    %scan3A_33 = arith.addi %scan3A_31, %scan3A_32 : i32
    %scan3A_34 = arith.constant 1 : i32
    scf.for %scan3A_243 = %scan3A_31 to %scan3A_33 step %scan3A_34  : i32 {
      %get3A = arith.index_cast %scan3A_243 : i32 to index
      %get3A_244 = arith.constant 0 : index
      %get3A_245 = tpu.vector_load %arg11[%get3A, %get3A_244] {strides = array<i32>} : memref<625x16xf32, #tpu.memory_space<vmem>>, vector<16xf32>,
      %broadcast_in_dim3A = vector.broadcast %scan3A_243 : i32 to vector<16xi32>
      %gather3A = tpu.vector_load_idx %arg15[%broadcast_in_dim3A] : memref<640xf32, #tpu.memory_space<vmem>>[vector<16xi32>], vector<16xf32>,
      %mul3A_246 = arith.mulf %get3A_245, %gather3A : vector<16xf32>
      %swap3A = arith.index_cast %scan3A_243 : i32 to index
      %swap3A_247 = arith.constant 0 : index
      %swap3A_248 = tpu.vector_load %arg11[%swap3A, %swap3A_247] {strides = array<i32>} : memref<625x16xf32, #tpu.memory_space<vmem>>, vector<16xf32>,
      tpu.vector_store %arg11[%swap3A, %swap3A_247], %mul3A_246 {strides = array<i32>} : memref<625x16xf32, #tpu.memory_space<vmem>>, vector<16xf32>,
    }
    %scan3A_35 = arith.constant 625 : i32
    %mul3A_36 = arith.constant 625 : i32
    %mul3A_37 = arith.muli %arg1, %mul3A_36 : i32
    "tpu.region"() ({
      %run_scoped3A_243 = tpu.sem_alloc : memref<!tpu.dma_semaphore, #tpu.memory_space<semaphore_mem>>
      %dma_start3A_244 = arith.constant 0 : i32
      %dma_start3A_245 = tpu.memref_slice %arg7[%mul3A_37, %dma_start3A_244] : memref<10000x16xf32, #tpu.memory_space<vmem_shared>> -> memref<625x16xf32, #tpu.memory_space<vmem_shared>>
      %dma_start3A_246 = arith.constant 0 : i32
      %dma_start3A_247 = tpu.memref_slice %arg7[%mul3A_37, %dma_start3A_246] : memref<10000x16xf32, #tpu.memory_space<vmem_shared>> -> memref<625x16xf32, #tpu.memory_space<vmem_shared>>
      tpu.enqueue_dma source(%arg11 : memref<625x16xf32, #tpu.memory_space<vmem>>) target(%dma_start3A_247 : memref<625x16xf32, #tpu.memory_space<vmem_shared>>) target_semaphore(%run_scoped3A_243 : memref<!tpu.dma_semaphore, #tpu.memory_space<semaphore_mem>>)
      %dma_wait3A = arith.constant 0 : i32
      %dma_wait3A_248 = tpu.memref_slice %arg7[%mul3A_37, %dma_wait3A] : memref<10000x16xf32, #tpu.memory_space<vmem_shared>> -> memref<625x16xf32, #tpu.memory_space<vmem_shared>>
      %dma_wait3A_249 = arith.constant 0 : i32
      %dma_wait3A_250 = tpu.memref_slice %arg7[%mul3A_37, %dma_wait3A_249] : memref<10000x16xf32, #tpu.memory_space<vmem_shared>> -> memref<625x16xf32, #tpu.memory_space<vmem_shared>>
      tpu.wait_dma2 semaphore(%run_scoped3A_243 : memref<!tpu.dma_semaphore, #tpu.memory_space<semaphore_mem>>) src(%arg11 : memref<625x16xf32, #tpu.memory_space<vmem>>) dst(%dma_wait3A_250 : memref<625x16xf32, #tpu.memory_space<vmem_shared>>)
      tpu.yield
    }) : () -> ()
    %scan3A_38 = arith.constant 0 : i32
    %scan3A_39 = arith.constant 0 : i32
    %scan3A_40 = arith.constant 625 : i32
    %scan3A_41 = arith.addi %scan3A_39, %scan3A_40 : i32
    %scan3A_42 = arith.constant 1 : i32
    scf.for %scan3A_243 = %scan3A_39 to %scan3A_41 step %scan3A_42  : i32 {
      %broadcast_in_dim3A = arith.constant 0.000000e+00 : f32
      %broadcast_in_dim3A_244 = vector.broadcast %broadcast_in_dim3A : f32 to vector<16xf32>
      %swap3A = arith.index_cast %scan3A_243 : i32 to index
      %swap3A_245 = arith.constant 0 : index
      %swap3A_246 = tpu.vector_load %arg12[%swap3A, %swap3A_245] {strides = array<i32>} : memref<625x16xf32, #tpu.memory_space<vmem>>, vector<16xf32>,
      tpu.vector_store %arg12[%swap3A, %swap3A_245], %broadcast_in_dim3A_244 {strides = array<i32>} : memref<625x16xf32, #tpu.memory_space<vmem>>, vector<16xf32>,
    }
    %scan3A_43 = arith.constant 625 : i32
    %mul3A_44 = arith.constant 625 : i32
    %mul3A_45 = arith.muli %arg1, %mul3A_44 : i32
    "tpu.region"() ({
      %run_scoped3A_243 = tpu.sem_alloc : memref<!tpu.dma_semaphore, #tpu.memory_space<semaphore_mem>>
      %dma_start3A_244 = arith.constant 0 : i32
      %dma_start3A_245 = tpu.memref_slice %arg6[%mul3A_45, %dma_start3A_244] : memref<10000x16xf32, #tpu.memory_space<vmem_shared>> -> memref<625x16xf32, #tpu.memory_space<vmem_shared>>
      %dma_start3A_246 = arith.constant 0 : i32
      %dma_start3A_247 = tpu.memref_slice %arg6[%mul3A_45, %dma_start3A_246] : memref<10000x16xf32, #tpu.memory_space<vmem_shared>> -> memref<625x16xf32, #tpu.memory_space<vmem_shared>>
      tpu.enqueue_dma source(%arg12 : memref<625x16xf32, #tpu.memory_space<vmem>>) target(%dma_start3A_247 : memref<625x16xf32, #tpu.memory_space<vmem_shared>>) target_semaphore(%run_scoped3A_243 : memref<!tpu.dma_semaphore, #tpu.memory_space<semaphore_mem>>)
      %dma_wait3A = arith.constant 0 : i32
      %dma_wait3A_248 = tpu.memref_slice %arg6[%mul3A_45, %dma_wait3A] : memref<10000x16xf32, #tpu.memory_space<vmem_shared>> -> memref<625x16xf32, #tpu.memory_space<vmem_shared>>
      %dma_wait3A_249 = arith.constant 0 : i32
      %dma_wait3A_250 = tpu.memref_slice %arg6[%mul3A_45, %dma_wait3A_249] : memref<10000x16xf32, #tpu.memory_space<vmem_shared>> -> memref<625x16xf32, #tpu.memory_space<vmem_shared>>
      tpu.wait_dma2 semaphore(%run_scoped3A_243 : memref<!tpu.dma_semaphore, #tpu.memory_space<semaphore_mem>>) src(%arg12 : memref<625x16xf32, #tpu.memory_space<vmem>>) dst(%dma_wait3A_250 : memref<625x16xf32, #tpu.memory_space<vmem_shared>>)
      tpu.yield
    }) : () -> ()
    %lt3A = arith.constant 4 : i32
    %lt3A_46 = arith.cmpi slt, %add3A, %lt3A : i32
    %jit3A_47 = arith.constant 79 : i32
    %jit3A_48 = arith.constant 78 : i32
    %select_n3A_49 = arith.select %lt3A_46, %jit3A_47, %jit3A_48 : i32
    %mul3A_50 = arith.constant 78 : i32
    %mul3A_51 = arith.muli %add3A, %mul3A_50 : i32
    %min3A = arith.constant 4 : i32
    %min3A_52 = arith.minsi %add3A, %min3A : i32
    %add3A_53 = arith.addi %mul3A_51, %min3A_52 : i32
    %lt3A_54 = arith.constant 4 : i32
    %lt3A_55 = arith.cmpi slt, %add3A, %lt3A_54 : i32
    %convert_element_type3A = arith.extui %lt3A_55 : i1 to i32
    %cond3A = arith.constant 0 : i32
    %cond3A_56 = arith.cmpi ne, %convert_element_type3A, %cond3A : i32
    scf.if %cond3A_56 {
      %run_scoped3A_243 = arith.constant 0 : i32
      "tpu.region"() ({
        %run_scoped3A_244 = tpu.sem_alloc : memref<!tpu.dma_semaphore, #tpu.memory_space<semaphore_mem>>
        %dma_start3A_245 = arith.constant 0 : i32
        %dma_start3A_246 = tpu.memref_slice %arg4[%run_scoped3A_243, %add3A_53, %dma_start3A_245] : memref<2x2500x128xi32, #tpu.memory_space<hbm>> -> memref<1x79x128xi32, #tpu.memory_space<hbm>>
        %dma_start3A_247 = tpu.memref_squeeze %dma_start3A_246 : memref<1x79x128xi32, #tpu.memory_space<hbm>> -> memref<79x128xi32, #tpu.memory_space<hbm>>
        %dma_start3A_248 = arith.constant 0 : i32
        %dma_start3A_249 = tpu.memref_slice %arg4[%run_scoped3A_243, %add3A_53, %dma_start3A_248] : memref<2x2500x128xi32, #tpu.memory_space<hbm>> -> memref<1x79x128xi32, #tpu.memory_space<hbm>>
        %dma_start3A_250 = tpu.memref_squeeze %dma_start3A_249 : memref<1x79x128xi32, #tpu.memory_space<hbm>> -> memref<79x128xi32, #tpu.memory_space<hbm>>
        tpu.enqueue_dma source(%dma_start3A_250 : memref<79x128xi32, #tpu.memory_space<hbm>>) target(%arg8 : memref<79x128xi32, #tpu.memory_space<vmem>>) target_semaphore(%run_scoped3A_244 : memref<!tpu.dma_semaphore, #tpu.memory_space<semaphore_mem>>)
        %dma_wait3A = arith.constant 0 : i32
        %dma_wait3A_251 = tpu.memref_slice %arg4[%run_scoped3A_243, %add3A_53, %dma_wait3A] : memref<2x2500x128xi32, #tpu.memory_space<hbm>> -> memref<1x79x128xi32, #tpu.memory_space<hbm>>
        %dma_wait3A_252 = tpu.memref_squeeze %dma_wait3A_251 : memref<1x79x128xi32, #tpu.memory_space<hbm>> -> memref<79x128xi32, #tpu.memory_space<hbm>>
        %dma_wait3A_253 = arith.constant 0 : i32
        %dma_wait3A_254 = tpu.memref_slice %arg4[%run_scoped3A_243, %add3A_53, %dma_wait3A_253] : memref<2x2500x128xi32, #tpu.memory_space<hbm>> -> memref<1x79x128xi32, #tpu.memory_space<hbm>>
        %dma_wait3A_255 = tpu.memref_squeeze %dma_wait3A_254 : memref<1x79x128xi32, #tpu.memory_space<hbm>> -> memref<79x128xi32, #tpu.memory_space<hbm>>
        tpu.wait_dma2 semaphore(%run_scoped3A_244 : memref<!tpu.dma_semaphore, #tpu.memory_space<semaphore_mem>>) src(%dma_wait3A_255 : memref<79x128xi32, #tpu.memory_space<hbm>>) dst(%arg8 : memref<79x128xi32, #tpu.memory_space<vmem>>)
        tpu.yield
      }) : () -> ()
    } else {
    }
    %ge3A = arith.constant 4 : i32
    %ge3A_57 = arith.cmpi sge, %add3A, %ge3A : i32
    %convert_element_type3A_58 = arith.extui %ge3A_57 : i1 to i32
    %cond3A_59 = arith.constant 0 : i32
    %cond3A_60 = arith.cmpi ne, %convert_element_type3A_58, %cond3A_59 : i32
    scf.if %cond3A_60 {
      %run_scoped3A_243 = arith.constant 0 : i32
      "tpu.region"() ({
        %run_scoped3A_244 = tpu.sem_alloc : memref<!tpu.dma_semaphore, #tpu.memory_space<semaphore_mem>>
        %dma_start3A_245 = arith.constant 0 : i32
        %dma_start3A_246 = arith.constant 0 : i32
        %dma_start3A_247 = tpu.memref_slice %arg8[%dma_start3A_245, %dma_start3A_246] : memref<79x128xi32, #tpu.memory_space<vmem>> -> memref<78x128xi32, #tpu.memory_space<vmem>>
        %dma_start3A_248 = arith.constant 0 : i32
        %dma_start3A_249 = tpu.memref_slice %arg4[%run_scoped3A_243, %add3A_53, %dma_start3A_248] : memref<2x2500x128xi32, #tpu.memory_space<hbm>> -> memref<1x78x128xi32, #tpu.memory_space<hbm>>
        %dma_start3A_250 = tpu.memref_squeeze %dma_start3A_249 : memref<1x78x128xi32, #tpu.memory_space<hbm>> -> memref<78x128xi32, #tpu.memory_space<hbm>>
        %dma_start3A_251 = arith.constant 0 : i32
        %dma_start3A_252 = arith.constant 0 : i32
        %dma_start3A_253 = tpu.memref_slice %arg8[%dma_start3A_251, %dma_start3A_252] : memref<79x128xi32, #tpu.memory_space<vmem>> -> memref<78x128xi32, #tpu.memory_space<vmem>>
        %dma_start3A_254 = arith.constant 0 : i32
        %dma_start3A_255 = tpu.memref_slice %arg4[%run_scoped3A_243, %add3A_53, %dma_start3A_254] : memref<2x2500x128xi32, #tpu.memory_space<hbm>> -> memref<1x78x128xi32, #tpu.memory_space<hbm>>
        %dma_start3A_256 = tpu.memref_squeeze %dma_start3A_255 : memref<1x78x128xi32, #tpu.memory_space<hbm>> -> memref<78x128xi32, #tpu.memory_space<hbm>>
        tpu.enqueue_dma source(%dma_start3A_256 : memref<78x128xi32, #tpu.memory_space<hbm>>) target(%dma_start3A_253 : memref<78x128xi32, #tpu.memory_space<vmem>>) target_semaphore(%run_scoped3A_244 : memref<!tpu.dma_semaphore, #tpu.memory_space<semaphore_mem>>)
        %dma_wait3A = arith.constant 0 : i32
        %dma_wait3A_257 = arith.constant 0 : i32
        %dma_wait3A_258 = tpu.memref_slice %arg8[%dma_wait3A, %dma_wait3A_257] : memref<79x128xi32, #tpu.memory_space<vmem>> -> memref<78x128xi32, #tpu.memory_space<vmem>>
        %dma_wait3A_259 = arith.constant 0 : i32
        %dma_wait3A_260 = tpu.memref_slice %arg4[%run_scoped3A_243, %add3A_53, %dma_wait3A_259] : memref<2x2500x128xi32, #tpu.memory_space<hbm>> -> memref<1x78x128xi32, #tpu.memory_space<hbm>>
        %dma_wait3A_261 = tpu.memref_squeeze %dma_wait3A_260 : memref<1x78x128xi32, #tpu.memory_space<hbm>> -> memref<78x128xi32, #tpu.memory_space<hbm>>
        %dma_wait3A_262 = arith.constant 0 : i32
        %dma_wait3A_263 = arith.constant 0 : i32
        %dma_wait3A_264 = tpu.memref_slice %arg8[%dma_wait3A_262, %dma_wait3A_263] : memref<79x128xi32, #tpu.memory_space<vmem>> -> memref<78x128xi32, #tpu.memory_space<vmem>>
        %dma_wait3A_265 = arith.constant 0 : i32
        %dma_wait3A_266 = tpu.memref_slice %arg4[%run_scoped3A_243, %add3A_53, %dma_wait3A_265] : memref<2x2500x128xi32, #tpu.memory_space<hbm>> -> memref<1x78x128xi32, #tpu.memory_space<hbm>>
        %dma_wait3A_267 = tpu.memref_squeeze %dma_wait3A_266 : memref<1x78x128xi32, #tpu.memory_space<hbm>> -> memref<78x128xi32, #tpu.memory_space<hbm>>
        tpu.wait_dma2 semaphore(%run_scoped3A_244 : memref<!tpu.dma_semaphore, #tpu.memory_space<semaphore_mem>>) src(%dma_wait3A_267 : memref<78x128xi32, #tpu.memory_space<hbm>>) dst(%dma_wait3A_264 : memref<78x128xi32, #tpu.memory_space<vmem>>)
        tpu.yield
      }) : () -> ()
    } else {
    }
    %lt3A_61 = arith.constant 4 : i32
    %lt3A_62 = arith.cmpi slt, %add3A, %lt3A_61 : i32
    %jit3A_63 = arith.constant 79 : i32
    %jit3A_64 = arith.constant 78 : i32
    %select_n3A_65 = arith.select %lt3A_62, %jit3A_63, %jit3A_64 : i32
    %mul3A_66 = arith.constant 78 : i32
    %mul3A_67 = arith.muli %add3A, %mul3A_66 : i32
    %min3A_68 = arith.constant 4 : i32
    %min3A_69 = arith.minsi %add3A, %min3A_68 : i32
    %add3A_70 = arith.addi %mul3A_67, %min3A_69 : i32
    %lt3A_71 = arith.constant 4 : i32
    %lt3A_72 = arith.cmpi slt, %add3A, %lt3A_71 : i32
    %convert_element_type3A_73 = arith.extui %lt3A_72 : i1 to i32
    %cond3A_74 = arith.constant 0 : i32
    %cond3A_75 = arith.cmpi ne, %convert_element_type3A_73, %cond3A_74 : i32
    scf.if %cond3A_75 {
      %run_scoped3A_243 = arith.constant 1 : i32
      "tpu.region"() ({
        %run_scoped3A_244 = tpu.sem_alloc : memref<!tpu.dma_semaphore, #tpu.memory_space<semaphore_mem>>
        %dma_start3A_245 = arith.constant 0 : i32
        %dma_start3A_246 = tpu.memref_slice %arg4[%run_scoped3A_243, %add3A_70, %dma_start3A_245] : memref<2x2500x128xi32, #tpu.memory_space<hbm>> -> memref<1x79x128xi32, #tpu.memory_space<hbm>>
        %dma_start3A_247 = tpu.memref_squeeze %dma_start3A_246 : memref<1x79x128xi32, #tpu.memory_space<hbm>> -> memref<79x128xi32, #tpu.memory_space<hbm>>
        %dma_start3A_248 = arith.constant 0 : i32
        %dma_start3A_249 = tpu.memref_slice %arg4[%run_scoped3A_243, %add3A_70, %dma_start3A_248] : memref<2x2500x128xi32, #tpu.memory_space<hbm>> -> memref<1x79x128xi32, #tpu.memory_space<hbm>>
        %dma_start3A_250 = tpu.memref_squeeze %dma_start3A_249 : memref<1x79x128xi32, #tpu.memory_space<hbm>> -> memref<79x128xi32, #tpu.memory_space<hbm>>
        tpu.enqueue_dma source(%dma_start3A_250 : memref<79x128xi32, #tpu.memory_space<hbm>>) target(%arg9 : memref<79x128xi32, #tpu.memory_space<vmem>>) target_semaphore(%run_scoped3A_244 : memref<!tpu.dma_semaphore, #tpu.memory_space<semaphore_mem>>)
        %dma_wait3A = arith.constant 0 : i32
        %dma_wait3A_251 = tpu.memref_slice %arg4[%run_scoped3A_243, %add3A_70, %dma_wait3A] : memref<2x2500x128xi32, #tpu.memory_space<hbm>> -> memref<1x79x128xi32, #tpu.memory_space<hbm>>
        %dma_wait3A_252 = tpu.memref_squeeze %dma_wait3A_251 : memref<1x79x128xi32, #tpu.memory_space<hbm>> -> memref<79x128xi32, #tpu.memory_space<hbm>>
        %dma_wait3A_253 = arith.constant 0 : i32
        %dma_wait3A_254 = tpu.memref_slice %arg4[%run_scoped3A_243, %add3A_70, %dma_wait3A_253] : memref<2x2500x128xi32, #tpu.memory_space<hbm>> -> memref<1x79x128xi32, #tpu.memory_space<hbm>>
        %dma_wait3A_255 = tpu.memref_squeeze %dma_wait3A_254 : memref<1x79x128xi32, #tpu.memory_space<hbm>> -> memref<79x128xi32, #tpu.memory_space<hbm>>
        tpu.wait_dma2 semaphore(%run_scoped3A_244 : memref<!tpu.dma_semaphore, #tpu.memory_space<semaphore_mem>>) src(%dma_wait3A_255 : memref<79x128xi32, #tpu.memory_space<hbm>>) dst(%arg9 : memref<79x128xi32, #tpu.memory_space<vmem>>)
        tpu.yield
      }) : () -> ()
    } else {
    }
    %ge3A_76 = arith.constant 4 : i32
    %ge3A_77 = arith.cmpi sge, %add3A, %ge3A_76 : i32
    %convert_element_type3A_78 = arith.extui %ge3A_77 : i1 to i32
    %cond3A_79 = arith.constant 0 : i32
    %cond3A_80 = arith.cmpi ne, %convert_element_type3A_78, %cond3A_79 : i32
    scf.if %cond3A_80 {
      %run_scoped3A_243 = arith.constant 1 : i32
      "tpu.region"() ({
        %run_scoped3A_244 = tpu.sem_alloc : memref<!tpu.dma_semaphore, #tpu.memory_space<semaphore_mem>>
        %dma_start3A_245 = arith.constant 0 : i32
        %dma_start3A_246 = arith.constant 0 : i32
        %dma_start3A_247 = tpu.memref_slice %arg9[%dma_start3A_245, %dma_start3A_246] : memref<79x128xi32, #tpu.memory_space<vmem>> -> memref<78x128xi32, #tpu.memory_space<vmem>>
        %dma_start3A_248 = arith.constant 0 : i32
        %dma_start3A_249 = tpu.memref_slice %arg4[%run_scoped3A_243, %add3A_70, %dma_start3A_248] : memref<2x2500x128xi32, #tpu.memory_space<hbm>> -> memref<1x78x128xi32, #tpu.memory_space<hbm>>
        %dma_start3A_250 = tpu.memref_squeeze %dma_start3A_249 : memref<1x78x128xi32, #tpu.memory_space<hbm>> -> memref<78x128xi32, #tpu.memory_space<hbm>>
        %dma_start3A_251 = arith.constant 0 : i32
        %dma_start3A_252 = arith.constant 0 : i32
        %dma_start3A_253 = tpu.memref_slice %arg9[%dma_start3A_251, %dma_start3A_252] : memref<79x128xi32, #tpu.memory_space<vmem>> -> memref<78x128xi32, #tpu.memory_space<vmem>>
        %dma_start3A_254 = arith.constant 0 : i32
        %dma_start3A_255 = tpu.memref_slice %arg4[%run_scoped3A_243, %add3A_70, %dma_start3A_254] : memref<2x2500x128xi32, #tpu.memory_space<hbm>> -> memref<1x78x128xi32, #tpu.memory_space<hbm>>
        %dma_start3A_256 = tpu.memref_squeeze %dma_start3A_255 : memref<1x78x128xi32, #tpu.memory_space<hbm>> -> memref<78x128xi32, #tpu.memory_space<hbm>>
        tpu.enqueue_dma source(%dma_start3A_256 : memref<78x128xi32, #tpu.memory_space<hbm>>) target(%dma_start3A_253 : memref<78x128xi32, #tpu.memory_space<vmem>>) target_semaphore(%run_scoped3A_244 : memref<!tpu.dma_semaphore, #tpu.memory_space<semaphore_mem>>)
        %dma_wait3A = arith.constant 0 : i32
        %dma_wait3A_257 = arith.constant 0 : i32
        %dma_wait3A_258 = tpu.memref_slice %arg9[%dma_wait3A, %dma_wait3A_257] : memref<79x128xi32, #tpu.memory_space<vmem>> -> memref<78x128xi32, #tpu.memory_space<vmem>>
        %dma_wait3A_259 = arith.constant 0 : i32
        %dma_wait3A_260 = tpu.memref_slice %arg4[%run_scoped3A_243, %add3A_70, %dma_wait3A_259] : memref<2x2500x128xi32, #tpu.memory_space<hbm>> -> memref<1x78x128xi32, #tpu.memory_space<hbm>>
        %dma_wait3A_261 = tpu.memref_squeeze %dma_wait3A_260 : memref<1x78x128xi32, #tpu.memory_space<hbm>> -> memref<78x128xi32, #tpu.memory_space<hbm>>
        %dma_wait3A_262 = arith.constant 0 : i32
        %dma_wait3A_263 = arith.constant 0 : i32
        %dma_wait3A_264 = tpu.memref_slice %arg9[%dma_wait3A_262, %dma_wait3A_263] : memref<79x128xi32, #tpu.memory_space<vmem>> -> memref<78x128xi32, #tpu.memory_space<vmem>>
        %dma_wait3A_265 = arith.constant 0 : i32
        %dma_wait3A_266 = tpu.memref_slice %arg4[%run_scoped3A_243, %add3A_70, %dma_wait3A_265] : memref<2x2500x128xi32, #tpu.memory_space<hbm>> -> memref<1x78x128xi32, #tpu.memory_space<hbm>>
        %dma_wait3A_267 = tpu.memref_squeeze %dma_wait3A_266 : memref<1x78x128xi32, #tpu.memory_space<hbm>> -> memref<78x128xi32, #tpu.memory_space<hbm>>
        tpu.wait_dma2 semaphore(%run_scoped3A_244 : memref<!tpu.dma_semaphore, #tpu.memory_space<semaphore_mem>>) src(%dma_wait3A_267 : memref<78x128xi32, #tpu.memory_space<hbm>>) dst(%dma_wait3A_264 : memref<78x128xi32, #tpu.memory_space<vmem>>)
        tpu.yield
      }) : () -> ()
    } else {
    }
    %barrier3A = arith.constant 0 : index
    tpu.barrier barrier_id(%barrier3A)
    %lt3A_81 = arith.constant 4 : i32
    %lt3A_82 = arith.cmpi slt, %add3A, %lt3A_81 : i32
    %jit3A_83 = arith.constant 79 : i32
    %jit3A_84 = arith.constant 78 : i32
    %select_n3A_85 = arith.select %lt3A_82, %jit3A_83, %jit3A_84 : i32
    %mul3A_86 = arith.constant 78 : i32
    %mul3A_87 = arith.muli %add3A, %mul3A_86 : i32
    %min3A_88 = arith.constant 4 : i32
    %min3A_89 = arith.minsi %add3A, %min3A_88 : i32
    %add3A_90 = arith.addi %mul3A_87, %min3A_89 : i32
    %jit3A_91 = arith.constant 8 : i32
    %div3A_92 = arith.divsi %select_n3A_85, %jit3A_91 : i32
    %sign3A_93 = arith.constant 0 : i32
    %sign3A_94 = arith.cmpi sgt, %select_n3A_85, %sign3A_93 : i32
    %sign3A_95 = arith.extui %sign3A_94 : i1 to i32
    %sign3A_96 = arith.constant 0 : i32
    %sign3A_97 = arith.cmpi slt, %select_n3A_85, %sign3A_96 : i32
    %sign3A_98 = arith.extui %sign3A_97 : i1 to i32
    %sign3A_99 = arith.subi %sign3A_95, %sign3A_98 : i32
    %sign3A_100 = arith.constant 0 : i32
    %sign3A_101 = arith.cmpi sgt, %jit3A_91, %sign3A_100 : i32
    %sign3A_102 = arith.extui %sign3A_101 : i1 to i32
    %sign3A_103 = arith.constant 0 : i32
    %sign3A_104 = arith.cmpi slt, %jit3A_91, %sign3A_103 : i32
    %sign3A_105 = arith.extui %sign3A_104 : i1 to i32
    %sign3A_106 = arith.subi %sign3A_102, %sign3A_105 : i32
    %ne3A_107 = arith.cmpi ne, %sign3A_99, %sign3A_106 : i32
    %rem3A_108 = arith.remsi %select_n3A_85, %jit3A_91 : i32
    %ne3A_109 = arith.constant 0 : i32
    %ne3A_110 = arith.cmpi ne, %rem3A_108, %ne3A_109 : i32
    %and3A_111 = arith.andi %ne3A_107, %ne3A_110 : i1
    %sub3A_112 = arith.constant 1 : i32
    %sub3A_113 = arith.subi %div3A_92, %sub3A_112 : i32
    %select_n3A_114 = arith.select %and3A_111, %sub3A_113, %div3A_92 : i32
    %dma_start3A = arith.constant 0 : i32
    %dma_start3A_115 = arith.constant 0 : i32
    %dma_start3A_116 = arith.constant 0 : i32
    %dma_start3A_117 = arith.constant 0 : i32
    %dma_start3A_118 = arith.constant 0 : i32
    %dma_start3A_119 = tpu.memref_slice %arg10[%dma_start3A_115, %dma_start3A_116, %dma_start3A_117, %dma_start3A_118] : memref<2x8x128x16xf32, #tpu.memory_space<vmem>> -> memref<1x1x128x16xf32, #tpu.memory_space<vmem>>
    %dma_start3A_120 = tpu.memref_squeeze %dma_start3A_119 : memref<1x1x128x16xf32, #tpu.memory_space<vmem>> -> memref<128x16xf32, #tpu.memory_space<vmem>>
    %dma_start3A_121 = arith.constant 0 : i32
    %dma_start3A_122 = tpu.memref_slice %arg8[%dma_start3A, %dma_start3A_121] : memref<79x128xi32, #tpu.memory_space<vmem>> -> memref<1x128xi32, #tpu.memory_space<vmem>>
    %dma_start3A_123 = tpu.memref_squeeze %dma_start3A_122 : memref<1x128xi32, #tpu.memory_space<vmem>> -> memref<128xi32, #tpu.memory_space<vmem>>
    %dma_start3A_124 = arith.constant 0 : i32
    %dma_start3A_125 = arith.constant 0 : i32
    %dma_start3A_126 = tpu.memref_slice %arg7[%dma_start3A_124, %dma_start3A_125] : memref<10000x16xf32, #tpu.memory_space<vmem_shared>> -> memref<10000x16xf32, #tpu.memory_space<vmem_shared>>
    tpu.enqueue_indirect_dma source(%dma_start3A_126 : memref<10000x16xf32, #tpu.memory_space<vmem_shared>>) target(%dma_start3A_120 : memref<128x16xf32, #tpu.memory_space<vmem>>) offsets(%dma_start3A_123 : memref<128xi32, #tpu.memory_space<vmem>>) semaphore(%arg16 : memref<!tpu.dma_semaphore, #tpu.memory_space<semaphore_mem>>)
    %dma_start3A_127 = arith.constant 1 : i32
    %dma_start3A_128 = arith.constant 0 : i32
    %dma_start3A_129 = arith.constant 1 : i32
    %dma_start3A_130 = arith.constant 0 : i32
    %dma_start3A_131 = arith.constant 0 : i32
    %dma_start3A_132 = tpu.memref_slice %arg10[%dma_start3A_128, %dma_start3A_129, %dma_start3A_130, %dma_start3A_131] : memref<2x8x128x16xf32, #tpu.memory_space<vmem>> -> memref<1x1x128x16xf32, #tpu.memory_space<vmem>>
    %dma_start3A_133 = tpu.memref_squeeze %dma_start3A_132 : memref<1x1x128x16xf32, #tpu.memory_space<vmem>> -> memref<128x16xf32, #tpu.memory_space<vmem>>
    %dma_start3A_134 = arith.constant 0 : i32
    %dma_start3A_135 = tpu.memref_slice %arg8[%dma_start3A_127, %dma_start3A_134] : memref<79x128xi32, #tpu.memory_space<vmem>> -> memref<1x128xi32, #tpu.memory_space<vmem>>
    %dma_start3A_136 = tpu.memref_squeeze %dma_start3A_135 : memref<1x128xi32, #tpu.memory_space<vmem>> -> memref<128xi32, #tpu.memory_space<vmem>>
    %dma_start3A_137 = arith.constant 0 : i32
    %dma_start3A_138 = arith.constant 0 : i32
    %dma_start3A_139 = tpu.memref_slice %arg7[%dma_start3A_137, %dma_start3A_138] : memref<10000x16xf32, #tpu.memory_space<vmem_shared>> -> memref<10000x16xf32, #tpu.memory_space<vmem_shared>>
    tpu.enqueue_indirect_dma source(%dma_start3A_139 : memref<10000x16xf32, #tpu.memory_space<vmem_shared>>) target(%dma_start3A_133 : memref<128x16xf32, #tpu.memory_space<vmem>>) offsets(%dma_start3A_136 : memref<128xi32, #tpu.memory_space<vmem>>) semaphore(%arg16 : memref<!tpu.dma_semaphore, #tpu.memory_space<semaphore_mem>>)
    %dma_start3A_140 = arith.constant 2 : i32
    %dma_start3A_141 = arith.constant 0 : i32
    %dma_start3A_142 = arith.constant 2 : i32
    %dma_start3A_143 = arith.constant 0 : i32
    %dma_start3A_144 = arith.constant 0 : i32
    %dma_start3A_145 = tpu.memref_slice %arg10[%dma_start3A_141, %dma_start3A_142, %dma_start3A_143, %dma_start3A_144] : memref<2x8x128x16xf32, #tpu.memory_space<vmem>> -> memref<1x1x128x16xf32, #tpu.memory_space<vmem>>
    %dma_start3A_146 = tpu.memref_squeeze %dma_start3A_145 : memref<1x1x128x16xf32, #tpu.memory_space<vmem>> -> memref<128x16xf32, #tpu.memory_space<vmem>>
    %dma_start3A_147 = arith.constant 0 : i32
    %dma_start3A_148 = tpu.memref_slice %arg8[%dma_start3A_140, %dma_start3A_147] : memref<79x128xi32, #tpu.memory_space<vmem>> -> memref<1x128xi32, #tpu.memory_space<vmem>>
    %dma_start3A_149 = tpu.memref_squeeze %dma_start3A_148 : memref<1x128xi32, #tpu.memory_space<vmem>> -> memref<128xi32, #tpu.memory_space<vmem>>
    %dma_start3A_150 = arith.constant 0 : i32
    %dma_start3A_151 = arith.constant 0 : i32
    %dma_start3A_152 = tpu.memref_slice %arg7[%dma_start3A_150, %dma_start3A_151] : memref<10000x16xf32, #tpu.memory_space<vmem_shared>> -> memref<10000x16xf32, #tpu.memory_space<vmem_shared>>
    tpu.enqueue_indirect_dma source(%dma_start3A_152 : memref<10000x16xf32, #tpu.memory_space<vmem_shared>>) target(%dma_start3A_146 : memref<128x16xf32, #tpu.memory_space<vmem>>) offsets(%dma_start3A_149 : memref<128xi32, #tpu.memory_space<vmem>>) semaphore(%arg16 : memref<!tpu.dma_semaphore, #tpu.memory_space<semaphore_mem>>)
    %dma_start3A_153 = arith.constant 3 : i32
    %dma_start3A_154 = arith.constant 0 : i32
    %dma_start3A_155 = arith.constant 3 : i32
    %dma_start3A_156 = arith.constant 0 : i32
    %dma_start3A_157 = arith.constant 0 : i32
    %dma_start3A_158 = tpu.memref_slice %arg10[%dma_start3A_154, %dma_start3A_155, %dma_start3A_156, %dma_start3A_157] : memref<2x8x128x16xf32, #tpu.memory_space<vmem>> -> memref<1x1x128x16xf32, #tpu.memory_space<vmem>>
    %dma_start3A_159 = tpu.memref_squeeze %dma_start3A_158 : memref<1x1x128x16xf32, #tpu.memory_space<vmem>> -> memref<128x16xf32, #tpu.memory_space<vmem>>
    %dma_start3A_160 = arith.constant 0 : i32
    %dma_start3A_161 = tpu.memref_slice %arg8[%dma_start3A_153, %dma_start3A_160] : memref<79x128xi32, #tpu.memory_space<vmem>> -> memref<1x128xi32, #tpu.memory_space<vmem>>
    %dma_start3A_162 = tpu.memref_squeeze %dma_start3A_161 : memref<1x128xi32, #tpu.memory_space<vmem>> -> memref<128xi32, #tpu.memory_space<vmem>>
    %dma_start3A_163 = arith.constant 0 : i32
    %dma_start3A_164 = arith.constant 0 : i32
    %dma_start3A_165 = tpu.memref_slice %arg7[%dma_start3A_163, %dma_start3A_164] : memref<10000x16xf32, #tpu.memory_space<vmem_shared>> -> memref<10000x16xf32, #tpu.memory_space<vmem_shared>>
    tpu.enqueue_indirect_dma source(%dma_start3A_165 : memref<10000x16xf32, #tpu.memory_space<vmem_shared>>) target(%dma_start3A_159 : memref<128x16xf32, #tpu.memory_space<vmem>>) offsets(%dma_start3A_162 : memref<128xi32, #tpu.memory_space<vmem>>) semaphore(%arg16 : memref<!tpu.dma_semaphore, #tpu.memory_space<semaphore_mem>>)
    %dma_start3A_166 = arith.constant 4 : i32
    %dma_start3A_167 = arith.constant 0 : i32
    %dma_start3A_168 = arith.constant 4 : i32
    %dma_start3A_169 = arith.constant 0 : i32
    %dma_start3A_170 = arith.constant 0 : i32
    %dma_start3A_171 = tpu.memref_slice %arg10[%dma_start3A_167, %dma_start3A_168, %dma_start3A_169, %dma_start3A_170] : memref<2x8x128x16xf32, #tpu.memory_space<vmem>> -> memref<1x1x128x16xf32, #tpu.memory_space<vmem>>
    %dma_start3A_172 = tpu.memref_squeeze %dma_start3A_171 : memref<1x1x128x16xf32, #tpu.memory_space<vmem>> -> memref<128x16xf32, #tpu.memory_space<vmem>>
    %dma_start3A_173 = arith.constant 0 : i32
    %dma_start3A_174 = tpu.memref_slice %arg8[%dma_start3A_166, %dma_start3A_173] : memref<79x128xi32, #tpu.memory_space<vmem>> -> memref<1x128xi32, #tpu.memory_space<vmem>>
    %dma_start3A_175 = tpu.memref_squeeze %dma_start3A_174 : memref<1x128xi32, #tpu.memory_space<vmem>> -> memref<128xi32, #tpu.memory_space<vmem>>
    %dma_start3A_176 = arith.constant 0 : i32
    %dma_start3A_177 = arith.constant 0 : i32
    %dma_start3A_178 = tpu.memref_slice %arg7[%dma_start3A_176, %dma_start3A_177] : memref<10000x16xf32, #tpu.memory_space<vmem_shared>> -> memref<10000x16xf32, #tpu.memory_space<vmem_shared>>
    tpu.enqueue_indirect_dma source(%dma_start3A_178 : memref<10000x16xf32, #tpu.memory_space<vmem_shared>>) target(%dma_start3A_172 : memref<128x16xf32, #tpu.memory_space<vmem>>) offsets(%dma_start3A_175 : memref<128xi32, #tpu.memory_space<vmem>>) semaphore(%arg16 : memref<!tpu.dma_semaphore, #tpu.memory_space<semaphore_mem>>)
    %dma_start3A_179 = arith.constant 5 : i32
    %dma_start3A_180 = arith.constant 0 : i32
    %dma_start3A_181 = arith.constant 5 : i32
    %dma_start3A_182 = arith.constant 0 : i32
    %dma_start3A_183 = arith.constant 0 : i32
    %dma_start3A_184 = tpu.memref_slice %arg10[%dma_start3A_180, %dma_start3A_181, %dma_start3A_182, %dma_start3A_183] : memref<2x8x128x16xf32, #tpu.memory_space<vmem>> -> memref<1x1x128x16xf32, #tpu.memory_space<vmem>>
    %dma_start3A_185 = tpu.memref_squeeze %dma_start3A_184 : memref<1x1x128x16xf32, #tpu.memory_space<vmem>> -> memref<128x16xf32, #tpu.memory_space<vmem>>
    %dma_start3A_186 = arith.constant 0 : i32
    %dma_start3A_187 = tpu.memref_slice %arg8[%dma_start3A_179, %dma_start3A_186] : memref<79x128xi32, #tpu.memory_space<vmem>> -> memref<1x128xi32, #tpu.memory_space<vmem>>
    %dma_start3A_188 = tpu.memref_squeeze %dma_start3A_187 : memref<1x128xi32, #tpu.memory_space<vmem>> -> memref<128xi32, #tpu.memory_space<vmem>>
    %dma_start3A_189 = arith.constant 0 : i32
    %dma_start3A_190 = arith.constant 0 : i32
    %dma_start3A_191 = tpu.memref_slice %arg7[%dma_start3A_189, %dma_start3A_190] : memref<10000x16xf32, #tpu.memory_space<vmem_shared>> -> memref<10000x16xf32, #tpu.memory_space<vmem_shared>>
    tpu.enqueue_indirect_dma source(%dma_start3A_191 : memref<10000x16xf32, #tpu.memory_space<vmem_shared>>) target(%dma_start3A_185 : memref<128x16xf32, #tpu.memory_space<vmem>>) offsets(%dma_start3A_188 : memref<128xi32, #tpu.memory_space<vmem>>) semaphore(%arg16 : memref<!tpu.dma_semaphore, #tpu.memory_space<semaphore_mem>>)
    %dma_start3A_192 = arith.constant 6 : i32
    %dma_start3A_193 = arith.constant 0 : i32
    %dma_start3A_194 = arith.constant 6 : i32
    %dma_start3A_195 = arith.constant 0 : i32
    %dma_start3A_196 = arith.constant 0 : i32
    %dma_start3A_197 = tpu.memref_slice %arg10[%dma_start3A_193, %dma_start3A_194, %dma_start3A_195, %dma_start3A_196] : memref<2x8x128x16xf32, #tpu.memory_space<vmem>> -> memref<1x1x128x16xf32, #tpu.memory_space<vmem>>
    %dma_start3A_198 = tpu.memref_squeeze %dma_start3A_197 : memref<1x1x128x16xf32, #tpu.memory_space<vmem>> -> memref<128x16xf32, #tpu.memory_space<vmem>>
    %dma_start3A_199 = arith.constant 0 : i32
    %dma_start3A_200 = tpu.memref_slice %arg8[%dma_start3A_192, %dma_start3A_199] : memref<79x128xi32, #tpu.memory_space<vmem>> -> memref<1x128xi32, #tpu.memory_space<vmem>>
    %dma_start3A_201 = tpu.memref_squeeze %dma_start3A_200 : memref<1x128xi32, #tpu.memory_space<vmem>> -> memref<128xi32, #tpu.memory_space<vmem>>
    %dma_start3A_202 = arith.constant 0 : i32
    %dma_start3A_203 = arith.constant 0 : i32
    %dma_start3A_204 = tpu.memref_slice %arg7[%dma_start3A_202, %dma_start3A_203] : memref<10000x16xf32, #tpu.memory_space<vmem_shared>> -> memref<10000x16xf32, #tpu.memory_space<vmem_shared>>
    tpu.enqueue_indirect_dma source(%dma_start3A_204 : memref<10000x16xf32, #tpu.memory_space<vmem_shared>>) target(%dma_start3A_198 : memref<128x16xf32, #tpu.memory_space<vmem>>) offsets(%dma_start3A_201 : memref<128xi32, #tpu.memory_space<vmem>>) semaphore(%arg16 : memref<!tpu.dma_semaphore, #tpu.memory_space<semaphore_mem>>)
    %dma_start3A_205 = arith.constant 7 : i32
    %dma_start3A_206 = arith.constant 0 : i32
    %dma_start3A_207 = arith.constant 7 : i32
    %dma_start3A_208 = arith.constant 0 : i32
    %dma_start3A_209 = arith.constant 0 : i32
    %dma_start3A_210 = tpu.memref_slice %arg10[%dma_start3A_206, %dma_start3A_207, %dma_start3A_208, %dma_start3A_209] : memref<2x8x128x16xf32, #tpu.memory_space<vmem>> -> memref<1x1x128x16xf32, #tpu.memory_space<vmem>>
    %dma_start3A_211 = tpu.memref_squeeze %dma_start3A_210 : memref<1x1x128x16xf32, #tpu.memory_space<vmem>> -> memref<128x16xf32, #tpu.memory_space<vmem>>
    %dma_start3A_212 = arith.constant 0 : i32
    %dma_start3A_213 = tpu.memref_slice %arg8[%dma_start3A_205, %dma_start3A_212] : memref<79x128xi32, #tpu.memory_space<vmem>> -> memref<1x128xi32, #tpu.memory_space<vmem>>
    %dma_start3A_214 = tpu.memref_squeeze %dma_start3A_213 : memref<1x128xi32, #tpu.memory_space<vmem>> -> memref<128xi32, #tpu.memory_space<vmem>>
    %dma_start3A_215 = arith.constant 0 : i32
    %dma_start3A_216 = arith.constant 0 : i32
    %dma_start3A_217 = tpu.memref_slice %arg7[%dma_start3A_215, %dma_start3A_216] : memref<10000x16xf32, #tpu.memory_space<vmem_shared>> -> memref<10000x16xf32, #tpu.memory_space<vmem_shared>>
    tpu.enqueue_indirect_dma source(%dma_start3A_217 : memref<10000x16xf32, #tpu.memory_space<vmem_shared>>) target(%dma_start3A_211 : memref<128x16xf32, #tpu.memory_space<vmem>>) offsets(%dma_start3A_214 : memref<128xi32, #tpu.memory_space<vmem>>) semaphore(%arg16 : memref<!tpu.dma_semaphore, #tpu.memory_space<semaphore_mem>>)
    %while3A = arith.constant 0 : i32
    %while3A_218 = arith.constant 0 : i32
    %while3A_219 = arith.subi %select_n3A_114, %while3A_218 : i32
    %while3A_220 = arith.addi %while3A_218, %while3A_219 : i32
    %while3A_221 = arith.constant 1 : i32
    %while3A_222 = arith.divsi %while3A_219, %while3A_221 : i32
    %while3A_223 = arith.muli %while3A_222, %while3A_221 : i32
    %while3A_224 = arith.addi %while3A_218, %while3A_223 : i32
    %while3A_225 = arith.constant 1 : i32
    scf.for %while3A_243 = %while3A_218 to %while3A_224 step %while3A_225  : i32 {
      %mul3A_244 = arith.constant 8 : i32
      %mul3A_245 = arith.muli %while3A_243, %mul3A_244 : i32
      %rem3A_246 = arith.constant 2 : i32
      %rem3A_247 = arith.remsi %while3A_243, %rem3A_246 : i32
      %dma_wait3A = arith.constant 0 : i32
      %dma_wait3A_248 = arith.constant 0 : i32
      %dma_wait3A_249 = arith.constant 0 : i32
      %dma_wait3A_250 = arith.constant 0 : i32
      %dma_wait3A_251 = tpu.memref_slice %arg10[%rem3A_247, %dma_wait3A_248, %dma_wait3A_249, %dma_wait3A_250] : memref<2x8x128x16xf32, #tpu.memory_space<vmem>> -> memref<1x1x128x16xf32, #tpu.memory_space<vmem>>
      %dma_wait3A_252 = tpu.memref_squeeze %dma_wait3A_251 : memref<1x1x128x16xf32, #tpu.memory_space<vmem>> -> memref<128x16xf32, #tpu.memory_space<vmem>>
      %dma_wait3A_253 = arith.constant 0 : i32
      %dma_wait3A_254 = tpu.memref_slice %arg8[%dma_wait3A, %dma_wait3A_253] : memref<79x128xi32, #tpu.memory_space<vmem>> -> memref<1x128xi32, #tpu.memory_space<vmem>>
      %dma_wait3A_255 = tpu.memref_squeeze %dma_wait3A_254 : memref<1x128xi32, #tpu.memory_space<vmem>> -> memref<128xi32, #tpu.memory_space<vmem>>
      %dma_wait3A_256 = arith.constant 0 : i32
      %dma_wait3A_257 = arith.constant 0 : i32
      %dma_wait3A_258 = tpu.memref_slice %arg7[%dma_wait3A_256, %dma_wait3A_257] : memref<10000x16xf32, #tpu.memory_space<vmem_shared>> -> memref<10000x16xf32, #tpu.memory_space<vmem_shared>>
      tpu.wait_indirect_dma semaphore(%arg16 : memref<!tpu.dma_semaphore, #tpu.memory_space<semaphore_mem>>) src(%dma_wait3A_258 : memref<10000x16xf32, #tpu.memory_space<vmem_shared>>) dst(%dma_wait3A_252 : memref<128x16xf32, #tpu.memory_space<vmem>>)
      %dma_wait3A_259 = arith.constant 0 : i32
      %dma_wait3A_260 = arith.constant 1 : i32
      %dma_wait3A_261 = arith.constant 0 : i32
      %dma_wait3A_262 = arith.constant 0 : i32
      %dma_wait3A_263 = tpu.memref_slice %arg10[%rem3A_247, %dma_wait3A_260, %dma_wait3A_261, %dma_wait3A_262] : memref<2x8x128x16xf32, #tpu.memory_space<vmem>> -> memref<1x1x128x16xf32, #tpu.memory_space<vmem>>
      %dma_wait3A_264 = tpu.memref_squeeze %dma_wait3A_263 : memref<1x1x128x16xf32, #tpu.memory_space<vmem>> -> memref<128x16xf32, #tpu.memory_space<vmem>>
      %dma_wait3A_265 = arith.constant 0 : i32
      %dma_wait3A_266 = tpu.memref_slice %arg8[%dma_wait3A_259, %dma_wait3A_265] : memref<79x128xi32, #tpu.memory_space<vmem>> -> memref<1x128xi32, #tpu.memory_space<vmem>>
      %dma_wait3A_267 = tpu.memref_squeeze %dma_wait3A_266 : memref<1x128xi32, #tpu.memory_space<vmem>> -> memref<128xi32, #tpu.memory_space<vmem>>
      %dma_wait3A_268 = arith.constant 0 : i32
      %dma_wait3A_269 = arith.constant 0 : i32
      %dma_wait3A_270 = tpu.memref_slice %arg7[%dma_wait3A_268, %dma_wait3A_269] : memref<10000x16xf32, #tpu.memory_space<vmem_shared>> -> memref<10000x16xf32, #tpu.memory_space<vmem_shared>>
      tpu.wait_indirect_dma semaphore(%arg16 : memref<!tpu.dma_semaphore, #tpu.memory_space<semaphore_mem>>) src(%dma_wait3A_270 : memref<10000x16xf32, #tpu.memory_space<vmem_shared>>) dst(%dma_wait3A_264 : memref<128x16xf32, #tpu.memory_space<vmem>>)
      %dma_wait3A_271 = arith.constant 0 : i32
      %dma_wait3A_272 = arith.constant 2 : i32
      %dma_wait3A_273 = arith.constant 0 : i32
      %dma_wait3A_274 = arith.constant 0 : i32
      %dma_wait3A_275 = tpu.memref_slice %arg10[%rem3A_247, %dma_wait3A_272, %dma_wait3A_273, %dma_wait3A_274] : memref<2x8x128x16xf32, #tpu.memory_space<vmem>> -> memref<1x1x128x16xf32, #tpu.memory_space<vmem>>
      %dma_wait3A_276 = tpu.memref_squeeze %dma_wait3A_275 : memref<1x1x128x16xf32, #tpu.memory_space<vmem>> -> memref<128x16xf32, #tpu.memory_space<vmem>>
      %dma_wait3A_277 = arith.constant 0 : i32
      %dma_wait3A_278 = tpu.memref_slice %arg8[%dma_wait3A_271, %dma_wait3A_277] : memref<79x128xi32, #tpu.memory_space<vmem>> -> memref<1x128xi32, #tpu.memory_space<vmem>>
      %dma_wait3A_279 = tpu.memref_squeeze %dma_wait3A_278 : memref<1x128xi32, #tpu.memory_space<vmem>> -> memref<128xi32, #tpu.memory_space<vmem>>
      %dma_wait3A_280 = arith.constant 0 : i32
      %dma_wait3A_281 = arith.constant 0 : i32
      %dma_wait3A_282 = tpu.memref_slice %arg7[%dma_wait3A_280, %dma_wait3A_281] : memref<10000x16xf32, #tpu.memory_space<vmem_shared>> -> memref<10000x16xf32, #tpu.memory_space<vmem_shared>>
      tpu.wait_indirect_dma semaphore(%arg16 : memref<!tpu.dma_semaphore, #tpu.memory_space<semaphore_mem>>) src(%dma_wait3A_282 : memref<10000x16xf32, #tpu.memory_space<vmem_shared>>) dst(%dma_wait3A_276 : memref<128x16xf32, #tpu.memory_space<vmem>>)
      %dma_wait3A_283 = arith.constant 0 : i32
      %dma_wait3A_284 = arith.constant 3 : i32
      %dma_wait3A_285 = arith.constant 0 : i32
      %dma_wait3A_286 = arith.constant 0 : i32
      %dma_wait3A_287 = tpu.memref_slice %arg10[%rem3A_247, %dma_wait3A_284, %dma_wait3A_285, %dma_wait3A_286] : memref<2x8x128x16xf32, #tpu.memory_space<vmem>> -> memref<1x1x128x16xf32, #tpu.memory_space<vmem>>
      %dma_wait3A_288 = tpu.memref_squeeze %dma_wait3A_287 : memref<1x1x128x16xf32, #tpu.memory_space<vmem>> -> memref<128x16xf32, #tpu.memory_space<vmem>>
      %dma_wait3A_289 = arith.constant 0 : i32
      %dma_wait3A_290 = tpu.memref_slice %arg8[%dma_wait3A_283, %dma_wait3A_289] : memref<79x128xi32, #tpu.memory_space<vmem>> -> memref<1x128xi32, #tpu.memory_space<vmem>>
      %dma_wait3A_291 = tpu.memref_squeeze %dma_wait3A_290 : memref<1x128xi32, #tpu.memory_space<vmem>> -> memref<128xi32, #tpu.memory_space<vmem>>
      %dma_wait3A_292 = arith.constant 0 : i32
      %dma_wait3A_293 = arith.constant 0 : i32
      %dma_wait3A_294 = tpu.memref_slice %arg7[%dma_wait3A_292, %dma_wait3A_293] : memref<10000x16xf32, #tpu.memory_space<vmem_shared>> -> memref<10000x16xf32, #tpu.memory_space<vmem_shared>>
      tpu.wait_indirect_dma semaphore(%arg16 : memref<!tpu.dma_semaphore, #tpu.memory_space<semaphore_mem>>) src(%dma_wait3A_294 : memref<10000x16xf32, #tpu.memory_space<vmem_shared>>) dst(%dma_wait3A_288 : memref<128x16xf32, #tpu.memory_space<vmem>>)
      %dma_wait3A_295 = arith.constant 0 : i32
      %dma_wait3A_296 = arith.constant 4 : i32
      %dma_wait3A_297 = arith.constant 0 : i32
      %dma_wait3A_298 = arith.constant 0 : i32
      %dma_wait3A_299 = tpu.memref_slice %arg10[%rem3A_247, %dma_wait3A_296, %dma_wait3A_297, %dma_wait3A_298] : memref<2x8x128x16xf32, #tpu.memory_space<vmem>> -> memref<1x1x128x16xf32, #tpu.memory_space<vmem>>
      %dma_wait3A_300 = tpu.memref_squeeze %dma_wait3A_299 : memref<1x1x128x16xf32, #tpu.memory_space<vmem>> -> memref<128x16xf32, #tpu.memory_space<vmem>>
      %dma_wait3A_301 = arith.constant 0 : i32
      %dma_wait3A_302 = tpu.memref_slice %arg8[%dma_wait3A_295, %dma_wait3A_301] : memref<79x128xi32, #tpu.memory_space<vmem>> -> memref<1x128xi32, #tpu.memory_space<vmem>>
      %dma_wait3A_303 = tpu.memref_squeeze %dma_wait3A_302 : memref<1x128xi32, #tpu.memory_space<vmem>> -> memref<128xi32, #tpu.memory_space<vmem>>
      %dma_wait3A_304 = arith.constant 0 : i32
      %dma_wait3A_305 = arith.constant 0 : i32
      %dma_wait3A_306 = tpu.memref_slice %arg7[%dma_wait3A_304, %dma_wait3A_305] : memref<10000x16xf32, #tpu.memory_space<vmem_shared>> -> memref<10000x16xf32, #tpu.memory_space<vmem_shared>>
      tpu.wait_indirect_dma semaphore(%arg16 : memref<!tpu.dma_semaphore, #tpu.memory_space<semaphore_mem>>) src(%dma_wait3A_306 : memref<10000x16xf32, #tpu.memory_space<vmem_shared>>) dst(%dma_wait3A_300 : memref<128x16xf32, #tpu.memory_space<vmem>>)
      %dma_wait3A_307 = arith.constant 0 : i32
      %dma_wait3A_308 = arith.constant 5 : i32
      %dma_wait3A_309 = arith.constant 0 : i32
      %dma_wait3A_310 = arith.constant 0 : i32
      %dma_wait3A_311 = tpu.memref_slice %arg10[%rem3A_247, %dma_wait3A_308, %dma_wait3A_309, %dma_wait3A_310] : memref<2x8x128x16xf32, #tpu.memory_space<vmem>> -> memref<1x1x128x16xf32, #tpu.memory_space<vmem>>
      %dma_wait3A_312 = tpu.memref_squeeze %dma_wait3A_311 : memref<1x1x128x16xf32, #tpu.memory_space<vmem>> -> memref<128x16xf32, #tpu.memory_space<vmem>>
      %dma_wait3A_313 = arith.constant 0 : i32
      %dma_wait3A_314 = tpu.memref_slice %arg8[%dma_wait3A_307, %dma_wait3A_313] : memref<79x128xi32, #tpu.memory_space<vmem>> -> memref<1x128xi32, #tpu.memory_space<vmem>>
      %dma_wait3A_315 = tpu.memref_squeeze %dma_wait3A_314 : memref<1x128xi32, #tpu.memory_space<vmem>> -> memref<128xi32, #tpu.memory_space<vmem>>
      %dma_wait3A_316 = arith.constant 0 : i32
      %dma_wait3A_317 = arith.constant 0 : i32
      %dma_wait3A_318 = tpu.memref_slice %arg7[%dma_wait3A_316, %dma_wait3A_317] : memref<10000x16xf32, #tpu.memory_space<vmem_shared>> -> memref<10000x16xf32, #tpu.memory_space<vmem_shared>>
      tpu.wait_indirect_dma semaphore(%arg16 : memref<!tpu.dma_semaphore, #tpu.memory_space<semaphore_mem>>) src(%dma_wait3A_318 : memref<10000x16xf32, #tpu.memory_space<vmem_shared>>) dst(%dma_wait3A_312 : memref<128x16xf32, #tpu.memory_space<vmem>>)
      %dma_wait3A_319 = arith.constant 0 : i32
      %dma_wait3A_320 = arith.constant 6 : i32
      %dma_wait3A_321 = arith.constant 0 : i32
      %dma_wait3A_322 = arith.constant 0 : i32
      %dma_wait3A_323 = tpu.memref_slice %arg10[%rem3A_247, %dma_wait3A_320, %dma_wait3A_321, %dma_wait3A_322] : memref<2x8x128x16xf32, #tpu.memory_space<vmem>> -> memref<1x1x128x16xf32, #tpu.memory_space<vmem>>
      %dma_wait3A_324 = tpu.memref_squeeze %dma_wait3A_323 : memref<1x1x128x16xf32, #tpu.memory_space<vmem>> -> memref<128x16xf32, #tpu.memory_space<vmem>>
      %dma_wait3A_325 = arith.constant 0 : i32
      %dma_wait3A_326 = tpu.memref_slice %arg8[%dma_wait3A_319, %dma_wait3A_325] : memref<79x128xi32, #tpu.memory_space<vmem>> -> memref<1x128xi32, #tpu.memory_space<vmem>>
      %dma_wait3A_327 = tpu.memref_squeeze %dma_wait3A_326 : memref<1x128xi32, #tpu.memory_space<vmem>> -> memref<128xi32, #tpu.memory_space<vmem>>
      %dma_wait3A_328 = arith.constant 0 : i32
      %dma_wait3A_329 = arith.constant 0 : i32
      %dma_wait3A_330 = tpu.memref_slice %arg7[%dma_wait3A_328, %dma_wait3A_329] : memref<10000x16xf32, #tpu.memory_space<vmem_shared>> -> memref<10000x16xf32, #tpu.memory_space<vmem_shared>>
      tpu.wait_indirect_dma semaphore(%arg16 : memref<!tpu.dma_semaphore, #tpu.memory_space<semaphore_mem>>) src(%dma_wait3A_330 : memref<10000x16xf32, #tpu.memory_space<vmem_shared>>) dst(%dma_wait3A_324 : memref<128x16xf32, #tpu.memory_space<vmem>>)
      %dma_wait3A_331 = arith.constant 0 : i32
      %dma_wait3A_332 = arith.constant 7 : i32
      %dma_wait3A_333 = arith.constant 0 : i32
      %dma_wait3A_334 = arith.constant 0 : i32
      %dma_wait3A_335 = tpu.memref_slice %arg10[%rem3A_247, %dma_wait3A_332, %dma_wait3A_333, %dma_wait3A_334] : memref<2x8x128x16xf32, #tpu.memory_space<vmem>> -> memref<1x1x128x16xf32, #tpu.memory_space<vmem>>
      %dma_wait3A_336 = tpu.memref_squeeze %dma_wait3A_335 : memref<1x1x128x16xf32, #tpu.memory_space<vmem>> -> memref<128x16xf32, #tpu.memory_space<vmem>>
      %dma_wait3A_337 = arith.constant 0 : i32
      %dma_wait3A_338 = tpu.memref_slice %arg8[%dma_wait3A_331, %dma_wait3A_337] : memref<79x128xi32, #tpu.memory_space<vmem>> -> memref<1x128xi32, #tpu.memory_space<vmem>>
      %dma_wait3A_339 = tpu.memref_squeeze %dma_wait3A_338 : memref<1x128xi32, #tpu.memory_space<vmem>> -> memref<128xi32, #tpu.memory_space<vmem>>
      %dma_wait3A_340 = arith.constant 0 : i32
      %dma_wait3A_341 = arith.constant 0 : i32
      %dma_wait3A_342 = tpu.memref_slice %arg7[%dma_wait3A_340, %dma_wait3A_341] : memref<10000x16xf32, #tpu.memory_space<vmem_shared>> -> memref<10000x16xf32, #tpu.memory_space<vmem_shared>>
      tpu.wait_indirect_dma semaphore(%arg16 : memref<!tpu.dma_semaphore, #tpu.memory_space<semaphore_mem>>) src(%dma_wait3A_342 : memref<10000x16xf32, #tpu.memory_space<vmem_shared>>) dst(%dma_wait3A_336 : memref<128x16xf32, #tpu.memory_space<vmem>>)
      %add3A_343 = arith.constant 0 : i32
      %add3A_344 = arith.addi %mul3A_245, %add3A_343 : i32
      %dma_start3A_345 = arith.constant 0 : i32
      %dma_start3A_346 = arith.constant 0 : i32
      %dma_start3A_347 = arith.constant 0 : i32
      %dma_start3A_348 = tpu.memref_slice %arg10[%rem3A_247, %dma_start3A_345, %dma_start3A_346, %dma_start3A_347] : memref<2x8x128x16xf32, #tpu.memory_space<vmem>> -> memref<1x1x128x16xf32, #tpu.memory_space<vmem>>
      %dma_start3A_349 = tpu.memref_squeeze %dma_start3A_348 : memref<1x1x128x16xf32, #tpu.memory_space<vmem>> -> memref<128x16xf32, #tpu.memory_space<vmem>>
      %dma_start3A_350 = arith.constant 0 : i32
      %dma_start3A_351 = tpu.memref_slice %arg9[%add3A_344, %dma_start3A_350] : memref<79x128xi32, #tpu.memory_space<vmem>> -> memref<1x128xi32, #tpu.memory_space<vmem>>
      %dma_start3A_352 = tpu.memref_squeeze %dma_start3A_351 : memref<1x128xi32, #tpu.memory_space<vmem>> -> memref<128xi32, #tpu.memory_space<vmem>>
      %dma_start3A_353 = arith.constant 0 : i32
      %dma_start3A_354 = arith.constant 0 : i32
      %dma_start3A_355 = tpu.memref_slice %arg6[%dma_start3A_353, %dma_start3A_354] : memref<10000x16xf32, #tpu.memory_space<vmem_shared>> -> memref<10000x16xf32, #tpu.memory_space<vmem_shared>>
      tpu.enqueue_indirect_dma source(%dma_start3A_349 : memref<128x16xf32, #tpu.memory_space<vmem>>) target(%dma_start3A_355 : memref<10000x16xf32, #tpu.memory_space<vmem_shared>>) offsets(%dma_start3A_352 : memref<128xi32, #tpu.memory_space<vmem>>) semaphore(%arg17 : memref<!tpu.dma_semaphore, #tpu.memory_space<semaphore_mem>>) {add = true}
      %add3A_356 = arith.constant 1 : i32
      %add3A_357 = arith.addi %mul3A_245, %add3A_356 : i32
      %dma_start3A_358 = arith.constant 1 : i32
      %dma_start3A_359 = arith.constant 0 : i32
      %dma_start3A_360 = arith.constant 0 : i32
      %dma_start3A_361 = tpu.memref_slice %arg10[%rem3A_247, %dma_start3A_358, %dma_start3A_359, %dma_start3A_360] : memref<2x8x128x16xf32, #tpu.memory_space<vmem>> -> memref<1x1x128x16xf32, #tpu.memory_space<vmem>>
      %dma_start3A_362 = tpu.memref_squeeze %dma_start3A_361 : memref<1x1x128x16xf32, #tpu.memory_space<vmem>> -> memref<128x16xf32, #tpu.memory_space<vmem>>
      %dma_start3A_363 = arith.constant 0 : i32
      %dma_start3A_364 = tpu.memref_slice %arg9[%add3A_357, %dma_start3A_363] : memref<79x128xi32, #tpu.memory_space<vmem>> -> memref<1x128xi32, #tpu.memory_space<vmem>>
      %dma_start3A_365 = tpu.memref_squeeze %dma_start3A_364 : memref<1x128xi32, #tpu.memory_space<vmem>> -> memref<128xi32, #tpu.memory_space<vmem>>
      %dma_start3A_366 = arith.constant 0 : i32
      %dma_start3A_367 = arith.constant 0 : i32
      %dma_start3A_368 = tpu.memref_slice %arg6[%dma_start3A_366, %dma_start3A_367] : memref<10000x16xf32, #tpu.memory_space<vmem_shared>> -> memref<10000x16xf32, #tpu.memory_space<vmem_shared>>
      tpu.enqueue_indirect_dma source(%dma_start3A_362 : memref<128x16xf32, #tpu.memory_space<vmem>>) target(%dma_start3A_368 : memref<10000x16xf32, #tpu.memory_space<vmem_shared>>) offsets(%dma_start3A_365 : memref<128xi32, #tpu.memory_space<vmem>>) semaphore(%arg17 : memref<!tpu.dma_semaphore, #tpu.memory_space<semaphore_mem>>) {add = true}
      %add3A_369 = arith.constant 2 : i32
      %add3A_370 = arith.addi %mul3A_245, %add3A_369 : i32
      %dma_start3A_371 = arith.constant 2 : i32
      %dma_start3A_372 = arith.constant 0 : i32
      %dma_start3A_373 = arith.constant 0 : i32
      %dma_start3A_374 = tpu.memref_slice %arg10[%rem3A_247, %dma_start3A_371, %dma_start3A_372, %dma_start3A_373] : memref<2x8x128x16xf32, #tpu.memory_space<vmem>> -> memref<1x1x128x16xf32, #tpu.memory_space<vmem>>
      %dma_start3A_375 = tpu.memref_squeeze %dma_start3A_374 : memref<1x1x128x16xf32, #tpu.memory_space<vmem>> -> memref<128x16xf32, #tpu.memory_space<vmem>>
      %dma_start3A_376 = arith.constant 0 : i32
      %dma_start3A_377 = tpu.memref_slice %arg9[%add3A_370, %dma_start3A_376] : memref<79x128xi32, #tpu.memory_space<vmem>> -> memref<1x128xi32, #tpu.memory_space<vmem>>
      %dma_start3A_378 = tpu.memref_squeeze %dma_start3A_377 : memref<1x128xi32, #tpu.memory_space<vmem>> -> memref<128xi32, #tpu.memory_space<vmem>>
      %dma_start3A_379 = arith.constant 0 : i32
      %dma_start3A_380 = arith.constant 0 : i32
      %dma_start3A_381 = tpu.memref_slice %arg6[%dma_start3A_379, %dma_start3A_380] : memref<10000x16xf32, #tpu.memory_space<vmem_shared>> -> memref<10000x16xf32, #tpu.memory_space<vmem_shared>>
      tpu.enqueue_indirect_dma source(%dma_start3A_375 : memref<128x16xf32, #tpu.memory_space<vmem>>) target(%dma_start3A_381 : memref<10000x16xf32, #tpu.memory_space<vmem_shared>>) offsets(%dma_start3A_378 : memref<128xi32, #tpu.memory_space<vmem>>) semaphore(%arg17 : memref<!tpu.dma_semaphore, #tpu.memory_space<semaphore_mem>>) {add = true}
      %add3A_382 = arith.constant 3 : i32
      %add3A_383 = arith.addi %mul3A_245, %add3A_382 : i32
      %dma_start3A_384 = arith.constant 3 : i32
      %dma_start3A_385 = arith.constant 0 : i32
      %dma_start3A_386 = arith.constant 0 : i32
      %dma_start3A_387 = tpu.memref_slice %arg10[%rem3A_247, %dma_start3A_384, %dma_start3A_385, %dma_start3A_386] : memref<2x8x128x16xf32, #tpu.memory_space<vmem>> -> memref<1x1x128x16xf32, #tpu.memory_space<vmem>>
      %dma_start3A_388 = tpu.memref_squeeze %dma_start3A_387 : memref<1x1x128x16xf32, #tpu.memory_space<vmem>> -> memref<128x16xf32, #tpu.memory_space<vmem>>
      %dma_start3A_389 = arith.constant 0 : i32
      %dma_start3A_390 = tpu.memref_slice %arg9[%add3A_383, %dma_start3A_389] : memref<79x128xi32, #tpu.memory_space<vmem>> -> memref<1x128xi32, #tpu.memory_space<vmem>>
      %dma_start3A_391 = tpu.memref_squeeze %dma_start3A_390 : memref<1x128xi32, #tpu.memory_space<vmem>> -> memref<128xi32, #tpu.memory_space<vmem>>
      %dma_start3A_392 = arith.constant 0 : i32
      %dma_start3A_393 = arith.constant 0 : i32
      %dma_start3A_394 = tpu.memref_slice %arg6[%dma_start3A_392, %dma_start3A_393] : memref<10000x16xf32, #tpu.memory_space<vmem_shared>> -> memref<10000x16xf32, #tpu.memory_space<vmem_shared>>
      tpu.enqueue_indirect_dma source(%dma_start3A_388 : memref<128x16xf32, #tpu.memory_space<vmem>>) target(%dma_start3A_394 : memref<10000x16xf32, #tpu.memory_space<vmem_shared>>) offsets(%dma_start3A_391 : memref<128xi32, #tpu.memory_space<vmem>>) semaphore(%arg17 : memref<!tpu.dma_semaphore, #tpu.memory_space<semaphore_mem>>) {add = true}
      %add3A_395 = arith.constant 4 : i32
      %add3A_396 = arith.addi %mul3A_245, %add3A_395 : i32
      %dma_start3A_397 = arith.constant 4 : i32
      %dma_start3A_398 = arith.constant 0 : i32
      %dma_start3A_399 = arith.constant 0 : i32
      %dma_start3A_400 = tpu.memref_slice %arg10[%rem3A_247, %dma_start3A_397, %dma_start3A_398, %dma_start3A_399] : memref<2x8x128x16xf32, #tpu.memory_space<vmem>> -> memref<1x1x128x16xf32, #tpu.memory_space<vmem>>
      %dma_start3A_401 = tpu.memref_squeeze %dma_start3A_400 : memref<1x1x128x16xf32, #tpu.memory_space<vmem>> -> memref<128x16xf32, #tpu.memory_space<vmem>>
      %dma_start3A_402 = arith.constant 0 : i32
      %dma_start3A_403 = tpu.memref_slice %arg9[%add3A_396, %dma_start3A_402] : memref<79x128xi32, #tpu.memory_space<vmem>> -> memref<1x128xi32, #tpu.memory_space<vmem>>
      %dma_start3A_404 = tpu.memref_squeeze %dma_start3A_403 : memref<1x128xi32, #tpu.memory_space<vmem>> -> memref<128xi32, #tpu.memory_space<vmem>>
      %dma_start3A_405 = arith.constant 0 : i32
      %dma_start3A_406 = arith.constant 0 : i32
      %dma_start3A_407 = tpu.memref_slice %arg6[%dma_start3A_405, %dma_start3A_406] : memref<10000x16xf32, #tpu.memory_space<vmem_shared>> -> memref<10000x16xf32, #tpu.memory_space<vmem_shared>>
      tpu.enqueue_indirect_dma source(%dma_start3A_401 : memref<128x16xf32, #tpu.memory_space<vmem>>) target(%dma_start3A_407 : memref<10000x16xf32, #tpu.memory_space<vmem_shared>>) offsets(%dma_start3A_404 : memref<128xi32, #tpu.memory_space<vmem>>) semaphore(%arg17 : memref<!tpu.dma_semaphore, #tpu.memory_space<semaphore_mem>>) {add = true}
      %add3A_408 = arith.constant 5 : i32
      %add3A_409 = arith.addi %mul3A_245, %add3A_408 : i32
      %dma_start3A_410 = arith.constant 5 : i32
      %dma_start3A_411 = arith.constant 0 : i32
      %dma_start3A_412 = arith.constant 0 : i32
      %dma_start3A_413 = tpu.memref_slice %arg10[%rem3A_247, %dma_start3A_410, %dma_start3A_411, %dma_start3A_412] : memref<2x8x128x16xf32, #tpu.memory_space<vmem>> -> memref<1x1x128x16xf32, #tpu.memory_space<vmem>>
      %dma_start3A_414 = tpu.memref_squeeze %dma_start3A_413 : memref<1x1x128x16xf32, #tpu.memory_space<vmem>> -> memref<128x16xf32, #tpu.memory_space<vmem>>
      %dma_start3A_415 = arith.constant 0 : i32
      %dma_start3A_416 = tpu.memref_slice %arg9[%add3A_409, %dma_start3A_415] : memref<79x128xi32, #tpu.memory_space<vmem>> -> memref<1x128xi32, #tpu.memory_space<vmem>>
      %dma_start3A_417 = tpu.memref_squeeze %dma_start3A_416 : memref<1x128xi32, #tpu.memory_space<vmem>> -> memref<128xi32, #tpu.memory_space<vmem>>
      %dma_start3A_418 = arith.constant 0 : i32
      %dma_start3A_419 = arith.constant 0 : i32
      %dma_start3A_420 = tpu.memref_slice %arg6[%dma_start3A_418, %dma_start3A_419] : memref<10000x16xf32, #tpu.memory_space<vmem_shared>> -> memref<10000x16xf32, #tpu.memory_space<vmem_shared>>
      tpu.enqueue_indirect_dma source(%dma_start3A_414 : memref<128x16xf32, #tpu.memory_space<vmem>>) target(%dma_start3A_420 : memref<10000x16xf32, #tpu.memory_space<vmem_shared>>) offsets(%dma_start3A_417 : memref<128xi32, #tpu.memory_space<vmem>>) semaphore(%arg17 : memref<!tpu.dma_semaphore, #tpu.memory_space<semaphore_mem>>) {add = true}
      %add3A_421 = arith.constant 6 : i32
      %add3A_422 = arith.addi %mul3A_245, %add3A_421 : i32
      %dma_start3A_423 = arith.constant 6 : i32
      %dma_start3A_424 = arith.constant 0 : i32
      %dma_start3A_425 = arith.constant 0 : i32
      %dma_start3A_426 = tpu.memref_slice %arg10[%rem3A_247, %dma_start3A_423, %dma_start3A_424, %dma_start3A_425] : memref<2x8x128x16xf32, #tpu.memory_space<vmem>> -> memref<1x1x128x16xf32, #tpu.memory_space<vmem>>
      %dma_start3A_427 = tpu.memref_squeeze %dma_start3A_426 : memref<1x1x128x16xf32, #tpu.memory_space<vmem>> -> memref<128x16xf32, #tpu.memory_space<vmem>>
      %dma_start3A_428 = arith.constant 0 : i32
      %dma_start3A_429 = tpu.memref_slice %arg9[%add3A_422, %dma_start3A_428] : memref<79x128xi32, #tpu.memory_space<vmem>> -> memref<1x128xi32, #tpu.memory_space<vmem>>
      %dma_start3A_430 = tpu.memref_squeeze %dma_start3A_429 : memref<1x128xi32, #tpu.memory_space<vmem>> -> memref<128xi32, #tpu.memory_space<vmem>>
      %dma_start3A_431 = arith.constant 0 : i32
      %dma_start3A_432 = arith.constant 0 : i32
      %dma_start3A_433 = tpu.memref_slice %arg6[%dma_start3A_431, %dma_start3A_432] : memref<10000x16xf32, #tpu.memory_space<vmem_shared>> -> memref<10000x16xf32, #tpu.memory_space<vmem_shared>>
      tpu.enqueue_indirect_dma source(%dma_start3A_427 : memref<128x16xf32, #tpu.memory_space<vmem>>) target(%dma_start3A_433 : memref<10000x16xf32, #tpu.memory_space<vmem_shared>>) offsets(%dma_start3A_430 : memref<128xi32, #tpu.memory_space<vmem>>) semaphore(%arg17 : memref<!tpu.dma_semaphore, #tpu.memory_space<semaphore_mem>>) {add = true}
      %add3A_434 = arith.constant 7 : i32
      %add3A_435 = arith.addi %mul3A_245, %add3A_434 : i32
      %dma_start3A_436 = arith.constant 7 : i32
      %dma_start3A_437 = arith.constant 0 : i32
      %dma_start3A_438 = arith.constant 0 : i32
      %dma_start3A_439 = tpu.memref_slice %arg10[%rem3A_247, %dma_start3A_436, %dma_start3A_437, %dma_start3A_438] : memref<2x8x128x16xf32, #tpu.memory_space<vmem>> -> memref<1x1x128x16xf32, #tpu.memory_space<vmem>>
      %dma_start3A_440 = tpu.memref_squeeze %dma_start3A_439 : memref<1x1x128x16xf32, #tpu.memory_space<vmem>> -> memref<128x16xf32, #tpu.memory_space<vmem>>
      %dma_start3A_441 = arith.constant 0 : i32
      %dma_start3A_442 = tpu.memref_slice %arg9[%add3A_435, %dma_start3A_441] : memref<79x128xi32, #tpu.memory_space<vmem>> -> memref<1x128xi32, #tpu.memory_space<vmem>>
      %dma_start3A_443 = tpu.memref_squeeze %dma_start3A_442 : memref<1x128xi32, #tpu.memory_space<vmem>> -> memref<128xi32, #tpu.memory_space<vmem>>
      %dma_start3A_444 = arith.constant 0 : i32
      %dma_start3A_445 = arith.constant 0 : i32
      %dma_start3A_446 = tpu.memref_slice %arg6[%dma_start3A_444, %dma_start3A_445] : memref<10000x16xf32, #tpu.memory_space<vmem_shared>> -> memref<10000x16xf32, #tpu.memory_space<vmem_shared>>
      tpu.enqueue_indirect_dma source(%dma_start3A_440 : memref<128x16xf32, #tpu.memory_space<vmem>>) target(%dma_start3A_446 : memref<10000x16xf32, #tpu.memory_space<vmem_shared>>) offsets(%dma_start3A_443 : memref<128xi32, #tpu.memory_space<vmem>>) semaphore(%arg17 : memref<!tpu.dma_semaphore, #tpu.memory_space<semaphore_mem>>) {add = true}
      %add3A_447 = arith.constant 1 : i32
      %add3A_448 = arith.addi %while3A_243, %add3A_447 : i32
      %lt3A_449 = arith.cmpi slt, %add3A_448, %select_n3A_114 : i32
      %convert_element_type3A_450 = arith.extui %lt3A_449 : i1 to i32
      %cond3A_451 = arith.constant 0 : i32
      %cond3A_452 = arith.cmpi ne, %convert_element_type3A_450, %cond3A_451 : i32
      scf.if %cond3A_452 {
        %add3A_541 = arith.constant 8 : i32
        %add3A_542 = arith.addi %mul3A_245, %add3A_541 : i32
        %add3A_543 = arith.constant 0 : i32
        %add3A_544 = arith.addi %add3A_542, %add3A_543 : i32
        %sub3A_545 = arith.constant 1 : i32
        %sub3A_546 = arith.subi %sub3A_545, %rem3A_247 : i32
        %dma_start3A_547 = arith.constant 0 : i32
        %dma_start3A_548 = arith.constant 0 : i32
        %dma_start3A_549 = arith.constant 0 : i32
        %dma_start3A_550 = tpu.memref_slice %arg10[%sub3A_546, %dma_start3A_547, %dma_start3A_548, %dma_start3A_549] : memref<2x8x128x16xf32, #tpu.memory_space<vmem>> -> memref<1x1x128x16xf32, #tpu.memory_space<vmem>>
        %dma_start3A_551 = tpu.memref_squeeze %dma_start3A_550 : memref<1x1x128x16xf32, #tpu.memory_space<vmem>> -> memref<128x16xf32, #tpu.memory_space<vmem>>
        %dma_start3A_552 = arith.constant 0 : i32
        %dma_start3A_553 = tpu.memref_slice %arg8[%add3A_544, %dma_start3A_552] : memref<79x128xi32, #tpu.memory_space<vmem>> -> memref<1x128xi32, #tpu.memory_space<vmem>>
        %dma_start3A_554 = tpu.memref_squeeze %dma_start3A_553 : memref<1x128xi32, #tpu.memory_space<vmem>> -> memref<128xi32, #tpu.memory_space<vmem>>
        %dma_start3A_555 = arith.constant 0 : i32
        %dma_start3A_556 = arith.constant 0 : i32
        %dma_start3A_557 = tpu.memref_slice %arg7[%dma_start3A_555, %dma_start3A_556] : memref<10000x16xf32, #tpu.memory_space<vmem_shared>> -> memref<10000x16xf32, #tpu.memory_space<vmem_shared>>
        tpu.enqueue_indirect_dma source(%dma_start3A_557 : memref<10000x16xf32, #tpu.memory_space<vmem_shared>>) target(%dma_start3A_551 : memref<128x16xf32, #tpu.memory_space<vmem>>) offsets(%dma_start3A_554 : memref<128xi32, #tpu.memory_space<vmem>>) semaphore(%arg16 : memref<!tpu.dma_semaphore, #tpu.memory_space<semaphore_mem>>)
        %add3A_558 = arith.constant 8 : i32
        %add3A_559 = arith.addi %mul3A_245, %add3A_558 : i32
        %add3A_560 = arith.constant 1 : i32
        %add3A_561 = arith.addi %add3A_559, %add3A_560 : i32
        %sub3A_562 = arith.constant 1 : i32
        %sub3A_563 = arith.subi %sub3A_562, %rem3A_247 : i32
        %dma_start3A_564 = arith.constant 1 : i32
        %dma_start3A_565 = arith.constant 0 : i32
        %dma_start3A_566 = arith.constant 0 : i32
        %dma_start3A_567 = tpu.memref_slice %arg10[%sub3A_563, %dma_start3A_564, %dma_start3A_565, %dma_start3A_566] : memref<2x8x128x16xf32, #tpu.memory_space<vmem>> -> memref<1x1x128x16xf32, #tpu.memory_space<vmem>>
        %dma_start3A_568 = tpu.memref_squeeze %dma_start3A_567 : memref<1x1x128x16xf32, #tpu.memory_space<vmem>> -> memref<128x16xf32, #tpu.memory_space<vmem>>
        %dma_start3A_569 = arith.constant 0 : i32
        %dma_start3A_570 = tpu.memref_slice %arg8[%add3A_561, %dma_start3A_569] : memref<79x128xi32, #tpu.memory_space<vmem>> -> memref<1x128xi32, #tpu.memory_space<vmem>>
        %dma_start3A_571 = tpu.memref_squeeze %dma_start3A_570 : memref<1x128xi32, #tpu.memory_space<vmem>> -> memref<128xi32, #tpu.memory_space<vmem>>
        %dma_start3A_572 = arith.constant 0 : i32
        %dma_start3A_573 = arith.constant 0 : i32
        %dma_start3A_574 = tpu.memref_slice %arg7[%dma_start3A_572, %dma_start3A_573] : memref<10000x16xf32, #tpu.memory_space<vmem_shared>> -> memref<10000x16xf32, #tpu.memory_space<vmem_shared>>
        tpu.enqueue_indirect_dma source(%dma_start3A_574 : memref<10000x16xf32, #tpu.memory_space<vmem_shared>>) target(%dma_start3A_568 : memref<128x16xf32, #tpu.memory_space<vmem>>) offsets(%dma_start3A_571 : memref<128xi32, #tpu.memory_space<vmem>>) semaphore(%arg16 : memref<!tpu.dma_semaphore, #tpu.memory_space<semaphore_mem>>)
        %add3A_575 = arith.constant 8 : i32
        %add3A_576 = arith.addi %mul3A_245, %add3A_575 : i32
        %add3A_577 = arith.constant 2 : i32
        %add3A_578 = arith.addi %add3A_576, %add3A_577 : i32
        %sub3A_579 = arith.constant 1 : i32
        %sub3A_580 = arith.subi %sub3A_579, %rem3A_247 : i32
        %dma_start3A_581 = arith.constant 2 : i32
        %dma_start3A_582 = arith.constant 0 : i32
        %dma_start3A_583 = arith.constant 0 : i32
        %dma_start3A_584 = tpu.memref_slice %arg10[%sub3A_580, %dma_start3A_581, %dma_start3A_582, %dma_start3A_583] : memref<2x8x128x16xf32, #tpu.memory_space<vmem>> -> memref<1x1x128x16xf32, #tpu.memory_space<vmem>>
        %dma_start3A_585 = tpu.memref_squeeze %dma_start3A_584 : memref<1x1x128x16xf32, #tpu.memory_space<vmem>> -> memref<128x16xf32, #tpu.memory_space<vmem>>
        %dma_start3A_586 = arith.constant 0 : i32
        %dma_start3A_587 = tpu.memref_slice %arg8[%add3A_578, %dma_start3A_586] : memref<79x128xi32, #tpu.memory_space<vmem>> -> memref<1x128xi32, #tpu.memory_space<vmem>>
        %dma_start3A_588 = tpu.memref_squeeze %dma_start3A_587 : memref<1x128xi32, #tpu.memory_space<vmem>> -> memref<128xi32, #tpu.memory_space<vmem>>
        %dma_start3A_589 = arith.constant 0 : i32
        %dma_start3A_590 = arith.constant 0 : i32
        %dma_start3A_591 = tpu.memref_slice %arg7[%dma_start3A_589, %dma_start3A_590] : memref<10000x16xf32, #tpu.memory_space<vmem_shared>> -> memref<10000x16xf32, #tpu.memory_space<vmem_shared>>
        tpu.enqueue_indirect_dma source(%dma_start3A_591 : memref<10000x16xf32, #tpu.memory_space<vmem_shared>>) target(%dma_start3A_585 : memref<128x16xf32, #tpu.memory_space<vmem>>) offsets(%dma_start3A_588 : memref<128xi32, #tpu.memory_space<vmem>>) semaphore(%arg16 : memref<!tpu.dma_semaphore, #tpu.memory_space<semaphore_mem>>)
        %add3A_592 = arith.constant 8 : i32
        %add3A_593 = arith.addi %mul3A_245, %add3A_592 : i32
        %add3A_594 = arith.constant 3 : i32
        %add3A_595 = arith.addi %add3A_593, %add3A_594 : i32
        %sub3A_596 = arith.constant 1 : i32
        %sub3A_597 = arith.subi %sub3A_596, %rem3A_247 : i32
        %dma_start3A_598 = arith.constant 3 : i32
        %dma_start3A_599 = arith.constant 0 : i32
        %dma_start3A_600 = arith.constant 0 : i32
        %dma_start3A_601 = tpu.memref_slice %arg10[%sub3A_597, %dma_start3A_598, %dma_start3A_599, %dma_start3A_600] : memref<2x8x128x16xf32, #tpu.memory_space<vmem>> -> memref<1x1x128x16xf32, #tpu.memory_space<vmem>>
        %dma_start3A_602 = tpu.memref_squeeze %dma_start3A_601 : memref<1x1x128x16xf32, #tpu.memory_space<vmem>> -> memref<128x16xf32, #tpu.memory_space<vmem>>
        %dma_start3A_603 = arith.constant 0 : i32
        %dma_start3A_604 = tpu.memref_slice %arg8[%add3A_595, %dma_start3A_603] : memref<79x128xi32, #tpu.memory_space<vmem>> -> memref<1x128xi32, #tpu.memory_space<vmem>>
        %dma_start3A_605 = tpu.memref_squeeze %dma_start3A_604 : memref<1x128xi32, #tpu.memory_space<vmem>> -> memref<128xi32, #tpu.memory_space<vmem>>
        %dma_start3A_606 = arith.constant 0 : i32
        %dma_start3A_607 = arith.constant 0 : i32
        %dma_start3A_608 = tpu.memref_slice %arg7[%dma_start3A_606, %dma_start3A_607] : memref<10000x16xf32, #tpu.memory_space<vmem_shared>> -> memref<10000x16xf32, #tpu.memory_space<vmem_shared>>
        tpu.enqueue_indirect_dma source(%dma_start3A_608 : memref<10000x16xf32, #tpu.memory_space<vmem_shared>>) target(%dma_start3A_602 : memref<128x16xf32, #tpu.memory_space<vmem>>) offsets(%dma_start3A_605 : memref<128xi32, #tpu.memory_space<vmem>>) semaphore(%arg16 : memref<!tpu.dma_semaphore, #tpu.memory_space<semaphore_mem>>)
        %add3A_609 = arith.constant 8 : i32
        %add3A_610 = arith.addi %mul3A_245, %add3A_609 : i32
        %add3A_611 = arith.constant 4 : i32
        %add3A_612 = arith.addi %add3A_610, %add3A_611 : i32
        %sub3A_613 = arith.constant 1 : i32
        %sub3A_614 = arith.subi %sub3A_613, %rem3A_247 : i32
        %dma_start3A_615 = arith.constant 4 : i32
        %dma_start3A_616 = arith.constant 0 : i32
        %dma_start3A_617 = arith.constant 0 : i32
        %dma_start3A_618 = tpu.memref_slice %arg10[%sub3A_614, %dma_start3A_615, %dma_start3A_616, %dma_start3A_617] : memref<2x8x128x16xf32, #tpu.memory_space<vmem>> -> memref<1x1x128x16xf32, #tpu.memory_space<vmem>>
        %dma_start3A_619 = tpu.memref_squeeze %dma_start3A_618 : memref<1x1x128x16xf32, #tpu.memory_space<vmem>> -> memref<128x16xf32, #tpu.memory_space<vmem>>
        %dma_start3A_620 = arith.constant 0 : i32
        %dma_start3A_621 = tpu.memref_slice %arg8[%add3A_612, %dma_start3A_620] : memref<79x128xi32, #tpu.memory_space<vmem>> -> memref<1x128xi32, #tpu.memory_space<vmem>>
        %dma_start3A_622 = tpu.memref_squeeze %dma_start3A_621 : memref<1x128xi32, #tpu.memory_space<vmem>> -> memref<128xi32, #tpu.memory_space<vmem>>
        %dma_start3A_623 = arith.constant 0 : i32
        %dma_start3A_624 = arith.constant 0 : i32
        %dma_start3A_625 = tpu.memref_slice %arg7[%dma_start3A_623, %dma_start3A_624] : memref<10000x16xf32, #tpu.memory_space<vmem_shared>> -> memref<10000x16xf32, #tpu.memory_space<vmem_shared>>
        tpu.enqueue_indirect_dma source(%dma_start3A_625 : memref<10000x16xf32, #tpu.memory_space<vmem_shared>>) target(%dma_start3A_619 : memref<128x16xf32, #tpu.memory_space<vmem>>) offsets(%dma_start3A_622 : memref<128xi32, #tpu.memory_space<vmem>>) semaphore(%arg16 : memref<!tpu.dma_semaphore, #tpu.memory_space<semaphore_mem>>)
        %add3A_626 = arith.constant 8 : i32
        %add3A_627 = arith.addi %mul3A_245, %add3A_626 : i32
        %add3A_628 = arith.constant 5 : i32
        %add3A_629 = arith.addi %add3A_627, %add3A_628 : i32
        %sub3A_630 = arith.constant 1 : i32
        %sub3A_631 = arith.subi %sub3A_630, %rem3A_247 : i32
        %dma_start3A_632 = arith.constant 5 : i32
        %dma_start3A_633 = arith.constant 0 : i32
        %dma_start3A_634 = arith.constant 0 : i32
        %dma_start3A_635 = tpu.memref_slice %arg10[%sub3A_631, %dma_start3A_632, %dma_start3A_633, %dma_start3A_634] : memref<2x8x128x16xf32, #tpu.memory_space<vmem>> -> memref<1x1x128x16xf32, #tpu.memory_space<vmem>>
        %dma_start3A_636 = tpu.memref_squeeze %dma_start3A_635 : memref<1x1x128x16xf32, #tpu.memory_space<vmem>> -> memref<128x16xf32, #tpu.memory_space<vmem>>
        %dma_start3A_637 = arith.constant 0 : i32
        %dma_start3A_638 = tpu.memref_slice %arg8[%add3A_629, %dma_start3A_637] : memref<79x128xi32, #tpu.memory_space<vmem>> -> memref<1x128xi32, #tpu.memory_space<vmem>>
        %dma_start3A_639 = tpu.memref_squeeze %dma_start3A_638 : memref<1x128xi32, #tpu.memory_space<vmem>> -> memref<128xi32, #tpu.memory_space<vmem>>
        %dma_start3A_640 = arith.constant 0 : i32
        %dma_start3A_641 = arith.constant 0 : i32
        %dma_start3A_642 = tpu.memref_slice %arg7[%dma_start3A_640, %dma_start3A_641] : memref<10000x16xf32, #tpu.memory_space<vmem_shared>> -> memref<10000x16xf32, #tpu.memory_space<vmem_shared>>
        tpu.enqueue_indirect_dma source(%dma_start3A_642 : memref<10000x16xf32, #tpu.memory_space<vmem_shared>>) target(%dma_start3A_636 : memref<128x16xf32, #tpu.memory_space<vmem>>) offsets(%dma_start3A_639 : memref<128xi32, #tpu.memory_space<vmem>>) semaphore(%arg16 : memref<!tpu.dma_semaphore, #tpu.memory_space<semaphore_mem>>)
        %add3A_643 = arith.constant 8 : i32
        %add3A_644 = arith.addi %mul3A_245, %add3A_643 : i32
        %add3A_645 = arith.constant 6 : i32
        %add3A_646 = arith.addi %add3A_644, %add3A_645 : i32
        %sub3A_647 = arith.constant 1 : i32
        %sub3A_648 = arith.subi %sub3A_647, %rem3A_247 : i32
        %dma_start3A_649 = arith.constant 6 : i32
        %dma_start3A_650 = arith.constant 0 : i32
        %dma_start3A_651 = arith.constant 0 : i32
        %dma_start3A_652 = tpu.memref_slice %arg10[%sub3A_648, %dma_start3A_649, %dma_start3A_650, %dma_start3A_651] : memref<2x8x128x16xf32, #tpu.memory_space<vmem>> -> memref<1x1x128x16xf32, #tpu.memory_space<vmem>>
        %dma_start3A_653 = tpu.memref_squeeze %dma_start3A_652 : memref<1x1x128x16xf32, #tpu.memory_space<vmem>> -> memref<128x16xf32, #tpu.memory_space<vmem>>
        %dma_start3A_654 = arith.constant 0 : i32
        %dma_start3A_655 = tpu.memref_slice %arg8[%add3A_646, %dma_start3A_654] : memref<79x128xi32, #tpu.memory_space<vmem>> -> memref<1x128xi32, #tpu.memory_space<vmem>>
        %dma_start3A_656 = tpu.memref_squeeze %dma_start3A_655 : memref<1x128xi32, #tpu.memory_space<vmem>> -> memref<128xi32, #tpu.memory_space<vmem>>
        %dma_start3A_657 = arith.constant 0 : i32
        %dma_start3A_658 = arith.constant 0 : i32
        %dma_start3A_659 = tpu.memref_slice %arg7[%dma_start3A_657, %dma_start3A_658] : memref<10000x16xf32, #tpu.memory_space<vmem_shared>> -> memref<10000x16xf32, #tpu.memory_space<vmem_shared>>
        tpu.enqueue_indirect_dma source(%dma_start3A_659 : memref<10000x16xf32, #tpu.memory_space<vmem_shared>>) target(%dma_start3A_653 : memref<128x16xf32, #tpu.memory_space<vmem>>) offsets(%dma_start3A_656 : memref<128xi32, #tpu.memory_space<vmem>>) semaphore(%arg16 : memref<!tpu.dma_semaphore, #tpu.memory_space<semaphore_mem>>)
        %add3A_660 = arith.constant 8 : i32
        %add3A_661 = arith.addi %mul3A_245, %add3A_660 : i32
        %add3A_662 = arith.constant 7 : i32
        %add3A_663 = arith.addi %add3A_661, %add3A_662 : i32
        %sub3A_664 = arith.constant 1 : i32
        %sub3A_665 = arith.subi %sub3A_664, %rem3A_247 : i32
        %dma_start3A_666 = arith.constant 7 : i32
        %dma_start3A_667 = arith.constant 0 : i32
        %dma_start3A_668 = arith.constant 0 : i32
        %dma_start3A_669 = tpu.memref_slice %arg10[%sub3A_665, %dma_start3A_666, %dma_start3A_667, %dma_start3A_668] : memref<2x8x128x16xf32, #tpu.memory_space<vmem>> -> memref<1x1x128x16xf32, #tpu.memory_space<vmem>>
        %dma_start3A_670 = tpu.memref_squeeze %dma_start3A_669 : memref<1x1x128x16xf32, #tpu.memory_space<vmem>> -> memref<128x16xf32, #tpu.memory_space<vmem>>
        %dma_start3A_671 = arith.constant 0 : i32
        %dma_start3A_672 = tpu.memref_slice %arg8[%add3A_663, %dma_start3A_671] : memref<79x128xi32, #tpu.memory_space<vmem>> -> memref<1x128xi32, #tpu.memory_space<vmem>>
        %dma_start3A_673 = tpu.memref_squeeze %dma_start3A_672 : memref<1x128xi32, #tpu.memory_space<vmem>> -> memref<128xi32, #tpu.memory_space<vmem>>
        %dma_start3A_674 = arith.constant 0 : i32
        %dma_start3A_675 = arith.constant 0 : i32
        %dma_start3A_676 = tpu.memref_slice %arg7[%dma_start3A_674, %dma_start3A_675] : memref<10000x16xf32, #tpu.memory_space<vmem_shared>> -> memref<10000x16xf32, #tpu.memory_space<vmem_shared>>
        tpu.enqueue_indirect_dma source(%dma_start3A_676 : memref<10000x16xf32, #tpu.memory_space<vmem_shared>>) target(%dma_start3A_670 : memref<128x16xf32, #tpu.memory_space<vmem>>) offsets(%dma_start3A_673 : memref<128xi32, #tpu.memory_space<vmem>>) semaphore(%arg16 : memref<!tpu.dma_semaphore, #tpu.memory_space<semaphore_mem>>)
      } else {
      }
      %dma_wait3A_453 = arith.constant 0 : i32
      %dma_wait3A_454 = arith.constant 0 : i32
      %dma_wait3A_455 = arith.constant 0 : i32
      %dma_wait3A_456 = tpu.memref_slice %arg10[%rem3A_247, %dma_wait3A_453, %dma_wait3A_454, %dma_wait3A_455] : memref<2x8x128x16xf32, #tpu.memory_space<vmem>> -> memref<1x1x128x16xf32, #tpu.memory_space<vmem>>
      %dma_wait3A_457 = tpu.memref_squeeze %dma_wait3A_456 : memref<1x1x128x16xf32, #tpu.memory_space<vmem>> -> memref<128x16xf32, #tpu.memory_space<vmem>>
      %dma_wait3A_458 = arith.constant 0 : i32
      %dma_wait3A_459 = tpu.memref_slice %arg9[%mul3A_245, %dma_wait3A_458] : memref<79x128xi32, #tpu.memory_space<vmem>> -> memref<1x128xi32, #tpu.memory_space<vmem>>
      %dma_wait3A_460 = tpu.memref_squeeze %dma_wait3A_459 : memref<1x128xi32, #tpu.memory_space<vmem>> -> memref<128xi32, #tpu.memory_space<vmem>>
      %dma_wait3A_461 = arith.constant 0 : i32
      %dma_wait3A_462 = arith.constant 0 : i32
      %dma_wait3A_463 = tpu.memref_slice %arg6[%dma_wait3A_461, %dma_wait3A_462] : memref<10000x16xf32, #tpu.memory_space<vmem_shared>> -> memref<10000x16xf32, #tpu.memory_space<vmem_shared>>
      tpu.wait_indirect_dma semaphore(%arg17 : memref<!tpu.dma_semaphore, #tpu.memory_space<semaphore_mem>>) src(%dma_wait3A_457 : memref<128x16xf32, #tpu.memory_space<vmem>>) dst(%dma_wait3A_463 : memref<10000x16xf32, #tpu.memory_space<vmem_shared>>)
      %dma_wait3A_464 = arith.constant 1 : i32
      %dma_wait3A_465 = arith.constant 0 : i32
      %dma_wait3A_466 = arith.constant 0 : i32
      %dma_wait3A_467 = tpu.memref_slice %arg10[%rem3A_247, %dma_wait3A_464, %dma_wait3A_465, %dma_wait3A_466] : memref<2x8x128x16xf32, #tpu.memory_space<vmem>> -> memref<1x1x128x16xf32, #tpu.memory_space<vmem>>
      %dma_wait3A_468 = tpu.memref_squeeze %dma_wait3A_467 : memref<1x1x128x16xf32, #tpu.memory_space<vmem>> -> memref<128x16xf32, #tpu.memory_space<vmem>>
      %dma_wait3A_469 = arith.constant 0 : i32
      %dma_wait3A_470 = tpu.memref_slice %arg9[%mul3A_245, %dma_wait3A_469] : memref<79x128xi32, #tpu.memory_space<vmem>> -> memref<1x128xi32, #tpu.memory_space<vmem>>
      %dma_wait3A_471 = tpu.memref_squeeze %dma_wait3A_470 : memref<1x128xi32, #tpu.memory_space<vmem>> -> memref<128xi32, #tpu.memory_space<vmem>>
      %dma_wait3A_472 = arith.constant 0 : i32
      %dma_wait3A_473 = arith.constant 0 : i32
      %dma_wait3A_474 = tpu.memref_slice %arg6[%dma_wait3A_472, %dma_wait3A_473] : memref<10000x16xf32, #tpu.memory_space<vmem_shared>> -> memref<10000x16xf32, #tpu.memory_space<vmem_shared>>
      tpu.wait_indirect_dma semaphore(%arg17 : memref<!tpu.dma_semaphore, #tpu.memory_space<semaphore_mem>>) src(%dma_wait3A_468 : memref<128x16xf32, #tpu.memory_space<vmem>>) dst(%dma_wait3A_474 : memref<10000x16xf32, #tpu.memory_space<vmem_shared>>)
      %dma_wait3A_475 = arith.constant 2 : i32
      %dma_wait3A_476 = arith.constant 0 : i32
      %dma_wait3A_477 = arith.constant 0 : i32
      %dma_wait3A_478 = tpu.memref_slice %arg10[%rem3A_247, %dma_wait3A_475, %dma_wait3A_476, %dma_wait3A_477] : memref<2x8x128x16xf32, #tpu.memory_space<vmem>> -> memref<1x1x128x16xf32, #tpu.memory_space<vmem>>
      %dma_wait3A_479 = tpu.memref_squeeze %dma_wait3A_478 : memref<1x1x128x16xf32, #tpu.memory_space<vmem>> -> memref<128x16xf32, #tpu.memory_space<vmem>>
      %dma_wait3A_480 = arith.constant 0 : i32
      %dma_wait3A_481 = tpu.memref_slice %arg9[%mul3A_245, %dma_wait3A_480] : memref<79x128xi32, #tpu.memory_space<vmem>> -> memref<1x128xi32, #tpu.memory_space<vmem>>
      %dma_wait3A_482 = tpu.memref_squeeze %dma_wait3A_481 : memref<1x128xi32, #tpu.memory_space<vmem>> -> memref<128xi32, #tpu.memory_space<vmem>>
      %dma_wait3A_483 = arith.constant 0 : i32
      %dma_wait3A_484 = arith.constant 0 : i32
      %dma_wait3A_485 = tpu.memref_slice %arg6[%dma_wait3A_483, %dma_wait3A_484] : memref<10000x16xf32, #tpu.memory_space<vmem_shared>> -> memref<10000x16xf32, #tpu.memory_space<vmem_shared>>
      tpu.wait_indirect_dma semaphore(%arg17 : memref<!tpu.dma_semaphore, #tpu.memory_space<semaphore_mem>>) src(%dma_wait3A_479 : memref<128x16xf32, #tpu.memory_space<vmem>>) dst(%dma_wait3A_485 : memref<10000x16xf32, #tpu.memory_space<vmem_shared>>)
      %dma_wait3A_486 = arith.constant 3 : i32
      %dma_wait3A_487 = arith.constant 0 : i32
      %dma_wait3A_488 = arith.constant 0 : i32
      %dma_wait3A_489 = tpu.memref_slice %arg10[%rem3A_247, %dma_wait3A_486, %dma_wait3A_487, %dma_wait3A_488] : memref<2x8x128x16xf32, #tpu.memory_space<vmem>> -> memref<1x1x128x16xf32, #tpu.memory_space<vmem>>
      %dma_wait3A_490 = tpu.memref_squeeze %dma_wait3A_489 : memref<1x1x128x16xf32, #tpu.memory_space<vmem>> -> memref<128x16xf32, #tpu.memory_space<vmem>>
      %dma_wait3A_491 = arith.constant 0 : i32
      %dma_wait3A_492 = tpu.memref_slice %arg9[%mul3A_245, %dma_wait3A_491] : memref<79x128xi32, #tpu.memory_space<vmem>> -> memref<1x128xi32, #tpu.memory_space<vmem>>
      %dma_wait3A_493 = tpu.memref_squeeze %dma_wait3A_492 : memref<1x128xi32, #tpu.memory_space<vmem>> -> memref<128xi32, #tpu.memory_space<vmem>>
      %dma_wait3A_494 = arith.constant 0 : i32
      %dma_wait3A_495 = arith.constant 0 : i32
      %dma_wait3A_496 = tpu.memref_slice %arg6[%dma_wait3A_494, %dma_wait3A_495] : memref<10000x16xf32, #tpu.memory_space<vmem_shared>> -> memref<10000x16xf32, #tpu.memory_space<vmem_shared>>
      tpu.wait_indirect_dma semaphore(%arg17 : memref<!tpu.dma_semaphore, #tpu.memory_space<semaphore_mem>>) src(%dma_wait3A_490 : memref<128x16xf32, #tpu.memory_space<vmem>>) dst(%dma_wait3A_496 : memref<10000x16xf32, #tpu.memory_space<vmem_shared>>)
      %dma_wait3A_497 = arith.constant 4 : i32
      %dma_wait3A_498 = arith.constant 0 : i32
      %dma_wait3A_499 = arith.constant 0 : i32
      %dma_wait3A_500 = tpu.memref_slice %arg10[%rem3A_247, %dma_wait3A_497, %dma_wait3A_498, %dma_wait3A_499] : memref<2x8x128x16xf32, #tpu.memory_space<vmem>> -> memref<1x1x128x16xf32, #tpu.memory_space<vmem>>
      %dma_wait3A_501 = tpu.memref_squeeze %dma_wait3A_500 : memref<1x1x128x16xf32, #tpu.memory_space<vmem>> -> memref<128x16xf32, #tpu.memory_space<vmem>>
      %dma_wait3A_502 = arith.constant 0 : i32
      %dma_wait3A_503 = tpu.memref_slice %arg9[%mul3A_245, %dma_wait3A_502] : memref<79x128xi32, #tpu.memory_space<vmem>> -> memref<1x128xi32, #tpu.memory_space<vmem>>
      %dma_wait3A_504 = tpu.memref_squeeze %dma_wait3A_503 : memref<1x128xi32, #tpu.memory_space<vmem>> -> memref<128xi32, #tpu.memory_space<vmem>>
      %dma_wait3A_505 = arith.constant 0 : i32
      %dma_wait3A_506 = arith.constant 0 : i32
      %dma_wait3A_507 = tpu.memref_slice %arg6[%dma_wait3A_505, %dma_wait3A_506] : memref<10000x16xf32, #tpu.memory_space<vmem_shared>> -> memref<10000x16xf32, #tpu.memory_space<vmem_shared>>
      tpu.wait_indirect_dma semaphore(%arg17 : memref<!tpu.dma_semaphore, #tpu.memory_space<semaphore_mem>>) src(%dma_wait3A_501 : memref<128x16xf32, #tpu.memory_space<vmem>>) dst(%dma_wait3A_507 : memref<10000x16xf32, #tpu.memory_space<vmem_shared>>)
      %dma_wait3A_508 = arith.constant 5 : i32
      %dma_wait3A_509 = arith.constant 0 : i32
      %dma_wait3A_510 = arith.constant 0 : i32
      %dma_wait3A_511 = tpu.memref_slice %arg10[%rem3A_247, %dma_wait3A_508, %dma_wait3A_509, %dma_wait3A_510] : memref<2x8x128x16xf32, #tpu.memory_space<vmem>> -> memref<1x1x128x16xf32, #tpu.memory_space<vmem>>
      %dma_wait3A_512 = tpu.memref_squeeze %dma_wait3A_511 : memref<1x1x128x16xf32, #tpu.memory_space<vmem>> -> memref<128x16xf32, #tpu.memory_space<vmem>>
      %dma_wait3A_513 = arith.constant 0 : i32
      %dma_wait3A_514 = tpu.memref_slice %arg9[%mul3A_245, %dma_wait3A_513] : memref<79x128xi32, #tpu.memory_space<vmem>> -> memref<1x128xi32, #tpu.memory_space<vmem>>
      %dma_wait3A_515 = tpu.memref_squeeze %dma_wait3A_514 : memref<1x128xi32, #tpu.memory_space<vmem>> -> memref<128xi32, #tpu.memory_space<vmem>>
      %dma_wait3A_516 = arith.constant 0 : i32
      %dma_wait3A_517 = arith.constant 0 : i32
      %dma_wait3A_518 = tpu.memref_slice %arg6[%dma_wait3A_516, %dma_wait3A_517] : memref<10000x16xf32, #tpu.memory_space<vmem_shared>> -> memref<10000x16xf32, #tpu.memory_space<vmem_shared>>
      tpu.wait_indirect_dma semaphore(%arg17 : memref<!tpu.dma_semaphore, #tpu.memory_space<semaphore_mem>>) src(%dma_wait3A_512 : memref<128x16xf32, #tpu.memory_space<vmem>>) dst(%dma_wait3A_518 : memref<10000x16xf32, #tpu.memory_space<vmem_shared>>)
      %dma_wait3A_519 = arith.constant 6 : i32
      %dma_wait3A_520 = arith.constant 0 : i32
      %dma_wait3A_521 = arith.constant 0 : i32
      %dma_wait3A_522 = tpu.memref_slice %arg10[%rem3A_247, %dma_wait3A_519, %dma_wait3A_520, %dma_wait3A_521] : memref<2x8x128x16xf32, #tpu.memory_space<vmem>> -> memref<1x1x128x16xf32, #tpu.memory_space<vmem>>
      %dma_wait3A_523 = tpu.memref_squeeze %dma_wait3A_522 : memref<1x1x128x16xf32, #tpu.memory_space<vmem>> -> memref<128x16xf32, #tpu.memory_space<vmem>>
      %dma_wait3A_524 = arith.constant 0 : i32
      %dma_wait3A_525 = tpu.memref_slice %arg9[%mul3A_245, %dma_wait3A_524] : memref<79x128xi32, #tpu.memory_space<vmem>> -> memref<1x128xi32, #tpu.memory_space<vmem>>
      %dma_wait3A_526 = tpu.memref_squeeze %dma_wait3A_525 : memref<1x128xi32, #tpu.memory_space<vmem>> -> memref<128xi32, #tpu.memory_space<vmem>>
      %dma_wait3A_527 = arith.constant 0 : i32
      %dma_wait3A_528 = arith.constant 0 : i32
      %dma_wait3A_529 = tpu.memref_slice %arg6[%dma_wait3A_527, %dma_wait3A_528] : memref<10000x16xf32, #tpu.memory_space<vmem_shared>> -> memref<10000x16xf32, #tpu.memory_space<vmem_shared>>
      tpu.wait_indirect_dma semaphore(%arg17 : memref<!tpu.dma_semaphore, #tpu.memory_space<semaphore_mem>>) src(%dma_wait3A_523 : memref<128x16xf32, #tpu.memory_space<vmem>>) dst(%dma_wait3A_529 : memref<10000x16xf32, #tpu.memory_space<vmem_shared>>)
      %dma_wait3A_530 = arith.constant 7 : i32
      %dma_wait3A_531 = arith.constant 0 : i32
      %dma_wait3A_532 = arith.constant 0 : i32
      %dma_wait3A_533 = tpu.memref_slice %arg10[%rem3A_247, %dma_wait3A_530, %dma_wait3A_531, %dma_wait3A_532] : memref<2x8x128x16xf32, #tpu.memory_space<vmem>> -> memref<1x1x128x16xf32, #tpu.memory_space<vmem>>
      %dma_wait3A_534 = tpu.memref_squeeze %dma_wait3A_533 : memref<1x1x128x16xf32, #tpu.memory_space<vmem>> -> memref<128x16xf32, #tpu.memory_space<vmem>>
      %dma_wait3A_535 = arith.constant 0 : i32
      %dma_wait3A_536 = tpu.memref_slice %arg9[%mul3A_245, %dma_wait3A_535] : memref<79x128xi32, #tpu.memory_space<vmem>> -> memref<1x128xi32, #tpu.memory_space<vmem>>
      %dma_wait3A_537 = tpu.memref_squeeze %dma_wait3A_536 : memref<1x128xi32, #tpu.memory_space<vmem>> -> memref<128xi32, #tpu.memory_space<vmem>>
      %dma_wait3A_538 = arith.constant 0 : i32
      %dma_wait3A_539 = arith.constant 0 : i32
      %dma_wait3A_540 = tpu.memref_slice %arg6[%dma_wait3A_538, %dma_wait3A_539] : memref<10000x16xf32, #tpu.memory_space<vmem_shared>> -> memref<10000x16xf32, #tpu.memory_space<vmem_shared>>
      tpu.wait_indirect_dma semaphore(%arg17 : memref<!tpu.dma_semaphore, #tpu.memory_space<semaphore_mem>>) src(%dma_wait3A_534 : memref<128x16xf32, #tpu.memory_space<vmem>>) dst(%dma_wait3A_540 : memref<10000x16xf32, #tpu.memory_space<vmem_shared>>)
    }
    %while3A_226 = arith.constant 1 : i32
    scf.for %while3A_243 = %while3A_224 to %while3A_220 step %while3A_226  : i32 {
      %mul3A_244 = arith.constant 8 : i32
      %mul3A_245 = arith.muli %while3A_243, %mul3A_244 : i32
      %rem3A_246 = arith.constant 2 : i32
      %rem3A_247 = arith.remsi %while3A_243, %rem3A_246 : i32
      %dma_wait3A = arith.constant 0 : i32
      %dma_wait3A_248 = arith.constant 0 : i32
      %dma_wait3A_249 = arith.constant 0 : i32
      %dma_wait3A_250 = arith.constant 0 : i32
      %dma_wait3A_251 = tpu.memref_slice %arg10[%rem3A_247, %dma_wait3A_248, %dma_wait3A_249, %dma_wait3A_250] : memref<2x8x128x16xf32, #tpu.memory_space<vmem>> -> memref<1x1x128x16xf32, #tpu.memory_space<vmem>>
      %dma_wait3A_252 = tpu.memref_squeeze %dma_wait3A_251 : memref<1x1x128x16xf32, #tpu.memory_space<vmem>> -> memref<128x16xf32, #tpu.memory_space<vmem>>
      %dma_wait3A_253 = arith.constant 0 : i32
      %dma_wait3A_254 = tpu.memref_slice %arg8[%dma_wait3A, %dma_wait3A_253] : memref<79x128xi32, #tpu.memory_space<vmem>> -> memref<1x128xi32, #tpu.memory_space<vmem>>
      %dma_wait3A_255 = tpu.memref_squeeze %dma_wait3A_254 : memref<1x128xi32, #tpu.memory_space<vmem>> -> memref<128xi32, #tpu.memory_space<vmem>>
      %dma_wait3A_256 = arith.constant 0 : i32
      %dma_wait3A_257 = arith.constant 0 : i32
      %dma_wait3A_258 = tpu.memref_slice %arg7[%dma_wait3A_256, %dma_wait3A_257] : memref<10000x16xf32, #tpu.memory_space<vmem_shared>> -> memref<10000x16xf32, #tpu.memory_space<vmem_shared>>
      tpu.wait_indirect_dma semaphore(%arg16 : memref<!tpu.dma_semaphore, #tpu.memory_space<semaphore_mem>>) src(%dma_wait3A_258 : memref<10000x16xf32, #tpu.memory_space<vmem_shared>>) dst(%dma_wait3A_252 : memref<128x16xf32, #tpu.memory_space<vmem>>)
      %dma_wait3A_259 = arith.constant 0 : i32
      %dma_wait3A_260 = arith.constant 1 : i32
      %dma_wait3A_261 = arith.constant 0 : i32
      %dma_wait3A_262 = arith.constant 0 : i32
      %dma_wait3A_263 = tpu.memref_slice %arg10[%rem3A_247, %dma_wait3A_260, %dma_wait3A_261, %dma_wait3A_262] : memref<2x8x128x16xf32, #tpu.memory_space<vmem>> -> memref<1x1x128x16xf32, #tpu.memory_space<vmem>>
      %dma_wait3A_264 = tpu.memref_squeeze %dma_wait3A_263 : memref<1x1x128x16xf32, #tpu.memory_space<vmem>> -> memref<128x16xf32, #tpu.memory_space<vmem>>
      %dma_wait3A_265 = arith.constant 0 : i32
      %dma_wait3A_266 = tpu.memref_slice %arg8[%dma_wait3A_259, %dma_wait3A_265] : memref<79x128xi32, #tpu.memory_space<vmem>> -> memref<1x128xi32, #tpu.memory_space<vmem>>
      %dma_wait3A_267 = tpu.memref_squeeze %dma_wait3A_266 : memref<1x128xi32, #tpu.memory_space<vmem>> -> memref<128xi32, #tpu.memory_space<vmem>>
      %dma_wait3A_268 = arith.constant 0 : i32
      %dma_wait3A_269 = arith.constant 0 : i32
      %dma_wait3A_270 = tpu.memref_slice %arg7[%dma_wait3A_268, %dma_wait3A_269] : memref<10000x16xf32, #tpu.memory_space<vmem_shared>> -> memref<10000x16xf32, #tpu.memory_space<vmem_shared>>
      tpu.wait_indirect_dma semaphore(%arg16 : memref<!tpu.dma_semaphore, #tpu.memory_space<semaphore_mem>>) src(%dma_wait3A_270 : memref<10000x16xf32, #tpu.memory_space<vmem_shared>>) dst(%dma_wait3A_264 : memref<128x16xf32, #tpu.memory_space<vmem>>)
      %dma_wait3A_271 = arith.constant 0 : i32
      %dma_wait3A_272 = arith.constant 2 : i32
      %dma_wait3A_273 = arith.constant 0 : i32
      %dma_wait3A_274 = arith.constant 0 : i32
      %dma_wait3A_275 = tpu.memref_slice %arg10[%rem3A_247, %dma_wait3A_272, %dma_wait3A_273, %dma_wait3A_274] : memref<2x8x128x16xf32, #tpu.memory_space<vmem>> -> memref<1x1x128x16xf32, #tpu.memory_space<vmem>>
      %dma_wait3A_276 = tpu.memref_squeeze %dma_wait3A_275 : memref<1x1x128x16xf32, #tpu.memory_space<vmem>> -> memref<128x16xf32, #tpu.memory_space<vmem>>
      %dma_wait3A_277 = arith.constant 0 : i32
      %dma_wait3A_278 = tpu.memref_slice %arg8[%dma_wait3A_271, %dma_wait3A_277] : memref<79x128xi32, #tpu.memory_space<vmem>> -> memref<1x128xi32, #tpu.memory_space<vmem>>
      %dma_wait3A_279 = tpu.memref_squeeze %dma_wait3A_278 : memref<1x128xi32, #tpu.memory_space<vmem>> -> memref<128xi32, #tpu.memory_space<vmem>>
      %dma_wait3A_280 = arith.constant 0 : i32
      %dma_wait3A_281 = arith.constant 0 : i32
      %dma_wait3A_282 = tpu.memref_slice %arg7[%dma_wait3A_280, %dma_wait3A_281] : memref<10000x16xf32, #tpu.memory_space<vmem_shared>> -> memref<10000x16xf32, #tpu.memory_space<vmem_shared>>
      tpu.wait_indirect_dma semaphore(%arg16 : memref<!tpu.dma_semaphore, #tpu.memory_space<semaphore_mem>>) src(%dma_wait3A_282 : memref<10000x16xf32, #tpu.memory_space<vmem_shared>>) dst(%dma_wait3A_276 : memref<128x16xf32, #tpu.memory_space<vmem>>)
      %dma_wait3A_283 = arith.constant 0 : i32
      %dma_wait3A_284 = arith.constant 3 : i32
      %dma_wait3A_285 = arith.constant 0 : i32
      %dma_wait3A_286 = arith.constant 0 : i32
      %dma_wait3A_287 = tpu.memref_slice %arg10[%rem3A_247, %dma_wait3A_284, %dma_wait3A_285, %dma_wait3A_286] : memref<2x8x128x16xf32, #tpu.memory_space<vmem>> -> memref<1x1x128x16xf32, #tpu.memory_space<vmem>>
      %dma_wait3A_288 = tpu.memref_squeeze %dma_wait3A_287 : memref<1x1x128x16xf32, #tpu.memory_space<vmem>> -> memref<128x16xf32, #tpu.memory_space<vmem>>
      %dma_wait3A_289 = arith.constant 0 : i32
      %dma_wait3A_290 = tpu.memref_slice %arg8[%dma_wait3A_283, %dma_wait3A_289] : memref<79x128xi32, #tpu.memory_space<vmem>> -> memref<1x128xi32, #tpu.memory_space<vmem>>
      %dma_wait3A_291 = tpu.memref_squeeze %dma_wait3A_290 : memref<1x128xi32, #tpu.memory_space<vmem>> -> memref<128xi32, #tpu.memory_space<vmem>>
      %dma_wait3A_292 = arith.constant 0 : i32
      %dma_wait3A_293 = arith.constant 0 : i32
      %dma_wait3A_294 = tpu.memref_slice %arg7[%dma_wait3A_292, %dma_wait3A_293] : memref<10000x16xf32, #tpu.memory_space<vmem_shared>> -> memref<10000x16xf32, #tpu.memory_space<vmem_shared>>
      tpu.wait_indirect_dma semaphore(%arg16 : memref<!tpu.dma_semaphore, #tpu.memory_space<semaphore_mem>>) src(%dma_wait3A_294 : memref<10000x16xf32, #tpu.memory_space<vmem_shared>>) dst(%dma_wait3A_288 : memref<128x16xf32, #tpu.memory_space<vmem>>)
      %dma_wait3A_295 = arith.constant 0 : i32
      %dma_wait3A_296 = arith.constant 4 : i32
      %dma_wait3A_297 = arith.constant 0 : i32
      %dma_wait3A_298 = arith.constant 0 : i32
      %dma_wait3A_299 = tpu.memref_slice %arg10[%rem3A_247, %dma_wait3A_296, %dma_wait3A_297, %dma_wait3A_298] : memref<2x8x128x16xf32, #tpu.memory_space<vmem>> -> memref<1x1x128x16xf32, #tpu.memory_space<vmem>>
      %dma_wait3A_300 = tpu.memref_squeeze %dma_wait3A_299 : memref<1x1x128x16xf32, #tpu.memory_space<vmem>> -> memref<128x16xf32, #tpu.memory_space<vmem>>
      %dma_wait3A_301 = arith.constant 0 : i32
      %dma_wait3A_302 = tpu.memref_slice %arg8[%dma_wait3A_295, %dma_wait3A_301] : memref<79x128xi32, #tpu.memory_space<vmem>> -> memref<1x128xi32, #tpu.memory_space<vmem>>
      %dma_wait3A_303 = tpu.memref_squeeze %dma_wait3A_302 : memref<1x128xi32, #tpu.memory_space<vmem>> -> memref<128xi32, #tpu.memory_space<vmem>>
      %dma_wait3A_304 = arith.constant 0 : i32
      %dma_wait3A_305 = arith.constant 0 : i32
      %dma_wait3A_306 = tpu.memref_slice %arg7[%dma_wait3A_304, %dma_wait3A_305] : memref<10000x16xf32, #tpu.memory_space<vmem_shared>> -> memref<10000x16xf32, #tpu.memory_space<vmem_shared>>
      tpu.wait_indirect_dma semaphore(%arg16 : memref<!tpu.dma_semaphore, #tpu.memory_space<semaphore_mem>>) src(%dma_wait3A_306 : memref<10000x16xf32, #tpu.memory_space<vmem_shared>>) dst(%dma_wait3A_300 : memref<128x16xf32, #tpu.memory_space<vmem>>)
      %dma_wait3A_307 = arith.constant 0 : i32
      %dma_wait3A_308 = arith.constant 5 : i32
      %dma_wait3A_309 = arith.constant 0 : i32
      %dma_wait3A_310 = arith.constant 0 : i32
      %dma_wait3A_311 = tpu.memref_slice %arg10[%rem3A_247, %dma_wait3A_308, %dma_wait3A_309, %dma_wait3A_310] : memref<2x8x128x16xf32, #tpu.memory_space<vmem>> -> memref<1x1x128x16xf32, #tpu.memory_space<vmem>>
      %dma_wait3A_312 = tpu.memref_squeeze %dma_wait3A_311 : memref<1x1x128x16xf32, #tpu.memory_space<vmem>> -> memref<128x16xf32, #tpu.memory_space<vmem>>
      %dma_wait3A_313 = arith.constant 0 : i32
      %dma_wait3A_314 = tpu.memref_slice %arg8[%dma_wait3A_307, %dma_wait3A_313] : memref<79x128xi32, #tpu.memory_space<vmem>> -> memref<1x128xi32, #tpu.memory_space<vmem>>
      %dma_wait3A_315 = tpu.memref_squeeze %dma_wait3A_314 : memref<1x128xi32, #tpu.memory_space<vmem>> -> memref<128xi32, #tpu.memory_space<vmem>>
      %dma_wait3A_316 = arith.constant 0 : i32
      %dma_wait3A_317 = arith.constant 0 : i32
      %dma_wait3A_318 = tpu.memref_slice %arg7[%dma_wait3A_316, %dma_wait3A_317] : memref<10000x16xf32, #tpu.memory_space<vmem_shared>> -> memref<10000x16xf32, #tpu.memory_space<vmem_shared>>
      tpu.wait_indirect_dma semaphore(%arg16 : memref<!tpu.dma_semaphore, #tpu.memory_space<semaphore_mem>>) src(%dma_wait3A_318 : memref<10000x16xf32, #tpu.memory_space<vmem_shared>>) dst(%dma_wait3A_312 : memref<128x16xf32, #tpu.memory_space<vmem>>)
      %dma_wait3A_319 = arith.constant 0 : i32
      %dma_wait3A_320 = arith.constant 6 : i32
      %dma_wait3A_321 = arith.constant 0 : i32
      %dma_wait3A_322 = arith.constant 0 : i32
      %dma_wait3A_323 = tpu.memref_slice %arg10[%rem3A_247, %dma_wait3A_320, %dma_wait3A_321, %dma_wait3A_322] : memref<2x8x128x16xf32, #tpu.memory_space<vmem>> -> memref<1x1x128x16xf32, #tpu.memory_space<vmem>>
      %dma_wait3A_324 = tpu.memref_squeeze %dma_wait3A_323 : memref<1x1x128x16xf32, #tpu.memory_space<vmem>> -> memref<128x16xf32, #tpu.memory_space<vmem>>
      %dma_wait3A_325 = arith.constant 0 : i32
      %dma_wait3A_326 = tpu.memref_slice %arg8[%dma_wait3A_319, %dma_wait3A_325] : memref<79x128xi32, #tpu.memory_space<vmem>> -> memref<1x128xi32, #tpu.memory_space<vmem>>
      %dma_wait3A_327 = tpu.memref_squeeze %dma_wait3A_326 : memref<1x128xi32, #tpu.memory_space<vmem>> -> memref<128xi32, #tpu.memory_space<vmem>>
      %dma_wait3A_328 = arith.constant 0 : i32
      %dma_wait3A_329 = arith.constant 0 : i32
      %dma_wait3A_330 = tpu.memref_slice %arg7[%dma_wait3A_328, %dma_wait3A_329] : memref<10000x16xf32, #tpu.memory_space<vmem_shared>> -> memref<10000x16xf32, #tpu.memory_space<vmem_shared>>
      tpu.wait_indirect_dma semaphore(%arg16 : memref<!tpu.dma_semaphore, #tpu.memory_space<semaphore_mem>>) src(%dma_wait3A_330 : memref<10000x16xf32, #tpu.memory_space<vmem_shared>>) dst(%dma_wait3A_324 : memref<128x16xf32, #tpu.memory_space<vmem>>)
      %dma_wait3A_331 = arith.constant 0 : i32
      %dma_wait3A_332 = arith.constant 7 : i32
      %dma_wait3A_333 = arith.constant 0 : i32
      %dma_wait3A_334 = arith.constant 0 : i32
      %dma_wait3A_335 = tpu.memref_slice %arg10[%rem3A_247, %dma_wait3A_332, %dma_wait3A_333, %dma_wait3A_334] : memref<2x8x128x16xf32, #tpu.memory_space<vmem>> -> memref<1x1x128x16xf32, #tpu.memory_space<vmem>>
      %dma_wait3A_336 = tpu.memref_squeeze %dma_wait3A_335 : memref<1x1x128x16xf32, #tpu.memory_space<vmem>> -> memref<128x16xf32, #tpu.memory_space<vmem>>
      %dma_wait3A_337 = arith.constant 0 : i32
      %dma_wait3A_338 = tpu.memref_slice %arg8[%dma_wait3A_331, %dma_wait3A_337] : memref<79x128xi32, #tpu.memory_space<vmem>> -> memref<1x128xi32, #tpu.memory_space<vmem>>
      %dma_wait3A_339 = tpu.memref_squeeze %dma_wait3A_338 : memref<1x128xi32, #tpu.memory_space<vmem>> -> memref<128xi32, #tpu.memory_space<vmem>>
      %dma_wait3A_340 = arith.constant 0 : i32
      %dma_wait3A_341 = arith.constant 0 : i32
      %dma_wait3A_342 = tpu.memref_slice %arg7[%dma_wait3A_340, %dma_wait3A_341] : memref<10000x16xf32, #tpu.memory_space<vmem_shared>> -> memref<10000x16xf32, #tpu.memory_space<vmem_shared>>
      tpu.wait_indirect_dma semaphore(%arg16 : memref<!tpu.dma_semaphore, #tpu.memory_space<semaphore_mem>>) src(%dma_wait3A_342 : memref<10000x16xf32, #tpu.memory_space<vmem_shared>>) dst(%dma_wait3A_336 : memref<128x16xf32, #tpu.memory_space<vmem>>)
      %add3A_343 = arith.constant 0 : i32
      %add3A_344 = arith.addi %mul3A_245, %add3A_343 : i32
      %dma_start3A_345 = arith.constant 0 : i32
      %dma_start3A_346 = arith.constant 0 : i32
      %dma_start3A_347 = arith.constant 0 : i32
      %dma_start3A_348 = tpu.memref_slice %arg10[%rem3A_247, %dma_start3A_345, %dma_start3A_346, %dma_start3A_347] : memref<2x8x128x16xf32, #tpu.memory_space<vmem>> -> memref<1x1x128x16xf32, #tpu.memory_space<vmem>>
      %dma_start3A_349 = tpu.memref_squeeze %dma_start3A_348 : memref<1x1x128x16xf32, #tpu.memory_space<vmem>> -> memref<128x16xf32, #tpu.memory_space<vmem>>
      %dma_start3A_350 = arith.constant 0 : i32
      %dma_start3A_351 = tpu.memref_slice %arg9[%add3A_344, %dma_start3A_350] : memref<79x128xi32, #tpu.memory_space<vmem>> -> memref<1x128xi32, #tpu.memory_space<vmem>>
      %dma_start3A_352 = tpu.memref_squeeze %dma_start3A_351 : memref<1x128xi32, #tpu.memory_space<vmem>> -> memref<128xi32, #tpu.memory_space<vmem>>
      %dma_start3A_353 = arith.constant 0 : i32
      %dma_start3A_354 = arith.constant 0 : i32
      %dma_start3A_355 = tpu.memref_slice %arg6[%dma_start3A_353, %dma_start3A_354] : memref<10000x16xf32, #tpu.memory_space<vmem_shared>> -> memref<10000x16xf32, #tpu.memory_space<vmem_shared>>
      tpu.enqueue_indirect_dma source(%dma_start3A_349 : memref<128x16xf32, #tpu.memory_space<vmem>>) target(%dma_start3A_355 : memref<10000x16xf32, #tpu.memory_space<vmem_shared>>) offsets(%dma_start3A_352 : memref<128xi32, #tpu.memory_space<vmem>>) semaphore(%arg17 : memref<!tpu.dma_semaphore, #tpu.memory_space<semaphore_mem>>) {add = true}
      %add3A_356 = arith.constant 1 : i32
      %add3A_357 = arith.addi %mul3A_245, %add3A_356 : i32
      %dma_start3A_358 = arith.constant 1 : i32
      %dma_start3A_359 = arith.constant 0 : i32
      %dma_start3A_360 = arith.constant 0 : i32
      %dma_start3A_361 = tpu.memref_slice %arg10[%rem3A_247, %dma_start3A_358, %dma_start3A_359, %dma_start3A_360] : memref<2x8x128x16xf32, #tpu.memory_space<vmem>> -> memref<1x1x128x16xf32, #tpu.memory_space<vmem>>
      %dma_start3A_362 = tpu.memref_squeeze %dma_start3A_361 : memref<1x1x128x16xf32, #tpu.memory_space<vmem>> -> memref<128x16xf32, #tpu.memory_space<vmem>>
      %dma_start3A_363 = arith.constant 0 : i32
      %dma_start3A_364 = tpu.memref_slice %arg9[%add3A_357, %dma_start3A_363] : memref<79x128xi32, #tpu.memory_space<vmem>> -> memref<1x128xi32, #tpu.memory_space<vmem>>
      %dma_start3A_365 = tpu.memref_squeeze %dma_start3A_364 : memref<1x128xi32, #tpu.memory_space<vmem>> -> memref<128xi32, #tpu.memory_space<vmem>>
      %dma_start3A_366 = arith.constant 0 : i32
      %dma_start3A_367 = arith.constant 0 : i32
      %dma_start3A_368 = tpu.memref_slice %arg6[%dma_start3A_366, %dma_start3A_367] : memref<10000x16xf32, #tpu.memory_space<vmem_shared>> -> memref<10000x16xf32, #tpu.memory_space<vmem_shared>>
      tpu.enqueue_indirect_dma source(%dma_start3A_362 : memref<128x16xf32, #tpu.memory_space<vmem>>) target(%dma_start3A_368 : memref<10000x16xf32, #tpu.memory_space<vmem_shared>>) offsets(%dma_start3A_365 : memref<128xi32, #tpu.memory_space<vmem>>) semaphore(%arg17 : memref<!tpu.dma_semaphore, #tpu.memory_space<semaphore_mem>>) {add = true}
      %add3A_369 = arith.constant 2 : i32
      %add3A_370 = arith.addi %mul3A_245, %add3A_369 : i32
      %dma_start3A_371 = arith.constant 2 : i32
      %dma_start3A_372 = arith.constant 0 : i32
      %dma_start3A_373 = arith.constant 0 : i32
      %dma_start3A_374 = tpu.memref_slice %arg10[%rem3A_247, %dma_start3A_371, %dma_start3A_372, %dma_start3A_373] : memref<2x8x128x16xf32, #tpu.memory_space<vmem>> -> memref<1x1x128x16xf32, #tpu.memory_space<vmem>>
      %dma_start3A_375 = tpu.memref_squeeze %dma_start3A_374 : memref<1x1x128x16xf32, #tpu.memory_space<vmem>> -> memref<128x16xf32, #tpu.memory_space<vmem>>
      %dma_start3A_376 = arith.constant 0 : i32
      %dma_start3A_377 = tpu.memref_slice %arg9[%add3A_370, %dma_start3A_376] : memref<79x128xi32, #tpu.memory_space<vmem>> -> memref<1x128xi32, #tpu.memory_space<vmem>>
      %dma_start3A_378 = tpu.memref_squeeze %dma_start3A_377 : memref<1x128xi32, #tpu.memory_space<vmem>> -> memref<128xi32, #tpu.memory_space<vmem>>
      %dma_start3A_379 = arith.constant 0 : i32
      %dma_start3A_380 = arith.constant 0 : i32
      %dma_start3A_381 = tpu.memref_slice %arg6[%dma_start3A_379, %dma_start3A_380] : memref<10000x16xf32, #tpu.memory_space<vmem_shared>> -> memref<10000x16xf32, #tpu.memory_space<vmem_shared>>
      tpu.enqueue_indirect_dma source(%dma_start3A_375 : memref<128x16xf32, #tpu.memory_space<vmem>>) target(%dma_start3A_381 : memref<10000x16xf32, #tpu.memory_space<vmem_shared>>) offsets(%dma_start3A_378 : memref<128xi32, #tpu.memory_space<vmem>>) semaphore(%arg17 : memref<!tpu.dma_semaphore, #tpu.memory_space<semaphore_mem>>) {add = true}
      %add3A_382 = arith.constant 3 : i32
      %add3A_383 = arith.addi %mul3A_245, %add3A_382 : i32
      %dma_start3A_384 = arith.constant 3 : i32
      %dma_start3A_385 = arith.constant 0 : i32
      %dma_start3A_386 = arith.constant 0 : i32
      %dma_start3A_387 = tpu.memref_slice %arg10[%rem3A_247, %dma_start3A_384, %dma_start3A_385, %dma_start3A_386] : memref<2x8x128x16xf32, #tpu.memory_space<vmem>> -> memref<1x1x128x16xf32, #tpu.memory_space<vmem>>
      %dma_start3A_388 = tpu.memref_squeeze %dma_start3A_387 : memref<1x1x128x16xf32, #tpu.memory_space<vmem>> -> memref<128x16xf32, #tpu.memory_space<vmem>>
      %dma_start3A_389 = arith.constant 0 : i32
      %dma_start3A_390 = tpu.memref_slice %arg9[%add3A_383, %dma_start3A_389] : memref<79x128xi32, #tpu.memory_space<vmem>> -> memref<1x128xi32, #tpu.memory_space<vmem>>
      %dma_start3A_391 = tpu.memref_squeeze %dma_start3A_390 : memref<1x128xi32, #tpu.memory_space<vmem>> -> memref<128xi32, #tpu.memory_space<vmem>>
      %dma_start3A_392 = arith.constant 0 : i32
      %dma_start3A_393 = arith.constant 0 : i32
      %dma_start3A_394 = tpu.memref_slice %arg6[%dma_start3A_392, %dma_start3A_393] : memref<10000x16xf32, #tpu.memory_space<vmem_shared>> -> memref<10000x16xf32, #tpu.memory_space<vmem_shared>>
      tpu.enqueue_indirect_dma source(%dma_start3A_388 : memref<128x16xf32, #tpu.memory_space<vmem>>) target(%dma_start3A_394 : memref<10000x16xf32, #tpu.memory_space<vmem_shared>>) offsets(%dma_start3A_391 : memref<128xi32, #tpu.memory_space<vmem>>) semaphore(%arg17 : memref<!tpu.dma_semaphore, #tpu.memory_space<semaphore_mem>>) {add = true}
      %add3A_395 = arith.constant 4 : i32
      %add3A_396 = arith.addi %mul3A_245, %add3A_395 : i32
      %dma_start3A_397 = arith.constant 4 : i32
      %dma_start3A_398 = arith.constant 0 : i32
      %dma_start3A_399 = arith.constant 0 : i32
      %dma_start3A_400 = tpu.memref_slice %arg10[%rem3A_247, %dma_start3A_397, %dma_start3A_398, %dma_start3A_399] : memref<2x8x128x16xf32, #tpu.memory_space<vmem>> -> memref<1x1x128x16xf32, #tpu.memory_space<vmem>>
      %dma_start3A_401 = tpu.memref_squeeze %dma_start3A_400 : memref<1x1x128x16xf32, #tpu.memory_space<vmem>> -> memref<128x16xf32, #tpu.memory_space<vmem>>
      %dma_start3A_402 = arith.constant 0 : i32
      %dma_start3A_403 = tpu.memref_slice %arg9[%add3A_396, %dma_start3A_402] : memref<79x128xi32, #tpu.memory_space<vmem>> -> memref<1x128xi32, #tpu.memory_space<vmem>>
      %dma_start3A_404 = tpu.memref_squeeze %dma_start3A_403 : memref<1x128xi32, #tpu.memory_space<vmem>> -> memref<128xi32, #tpu.memory_space<vmem>>
      %dma_start3A_405 = arith.constant 0 : i32
      %dma_start3A_406 = arith.constant 0 : i32
      %dma_start3A_407 = tpu.memref_slice %arg6[%dma_start3A_405, %dma_start3A_406] : memref<10000x16xf32, #tpu.memory_space<vmem_shared>> -> memref<10000x16xf32, #tpu.memory_space<vmem_shared>>
      tpu.enqueue_indirect_dma source(%dma_start3A_401 : memref<128x16xf32, #tpu.memory_space<vmem>>) target(%dma_start3A_407 : memref<10000x16xf32, #tpu.memory_space<vmem_shared>>) offsets(%dma_start3A_404 : memref<128xi32, #tpu.memory_space<vmem>>) semaphore(%arg17 : memref<!tpu.dma_semaphore, #tpu.memory_space<semaphore_mem>>) {add = true}
      %add3A_408 = arith.constant 5 : i32
      %add3A_409 = arith.addi %mul3A_245, %add3A_408 : i32
      %dma_start3A_410 = arith.constant 5 : i32
      %dma_start3A_411 = arith.constant 0 : i32
      %dma_start3A_412 = arith.constant 0 : i32
      %dma_start3A_413 = tpu.memref_slice %arg10[%rem3A_247, %dma_start3A_410, %dma_start3A_411, %dma_start3A_412] : memref<2x8x128x16xf32, #tpu.memory_space<vmem>> -> memref<1x1x128x16xf32, #tpu.memory_space<vmem>>
      %dma_start3A_414 = tpu.memref_squeeze %dma_start3A_413 : memref<1x1x128x16xf32, #tpu.memory_space<vmem>> -> memref<128x16xf32, #tpu.memory_space<vmem>>
      %dma_start3A_415 = arith.constant 0 : i32
      %dma_start3A_416 = tpu.memref_slice %arg9[%add3A_409, %dma_start3A_415] : memref<79x128xi32, #tpu.memory_space<vmem>> -> memref<1x128xi32, #tpu.memory_space<vmem>>
      %dma_start3A_417 = tpu.memref_squeeze %dma_start3A_416 : memref<1x128xi32, #tpu.memory_space<vmem>> -> memref<128xi32, #tpu.memory_space<vmem>>
      %dma_start3A_418 = arith.constant 0 : i32
      %dma_start3A_419 = arith.constant 0 : i32
      %dma_start3A_420 = tpu.memref_slice %arg6[%dma_start3A_418, %dma_start3A_419] : memref<10000x16xf32, #tpu.memory_space<vmem_shared>> -> memref<10000x16xf32, #tpu.memory_space<vmem_shared>>
      tpu.enqueue_indirect_dma source(%dma_start3A_414 : memref<128x16xf32, #tpu.memory_space<vmem>>) target(%dma_start3A_420 : memref<10000x16xf32, #tpu.memory_space<vmem_shared>>) offsets(%dma_start3A_417 : memref<128xi32, #tpu.memory_space<vmem>>) semaphore(%arg17 : memref<!tpu.dma_semaphore, #tpu.memory_space<semaphore_mem>>) {add = true}
      %add3A_421 = arith.constant 6 : i32
      %add3A_422 = arith.addi %mul3A_245, %add3A_421 : i32
      %dma_start3A_423 = arith.constant 6 : i32
      %dma_start3A_424 = arith.constant 0 : i32
      %dma_start3A_425 = arith.constant 0 : i32
      %dma_start3A_426 = tpu.memref_slice %arg10[%rem3A_247, %dma_start3A_423, %dma_start3A_424, %dma_start3A_425] : memref<2x8x128x16xf32, #tpu.memory_space<vmem>> -> memref<1x1x128x16xf32, #tpu.memory_space<vmem>>
      %dma_start3A_427 = tpu.memref_squeeze %dma_start3A_426 : memref<1x1x128x16xf32, #tpu.memory_space<vmem>> -> memref<128x16xf32, #tpu.memory_space<vmem>>
      %dma_start3A_428 = arith.constant 0 : i32
      %dma_start3A_429 = tpu.memref_slice %arg9[%add3A_422, %dma_start3A_428] : memref<79x128xi32, #tpu.memory_space<vmem>> -> memref<1x128xi32, #tpu.memory_space<vmem>>
      %dma_start3A_430 = tpu.memref_squeeze %dma_start3A_429 : memref<1x128xi32, #tpu.memory_space<vmem>> -> memref<128xi32, #tpu.memory_space<vmem>>
      %dma_start3A_431 = arith.constant 0 : i32
      %dma_start3A_432 = arith.constant 0 : i32
      %dma_start3A_433 = tpu.memref_slice %arg6[%dma_start3A_431, %dma_start3A_432] : memref<10000x16xf32, #tpu.memory_space<vmem_shared>> -> memref<10000x16xf32, #tpu.memory_space<vmem_shared>>
      tpu.enqueue_indirect_dma source(%dma_start3A_427 : memref<128x16xf32, #tpu.memory_space<vmem>>) target(%dma_start3A_433 : memref<10000x16xf32, #tpu.memory_space<vmem_shared>>) offsets(%dma_start3A_430 : memref<128xi32, #tpu.memory_space<vmem>>) semaphore(%arg17 : memref<!tpu.dma_semaphore, #tpu.memory_space<semaphore_mem>>) {add = true}
      %add3A_434 = arith.constant 7 : i32
      %add3A_435 = arith.addi %mul3A_245, %add3A_434 : i32
      %dma_start3A_436 = arith.constant 7 : i32
      %dma_start3A_437 = arith.constant 0 : i32
      %dma_start3A_438 = arith.constant 0 : i32
      %dma_start3A_439 = tpu.memref_slice %arg10[%rem3A_247, %dma_start3A_436, %dma_start3A_437, %dma_start3A_438] : memref<2x8x128x16xf32, #tpu.memory_space<vmem>> -> memref<1x1x128x16xf32, #tpu.memory_space<vmem>>
      %dma_start3A_440 = tpu.memref_squeeze %dma_start3A_439 : memref<1x1x128x16xf32, #tpu.memory_space<vmem>> -> memref<128x16xf32, #tpu.memory_space<vmem>>
      %dma_start3A_441 = arith.constant 0 : i32
      %dma_start3A_442 = tpu.memref_slice %arg9[%add3A_435, %dma_start3A_441] : memref<79x128xi32, #tpu.memory_space<vmem>> -> memref<1x128xi32, #tpu.memory_space<vmem>>
      %dma_start3A_443 = tpu.memref_squeeze %dma_start3A_442 : memref<1x128xi32, #tpu.memory_space<vmem>> -> memref<128xi32, #tpu.memory_space<vmem>>
      %dma_start3A_444 = arith.constant 0 : i32
      %dma_start3A_445 = arith.constant 0 : i32
      %dma_start3A_446 = tpu.memref_slice %arg6[%dma_start3A_444, %dma_start3A_445] : memref<10000x16xf32, #tpu.memory_space<vmem_shared>> -> memref<10000x16xf32, #tpu.memory_space<vmem_shared>>
      tpu.enqueue_indirect_dma source(%dma_start3A_440 : memref<128x16xf32, #tpu.memory_space<vmem>>) target(%dma_start3A_446 : memref<10000x16xf32, #tpu.memory_space<vmem_shared>>) offsets(%dma_start3A_443 : memref<128xi32, #tpu.memory_space<vmem>>) semaphore(%arg17 : memref<!tpu.dma_semaphore, #tpu.memory_space<semaphore_mem>>) {add = true}
      %add3A_447 = arith.constant 1 : i32
      %add3A_448 = arith.addi %while3A_243, %add3A_447 : i32
      %lt3A_449 = arith.cmpi slt, %add3A_448, %select_n3A_114 : i32
      %convert_element_type3A_450 = arith.extui %lt3A_449 : i1 to i32
      %cond3A_451 = arith.constant 0 : i32
      %cond3A_452 = arith.cmpi ne, %convert_element_type3A_450, %cond3A_451 : i32
      scf.if %cond3A_452 {
        %add3A_541 = arith.constant 8 : i32
        %add3A_542 = arith.addi %mul3A_245, %add3A_541 : i32
        %add3A_543 = arith.constant 0 : i32
        %add3A_544 = arith.addi %add3A_542, %add3A_543 : i32
        %sub3A_545 = arith.constant 1 : i32
        %sub3A_546 = arith.subi %sub3A_545, %rem3A_247 : i32
        %dma_start3A_547 = arith.constant 0 : i32
        %dma_start3A_548 = arith.constant 0 : i32
        %dma_start3A_549 = arith.constant 0 : i32
        %dma_start3A_550 = tpu.memref_slice %arg10[%sub3A_546, %dma_start3A_547, %dma_start3A_548, %dma_start3A_549] : memref<2x8x128x16xf32, #tpu.memory_space<vmem>> -> memref<1x1x128x16xf32, #tpu.memory_space<vmem>>
        %dma_start3A_551 = tpu.memref_squeeze %dma_start3A_550 : memref<1x1x128x16xf32, #tpu.memory_space<vmem>> -> memref<128x16xf32, #tpu.memory_space<vmem>>
        %dma_start3A_552 = arith.constant 0 : i32
        %dma_start3A_553 = tpu.memref_slice %arg8[%add3A_544, %dma_start3A_552] : memref<79x128xi32, #tpu.memory_space<vmem>> -> memref<1x128xi32, #tpu.memory_space<vmem>>
        %dma_start3A_554 = tpu.memref_squeeze %dma_start3A_553 : memref<1x128xi32, #tpu.memory_space<vmem>> -> memref<128xi32, #tpu.memory_space<vmem>>
        %dma_start3A_555 = arith.constant 0 : i32
        %dma_start3A_556 = arith.constant 0 : i32
        %dma_start3A_557 = tpu.memref_slice %arg7[%dma_start3A_555, %dma_start3A_556] : memref<10000x16xf32, #tpu.memory_space<vmem_shared>> -> memref<10000x16xf32, #tpu.memory_space<vmem_shared>>
        tpu.enqueue_indirect_dma source(%dma_start3A_557 : memref<10000x16xf32, #tpu.memory_space<vmem_shared>>) target(%dma_start3A_551 : memref<128x16xf32, #tpu.memory_space<vmem>>) offsets(%dma_start3A_554 : memref<128xi32, #tpu.memory_space<vmem>>) semaphore(%arg16 : memref<!tpu.dma_semaphore, #tpu.memory_space<semaphore_mem>>)
        %add3A_558 = arith.constant 8 : i32
        %add3A_559 = arith.addi %mul3A_245, %add3A_558 : i32
        %add3A_560 = arith.constant 1 : i32
        %add3A_561 = arith.addi %add3A_559, %add3A_560 : i32
        %sub3A_562 = arith.constant 1 : i32
        %sub3A_563 = arith.subi %sub3A_562, %rem3A_247 : i32
        %dma_start3A_564 = arith.constant 1 : i32
        %dma_start3A_565 = arith.constant 0 : i32
        %dma_start3A_566 = arith.constant 0 : i32
        %dma_start3A_567 = tpu.memref_slice %arg10[%sub3A_563, %dma_start3A_564, %dma_start3A_565, %dma_start3A_566] : memref<2x8x128x16xf32, #tpu.memory_space<vmem>> -> memref<1x1x128x16xf32, #tpu.memory_space<vmem>>
        %dma_start3A_568 = tpu.memref_squeeze %dma_start3A_567 : memref<1x1x128x16xf32, #tpu.memory_space<vmem>> -> memref<128x16xf32, #tpu.memory_space<vmem>>
        %dma_start3A_569 = arith.constant 0 : i32
        %dma_start3A_570 = tpu.memref_slice %arg8[%add3A_561, %dma_start3A_569] : memref<79x128xi32, #tpu.memory_space<vmem>> -> memref<1x128xi32, #tpu.memory_space<vmem>>
        %dma_start3A_571 = tpu.memref_squeeze %dma_start3A_570 : memref<1x128xi32, #tpu.memory_space<vmem>> -> memref<128xi32, #tpu.memory_space<vmem>>
        %dma_start3A_572 = arith.constant 0 : i32
        %dma_start3A_573 = arith.constant 0 : i32
        %dma_start3A_574 = tpu.memref_slice %arg7[%dma_start3A_572, %dma_start3A_573] : memref<10000x16xf32, #tpu.memory_space<vmem_shared>> -> memref<10000x16xf32, #tpu.memory_space<vmem_shared>>
        tpu.enqueue_indirect_dma source(%dma_start3A_574 : memref<10000x16xf32, #tpu.memory_space<vmem_shared>>) target(%dma_start3A_568 : memref<128x16xf32, #tpu.memory_space<vmem>>) offsets(%dma_start3A_571 : memref<128xi32, #tpu.memory_space<vmem>>) semaphore(%arg16 : memref<!tpu.dma_semaphore, #tpu.memory_space<semaphore_mem>>)
        %add3A_575 = arith.constant 8 : i32
        %add3A_576 = arith.addi %mul3A_245, %add3A_575 : i32
        %add3A_577 = arith.constant 2 : i32
        %add3A_578 = arith.addi %add3A_576, %add3A_577 : i32
        %sub3A_579 = arith.constant 1 : i32
        %sub3A_580 = arith.subi %sub3A_579, %rem3A_247 : i32
        %dma_start3A_581 = arith.constant 2 : i32
        %dma_start3A_582 = arith.constant 0 : i32
        %dma_start3A_583 = arith.constant 0 : i32
        %dma_start3A_584 = tpu.memref_slice %arg10[%sub3A_580, %dma_start3A_581, %dma_start3A_582, %dma_start3A_583] : memref<2x8x128x16xf32, #tpu.memory_space<vmem>> -> memref<1x1x128x16xf32, #tpu.memory_space<vmem>>
        %dma_start3A_585 = tpu.memref_squeeze %dma_start3A_584 : memref<1x1x128x16xf32, #tpu.memory_space<vmem>> -> memref<128x16xf32, #tpu.memory_space<vmem>>
        %dma_start3A_586 = arith.constant 0 : i32
        %dma_start3A_587 = tpu.memref_slice %arg8[%add3A_578, %dma_start3A_586] : memref<79x128xi32, #tpu.memory_space<vmem>> -> memref<1x128xi32, #tpu.memory_space<vmem>>
        %dma_start3A_588 = tpu.memref_squeeze %dma_start3A_587 : memref<1x128xi32, #tpu.memory_space<vmem>> -> memref<128xi32, #tpu.memory_space<vmem>>
        %dma_start3A_589 = arith.constant 0 : i32
        %dma_start3A_590 = arith.constant 0 : i32
        %dma_start3A_591 = tpu.memref_slice %arg7[%dma_start3A_589, %dma_start3A_590] : memref<10000x16xf32, #tpu.memory_space<vmem_shared>> -> memref<10000x16xf32, #tpu.memory_space<vmem_shared>>
        tpu.enqueue_indirect_dma source(%dma_start3A_591 : memref<10000x16xf32, #tpu.memory_space<vmem_shared>>) target(%dma_start3A_585 : memref<128x16xf32, #tpu.memory_space<vmem>>) offsets(%dma_start3A_588 : memref<128xi32, #tpu.memory_space<vmem>>) semaphore(%arg16 : memref<!tpu.dma_semaphore, #tpu.memory_space<semaphore_mem>>)
        %add3A_592 = arith.constant 8 : i32
        %add3A_593 = arith.addi %mul3A_245, %add3A_592 : i32
        %add3A_594 = arith.constant 3 : i32
        %add3A_595 = arith.addi %add3A_593, %add3A_594 : i32
        %sub3A_596 = arith.constant 1 : i32
        %sub3A_597 = arith.subi %sub3A_596, %rem3A_247 : i32
        %dma_start3A_598 = arith.constant 3 : i32
        %dma_start3A_599 = arith.constant 0 : i32
        %dma_start3A_600 = arith.constant 0 : i32
        %dma_start3A_601 = tpu.memref_slice %arg10[%sub3A_597, %dma_start3A_598, %dma_start3A_599, %dma_start3A_600] : memref<2x8x128x16xf32, #tpu.memory_space<vmem>> -> memref<1x1x128x16xf32, #tpu.memory_space<vmem>>
        %dma_start3A_602 = tpu.memref_squeeze %dma_start3A_601 : memref<1x1x128x16xf32, #tpu.memory_space<vmem>> -> memref<128x16xf32, #tpu.memory_space<vmem>>
        %dma_start3A_603 = arith.constant 0 : i32
        %dma_start3A_604 = tpu.memref_slice %arg8[%add3A_595, %dma_start3A_603] : memref<79x128xi32, #tpu.memory_space<vmem>> -> memref<1x128xi32, #tpu.memory_space<vmem>>
        %dma_start3A_605 = tpu.memref_squeeze %dma_start3A_604 : memref<1x128xi32, #tpu.memory_space<vmem>> -> memref<128xi32, #tpu.memory_space<vmem>>
        %dma_start3A_606 = arith.constant 0 : i32
        %dma_start3A_607 = arith.constant 0 : i32
        %dma_start3A_608 = tpu.memref_slice %arg7[%dma_start3A_606, %dma_start3A_607] : memref<10000x16xf32, #tpu.memory_space<vmem_shared>> -> memref<10000x16xf32, #tpu.memory_space<vmem_shared>>
        tpu.enqueue_indirect_dma source(%dma_start3A_608 : memref<10000x16xf32, #tpu.memory_space<vmem_shared>>) target(%dma_start3A_602 : memref<128x16xf32, #tpu.memory_space<vmem>>) offsets(%dma_start3A_605 : memref<128xi32, #tpu.memory_space<vmem>>) semaphore(%arg16 : memref<!tpu.dma_semaphore, #tpu.memory_space<semaphore_mem>>)
        %add3A_609 = arith.constant 8 : i32
        %add3A_610 = arith.addi %mul3A_245, %add3A_609 : i32
        %add3A_611 = arith.constant 4 : i32
        %add3A_612 = arith.addi %add3A_610, %add3A_611 : i32
        %sub3A_613 = arith.constant 1 : i32
        %sub3A_614 = arith.subi %sub3A_613, %rem3A_247 : i32
        %dma_start3A_615 = arith.constant 4 : i32
        %dma_start3A_616 = arith.constant 0 : i32
        %dma_start3A_617 = arith.constant 0 : i32
        %dma_start3A_618 = tpu.memref_slice %arg10[%sub3A_614, %dma_start3A_615, %dma_start3A_616, %dma_start3A_617] : memref<2x8x128x16xf32, #tpu.memory_space<vmem>> -> memref<1x1x128x16xf32, #tpu.memory_space<vmem>>
        %dma_start3A_619 = tpu.memref_squeeze %dma_start3A_618 : memref<1x1x128x16xf32, #tpu.memory_space<vmem>> -> memref<128x16xf32, #tpu.memory_space<vmem>>
        %dma_start3A_620 = arith.constant 0 : i32
        %dma_start3A_621 = tpu.memref_slice %arg8[%add3A_612, %dma_start3A_620] : memref<79x128xi32, #tpu.memory_space<vmem>> -> memref<1x128xi32, #tpu.memory_space<vmem>>
        %dma_start3A_622 = tpu.memref_squeeze %dma_start3A_621 : memref<1x128xi32, #tpu.memory_space<vmem>> -> memref<128xi32, #tpu.memory_space<vmem>>
        %dma_start3A_623 = arith.constant 0 : i32
        %dma_start3A_624 = arith.constant 0 : i32
        %dma_start3A_625 = tpu.memref_slice %arg7[%dma_start3A_623, %dma_start3A_624] : memref<10000x16xf32, #tpu.memory_space<vmem_shared>> -> memref<10000x16xf32, #tpu.memory_space<vmem_shared>>
        tpu.enqueue_indirect_dma source(%dma_start3A_625 : memref<10000x16xf32, #tpu.memory_space<vmem_shared>>) target(%dma_start3A_619 : memref<128x16xf32, #tpu.memory_space<vmem>>) offsets(%dma_start3A_622 : memref<128xi32, #tpu.memory_space<vmem>>) semaphore(%arg16 : memref<!tpu.dma_semaphore, #tpu.memory_space<semaphore_mem>>)
        %add3A_626 = arith.constant 8 : i32
        %add3A_627 = arith.addi %mul3A_245, %add3A_626 : i32
        %add3A_628 = arith.constant 5 : i32
        %add3A_629 = arith.addi %add3A_627, %add3A_628 : i32
        %sub3A_630 = arith.constant 1 : i32
        %sub3A_631 = arith.subi %sub3A_630, %rem3A_247 : i32
        %dma_start3A_632 = arith.constant 5 : i32
        %dma_start3A_633 = arith.constant 0 : i32
        %dma_start3A_634 = arith.constant 0 : i32
        %dma_start3A_635 = tpu.memref_slice %arg10[%sub3A_631, %dma_start3A_632, %dma_start3A_633, %dma_start3A_634] : memref<2x8x128x16xf32, #tpu.memory_space<vmem>> -> memref<1x1x128x16xf32, #tpu.memory_space<vmem>>
        %dma_start3A_636 = tpu.memref_squeeze %dma_start3A_635 : memref<1x1x128x16xf32, #tpu.memory_space<vmem>> -> memref<128x16xf32, #tpu.memory_space<vmem>>
        %dma_start3A_637 = arith.constant 0 : i32
        %dma_start3A_638 = tpu.memref_slice %arg8[%add3A_629, %dma_start3A_637] : memref<79x128xi32, #tpu.memory_space<vmem>> -> memref<1x128xi32, #tpu.memory_space<vmem>>
        %dma_start3A_639 = tpu.memref_squeeze %dma_start3A_638 : memref<1x128xi32, #tpu.memory_space<vmem>> -> memref<128xi32, #tpu.memory_space<vmem>>
        %dma_start3A_640 = arith.constant 0 : i32
        %dma_start3A_641 = arith.constant 0 : i32
        %dma_start3A_642 = tpu.memref_slice %arg7[%dma_start3A_640, %dma_start3A_641] : memref<10000x16xf32, #tpu.memory_space<vmem_shared>> -> memref<10000x16xf32, #tpu.memory_space<vmem_shared>>
        tpu.enqueue_indirect_dma source(%dma_start3A_642 : memref<10000x16xf32, #tpu.memory_space<vmem_shared>>) target(%dma_start3A_636 : memref<128x16xf32, #tpu.memory_space<vmem>>) offsets(%dma_start3A_639 : memref<128xi32, #tpu.memory_space<vmem>>) semaphore(%arg16 : memref<!tpu.dma_semaphore, #tpu.memory_space<semaphore_mem>>)
        %add3A_643 = arith.constant 8 : i32
        %add3A_644 = arith.addi %mul3A_245, %add3A_643 : i32
        %add3A_645 = arith.constant 6 : i32
        %add3A_646 = arith.addi %add3A_644, %add3A_645 : i32
        %sub3A_647 = arith.constant 1 : i32
        %sub3A_648 = arith.subi %sub3A_647, %rem3A_247 : i32
        %dma_start3A_649 = arith.constant 6 : i32
        %dma_start3A_650 = arith.constant 0 : i32
        %dma_start3A_651 = arith.constant 0 : i32
        %dma_start3A_652 = tpu.memref_slice %arg10[%sub3A_648, %dma_start3A_649, %dma_start3A_650, %dma_start3A_651] : memref<2x8x128x16xf32, #tpu.memory_space<vmem>> -> memref<1x1x128x16xf32, #tpu.memory_space<vmem>>
        %dma_start3A_653 = tpu.memref_squeeze %dma_start3A_652 : memref<1x1x128x16xf32, #tpu.memory_space<vmem>> -> memref<128x16xf32, #tpu.memory_space<vmem>>
        %dma_start3A_654 = arith.constant 0 : i32
        %dma_start3A_655 = tpu.memref_slice %arg8[%add3A_646, %dma_start3A_654] : memref<79x128xi32, #tpu.memory_space<vmem>> -> memref<1x128xi32, #tpu.memory_space<vmem>>
        %dma_start3A_656 = tpu.memref_squeeze %dma_start3A_655 : memref<1x128xi32, #tpu.memory_space<vmem>> -> memref<128xi32, #tpu.memory_space<vmem>>
        %dma_start3A_657 = arith.constant 0 : i32
        %dma_start3A_658 = arith.constant 0 : i32
        %dma_start3A_659 = tpu.memref_slice %arg7[%dma_start3A_657, %dma_start3A_658] : memref<10000x16xf32, #tpu.memory_space<vmem_shared>> -> memref<10000x16xf32, #tpu.memory_space<vmem_shared>>
        tpu.enqueue_indirect_dma source(%dma_start3A_659 : memref<10000x16xf32, #tpu.memory_space<vmem_shared>>) target(%dma_start3A_653 : memref<128x16xf32, #tpu.memory_space<vmem>>) offsets(%dma_start3A_656 : memref<128xi32, #tpu.memory_space<vmem>>) semaphore(%arg16 : memref<!tpu.dma_semaphore, #tpu.memory_space<semaphore_mem>>)
        %add3A_660 = arith.constant 8 : i32
        %add3A_661 = arith.addi %mul3A_245, %add3A_660 : i32
        %add3A_662 = arith.constant 7 : i32
        %add3A_663 = arith.addi %add3A_661, %add3A_662 : i32
        %sub3A_664 = arith.constant 1 : i32
        %sub3A_665 = arith.subi %sub3A_664, %rem3A_247 : i32
        %dma_start3A_666 = arith.constant 7 : i32
        %dma_start3A_667 = arith.constant 0 : i32
        %dma_start3A_668 = arith.constant 0 : i32
        %dma_start3A_669 = tpu.memref_slice %arg10[%sub3A_665, %dma_start3A_666, %dma_start3A_667, %dma_start3A_668] : memref<2x8x128x16xf32, #tpu.memory_space<vmem>> -> memref<1x1x128x16xf32, #tpu.memory_space<vmem>>
        %dma_start3A_670 = tpu.memref_squeeze %dma_start3A_669 : memref<1x1x128x16xf32, #tpu.memory_space<vmem>> -> memref<128x16xf32, #tpu.memory_space<vmem>>
        %dma_start3A_671 = arith.constant 0 : i32
        %dma_start3A_672 = tpu.memref_slice %arg8[%add3A_663, %dma_start3A_671] : memref<79x128xi32, #tpu.memory_space<vmem>> -> memref<1x128xi32, #tpu.memory_space<vmem>>
        %dma_start3A_673 = tpu.memref_squeeze %dma_start3A_672 : memref<1x128xi32, #tpu.memory_space<vmem>> -> memref<128xi32, #tpu.memory_space<vmem>>
        %dma_start3A_674 = arith.constant 0 : i32
        %dma_start3A_675 = arith.constant 0 : i32
        %dma_start3A_676 = tpu.memref_slice %arg7[%dma_start3A_674, %dma_start3A_675] : memref<10000x16xf32, #tpu.memory_space<vmem_shared>> -> memref<10000x16xf32, #tpu.memory_space<vmem_shared>>
        tpu.enqueue_indirect_dma source(%dma_start3A_676 : memref<10000x16xf32, #tpu.memory_space<vmem_shared>>) target(%dma_start3A_670 : memref<128x16xf32, #tpu.memory_space<vmem>>) offsets(%dma_start3A_673 : memref<128xi32, #tpu.memory_space<vmem>>) semaphore(%arg16 : memref<!tpu.dma_semaphore, #tpu.memory_space<semaphore_mem>>)
      } else {
      }
      %dma_wait3A_453 = arith.constant 0 : i32
      %dma_wait3A_454 = arith.constant 0 : i32
      %dma_wait3A_455 = arith.constant 0 : i32
      %dma_wait3A_456 = tpu.memref_slice %arg10[%rem3A_247, %dma_wait3A_453, %dma_wait3A_454, %dma_wait3A_455] : memref<2x8x128x16xf32, #tpu.memory_space<vmem>> -> memref<1x1x128x16xf32, #tpu.memory_space<vmem>>
      %dma_wait3A_457 = tpu.memref_squeeze %dma_wait3A_456 : memref<1x1x128x16xf32, #tpu.memory_space<vmem>> -> memref<128x16xf32, #tpu.memory_space<vmem>>
      %dma_wait3A_458 = arith.constant 0 : i32
      %dma_wait3A_459 = tpu.memref_slice %arg9[%mul3A_245, %dma_wait3A_458] : memref<79x128xi32, #tpu.memory_space<vmem>> -> memref<1x128xi32, #tpu.memory_space<vmem>>
      %dma_wait3A_460 = tpu.memref_squeeze %dma_wait3A_459 : memref<1x128xi32, #tpu.memory_space<vmem>> -> memref<128xi32, #tpu.memory_space<vmem>>
      %dma_wait3A_461 = arith.constant 0 : i32
      %dma_wait3A_462 = arith.constant 0 : i32
      %dma_wait3A_463 = tpu.memref_slice %arg6[%dma_wait3A_461, %dma_wait3A_462] : memref<10000x16xf32, #tpu.memory_space<vmem_shared>> -> memref<10000x16xf32, #tpu.memory_space<vmem_shared>>
      tpu.wait_indirect_dma semaphore(%arg17 : memref<!tpu.dma_semaphore, #tpu.memory_space<semaphore_mem>>) src(%dma_wait3A_457 : memref<128x16xf32, #tpu.memory_space<vmem>>) dst(%dma_wait3A_463 : memref<10000x16xf32, #tpu.memory_space<vmem_shared>>)
      %dma_wait3A_464 = arith.constant 1 : i32
      %dma_wait3A_465 = arith.constant 0 : i32
      %dma_wait3A_466 = arith.constant 0 : i32
      %dma_wait3A_467 = tpu.memref_slice %arg10[%rem3A_247, %dma_wait3A_464, %dma_wait3A_465, %dma_wait3A_466] : memref<2x8x128x16xf32, #tpu.memory_space<vmem>> -> memref<1x1x128x16xf32, #tpu.memory_space<vmem>>
      %dma_wait3A_468 = tpu.memref_squeeze %dma_wait3A_467 : memref<1x1x128x16xf32, #tpu.memory_space<vmem>> -> memref<128x16xf32, #tpu.memory_space<vmem>>
      %dma_wait3A_469 = arith.constant 0 : i32
      %dma_wait3A_470 = tpu.memref_slice %arg9[%mul3A_245, %dma_wait3A_469] : memref<79x128xi32, #tpu.memory_space<vmem>> -> memref<1x128xi32, #tpu.memory_space<vmem>>
      %dma_wait3A_471 = tpu.memref_squeeze %dma_wait3A_470 : memref<1x128xi32, #tpu.memory_space<vmem>> -> memref<128xi32, #tpu.memory_space<vmem>>
      %dma_wait3A_472 = arith.constant 0 : i32
      %dma_wait3A_473 = arith.constant 0 : i32
      %dma_wait3A_474 = tpu.memref_slice %arg6[%dma_wait3A_472, %dma_wait3A_473] : memref<10000x16xf32, #tpu.memory_space<vmem_shared>> -> memref<10000x16xf32, #tpu.memory_space<vmem_shared>>
      tpu.wait_indirect_dma semaphore(%arg17 : memref<!tpu.dma_semaphore, #tpu.memory_space<semaphore_mem>>) src(%dma_wait3A_468 : memref<128x16xf32, #tpu.memory_space<vmem>>) dst(%dma_wait3A_474 : memref<10000x16xf32, #tpu.memory_space<vmem_shared>>)
      %dma_wait3A_475 = arith.constant 2 : i32
      %dma_wait3A_476 = arith.constant 0 : i32
      %dma_wait3A_477 = arith.constant 0 : i32
      %dma_wait3A_478 = tpu.memref_slice %arg10[%rem3A_247, %dma_wait3A_475, %dma_wait3A_476, %dma_wait3A_477] : memref<2x8x128x16xf32, #tpu.memory_space<vmem>> -> memref<1x1x128x16xf32, #tpu.memory_space<vmem>>
      %dma_wait3A_479 = tpu.memref_squeeze %dma_wait3A_478 : memref<1x1x128x16xf32, #tpu.memory_space<vmem>> -> memref<128x16xf32, #tpu.memory_space<vmem>>
      %dma_wait3A_480 = arith.constant 0 : i32
      %dma_wait3A_481 = tpu.memref_slice %arg9[%mul3A_245, %dma_wait3A_480] : memref<79x128xi32, #tpu.memory_space<vmem>> -> memref<1x128xi32, #tpu.memory_space<vmem>>
      %dma_wait3A_482 = tpu.memref_squeeze %dma_wait3A_481 : memref<1x128xi32, #tpu.memory_space<vmem>> -> memref<128xi32, #tpu.memory_space<vmem>>
      %dma_wait3A_483 = arith.constant 0 : i32
      %dma_wait3A_484 = arith.constant 0 : i32
      %dma_wait3A_485 = tpu.memref_slice %arg6[%dma_wait3A_483, %dma_wait3A_484] : memref<10000x16xf32, #tpu.memory_space<vmem_shared>> -> memref<10000x16xf32, #tpu.memory_space<vmem_shared>>
      tpu.wait_indirect_dma semaphore(%arg17 : memref<!tpu.dma_semaphore, #tpu.memory_space<semaphore_mem>>) src(%dma_wait3A_479 : memref<128x16xf32, #tpu.memory_space<vmem>>) dst(%dma_wait3A_485 : memref<10000x16xf32, #tpu.memory_space<vmem_shared>>)
      %dma_wait3A_486 = arith.constant 3 : i32
      %dma_wait3A_487 = arith.constant 0 : i32
      %dma_wait3A_488 = arith.constant 0 : i32
      %dma_wait3A_489 = tpu.memref_slice %arg10[%rem3A_247, %dma_wait3A_486, %dma_wait3A_487, %dma_wait3A_488] : memref<2x8x128x16xf32, #tpu.memory_space<vmem>> -> memref<1x1x128x16xf32, #tpu.memory_space<vmem>>
      %dma_wait3A_490 = tpu.memref_squeeze %dma_wait3A_489 : memref<1x1x128x16xf32, #tpu.memory_space<vmem>> -> memref<128x16xf32, #tpu.memory_space<vmem>>
      %dma_wait3A_491 = arith.constant 0 : i32
      %dma_wait3A_492 = tpu.memref_slice %arg9[%mul3A_245, %dma_wait3A_491] : memref<79x128xi32, #tpu.memory_space<vmem>> -> memref<1x128xi32, #tpu.memory_space<vmem>>
      %dma_wait3A_493 = tpu.memref_squeeze %dma_wait3A_492 : memref<1x128xi32, #tpu.memory_space<vmem>> -> memref<128xi32, #tpu.memory_space<vmem>>
      %dma_wait3A_494 = arith.constant 0 : i32
      %dma_wait3A_495 = arith.constant 0 : i32
      %dma_wait3A_496 = tpu.memref_slice %arg6[%dma_wait3A_494, %dma_wait3A_495] : memref<10000x16xf32, #tpu.memory_space<vmem_shared>> -> memref<10000x16xf32, #tpu.memory_space<vmem_shared>>
      tpu.wait_indirect_dma semaphore(%arg17 : memref<!tpu.dma_semaphore, #tpu.memory_space<semaphore_mem>>) src(%dma_wait3A_490 : memref<128x16xf32, #tpu.memory_space<vmem>>) dst(%dma_wait3A_496 : memref<10000x16xf32, #tpu.memory_space<vmem_shared>>)
      %dma_wait3A_497 = arith.constant 4 : i32
      %dma_wait3A_498 = arith.constant 0 : i32
      %dma_wait3A_499 = arith.constant 0 : i32
      %dma_wait3A_500 = tpu.memref_slice %arg10[%rem3A_247, %dma_wait3A_497, %dma_wait3A_498, %dma_wait3A_499] : memref<2x8x128x16xf32, #tpu.memory_space<vmem>> -> memref<1x1x128x16xf32, #tpu.memory_space<vmem>>
      %dma_wait3A_501 = tpu.memref_squeeze %dma_wait3A_500 : memref<1x1x128x16xf32, #tpu.memory_space<vmem>> -> memref<128x16xf32, #tpu.memory_space<vmem>>
      %dma_wait3A_502 = arith.constant 0 : i32
      %dma_wait3A_503 = tpu.memref_slice %arg9[%mul3A_245, %dma_wait3A_502] : memref<79x128xi32, #tpu.memory_space<vmem>> -> memref<1x128xi32, #tpu.memory_space<vmem>>
      %dma_wait3A_504 = tpu.memref_squeeze %dma_wait3A_503 : memref<1x128xi32, #tpu.memory_space<vmem>> -> memref<128xi32, #tpu.memory_space<vmem>>
      %dma_wait3A_505 = arith.constant 0 : i32
      %dma_wait3A_506 = arith.constant 0 : i32
      %dma_wait3A_507 = tpu.memref_slice %arg6[%dma_wait3A_505, %dma_wait3A_506] : memref<10000x16xf32, #tpu.memory_space<vmem_shared>> -> memref<10000x16xf32, #tpu.memory_space<vmem_shared>>
      tpu.wait_indirect_dma semaphore(%arg17 : memref<!tpu.dma_semaphore, #tpu.memory_space<semaphore_mem>>) src(%dma_wait3A_501 : memref<128x16xf32, #tpu.memory_space<vmem>>) dst(%dma_wait3A_507 : memref<10000x16xf32, #tpu.memory_space<vmem_shared>>)
      %dma_wait3A_508 = arith.constant 5 : i32
      %dma_wait3A_509 = arith.constant 0 : i32
      %dma_wait3A_510 = arith.constant 0 : i32
      %dma_wait3A_511 = tpu.memref_slice %arg10[%rem3A_247, %dma_wait3A_508, %dma_wait3A_509, %dma_wait3A_510] : memref<2x8x128x16xf32, #tpu.memory_space<vmem>> -> memref<1x1x128x16xf32, #tpu.memory_space<vmem>>
      %dma_wait3A_512 = tpu.memref_squeeze %dma_wait3A_511 : memref<1x1x128x16xf32, #tpu.memory_space<vmem>> -> memref<128x16xf32, #tpu.memory_space<vmem>>
      %dma_wait3A_513 = arith.constant 0 : i32
      %dma_wait3A_514 = tpu.memref_slice %arg9[%mul3A_245, %dma_wait3A_513] : memref<79x128xi32, #tpu.memory_space<vmem>> -> memref<1x128xi32, #tpu.memory_space<vmem>>
      %dma_wait3A_515 = tpu.memref_squeeze %dma_wait3A_514 : memref<1x128xi32, #tpu.memory_space<vmem>> -> memref<128xi32, #tpu.memory_space<vmem>>
      %dma_wait3A_516 = arith.constant 0 : i32
      %dma_wait3A_517 = arith.constant 0 : i32
      %dma_wait3A_518 = tpu.memref_slice %arg6[%dma_wait3A_516, %dma_wait3A_517] : memref<10000x16xf32, #tpu.memory_space<vmem_shared>> -> memref<10000x16xf32, #tpu.memory_space<vmem_shared>>
      tpu.wait_indirect_dma semaphore(%arg17 : memref<!tpu.dma_semaphore, #tpu.memory_space<semaphore_mem>>) src(%dma_wait3A_512 : memref<128x16xf32, #tpu.memory_space<vmem>>) dst(%dma_wait3A_518 : memref<10000x16xf32, #tpu.memory_space<vmem_shared>>)
      %dma_wait3A_519 = arith.constant 6 : i32
      %dma_wait3A_520 = arith.constant 0 : i32
      %dma_wait3A_521 = arith.constant 0 : i32
      %dma_wait3A_522 = tpu.memref_slice %arg10[%rem3A_247, %dma_wait3A_519, %dma_wait3A_520, %dma_wait3A_521] : memref<2x8x128x16xf32, #tpu.memory_space<vmem>> -> memref<1x1x128x16xf32, #tpu.memory_space<vmem>>
      %dma_wait3A_523 = tpu.memref_squeeze %dma_wait3A_522 : memref<1x1x128x16xf32, #tpu.memory_space<vmem>> -> memref<128x16xf32, #tpu.memory_space<vmem>>
      %dma_wait3A_524 = arith.constant 0 : i32
      %dma_wait3A_525 = tpu.memref_slice %arg9[%mul3A_245, %dma_wait3A_524] : memref<79x128xi32, #tpu.memory_space<vmem>> -> memref<1x128xi32, #tpu.memory_space<vmem>>
      %dma_wait3A_526 = tpu.memref_squeeze %dma_wait3A_525 : memref<1x128xi32, #tpu.memory_space<vmem>> -> memref<128xi32, #tpu.memory_space<vmem>>
      %dma_wait3A_527 = arith.constant 0 : i32
      %dma_wait3A_528 = arith.constant 0 : i32
      %dma_wait3A_529 = tpu.memref_slice %arg6[%dma_wait3A_527, %dma_wait3A_528] : memref<10000x16xf32, #tpu.memory_space<vmem_shared>> -> memref<10000x16xf32, #tpu.memory_space<vmem_shared>>
      tpu.wait_indirect_dma semaphore(%arg17 : memref<!tpu.dma_semaphore, #tpu.memory_space<semaphore_mem>>) src(%dma_wait3A_523 : memref<128x16xf32, #tpu.memory_space<vmem>>) dst(%dma_wait3A_529 : memref<10000x16xf32, #tpu.memory_space<vmem_shared>>)
      %dma_wait3A_530 = arith.constant 7 : i32
      %dma_wait3A_531 = arith.constant 0 : i32
      %dma_wait3A_532 = arith.constant 0 : i32
      %dma_wait3A_533 = tpu.memref_slice %arg10[%rem3A_247, %dma_wait3A_530, %dma_wait3A_531, %dma_wait3A_532] : memref<2x8x128x16xf32, #tpu.memory_space<vmem>> -> memref<1x1x128x16xf32, #tpu.memory_space<vmem>>
      %dma_wait3A_534 = tpu.memref_squeeze %dma_wait3A_533 : memref<1x1x128x16xf32, #tpu.memory_space<vmem>> -> memref<128x16xf32, #tpu.memory_space<vmem>>
      %dma_wait3A_535 = arith.constant 0 : i32
      %dma_wait3A_536 = tpu.memref_slice %arg9[%mul3A_245, %dma_wait3A_535] : memref<79x128xi32, #tpu.memory_space<vmem>> -> memref<1x128xi32, #tpu.memory_space<vmem>>
      %dma_wait3A_537 = tpu.memref_squeeze %dma_wait3A_536 : memref<1x128xi32, #tpu.memory_space<vmem>> -> memref<128xi32, #tpu.memory_space<vmem>>
      %dma_wait3A_538 = arith.constant 0 : i32
      %dma_wait3A_539 = arith.constant 0 : i32
      %dma_wait3A_540 = tpu.memref_slice %arg6[%dma_wait3A_538, %dma_wait3A_539] : memref<10000x16xf32, #tpu.memory_space<vmem_shared>> -> memref<10000x16xf32, #tpu.memory_space<vmem_shared>>
      tpu.wait_indirect_dma semaphore(%arg17 : memref<!tpu.dma_semaphore, #tpu.memory_space<semaphore_mem>>) src(%dma_wait3A_534 : memref<128x16xf32, #tpu.memory_space<vmem>>) dst(%dma_wait3A_540 : memref<10000x16xf32, #tpu.memory_space<vmem_shared>>)
    }
    %mul3A_227 = arith.constant 8 : i32
    %mul3A_228 = arith.muli %select_n3A_114, %mul3A_227 : i32
    %while3A_229 = arith.constant 0 : i32
    %while3A_230 = arith.subi %select_n3A_85, %mul3A_228 : i32
    %while3A_231 = arith.addi %mul3A_228, %while3A_230 : i32
    %while3A_232 = arith.constant 1 : i32
    %while3A_233 = arith.divsi %while3A_230, %while3A_232 : i32
    %while3A_234 = arith.muli %while3A_233, %while3A_232 : i32
    %while3A_235 = arith.addi %mul3A_228, %while3A_234 : i32
    %while3A_236 = arith.constant 1 : i32
    scf.for %while3A_243 = %mul3A_228 to %while3A_235 step %while3A_236  : i32 {
      %dma_start3A_244 = arith.constant 0 : i32
      %dma_start3A_245 = arith.constant 0 : i32
      %dma_start3A_246 = arith.constant 0 : i32
      %dma_start3A_247 = arith.constant 0 : i32
      %dma_start3A_248 = tpu.memref_slice %arg10[%dma_start3A_244, %dma_start3A_245, %dma_start3A_246, %dma_start3A_247] : memref<2x8x128x16xf32, #tpu.memory_space<vmem>> -> memref<1x1x128x16xf32, #tpu.memory_space<vmem>>
      %dma_start3A_249 = tpu.memref_squeeze %dma_start3A_248 : memref<1x1x128x16xf32, #tpu.memory_space<vmem>> -> memref<128x16xf32, #tpu.memory_space<vmem>>
      %dma_start3A_250 = arith.constant 0 : i32
      %dma_start3A_251 = tpu.memref_slice %arg8[%while3A_243, %dma_start3A_250] : memref<79x128xi32, #tpu.memory_space<vmem>> -> memref<1x128xi32, #tpu.memory_space<vmem>>
      %dma_start3A_252 = tpu.memref_squeeze %dma_start3A_251 : memref<1x128xi32, #tpu.memory_space<vmem>> -> memref<128xi32, #tpu.memory_space<vmem>>
      %dma_start3A_253 = arith.constant 0 : i32
      %dma_start3A_254 = arith.constant 0 : i32
      %dma_start3A_255 = tpu.memref_slice %arg7[%dma_start3A_253, %dma_start3A_254] : memref<10000x16xf32, #tpu.memory_space<vmem_shared>> -> memref<10000x16xf32, #tpu.memory_space<vmem_shared>>
      tpu.enqueue_indirect_dma source(%dma_start3A_255 : memref<10000x16xf32, #tpu.memory_space<vmem_shared>>) target(%dma_start3A_249 : memref<128x16xf32, #tpu.memory_space<vmem>>) offsets(%dma_start3A_252 : memref<128xi32, #tpu.memory_space<vmem>>) semaphore(%arg16 : memref<!tpu.dma_semaphore, #tpu.memory_space<semaphore_mem>>)
      %dma_wait3A = arith.constant 0 : i32
      %dma_wait3A_256 = arith.constant 0 : i32
      %dma_wait3A_257 = arith.constant 0 : i32
      %dma_wait3A_258 = arith.constant 0 : i32
      %dma_wait3A_259 = tpu.memref_slice %arg10[%dma_wait3A, %dma_wait3A_256, %dma_wait3A_257, %dma_wait3A_258] : memref<2x8x128x16xf32, #tpu.memory_space<vmem>> -> memref<1x1x128x16xf32, #tpu.memory_space<vmem>>
      %dma_wait3A_260 = tpu.memref_squeeze %dma_wait3A_259 : memref<1x1x128x16xf32, #tpu.memory_space<vmem>> -> memref<128x16xf32, #tpu.memory_space<vmem>>
      %dma_wait3A_261 = arith.constant 0 : i32
      %dma_wait3A_262 = tpu.memref_slice %arg8[%while3A_243, %dma_wait3A_261] : memref<79x128xi32, #tpu.memory_space<vmem>> -> memref<1x128xi32, #tpu.memory_space<vmem>>
      %dma_wait3A_263 = tpu.memref_squeeze %dma_wait3A_262 : memref<1x128xi32, #tpu.memory_space<vmem>> -> memref<128xi32, #tpu.memory_space<vmem>>
      %dma_wait3A_264 = arith.constant 0 : i32
      %dma_wait3A_265 = arith.constant 0 : i32
      %dma_wait3A_266 = tpu.memref_slice %arg7[%dma_wait3A_264, %dma_wait3A_265] : memref<10000x16xf32, #tpu.memory_space<vmem_shared>> -> memref<10000x16xf32, #tpu.memory_space<vmem_shared>>
      tpu.wait_indirect_dma semaphore(%arg16 : memref<!tpu.dma_semaphore, #tpu.memory_space<semaphore_mem>>) src(%dma_wait3A_266 : memref<10000x16xf32, #tpu.memory_space<vmem_shared>>) dst(%dma_wait3A_260 : memref<128x16xf32, #tpu.memory_space<vmem>>)
      %run_scoped3A_267 = arith.constant 0 : i32
      %run_scoped3A_268 = arith.constant 0 : i32
      "tpu.region"() ({
        %run_scoped3A_269 = tpu.sem_alloc : memref<!tpu.dma_semaphore, #tpu.memory_space<semaphore_mem>>
        %dma_start3A_270 = arith.constant 0 : i32
        %dma_start3A_271 = arith.constant 0 : i32
        %dma_start3A_272 = tpu.memref_slice %arg10[%run_scoped3A_267, %run_scoped3A_268, %dma_start3A_270, %dma_start3A_271] : memref<2x8x128x16xf32, #tpu.memory_space<vmem>> -> memref<1x1x128x16xf32, #tpu.memory_space<vmem>>
        %dma_start3A_273 = tpu.memref_squeeze %dma_start3A_272 : memref<1x1x128x16xf32, #tpu.memory_space<vmem>> -> memref<128x16xf32, #tpu.memory_space<vmem>>
        %dma_start3A_274 = arith.constant 0 : i32
        %dma_start3A_275 = tpu.memref_slice %arg9[%while3A_243, %dma_start3A_274] : memref<79x128xi32, #tpu.memory_space<vmem>> -> memref<1x128xi32, #tpu.memory_space<vmem>>
        %dma_start3A_276 = tpu.memref_squeeze %dma_start3A_275 : memref<1x128xi32, #tpu.memory_space<vmem>> -> memref<128xi32, #tpu.memory_space<vmem>>
        %dma_start3A_277 = arith.constant 0 : i32
        %dma_start3A_278 = arith.constant 0 : i32
        %dma_start3A_279 = tpu.memref_slice %arg6[%dma_start3A_277, %dma_start3A_278] : memref<10000x16xf32, #tpu.memory_space<vmem_shared>> -> memref<10000x16xf32, #tpu.memory_space<vmem_shared>>
        tpu.enqueue_indirect_dma source(%dma_start3A_273 : memref<128x16xf32, #tpu.memory_space<vmem>>) target(%dma_start3A_279 : memref<10000x16xf32, #tpu.memory_space<vmem_shared>>) offsets(%dma_start3A_276 : memref<128xi32, #tpu.memory_space<vmem>>) semaphore(%run_scoped3A_269 : memref<!tpu.dma_semaphore, #tpu.memory_space<semaphore_mem>>) {add = true}
        %dma_wait3A_280 = arith.constant 0 : i32
        %dma_wait3A_281 = arith.constant 0 : i32
        %dma_wait3A_282 = tpu.memref_slice %arg10[%run_scoped3A_267, %run_scoped3A_268, %dma_wait3A_280, %dma_wait3A_281] : memref<2x8x128x16xf32, #tpu.memory_space<vmem>> -> memref<1x1x128x16xf32, #tpu.memory_space<vmem>>
        %dma_wait3A_283 = tpu.memref_squeeze %dma_wait3A_282 : memref<1x1x128x16xf32, #tpu.memory_space<vmem>> -> memref<128x16xf32, #tpu.memory_space<vmem>>
        %dma_wait3A_284 = arith.constant 0 : i32
        %dma_wait3A_285 = tpu.memref_slice %arg9[%while3A_243, %dma_wait3A_284] : memref<79x128xi32, #tpu.memory_space<vmem>> -> memref<1x128xi32, #tpu.memory_space<vmem>>
        %dma_wait3A_286 = tpu.memref_squeeze %dma_wait3A_285 : memref<1x128xi32, #tpu.memory_space<vmem>> -> memref<128xi32, #tpu.memory_space<vmem>>
        %dma_wait3A_287 = arith.constant 0 : i32
        %dma_wait3A_288 = arith.constant 0 : i32
        %dma_wait3A_289 = tpu.memref_slice %arg6[%dma_wait3A_287, %dma_wait3A_288] : memref<10000x16xf32, #tpu.memory_space<vmem_shared>> -> memref<10000x16xf32, #tpu.memory_space<vmem_shared>>
        tpu.wait_indirect_dma semaphore(%run_scoped3A_269 : memref<!tpu.dma_semaphore, #tpu.memory_space<semaphore_mem>>) src(%dma_wait3A_283 : memref<128x16xf32, #tpu.memory_space<vmem>>) dst(%dma_wait3A_289 : memref<10000x16xf32, #tpu.memory_space<vmem_shared>>)
        tpu.yield
      }) : () -> ()
    }
    %while3A_237 = arith.constant 1 : i32
    scf.for %while3A_243 = %while3A_235 to %while3A_231 step %while3A_237  : i32 {
      %dma_start3A_244 = arith.constant 0 : i32
      %dma_start3A_245 = arith.constant 0 : i32
      %dma_start3A_246 = arith.constant 0 : i32
      %dma_start3A_247 = arith.constant 0 : i32
      %dma_start3A_248 = tpu.memref_slice %arg10[%dma_start3A_244, %dma_start3A_245, %dma_start3A_246, %dma_start3A_247] : memref<2x8x128x16xf32, #tpu.memory_space<vmem>> -> memref<1x1x128x16xf32, #tpu.memory_space<vmem>>
      %dma_start3A_249 = tpu.memref_squeeze %dma_start3A_248 : memref<1x1x128x16xf32, #tpu.memory_space<vmem>> -> memref<128x16xf32, #tpu.memory_space<vmem>>
      %dma_start3A_250 = arith.constant 0 : i32
      %dma_start3A_251 = tpu.memref_slice %arg8[%while3A_243, %dma_start3A_250] : memref<79x128xi32, #tpu.memory_space<vmem>> -> memref<1x128xi32, #tpu.memory_space<vmem>>
      %dma_start3A_252 = tpu.memref_squeeze %dma_start3A_251 : memref<1x128xi32, #tpu.memory_space<vmem>> -> memref<128xi32, #tpu.memory_space<vmem>>
      %dma_start3A_253 = arith.constant 0 : i32
      %dma_start3A_254 = arith.constant 0 : i32
      %dma_start3A_255 = tpu.memref_slice %arg7[%dma_start3A_253, %dma_start3A_254] : memref<10000x16xf32, #tpu.memory_space<vmem_shared>> -> memref<10000x16xf32, #tpu.memory_space<vmem_shared>>
      tpu.enqueue_indirect_dma source(%dma_start3A_255 : memref<10000x16xf32, #tpu.memory_space<vmem_shared>>) target(%dma_start3A_249 : memref<128x16xf32, #tpu.memory_space<vmem>>) offsets(%dma_start3A_252 : memref<128xi32, #tpu.memory_space<vmem>>) semaphore(%arg16 : memref<!tpu.dma_semaphore, #tpu.memory_space<semaphore_mem>>)
      %dma_wait3A = arith.constant 0 : i32
      %dma_wait3A_256 = arith.constant 0 : i32
      %dma_wait3A_257 = arith.constant 0 : i32
      %dma_wait3A_258 = arith.constant 0 : i32
      %dma_wait3A_259 = tpu.memref_slice %arg10[%dma_wait3A, %dma_wait3A_256, %dma_wait3A_257, %dma_wait3A_258] : memref<2x8x128x16xf32, #tpu.memory_space<vmem>> -> memref<1x1x128x16xf32, #tpu.memory_space<vmem>>
      %dma_wait3A_260 = tpu.memref_squeeze %dma_wait3A_259 : memref<1x1x128x16xf32, #tpu.memory_space<vmem>> -> memref<128x16xf32, #tpu.memory_space<vmem>>
      %dma_wait3A_261 = arith.constant 0 : i32
      %dma_wait3A_262 = tpu.memref_slice %arg8[%while3A_243, %dma_wait3A_261] : memref<79x128xi32, #tpu.memory_space<vmem>> -> memref<1x128xi32, #tpu.memory_space<vmem>>
      %dma_wait3A_263 = tpu.memref_squeeze %dma_wait3A_262 : memref<1x128xi32, #tpu.memory_space<vmem>> -> memref<128xi32, #tpu.memory_space<vmem>>
      %dma_wait3A_264 = arith.constant 0 : i32
      %dma_wait3A_265 = arith.constant 0 : i32
      %dma_wait3A_266 = tpu.memref_slice %arg7[%dma_wait3A_264, %dma_wait3A_265] : memref<10000x16xf32, #tpu.memory_space<vmem_shared>> -> memref<10000x16xf32, #tpu.memory_space<vmem_shared>>
      tpu.wait_indirect_dma semaphore(%arg16 : memref<!tpu.dma_semaphore, #tpu.memory_space<semaphore_mem>>) src(%dma_wait3A_266 : memref<10000x16xf32, #tpu.memory_space<vmem_shared>>) dst(%dma_wait3A_260 : memref<128x16xf32, #tpu.memory_space<vmem>>)
      %run_scoped3A_267 = arith.constant 0 : i32
      %run_scoped3A_268 = arith.constant 0 : i32
      "tpu.region"() ({
        %run_scoped3A_269 = tpu.sem_alloc : memref<!tpu.dma_semaphore, #tpu.memory_space<semaphore_mem>>
        %dma_start3A_270 = arith.constant 0 : i32
        %dma_start3A_271 = arith.constant 0 : i32
        %dma_start3A_272 = tpu.memref_slice %arg10[%run_scoped3A_267, %run_scoped3A_268, %dma_start3A_270, %dma_start3A_271] : memref<2x8x128x16xf32, #tpu.memory_space<vmem>> -> memref<1x1x128x16xf32, #tpu.memory_space<vmem>>
        %dma_start3A_273 = tpu.memref_squeeze %dma_start3A_272 : memref<1x1x128x16xf32, #tpu.memory_space<vmem>> -> memref<128x16xf32, #tpu.memory_space<vmem>>
        %dma_start3A_274 = arith.constant 0 : i32
        %dma_start3A_275 = tpu.memref_slice %arg9[%while3A_243, %dma_start3A_274] : memref<79x128xi32, #tpu.memory_space<vmem>> -> memref<1x128xi32, #tpu.memory_space<vmem>>
        %dma_start3A_276 = tpu.memref_squeeze %dma_start3A_275 : memref<1x128xi32, #tpu.memory_space<vmem>> -> memref<128xi32, #tpu.memory_space<vmem>>
        %dma_start3A_277 = arith.constant 0 : i32
        %dma_start3A_278 = arith.constant 0 : i32
        %dma_start3A_279 = tpu.memref_slice %arg6[%dma_start3A_277, %dma_start3A_278] : memref<10000x16xf32, #tpu.memory_space<vmem_shared>> -> memref<10000x16xf32, #tpu.memory_space<vmem_shared>>
        tpu.enqueue_indirect_dma source(%dma_start3A_273 : memref<128x16xf32, #tpu.memory_space<vmem>>) target(%dma_start3A_279 : memref<10000x16xf32, #tpu.memory_space<vmem_shared>>) offsets(%dma_start3A_276 : memref<128xi32, #tpu.memory_space<vmem>>) semaphore(%run_scoped3A_269 : memref<!tpu.dma_semaphore, #tpu.memory_space<semaphore_mem>>) {add = true}
        %dma_wait3A_280 = arith.constant 0 : i32
        %dma_wait3A_281 = arith.constant 0 : i32
        %dma_wait3A_282 = tpu.memref_slice %arg10[%run_scoped3A_267, %run_scoped3A_268, %dma_wait3A_280, %dma_wait3A_281] : memref<2x8x128x16xf32, #tpu.memory_space<vmem>> -> memref<1x1x128x16xf32, #tpu.memory_space<vmem>>
        %dma_wait3A_283 = tpu.memref_squeeze %dma_wait3A_282 : memref<1x1x128x16xf32, #tpu.memory_space<vmem>> -> memref<128x16xf32, #tpu.memory_space<vmem>>
        %dma_wait3A_284 = arith.constant 0 : i32
        %dma_wait3A_285 = tpu.memref_slice %arg9[%while3A_243, %dma_wait3A_284] : memref<79x128xi32, #tpu.memory_space<vmem>> -> memref<1x128xi32, #tpu.memory_space<vmem>>
        %dma_wait3A_286 = tpu.memref_squeeze %dma_wait3A_285 : memref<1x128xi32, #tpu.memory_space<vmem>> -> memref<128xi32, #tpu.memory_space<vmem>>
        %dma_wait3A_287 = arith.constant 0 : i32
        %dma_wait3A_288 = arith.constant 0 : i32
        %dma_wait3A_289 = tpu.memref_slice %arg6[%dma_wait3A_287, %dma_wait3A_288] : memref<10000x16xf32, #tpu.memory_space<vmem_shared>> -> memref<10000x16xf32, #tpu.memory_space<vmem_shared>>
        tpu.wait_indirect_dma semaphore(%run_scoped3A_269 : memref<!tpu.dma_semaphore, #tpu.memory_space<semaphore_mem>>) src(%dma_wait3A_283 : memref<128x16xf32, #tpu.memory_space<vmem>>) dst(%dma_wait3A_289 : memref<10000x16xf32, #tpu.memory_space<vmem_shared>>)
        tpu.yield
      }) : () -> ()
    }
    %barrier3A_238 = arith.constant 0 : index
    tpu.barrier barrier_id(%barrier3A_238)
    %mul3A_239 = arith.constant 625 : i32
    %mul3A_240 = arith.muli %arg1, %mul3A_239 : i32
    "tpu.region"() ({
      %run_scoped3A_243 = tpu.sem_alloc : memref<!tpu.dma_semaphore, #tpu.memory_space<semaphore_mem>>
      %dma_start3A_244 = arith.constant 0 : i32
      %dma_start3A_245 = tpu.memref_slice %arg6[%mul3A_240, %dma_start3A_244] : memref<10000x16xf32, #tpu.memory_space<vmem_shared>> -> memref<625x16xf32, #tpu.memory_space<vmem_shared>>
      %dma_start3A_246 = arith.constant 0 : i32
      %dma_start3A_247 = tpu.memref_slice %arg6[%mul3A_240, %dma_start3A_246] : memref<10000x16xf32, #tpu.memory_space<vmem_shared>> -> memref<625x16xf32, #tpu.memory_space<vmem_shared>>
      tpu.enqueue_dma source(%dma_start3A_247 : memref<625x16xf32, #tpu.memory_space<vmem_shared>>) target(%arg11 : memref<625x16xf32, #tpu.memory_space<vmem>>) target_semaphore(%run_scoped3A_243 : memref<!tpu.dma_semaphore, #tpu.memory_space<semaphore_mem>>)
      %dma_wait3A = arith.constant 0 : i32
      %dma_wait3A_248 = tpu.memref_slice %arg6[%mul3A_240, %dma_wait3A] : memref<10000x16xf32, #tpu.memory_space<vmem_shared>> -> memref<625x16xf32, #tpu.memory_space<vmem_shared>>
      %dma_wait3A_249 = arith.constant 0 : i32
      %dma_wait3A_250 = tpu.memref_slice %arg6[%mul3A_240, %dma_wait3A_249] : memref<10000x16xf32, #tpu.memory_space<vmem_shared>> -> memref<625x16xf32, #tpu.memory_space<vmem_shared>>
      tpu.wait_dma2 semaphore(%run_scoped3A_243 : memref<!tpu.dma_semaphore, #tpu.memory_space<semaphore_mem>>) src(%dma_wait3A_250 : memref<625x16xf32, #tpu.memory_space<vmem_shared>>) dst(%arg11 : memref<625x16xf32, #tpu.memory_space<vmem>>)
      tpu.yield
    }) : () -> ()
    %mul3A_241 = arith.constant 625 : i32
    %mul3A_242 = arith.muli %arg1, %mul3A_241 : i32
    "tpu.region"() ({
      %run_scoped3A_243 = tpu.sem_alloc : memref<!tpu.dma_semaphore, #tpu.memory_space<semaphore_mem>>
      %dma_start3A_244 = arith.constant 0 : i32
      %dma_start3A_245 = tpu.memref_slice %arg5[%arg0, %mul3A_242, %dma_start3A_244] : memref<2x10000x16xf32, #tpu.memory_space<hbm>> -> memref<1x625x16xf32, #tpu.memory_space<hbm>>
      %dma_start3A_246 = tpu.memref_squeeze %dma_start3A_245 : memref<1x625x16xf32, #tpu.memory_space<hbm>> -> memref<625x16xf32, #tpu.memory_space<hbm>>
      %dma_start3A_247 = arith.constant 0 : i32
      %dma_start3A_248 = tpu.memref_slice %arg5[%arg0, %mul3A_242, %dma_start3A_247] : memref<2x10000x16xf32, #tpu.memory_space<hbm>> -> memref<1x625x16xf32, #tpu.memory_space<hbm>>
      %dma_start3A_249 = tpu.memref_squeeze %dma_start3A_248 : memref<1x625x16xf32, #tpu.memory_space<hbm>> -> memref<625x16xf32, #tpu.memory_space<hbm>>
      tpu.enqueue_dma source(%arg11 : memref<625x16xf32, #tpu.memory_space<vmem>>) target(%dma_start3A_249 : memref<625x16xf32, #tpu.memory_space<hbm>>) target_semaphore(%run_scoped3A_243 : memref<!tpu.dma_semaphore, #tpu.memory_space<semaphore_mem>>)
      %dma_wait3A = arith.constant 0 : i32
      %dma_wait3A_250 = tpu.memref_slice %arg5[%arg0, %mul3A_242, %dma_wait3A] : memref<2x10000x16xf32, #tpu.memory_space<hbm>> -> memref<1x625x16xf32, #tpu.memory_space<hbm>>
      %dma_wait3A_251 = tpu.memref_squeeze %dma_wait3A_250 : memref<1x625x16xf32, #tpu.memory_space<hbm>> -> memref<625x16xf32, #tpu.memory_space<hbm>>
      %dma_wait3A_252 = arith.constant 0 : i32
      %dma_wait3A_253 = tpu.memref_slice %arg5[%arg0, %mul3A_242, %dma_wait3A_252] : memref<2x10000x16xf32, #tpu.memory_space<hbm>> -> memref<1x625x16xf32, #tpu.memory_space<hbm>>
      %dma_wait3A_254 = tpu.memref_squeeze %dma_wait3A_253 : memref<1x625x16xf32, #tpu.memory_space<hbm>> -> memref<625x16xf32, #tpu.memory_space<hbm>>
      tpu.wait_dma2 semaphore(%run_scoped3A_243 : memref<!tpu.dma_semaphore, #tpu.memory_space<semaphore_mem>>) src(%arg11 : memref<625x16xf32, #tpu.memory_space<vmem>>) dst(%dma_wait3A_254 : memref<625x16xf32, #tpu.memory_space<hbm>>)
      tpu.yield
    }) : () -> ()
    return
  }
}

#map = affine_map<(d0, d1) -> (0, 0, 0)>
#map1 = affine_map<(d0, d1) -> (0, 0)>
#map2 = affine_map<(d0, d1) -> (0)>
module attributes {stable_mosaic.version = 14 : i64} {
  func.func @k(%arg0: i32, %arg1: i32, %arg2: memref<2x10000x16xf32, #tpu.memory_space<hbm>>, %arg3: memref<10000x16xf32, #tpu.memory_space<hbm>>, %arg4: memref<2x10240xf32, #tpu.memory_space<hbm>>, %arg5: memref<16xf32, #tpu.memory_space<hbm>>, %arg6: memref<2x2500x128xi32, #tpu.memory_space<hbm>>, %arg7: memref<2x10000x16xf32, #tpu.memory_space<hbm>>, %arg8: memref<10000x16xf32, #tpu.memory_space<vmem_shared>>, %arg9: memref<10000x16xf32, #tpu.memory_space<vmem_shared>>, %arg10: memref<79x128xi32, #tpu.memory_space<vmem>>, %arg11: memref<79x128xi32, #tpu.memory_space<vmem>>, %arg12: memref<2x8x128x16xf32, #tpu.memory_space<vmem>>, %arg13: memref<625x16xf32, #tpu.memory_space<vmem>>, %arg14: memref<625x16xf32, #tpu.memory_space<vmem>>, %arg15: memref<625x16xf32, #tpu.memory_space<vmem>>, %arg16: memref<625x16xf32, #tpu.memory_space<vmem>>, %arg17: memref<16xf32, #tpu.memory_space<vmem>>, %arg18: memref<648xf32, #tpu.memory_space<vmem>>, %arg19: memref<648xf32, #tpu.memory_space<vmem>>, %arg20: memref<640xf32, #tpu.memory_space<vmem>>, %arg21: memref<!tpu.dma_semaphore, #tpu.memory_space<semaphore_mem>>, %arg22: memref<!tpu.dma_semaphore, #tpu.memory_space<semaphore_mem>>) attributes {dimension_semantics = [#tpu.dimension_semantics<core_parallel>, #tpu.dimension_semantics<subcore_parallel>], iteration_bounds = array<i64: 2, 16>, scalar_prefetch = 0 : i64, scratch_operands = 15 : i64, tpu.core_type = #tpu.core_type<sc_vector_subcore>, window_params = [{transform_indices = #map}, {transform_indices = #map1}, {transform_indices = #map1}, {transform_indices = #map2}, {transform_indices = #map}, {transform_indices = #map}]} {
    %mul3A = arith.constant 16 : i32
    %mul3A_0 = arith.muli %arg0, %mul3A : i32
    %add3A = arith.addi %mul3A_0, %arg1 : i32
    %mul3A_1 = arith.constant 625 : i32
    %mul3A_2 = arith.muli %arg1, %mul3A_1 : i32
    "tpu.region"() ({
      %run_scoped3A_250 = tpu.sem_alloc : memref<!tpu.dma_semaphore, #tpu.memory_space<semaphore_mem>>
      %dma_start3A_251 = arith.constant 0 : i32
      %dma_start3A_252 = tpu.memref_slice %arg3[%mul3A_2, %dma_start3A_251] : memref<10000x16xf32, #tpu.memory_space<hbm>> -> memref<625x16xf32, #tpu.memory_space<hbm>>
      %dma_start3A_253 = arith.constant 0 : i32
      %dma_start3A_254 = tpu.memref_slice %arg3[%mul3A_2, %dma_start3A_253] : memref<10000x16xf32, #tpu.memory_space<hbm>> -> memref<625x16xf32, #tpu.memory_space<hbm>>
      tpu.enqueue_dma source(%dma_start3A_254 : memref<625x16xf32, #tpu.memory_space<hbm>>) target(%arg13 : memref<625x16xf32, #tpu.memory_space<vmem>>) target_semaphore(%run_scoped3A_250 : memref<!tpu.dma_semaphore, #tpu.memory_space<semaphore_mem>>)
      %dma_wait3A = arith.constant 0 : i32
      %dma_wait3A_255 = tpu.memref_slice %arg3[%mul3A_2, %dma_wait3A] : memref<10000x16xf32, #tpu.memory_space<hbm>> -> memref<625x16xf32, #tpu.memory_space<hbm>>
      %dma_wait3A_256 = arith.constant 0 : i32
      %dma_wait3A_257 = tpu.memref_slice %arg3[%mul3A_2, %dma_wait3A_256] : memref<10000x16xf32, #tpu.memory_space<hbm>> -> memref<625x16xf32, #tpu.memory_space<hbm>>
      tpu.wait_dma2 semaphore(%run_scoped3A_250 : memref<!tpu.dma_semaphore, #tpu.memory_space<semaphore_mem>>) src(%dma_wait3A_257 : memref<625x16xf32, #tpu.memory_space<hbm>>) dst(%arg13 : memref<625x16xf32, #tpu.memory_space<vmem>>)
      tpu.yield
    }) : () -> ()
    %mul3A_3 = arith.constant 625 : i32
    %mul3A_4 = arith.muli %arg1, %mul3A_3 : i32
    %run_scoped3A = arith.constant 0 : i32
    "tpu.region"() ({
      %run_scoped3A_250 = tpu.sem_alloc : memref<!tpu.dma_semaphore, #tpu.memory_space<semaphore_mem>>
      %dma_start3A_251 = arith.constant 0 : i32
      %dma_start3A_252 = tpu.memref_slice %arg2[%run_scoped3A, %mul3A_4, %dma_start3A_251] : memref<2x10000x16xf32, #tpu.memory_space<hbm>> -> memref<1x625x16xf32, #tpu.memory_space<hbm>>
      %dma_start3A_253 = tpu.memref_squeeze %dma_start3A_252 : memref<1x625x16xf32, #tpu.memory_space<hbm>> -> memref<625x16xf32, #tpu.memory_space<hbm>>
      %dma_start3A_254 = arith.constant 0 : i32
      %dma_start3A_255 = tpu.memref_slice %arg2[%run_scoped3A, %mul3A_4, %dma_start3A_254] : memref<2x10000x16xf32, #tpu.memory_space<hbm>> -> memref<1x625x16xf32, #tpu.memory_space<hbm>>
      %dma_start3A_256 = tpu.memref_squeeze %dma_start3A_255 : memref<1x625x16xf32, #tpu.memory_space<hbm>> -> memref<625x16xf32, #tpu.memory_space<hbm>>
      tpu.enqueue_dma source(%dma_start3A_256 : memref<625x16xf32, #tpu.memory_space<hbm>>) target(%arg15 : memref<625x16xf32, #tpu.memory_space<vmem>>) target_semaphore(%run_scoped3A_250 : memref<!tpu.dma_semaphore, #tpu.memory_space<semaphore_mem>>)
      %dma_wait3A = arith.constant 0 : i32
      %dma_wait3A_257 = tpu.memref_slice %arg2[%run_scoped3A, %mul3A_4, %dma_wait3A] : memref<2x10000x16xf32, #tpu.memory_space<hbm>> -> memref<1x625x16xf32, #tpu.memory_space<hbm>>
      %dma_wait3A_258 = tpu.memref_squeeze %dma_wait3A_257 : memref<1x625x16xf32, #tpu.memory_space<hbm>> -> memref<625x16xf32, #tpu.memory_space<hbm>>
      %dma_wait3A_259 = arith.constant 0 : i32
      %dma_wait3A_260 = tpu.memref_slice %arg2[%run_scoped3A, %mul3A_4, %dma_wait3A_259] : memref<2x10000x16xf32, #tpu.memory_space<hbm>> -> memref<1x625x16xf32, #tpu.memory_space<hbm>>
      %dma_wait3A_261 = tpu.memref_squeeze %dma_wait3A_260 : memref<1x625x16xf32, #tpu.memory_space<hbm>> -> memref<625x16xf32, #tpu.memory_space<hbm>>
      tpu.wait_dma2 semaphore(%run_scoped3A_250 : memref<!tpu.dma_semaphore, #tpu.memory_space<semaphore_mem>>) src(%dma_wait3A_261 : memref<625x16xf32, #tpu.memory_space<hbm>>) dst(%arg15 : memref<625x16xf32, #tpu.memory_space<vmem>>)
      tpu.yield
    }) : () -> ()
    %mul3A_5 = arith.constant 625 : i32
    %mul3A_6 = arith.muli %arg1, %mul3A_5 : i32
    %run_scoped3A_7 = arith.constant 1 : i32
    "tpu.region"() ({
      %run_scoped3A_250 = tpu.sem_alloc : memref<!tpu.dma_semaphore, #tpu.memory_space<semaphore_mem>>
      %dma_start3A_251 = arith.constant 0 : i32
      %dma_start3A_252 = tpu.memref_slice %arg2[%run_scoped3A_7, %mul3A_6, %dma_start3A_251] : memref<2x10000x16xf32, #tpu.memory_space<hbm>> -> memref<1x625x16xf32, #tpu.memory_space<hbm>>
      %dma_start3A_253 = tpu.memref_squeeze %dma_start3A_252 : memref<1x625x16xf32, #tpu.memory_space<hbm>> -> memref<625x16xf32, #tpu.memory_space<hbm>>
      %dma_start3A_254 = arith.constant 0 : i32
      %dma_start3A_255 = tpu.memref_slice %arg2[%run_scoped3A_7, %mul3A_6, %dma_start3A_254] : memref<2x10000x16xf32, #tpu.memory_space<hbm>> -> memref<1x625x16xf32, #tpu.memory_space<hbm>>
      %dma_start3A_256 = tpu.memref_squeeze %dma_start3A_255 : memref<1x625x16xf32, #tpu.memory_space<hbm>> -> memref<625x16xf32, #tpu.memory_space<hbm>>
      tpu.enqueue_dma source(%dma_start3A_256 : memref<625x16xf32, #tpu.memory_space<hbm>>) target(%arg16 : memref<625x16xf32, #tpu.memory_space<vmem>>) target_semaphore(%run_scoped3A_250 : memref<!tpu.dma_semaphore, #tpu.memory_space<semaphore_mem>>)
      %dma_wait3A = arith.constant 0 : i32
      %dma_wait3A_257 = tpu.memref_slice %arg2[%run_scoped3A_7, %mul3A_6, %dma_wait3A] : memref<2x10000x16xf32, #tpu.memory_space<hbm>> -> memref<1x625x16xf32, #tpu.memory_space<hbm>>
      %dma_wait3A_258 = tpu.memref_squeeze %dma_wait3A_257 : memref<1x625x16xf32, #tpu.memory_space<hbm>> -> memref<625x16xf32, #tpu.memory_space<hbm>>
      %dma_wait3A_259 = arith.constant 0 : i32
      %dma_wait3A_260 = tpu.memref_slice %arg2[%run_scoped3A_7, %mul3A_6, %dma_wait3A_259] : memref<2x10000x16xf32, #tpu.memory_space<hbm>> -> memref<1x625x16xf32, #tpu.memory_space<hbm>>
      %dma_wait3A_261 = tpu.memref_squeeze %dma_wait3A_260 : memref<1x625x16xf32, #tpu.memory_space<hbm>> -> memref<625x16xf32, #tpu.memory_space<hbm>>
      tpu.wait_dma2 semaphore(%run_scoped3A_250 : memref<!tpu.dma_semaphore, #tpu.memory_space<semaphore_mem>>) src(%dma_wait3A_261 : memref<625x16xf32, #tpu.memory_space<hbm>>) dst(%arg16 : memref<625x16xf32, #tpu.memory_space<vmem>>)
      tpu.yield
    }) : () -> ()
    "tpu.region"() ({
      %run_scoped3A_250 = tpu.sem_alloc : memref<!tpu.dma_semaphore, #tpu.memory_space<semaphore_mem>>
      tpu.enqueue_dma source(%arg5 : memref<16xf32, #tpu.memory_space<hbm>>) target(%arg17 : memref<16xf32, #tpu.memory_space<vmem>>) target_semaphore(%run_scoped3A_250 : memref<!tpu.dma_semaphore, #tpu.memory_space<semaphore_mem>>)
      tpu.wait_dma2 semaphore(%run_scoped3A_250 : memref<!tpu.dma_semaphore, #tpu.memory_space<semaphore_mem>>) src(%arg5 : memref<16xf32, #tpu.memory_space<hbm>>) dst(%arg17 : memref<16xf32, #tpu.memory_space<vmem>>)
      tpu.yield
    }) : () -> ()
    %get3A = arith.constant 0 : index
    %get3A_8 = tpu.vector_load %arg17[%get3A] {strides = array<i32>} : memref<16xf32, #tpu.memory_space<vmem>>, vector<16xf32>,
    %mul3A_9 = arith.constant 625 : i32
    %mul3A_10 = arith.muli %arg1, %mul3A_9 : i32
    %jit3A = arith.constant 8 : i32
    %div3A = arith.divsi %mul3A_10, %jit3A : i32
    %sign3A = arith.constant 0 : i32
    %sign3A_11 = arith.cmpi sgt, %mul3A_10, %sign3A : i32
    %sign3A_12 = arith.extui %sign3A_11 : i1 to i32
    %sign3A_13 = arith.constant 0 : i32
    %sign3A_14 = arith.cmpi slt, %mul3A_10, %sign3A_13 : i32
    %sign3A_15 = arith.extui %sign3A_14 : i1 to i32
    %sign3A_16 = arith.subi %sign3A_12, %sign3A_15 : i32
    %sign3A_17 = arith.constant 0 : i32
    %sign3A_18 = arith.cmpi sgt, %jit3A, %sign3A_17 : i32
    %sign3A_19 = arith.extui %sign3A_18 : i1 to i32
    %sign3A_20 = arith.constant 0 : i32
    %sign3A_21 = arith.cmpi slt, %jit3A, %sign3A_20 : i32
    %sign3A_22 = arith.extui %sign3A_21 : i1 to i32
    %sign3A_23 = arith.subi %sign3A_19, %sign3A_22 : i32
    %ne3A = arith.cmpi ne, %sign3A_16, %sign3A_23 : i32
    %rem3A = arith.remsi %mul3A_10, %jit3A : i32
    %ne3A_24 = arith.constant 0 : i32
    %ne3A_25 = arith.cmpi ne, %rem3A, %ne3A_24 : i32
    %and3A = arith.andi %ne3A, %ne3A_25 : i1
    %sub3A = arith.constant 1 : i32
    %sub3A_26 = arith.subi %div3A, %sub3A : i32
    %select_n3A = arith.select %and3A, %sub3A_26, %div3A : i32
    %mul3A_27 = arith.constant 8 : i32
    %mul3A_28 = arith.muli %select_n3A, %mul3A_27 : i32
    %sub3A_29 = arith.subi %mul3A_10, %mul3A_28 : i32
    %run_scoped3A_30 = arith.constant 0 : i32
    "tpu.region"() ({
      %run_scoped3A_250 = tpu.sem_alloc : memref<!tpu.dma_semaphore, #tpu.memory_space<semaphore_mem>>
      %dma_start3A_251 = tpu.memref_slice %arg4[%run_scoped3A_30, %mul3A_28] : memref<2x10240xf32, #tpu.memory_space<hbm>> -> memref<1x648xf32, #tpu.memory_space<hbm>>
      %dma_start3A_252 = tpu.memref_squeeze %dma_start3A_251 : memref<1x648xf32, #tpu.memory_space<hbm>> -> memref<648xf32, #tpu.memory_space<hbm>>
      %dma_start3A_253 = tpu.memref_slice %arg4[%run_scoped3A_30, %mul3A_28] : memref<2x10240xf32, #tpu.memory_space<hbm>> -> memref<1x648xf32, #tpu.memory_space<hbm>>
      %dma_start3A_254 = tpu.memref_squeeze %dma_start3A_253 : memref<1x648xf32, #tpu.memory_space<hbm>> -> memref<648xf32, #tpu.memory_space<hbm>>
      tpu.enqueue_dma source(%dma_start3A_254 : memref<648xf32, #tpu.memory_space<hbm>>) target(%arg18 : memref<648xf32, #tpu.memory_space<vmem>>) target_semaphore(%run_scoped3A_250 : memref<!tpu.dma_semaphore, #tpu.memory_space<semaphore_mem>>)
      %dma_wait3A = tpu.memref_slice %arg4[%run_scoped3A_30, %mul3A_28] : memref<2x10240xf32, #tpu.memory_space<hbm>> -> memref<1x648xf32, #tpu.memory_space<hbm>>
      %dma_wait3A_255 = tpu.memref_squeeze %dma_wait3A : memref<1x648xf32, #tpu.memory_space<hbm>> -> memref<648xf32, #tpu.memory_space<hbm>>
      %dma_wait3A_256 = tpu.memref_slice %arg4[%run_scoped3A_30, %mul3A_28] : memref<2x10240xf32, #tpu.memory_space<hbm>> -> memref<1x648xf32, #tpu.memory_space<hbm>>
      %dma_wait3A_257 = tpu.memref_squeeze %dma_wait3A_256 : memref<1x648xf32, #tpu.memory_space<hbm>> -> memref<648xf32, #tpu.memory_space<hbm>>
      tpu.wait_dma2 semaphore(%run_scoped3A_250 : memref<!tpu.dma_semaphore, #tpu.memory_space<semaphore_mem>>) src(%dma_wait3A_257 : memref<648xf32, #tpu.memory_space<hbm>>) dst(%arg18 : memref<648xf32, #tpu.memory_space<vmem>>)
      tpu.yield
    }) : () -> ()
    %run_scoped3A_31 = arith.constant 1 : i32
    "tpu.region"() ({
      %run_scoped3A_250 = tpu.sem_alloc : memref<!tpu.dma_semaphore, #tpu.memory_space<semaphore_mem>>
      %dma_start3A_251 = tpu.memref_slice %arg4[%run_scoped3A_31, %mul3A_28] : memref<2x10240xf32, #tpu.memory_space<hbm>> -> memref<1x648xf32, #tpu.memory_space<hbm>>
      %dma_start3A_252 = tpu.memref_squeeze %dma_start3A_251 : memref<1x648xf32, #tpu.memory_space<hbm>> -> memref<648xf32, #tpu.memory_space<hbm>>
      %dma_start3A_253 = tpu.memref_slice %arg4[%run_scoped3A_31, %mul3A_28] : memref<2x10240xf32, #tpu.memory_space<hbm>> -> memref<1x648xf32, #tpu.memory_space<hbm>>
      %dma_start3A_254 = tpu.memref_squeeze %dma_start3A_253 : memref<1x648xf32, #tpu.memory_space<hbm>> -> memref<648xf32, #tpu.memory_space<hbm>>
      tpu.enqueue_dma source(%dma_start3A_254 : memref<648xf32, #tpu.memory_space<hbm>>) target(%arg19 : memref<648xf32, #tpu.memory_space<vmem>>) target_semaphore(%run_scoped3A_250 : memref<!tpu.dma_semaphore, #tpu.memory_space<semaphore_mem>>)
      %dma_wait3A = tpu.memref_slice %arg4[%run_scoped3A_31, %mul3A_28] : memref<2x10240xf32, #tpu.memory_space<hbm>> -> memref<1x648xf32, #tpu.memory_space<hbm>>
      %dma_wait3A_255 = tpu.memref_squeeze %dma_wait3A : memref<1x648xf32, #tpu.memory_space<hbm>> -> memref<648xf32, #tpu.memory_space<hbm>>
      %dma_wait3A_256 = tpu.memref_slice %arg4[%run_scoped3A_31, %mul3A_28] : memref<2x10240xf32, #tpu.memory_space<hbm>> -> memref<1x648xf32, #tpu.memory_space<hbm>>
      %dma_wait3A_257 = tpu.memref_squeeze %dma_wait3A_256 : memref<1x648xf32, #tpu.memory_space<hbm>> -> memref<648xf32, #tpu.memory_space<hbm>>
      tpu.wait_dma2 semaphore(%run_scoped3A_250 : memref<!tpu.dma_semaphore, #tpu.memory_space<semaphore_mem>>) src(%dma_wait3A_257 : memref<648xf32, #tpu.memory_space<hbm>>) dst(%arg19 : memref<648xf32, #tpu.memory_space<vmem>>)
      tpu.yield
    }) : () -> ()
    %scan3A = arith.constant 0 : i32
    %scan3A_32 = arith.constant 0 : i32
    %scan3A_33 = arith.constant 40 : i32
    %scan3A_34 = arith.addi %scan3A_32, %scan3A_33 : i32
    %scan3A_35 = arith.constant 1 : i32
    scf.for %scan3A_250 = %scan3A_32 to %scan3A_34 step %scan3A_35  : i32 {
      %mul3A_251 = arith.constant 16 : i32
      %mul3A_252 = arith.muli %mul3A_251, %scan3A_250 : i32
      %add3A_253 = arith.addi %sub3A_29, %mul3A_252 : i32
      %get3A_254 = arith.index_cast %add3A_253 : i32 to index
      %get3A_255 = tpu.vector_load %arg18[%get3A_254] {strides = array<i32>} : memref<648xf32, #tpu.memory_space<vmem>>, vector<16xf32>,
      %mul3A_256 = arith.constant 16 : i32
      %mul3A_257 = arith.muli %mul3A_256, %scan3A_250 : i32
      %add3A_258 = arith.addi %sub3A_29, %mul3A_257 : i32
      %get3A_259 = arith.index_cast %add3A_258 : i32 to index
      %get3A_260 = tpu.vector_load %arg19[%get3A_259] {strides = array<i32>} : memref<648xf32, #tpu.memory_space<vmem>>, vector<16xf32>,
      %add3A_261 = arith.addf %get3A_255, %get3A_260 : vector<16xf32>
      %add3A_262 = arith.constant 1.000000e+00 : f32
      %add3A_263 = vector.broadcast %add3A_262 : f32 to vector<16xf32>
      %add3A_264 = arith.addf %add3A_261, %add3A_263 : vector<16xf32>
      %bitcast3A = vector.bitcast %add3A_264 : vector<16xf32> to vector<16xi32>
      %shift_right_logical3A = arith.constant 1 : i32
      %shift_right_logical3A_265 = vector.broadcast %shift_right_logical3A : i32 to vector<16xi32>
      %shift_right_logical3A_266 = arith.shrui %bitcast3A, %shift_right_logical3A_265 : vector<16xi32>
      %sub3A_267 = arith.constant 1597463007 : i32
      %sub3A_268 = vector.broadcast %sub3A_267 : i32 to vector<16xi32>
      %sub3A_269 = arith.subi %sub3A_268, %shift_right_logical3A_266 : vector<16xi32>
      %bitcast3A_270 = vector.bitcast %sub3A_269 : vector<16xi32> to vector<16xf32>
      %mul3A_271 = arith.constant 5.000000e-01 : f32
      %mul3A_272 = vector.broadcast %mul3A_271 : f32 to vector<16xf32>
      %mul3A_273 = arith.mulf %mul3A_272, %add3A_264 : vector<16xf32>
      %mul3A_274 = arith.mulf %mul3A_273, %bitcast3A_270 : vector<16xf32>
      %mul3A_275 = arith.mulf %mul3A_274, %bitcast3A_270 : vector<16xf32>
      %sub3A_276 = arith.constant 1.500000e+00 : f32
      %sub3A_277 = vector.broadcast %sub3A_276 : f32 to vector<16xf32>
      %sub3A_278 = arith.subf %sub3A_277, %mul3A_275 : vector<16xf32>
      %mul3A_279 = arith.mulf %bitcast3A_270, %sub3A_278 : vector<16xf32>
      %mul3A_280 = arith.constant 5.000000e-01 : f32
      %mul3A_281 = vector.broadcast %mul3A_280 : f32 to vector<16xf32>
      %mul3A_282 = arith.mulf %mul3A_281, %add3A_264 : vector<16xf32>
      %mul3A_283 = arith.mulf %mul3A_282, %mul3A_279 : vector<16xf32>
      %mul3A_284 = arith.mulf %mul3A_283, %mul3A_279 : vector<16xf32>
      %sub3A_285 = arith.constant 1.500000e+00 : f32
      %sub3A_286 = vector.broadcast %sub3A_285 : f32 to vector<16xf32>
      %sub3A_287 = arith.subf %sub3A_286, %mul3A_284 : vector<16xf32>
      %mul3A_288 = arith.mulf %mul3A_279, %sub3A_287 : vector<16xf32>
      %mul3A_289 = arith.constant 5.000000e-01 : f32
      %mul3A_290 = vector.broadcast %mul3A_289 : f32 to vector<16xf32>
      %mul3A_291 = arith.mulf %mul3A_290, %add3A_264 : vector<16xf32>
      %mul3A_292 = arith.mulf %mul3A_291, %mul3A_288 : vector<16xf32>
      %mul3A_293 = arith.mulf %mul3A_292, %mul3A_288 : vector<16xf32>
      %sub3A_294 = arith.constant 1.500000e+00 : f32
      %sub3A_295 = vector.broadcast %sub3A_294 : f32 to vector<16xf32>
      %sub3A_296 = arith.subf %sub3A_295, %mul3A_293 : vector<16xf32>
      %mul3A_297 = arith.mulf %mul3A_288, %sub3A_296 : vector<16xf32>
      %mul3A_298 = arith.constant 16 : i32
      %mul3A_299 = arith.muli %mul3A_298, %scan3A_250 : i32
      %swap3A = arith.index_cast %mul3A_299 : i32 to index
      %swap3A_300 = tpu.vector_load %arg20[%swap3A] {strides = array<i32>} : memref<640xf32, #tpu.memory_space<vmem>>, vector<16xf32>,
      tpu.vector_store %arg20[%swap3A], %mul3A_297 {strides = array<i32>} : memref<640xf32, #tpu.memory_space<vmem>>, vector<16xf32>,
    }
    %scan3A_36 = arith.constant 40 : i32
    %scan3A_37 = arith.constant 0 : i32
    %scan3A_38 = arith.constant 0 : i32
    %scan3A_39 = arith.constant 625 : i32
    %scan3A_40 = arith.addi %scan3A_38, %scan3A_39 : i32
    %scan3A_41 = arith.constant 1 : i32
    scf.for %scan3A_250 = %scan3A_38 to %scan3A_40 step %scan3A_41  : i32 {
      %broadcast_in_dim3A = vector.broadcast %scan3A_250 : i32 to vector<16xi32>
      %gather3A = tpu.vector_load_idx %arg20[%broadcast_in_dim3A] : memref<640xf32, #tpu.memory_space<vmem>>[vector<16xi32>], vector<16xf32>,
      %get3A_251 = arith.index_cast %scan3A_250 : i32 to index
      %get3A_252 = arith.constant 0 : index
      %get3A_253 = tpu.vector_load %arg15[%get3A_251, %get3A_252] {strides = array<i32>} : memref<625x16xf32, #tpu.memory_space<vmem>>, vector<16xf32>,
      %get3A_254 = arith.index_cast %scan3A_250 : i32 to index
      %get3A_255 = arith.constant 0 : index
      %get3A_256 = tpu.vector_load %arg16[%get3A_254, %get3A_255] {strides = array<i32>} : memref<625x16xf32, #tpu.memory_space<vmem>>, vector<16xf32>,
      %add3A_257 = arith.addf %get3A_253, %get3A_256 : vector<16xf32>
      %get3A_258 = arith.index_cast %scan3A_250 : i32 to index
      %get3A_259 = arith.constant 0 : index
      %get3A_260 = tpu.vector_load %arg13[%get3A_258, %get3A_259] {strides = array<i32>} : memref<625x16xf32, #tpu.memory_space<vmem>>, vector<16xf32>,
      %mul3A_261 = arith.mulf %get3A_260, %gather3A : vector<16xf32>
      %add3A_262 = arith.addf %add3A_257, %mul3A_261 : vector<16xf32>
      %mul3A_263 = arith.mulf %gather3A, %add3A_262 : vector<16xf32>
      %add3A_264 = arith.addf %mul3A_263, %get3A_8 : vector<16xf32>
      %max3A = arith.constant 0.000000e+00 : f32
      %max3A_265 = vector.broadcast %max3A : f32 to vector<16xf32>
      %max3A_266 = arith.maximumf %add3A_264, %max3A_265 : vector<16xf32>
      %mul3A_267 = arith.mulf %max3A_266, %gather3A : vector<16xf32>
      %swap3A = arith.index_cast %scan3A_250 : i32 to index
      %swap3A_268 = arith.constant 0 : index
      %swap3A_269 = tpu.vector_load %arg13[%swap3A, %swap3A_268] {strides = array<i32>} : memref<625x16xf32, #tpu.memory_space<vmem>>, vector<16xf32>,
      tpu.vector_store %arg13[%swap3A, %swap3A_268], %mul3A_267 {strides = array<i32>} : memref<625x16xf32, #tpu.memory_space<vmem>>, vector<16xf32>,
    }
    %scan3A_42 = arith.constant 625 : i32
    %mul3A_43 = arith.constant 625 : i32
    %mul3A_44 = arith.muli %arg1, %mul3A_43 : i32
    "tpu.region"() ({
      %run_scoped3A_250 = tpu.sem_alloc : memref<!tpu.dma_semaphore, #tpu.memory_space<semaphore_mem>>
      %dma_start3A_251 = arith.constant 0 : i32
      %dma_start3A_252 = tpu.memref_slice %arg9[%mul3A_44, %dma_start3A_251] : memref<10000x16xf32, #tpu.memory_space<vmem_shared>> -> memref<625x16xf32, #tpu.memory_space<vmem_shared>>
      %dma_start3A_253 = arith.constant 0 : i32
      %dma_start3A_254 = tpu.memref_slice %arg9[%mul3A_44, %dma_start3A_253] : memref<10000x16xf32, #tpu.memory_space<vmem_shared>> -> memref<625x16xf32, #tpu.memory_space<vmem_shared>>
      tpu.enqueue_dma source(%arg13 : memref<625x16xf32, #tpu.memory_space<vmem>>) target(%dma_start3A_254 : memref<625x16xf32, #tpu.memory_space<vmem_shared>>) target_semaphore(%run_scoped3A_250 : memref<!tpu.dma_semaphore, #tpu.memory_space<semaphore_mem>>)
      %dma_wait3A = arith.constant 0 : i32
      %dma_wait3A_255 = tpu.memref_slice %arg9[%mul3A_44, %dma_wait3A] : memref<10000x16xf32, #tpu.memory_space<vmem_shared>> -> memref<625x16xf32, #tpu.memory_space<vmem_shared>>
      %dma_wait3A_256 = arith.constant 0 : i32
      %dma_wait3A_257 = tpu.memref_slice %arg9[%mul3A_44, %dma_wait3A_256] : memref<10000x16xf32, #tpu.memory_space<vmem_shared>> -> memref<625x16xf32, #tpu.memory_space<vmem_shared>>
      tpu.wait_dma2 semaphore(%run_scoped3A_250 : memref<!tpu.dma_semaphore, #tpu.memory_space<semaphore_mem>>) src(%arg13 : memref<625x16xf32, #tpu.memory_space<vmem>>) dst(%dma_wait3A_257 : memref<625x16xf32, #tpu.memory_space<vmem_shared>>)
      tpu.yield
    }) : () -> ()
    %scan3A_45 = arith.constant 0 : i32
    %scan3A_46 = arith.constant 0 : i32
    %scan3A_47 = arith.constant 625 : i32
    %scan3A_48 = arith.addi %scan3A_46, %scan3A_47 : i32
    %scan3A_49 = arith.constant 1 : i32
    scf.for %scan3A_250 = %scan3A_46 to %scan3A_48 step %scan3A_49  : i32 {
      %broadcast_in_dim3A = arith.constant 0.000000e+00 : f32
      %broadcast_in_dim3A_251 = vector.broadcast %broadcast_in_dim3A : f32 to vector<16xf32>
      %swap3A = arith.index_cast %scan3A_250 : i32 to index
      %swap3A_252 = arith.constant 0 : index
      %swap3A_253 = tpu.vector_load %arg14[%swap3A, %swap3A_252] {strides = array<i32>} : memref<625x16xf32, #tpu.memory_space<vmem>>, vector<16xf32>,
      tpu.vector_store %arg14[%swap3A, %swap3A_252], %broadcast_in_dim3A_251 {strides = array<i32>} : memref<625x16xf32, #tpu.memory_space<vmem>>, vector<16xf32>,
    }
    %scan3A_50 = arith.constant 625 : i32
    %mul3A_51 = arith.constant 625 : i32
    %mul3A_52 = arith.muli %arg1, %mul3A_51 : i32
    "tpu.region"() ({
      %run_scoped3A_250 = tpu.sem_alloc : memref<!tpu.dma_semaphore, #tpu.memory_space<semaphore_mem>>
      %dma_start3A_251 = arith.constant 0 : i32
      %dma_start3A_252 = tpu.memref_slice %arg8[%mul3A_52, %dma_start3A_251] : memref<10000x16xf32, #tpu.memory_space<vmem_shared>> -> memref<625x16xf32, #tpu.memory_space<vmem_shared>>
      %dma_start3A_253 = arith.constant 0 : i32
      %dma_start3A_254 = tpu.memref_slice %arg8[%mul3A_52, %dma_start3A_253] : memref<10000x16xf32, #tpu.memory_space<vmem_shared>> -> memref<625x16xf32, #tpu.memory_space<vmem_shared>>
      tpu.enqueue_dma source(%arg14 : memref<625x16xf32, #tpu.memory_space<vmem>>) target(%dma_start3A_254 : memref<625x16xf32, #tpu.memory_space<vmem_shared>>) target_semaphore(%run_scoped3A_250 : memref<!tpu.dma_semaphore, #tpu.memory_space<semaphore_mem>>)
      %dma_wait3A = arith.constant 0 : i32
      %dma_wait3A_255 = tpu.memref_slice %arg8[%mul3A_52, %dma_wait3A] : memref<10000x16xf32, #tpu.memory_space<vmem_shared>> -> memref<625x16xf32, #tpu.memory_space<vmem_shared>>
      %dma_wait3A_256 = arith.constant 0 : i32
      %dma_wait3A_257 = tpu.memref_slice %arg8[%mul3A_52, %dma_wait3A_256] : memref<10000x16xf32, #tpu.memory_space<vmem_shared>> -> memref<625x16xf32, #tpu.memory_space<vmem_shared>>
      tpu.wait_dma2 semaphore(%run_scoped3A_250 : memref<!tpu.dma_semaphore, #tpu.memory_space<semaphore_mem>>) src(%arg14 : memref<625x16xf32, #tpu.memory_space<vmem>>) dst(%dma_wait3A_257 : memref<625x16xf32, #tpu.memory_space<vmem_shared>>)
      tpu.yield
    }) : () -> ()
    %lt3A = arith.constant 4 : i32
    %lt3A_53 = arith.cmpi slt, %add3A, %lt3A : i32
    %jit3A_54 = arith.constant 79 : i32
    %jit3A_55 = arith.constant 78 : i32
    %select_n3A_56 = arith.select %lt3A_53, %jit3A_54, %jit3A_55 : i32
    %mul3A_57 = arith.constant 78 : i32
    %mul3A_58 = arith.muli %add3A, %mul3A_57 : i32
    %min3A = arith.constant 4 : i32
    %min3A_59 = arith.minsi %add3A, %min3A : i32
    %add3A_60 = arith.addi %mul3A_58, %min3A_59 : i32
    %lt3A_61 = arith.constant 4 : i32
    %lt3A_62 = arith.cmpi slt, %add3A, %lt3A_61 : i32
    %convert_element_type3A = arith.extui %lt3A_62 : i1 to i32
    %cond3A = arith.constant 0 : i32
    %cond3A_63 = arith.cmpi ne, %convert_element_type3A, %cond3A : i32
    scf.if %cond3A_63 {
      %run_scoped3A_250 = arith.constant 0 : i32
      "tpu.region"() ({
        %run_scoped3A_251 = tpu.sem_alloc : memref<!tpu.dma_semaphore, #tpu.memory_space<semaphore_mem>>
        %dma_start3A_252 = arith.constant 0 : i32
        %dma_start3A_253 = tpu.memref_slice %arg6[%run_scoped3A_250, %add3A_60, %dma_start3A_252] : memref<2x2500x128xi32, #tpu.memory_space<hbm>> -> memref<1x79x128xi32, #tpu.memory_space<hbm>>
        %dma_start3A_254 = tpu.memref_squeeze %dma_start3A_253 : memref<1x79x128xi32, #tpu.memory_space<hbm>> -> memref<79x128xi32, #tpu.memory_space<hbm>>
        %dma_start3A_255 = arith.constant 0 : i32
        %dma_start3A_256 = tpu.memref_slice %arg6[%run_scoped3A_250, %add3A_60, %dma_start3A_255] : memref<2x2500x128xi32, #tpu.memory_space<hbm>> -> memref<1x79x128xi32, #tpu.memory_space<hbm>>
        %dma_start3A_257 = tpu.memref_squeeze %dma_start3A_256 : memref<1x79x128xi32, #tpu.memory_space<hbm>> -> memref<79x128xi32, #tpu.memory_space<hbm>>
        tpu.enqueue_dma source(%dma_start3A_257 : memref<79x128xi32, #tpu.memory_space<hbm>>) target(%arg10 : memref<79x128xi32, #tpu.memory_space<vmem>>) target_semaphore(%run_scoped3A_251 : memref<!tpu.dma_semaphore, #tpu.memory_space<semaphore_mem>>)
        %dma_wait3A = arith.constant 0 : i32
        %dma_wait3A_258 = tpu.memref_slice %arg6[%run_scoped3A_250, %add3A_60, %dma_wait3A] : memref<2x2500x128xi32, #tpu.memory_space<hbm>> -> memref<1x79x128xi32, #tpu.memory_space<hbm>>
        %dma_wait3A_259 = tpu.memref_squeeze %dma_wait3A_258 : memref<1x79x128xi32, #tpu.memory_space<hbm>> -> memref<79x128xi32, #tpu.memory_space<hbm>>
        %dma_wait3A_260 = arith.constant 0 : i32
        %dma_wait3A_261 = tpu.memref_slice %arg6[%run_scoped3A_250, %add3A_60, %dma_wait3A_260] : memref<2x2500x128xi32, #tpu.memory_space<hbm>> -> memref<1x79x128xi32, #tpu.memory_space<hbm>>
        %dma_wait3A_262 = tpu.memref_squeeze %dma_wait3A_261 : memref<1x79x128xi32, #tpu.memory_space<hbm>> -> memref<79x128xi32, #tpu.memory_space<hbm>>
        tpu.wait_dma2 semaphore(%run_scoped3A_251 : memref<!tpu.dma_semaphore, #tpu.memory_space<semaphore_mem>>) src(%dma_wait3A_262 : memref<79x128xi32, #tpu.memory_space<hbm>>) dst(%arg10 : memref<79x128xi32, #tpu.memory_space<vmem>>)
        tpu.yield
      }) : () -> ()
    } else {
    }
    %ge3A = arith.constant 4 : i32
    %ge3A_64 = arith.cmpi sge, %add3A, %ge3A : i32
    %convert_element_type3A_65 = arith.extui %ge3A_64 : i1 to i32
    %cond3A_66 = arith.constant 0 : i32
    %cond3A_67 = arith.cmpi ne, %convert_element_type3A_65, %cond3A_66 : i32
    scf.if %cond3A_67 {
      %run_scoped3A_250 = arith.constant 0 : i32
      "tpu.region"() ({
        %run_scoped3A_251 = tpu.sem_alloc : memref<!tpu.dma_semaphore, #tpu.memory_space<semaphore_mem>>
        %dma_start3A_252 = arith.constant 0 : i32
        %dma_start3A_253 = arith.constant 0 : i32
        %dma_start3A_254 = tpu.memref_slice %arg10[%dma_start3A_252, %dma_start3A_253] : memref<79x128xi32, #tpu.memory_space<vmem>> -> memref<78x128xi32, #tpu.memory_space<vmem>>
        %dma_start3A_255 = arith.constant 0 : i32
        %dma_start3A_256 = tpu.memref_slice %arg6[%run_scoped3A_250, %add3A_60, %dma_start3A_255] : memref<2x2500x128xi32, #tpu.memory_space<hbm>> -> memref<1x78x128xi32, #tpu.memory_space<hbm>>
        %dma_start3A_257 = tpu.memref_squeeze %dma_start3A_256 : memref<1x78x128xi32, #tpu.memory_space<hbm>> -> memref<78x128xi32, #tpu.memory_space<hbm>>
        %dma_start3A_258 = arith.constant 0 : i32
        %dma_start3A_259 = arith.constant 0 : i32
        %dma_start3A_260 = tpu.memref_slice %arg10[%dma_start3A_258, %dma_start3A_259] : memref<79x128xi32, #tpu.memory_space<vmem>> -> memref<78x128xi32, #tpu.memory_space<vmem>>
        %dma_start3A_261 = arith.constant 0 : i32
        %dma_start3A_262 = tpu.memref_slice %arg6[%run_scoped3A_250, %add3A_60, %dma_start3A_261] : memref<2x2500x128xi32, #tpu.memory_space<hbm>> -> memref<1x78x128xi32, #tpu.memory_space<hbm>>
        %dma_start3A_263 = tpu.memref_squeeze %dma_start3A_262 : memref<1x78x128xi32, #tpu.memory_space<hbm>> -> memref<78x128xi32, #tpu.memory_space<hbm>>
        tpu.enqueue_dma source(%dma_start3A_263 : memref<78x128xi32, #tpu.memory_space<hbm>>) target(%dma_start3A_260 : memref<78x128xi32, #tpu.memory_space<vmem>>) target_semaphore(%run_scoped3A_251 : memref<!tpu.dma_semaphore, #tpu.memory_space<semaphore_mem>>)
        %dma_wait3A = arith.constant 0 : i32
        %dma_wait3A_264 = arith.constant 0 : i32
        %dma_wait3A_265 = tpu.memref_slice %arg10[%dma_wait3A, %dma_wait3A_264] : memref<79x128xi32, #tpu.memory_space<vmem>> -> memref<78x128xi32, #tpu.memory_space<vmem>>
        %dma_wait3A_266 = arith.constant 0 : i32
        %dma_wait3A_267 = tpu.memref_slice %arg6[%run_scoped3A_250, %add3A_60, %dma_wait3A_266] : memref<2x2500x128xi32, #tpu.memory_space<hbm>> -> memref<1x78x128xi32, #tpu.memory_space<hbm>>
        %dma_wait3A_268 = tpu.memref_squeeze %dma_wait3A_267 : memref<1x78x128xi32, #tpu.memory_space<hbm>> -> memref<78x128xi32, #tpu.memory_space<hbm>>
        %dma_wait3A_269 = arith.constant 0 : i32
        %dma_wait3A_270 = arith.constant 0 : i32
        %dma_wait3A_271 = tpu.memref_slice %arg10[%dma_wait3A_269, %dma_wait3A_270] : memref<79x128xi32, #tpu.memory_space<vmem>> -> memref<78x128xi32, #tpu.memory_space<vmem>>
        %dma_wait3A_272 = arith.constant 0 : i32
        %dma_wait3A_273 = tpu.memref_slice %arg6[%run_scoped3A_250, %add3A_60, %dma_wait3A_272] : memref<2x2500x128xi32, #tpu.memory_space<hbm>> -> memref<1x78x128xi32, #tpu.memory_space<hbm>>
        %dma_wait3A_274 = tpu.memref_squeeze %dma_wait3A_273 : memref<1x78x128xi32, #tpu.memory_space<hbm>> -> memref<78x128xi32, #tpu.memory_space<hbm>>
        tpu.wait_dma2 semaphore(%run_scoped3A_251 : memref<!tpu.dma_semaphore, #tpu.memory_space<semaphore_mem>>) src(%dma_wait3A_274 : memref<78x128xi32, #tpu.memory_space<hbm>>) dst(%dma_wait3A_271 : memref<78x128xi32, #tpu.memory_space<vmem>>)
        tpu.yield
      }) : () -> ()
    } else {
    }
    %lt3A_68 = arith.constant 4 : i32
    %lt3A_69 = arith.cmpi slt, %add3A, %lt3A_68 : i32
    %jit3A_70 = arith.constant 79 : i32
    %jit3A_71 = arith.constant 78 : i32
    %select_n3A_72 = arith.select %lt3A_69, %jit3A_70, %jit3A_71 : i32
    %mul3A_73 = arith.constant 78 : i32
    %mul3A_74 = arith.muli %add3A, %mul3A_73 : i32
    %min3A_75 = arith.constant 4 : i32
    %min3A_76 = arith.minsi %add3A, %min3A_75 : i32
    %add3A_77 = arith.addi %mul3A_74, %min3A_76 : i32
    %lt3A_78 = arith.constant 4 : i32
    %lt3A_79 = arith.cmpi slt, %add3A, %lt3A_78 : i32
    %convert_element_type3A_80 = arith.extui %lt3A_79 : i1 to i32
    %cond3A_81 = arith.constant 0 : i32
    %cond3A_82 = arith.cmpi ne, %convert_element_type3A_80, %cond3A_81 : i32
    scf.if %cond3A_82 {
      %run_scoped3A_250 = arith.constant 1 : i32
      "tpu.region"() ({
        %run_scoped3A_251 = tpu.sem_alloc : memref<!tpu.dma_semaphore, #tpu.memory_space<semaphore_mem>>
        %dma_start3A_252 = arith.constant 0 : i32
        %dma_start3A_253 = tpu.memref_slice %arg6[%run_scoped3A_250, %add3A_77, %dma_start3A_252] : memref<2x2500x128xi32, #tpu.memory_space<hbm>> -> memref<1x79x128xi32, #tpu.memory_space<hbm>>
        %dma_start3A_254 = tpu.memref_squeeze %dma_start3A_253 : memref<1x79x128xi32, #tpu.memory_space<hbm>> -> memref<79x128xi32, #tpu.memory_space<hbm>>
        %dma_start3A_255 = arith.constant 0 : i32
        %dma_start3A_256 = tpu.memref_slice %arg6[%run_scoped3A_250, %add3A_77, %dma_start3A_255] : memref<2x2500x128xi32, #tpu.memory_space<hbm>> -> memref<1x79x128xi32, #tpu.memory_space<hbm>>
        %dma_start3A_257 = tpu.memref_squeeze %dma_start3A_256 : memref<1x79x128xi32, #tpu.memory_space<hbm>> -> memref<79x128xi32, #tpu.memory_space<hbm>>
        tpu.enqueue_dma source(%dma_start3A_257 : memref<79x128xi32, #tpu.memory_space<hbm>>) target(%arg11 : memref<79x128xi32, #tpu.memory_space<vmem>>) target_semaphore(%run_scoped3A_251 : memref<!tpu.dma_semaphore, #tpu.memory_space<semaphore_mem>>)
        %dma_wait3A = arith.constant 0 : i32
        %dma_wait3A_258 = tpu.memref_slice %arg6[%run_scoped3A_250, %add3A_77, %dma_wait3A] : memref<2x2500x128xi32, #tpu.memory_space<hbm>> -> memref<1x79x128xi32, #tpu.memory_space<hbm>>
        %dma_wait3A_259 = tpu.memref_squeeze %dma_wait3A_258 : memref<1x79x128xi32, #tpu.memory_space<hbm>> -> memref<79x128xi32, #tpu.memory_space<hbm>>
        %dma_wait3A_260 = arith.constant 0 : i32
        %dma_wait3A_261 = tpu.memref_slice %arg6[%run_scoped3A_250, %add3A_77, %dma_wait3A_260] : memref<2x2500x128xi32, #tpu.memory_space<hbm>> -> memref<1x79x128xi32, #tpu.memory_space<hbm>>
        %dma_wait3A_262 = tpu.memref_squeeze %dma_wait3A_261 : memref<1x79x128xi32, #tpu.memory_space<hbm>> -> memref<79x128xi32, #tpu.memory_space<hbm>>
        tpu.wait_dma2 semaphore(%run_scoped3A_251 : memref<!tpu.dma_semaphore, #tpu.memory_space<semaphore_mem>>) src(%dma_wait3A_262 : memref<79x128xi32, #tpu.memory_space<hbm>>) dst(%arg11 : memref<79x128xi32, #tpu.memory_space<vmem>>)
        tpu.yield
      }) : () -> ()
    } else {
    }
    %ge3A_83 = arith.constant 4 : i32
    %ge3A_84 = arith.cmpi sge, %add3A, %ge3A_83 : i32
    %convert_element_type3A_85 = arith.extui %ge3A_84 : i1 to i32
    %cond3A_86 = arith.constant 0 : i32
    %cond3A_87 = arith.cmpi ne, %convert_element_type3A_85, %cond3A_86 : i32
    scf.if %cond3A_87 {
      %run_scoped3A_250 = arith.constant 1 : i32
      "tpu.region"() ({
        %run_scoped3A_251 = tpu.sem_alloc : memref<!tpu.dma_semaphore, #tpu.memory_space<semaphore_mem>>
        %dma_start3A_252 = arith.constant 0 : i32
        %dma_start3A_253 = arith.constant 0 : i32
        %dma_start3A_254 = tpu.memref_slice %arg11[%dma_start3A_252, %dma_start3A_253] : memref<79x128xi32, #tpu.memory_space<vmem>> -> memref<78x128xi32, #tpu.memory_space<vmem>>
        %dma_start3A_255 = arith.constant 0 : i32
        %dma_start3A_256 = tpu.memref_slice %arg6[%run_scoped3A_250, %add3A_77, %dma_start3A_255] : memref<2x2500x128xi32, #tpu.memory_space<hbm>> -> memref<1x78x128xi32, #tpu.memory_space<hbm>>
        %dma_start3A_257 = tpu.memref_squeeze %dma_start3A_256 : memref<1x78x128xi32, #tpu.memory_space<hbm>> -> memref<78x128xi32, #tpu.memory_space<hbm>>
        %dma_start3A_258 = arith.constant 0 : i32
        %dma_start3A_259 = arith.constant 0 : i32
        %dma_start3A_260 = tpu.memref_slice %arg11[%dma_start3A_258, %dma_start3A_259] : memref<79x128xi32, #tpu.memory_space<vmem>> -> memref<78x128xi32, #tpu.memory_space<vmem>>
        %dma_start3A_261 = arith.constant 0 : i32
        %dma_start3A_262 = tpu.memref_slice %arg6[%run_scoped3A_250, %add3A_77, %dma_start3A_261] : memref<2x2500x128xi32, #tpu.memory_space<hbm>> -> memref<1x78x128xi32, #tpu.memory_space<hbm>>
        %dma_start3A_263 = tpu.memref_squeeze %dma_start3A_262 : memref<1x78x128xi32, #tpu.memory_space<hbm>> -> memref<78x128xi32, #tpu.memory_space<hbm>>
        tpu.enqueue_dma source(%dma_start3A_263 : memref<78x128xi32, #tpu.memory_space<hbm>>) target(%dma_start3A_260 : memref<78x128xi32, #tpu.memory_space<vmem>>) target_semaphore(%run_scoped3A_251 : memref<!tpu.dma_semaphore, #tpu.memory_space<semaphore_mem>>)
        %dma_wait3A = arith.constant 0 : i32
        %dma_wait3A_264 = arith.constant 0 : i32
        %dma_wait3A_265 = tpu.memref_slice %arg11[%dma_wait3A, %dma_wait3A_264] : memref<79x128xi32, #tpu.memory_space<vmem>> -> memref<78x128xi32, #tpu.memory_space<vmem>>
        %dma_wait3A_266 = arith.constant 0 : i32
        %dma_wait3A_267 = tpu.memref_slice %arg6[%run_scoped3A_250, %add3A_77, %dma_wait3A_266] : memref<2x2500x128xi32, #tpu.memory_space<hbm>> -> memref<1x78x128xi32, #tpu.memory_space<hbm>>
        %dma_wait3A_268 = tpu.memref_squeeze %dma_wait3A_267 : memref<1x78x128xi32, #tpu.memory_space<hbm>> -> memref<78x128xi32, #tpu.memory_space<hbm>>
        %dma_wait3A_269 = arith.constant 0 : i32
        %dma_wait3A_270 = arith.constant 0 : i32
        %dma_wait3A_271 = tpu.memref_slice %arg11[%dma_wait3A_269, %dma_wait3A_270] : memref<79x128xi32, #tpu.memory_space<vmem>> -> memref<78x128xi32, #tpu.memory_space<vmem>>
        %dma_wait3A_272 = arith.constant 0 : i32
        %dma_wait3A_273 = tpu.memref_slice %arg6[%run_scoped3A_250, %add3A_77, %dma_wait3A_272] : memref<2x2500x128xi32, #tpu.memory_space<hbm>> -> memref<1x78x128xi32, #tpu.memory_space<hbm>>
        %dma_wait3A_274 = tpu.memref_squeeze %dma_wait3A_273 : memref<1x78x128xi32, #tpu.memory_space<hbm>> -> memref<78x128xi32, #tpu.memory_space<hbm>>
        tpu.wait_dma2 semaphore(%run_scoped3A_251 : memref<!tpu.dma_semaphore, #tpu.memory_space<semaphore_mem>>) src(%dma_wait3A_274 : memref<78x128xi32, #tpu.memory_space<hbm>>) dst(%dma_wait3A_271 : memref<78x128xi32, #tpu.memory_space<vmem>>)
        tpu.yield
      }) : () -> ()
    } else {
    }
    %barrier3A = arith.constant 0 : index
    tpu.barrier barrier_id(%barrier3A)
    %lt3A_88 = arith.constant 4 : i32
    %lt3A_89 = arith.cmpi slt, %add3A, %lt3A_88 : i32
    %jit3A_90 = arith.constant 79 : i32
    %jit3A_91 = arith.constant 78 : i32
    %select_n3A_92 = arith.select %lt3A_89, %jit3A_90, %jit3A_91 : i32
    %mul3A_93 = arith.constant 78 : i32
    %mul3A_94 = arith.muli %add3A, %mul3A_93 : i32
    %min3A_95 = arith.constant 4 : i32
    %min3A_96 = arith.minsi %add3A, %min3A_95 : i32
    %add3A_97 = arith.addi %mul3A_94, %min3A_96 : i32
    %jit3A_98 = arith.constant 8 : i32
    %div3A_99 = arith.divsi %select_n3A_92, %jit3A_98 : i32
    %sign3A_100 = arith.constant 0 : i32
    %sign3A_101 = arith.cmpi sgt, %select_n3A_92, %sign3A_100 : i32
    %sign3A_102 = arith.extui %sign3A_101 : i1 to i32
    %sign3A_103 = arith.constant 0 : i32
    %sign3A_104 = arith.cmpi slt, %select_n3A_92, %sign3A_103 : i32
    %sign3A_105 = arith.extui %sign3A_104 : i1 to i32
    %sign3A_106 = arith.subi %sign3A_102, %sign3A_105 : i32
    %sign3A_107 = arith.constant 0 : i32
    %sign3A_108 = arith.cmpi sgt, %jit3A_98, %sign3A_107 : i32
    %sign3A_109 = arith.extui %sign3A_108 : i1 to i32
    %sign3A_110 = arith.constant 0 : i32
    %sign3A_111 = arith.cmpi slt, %jit3A_98, %sign3A_110 : i32
    %sign3A_112 = arith.extui %sign3A_111 : i1 to i32
    %sign3A_113 = arith.subi %sign3A_109, %sign3A_112 : i32
    %ne3A_114 = arith.cmpi ne, %sign3A_106, %sign3A_113 : i32
    %rem3A_115 = arith.remsi %select_n3A_92, %jit3A_98 : i32
    %ne3A_116 = arith.constant 0 : i32
    %ne3A_117 = arith.cmpi ne, %rem3A_115, %ne3A_116 : i32
    %and3A_118 = arith.andi %ne3A_114, %ne3A_117 : i1
    %sub3A_119 = arith.constant 1 : i32
    %sub3A_120 = arith.subi %div3A_99, %sub3A_119 : i32
    %select_n3A_121 = arith.select %and3A_118, %sub3A_120, %div3A_99 : i32
    %dma_start3A = arith.constant 0 : i32
    %dma_start3A_122 = arith.constant 0 : i32
    %dma_start3A_123 = arith.constant 0 : i32
    %dma_start3A_124 = arith.constant 0 : i32
    %dma_start3A_125 = arith.constant 0 : i32
    %dma_start3A_126 = tpu.memref_slice %arg12[%dma_start3A_122, %dma_start3A_123, %dma_start3A_124, %dma_start3A_125] : memref<2x8x128x16xf32, #tpu.memory_space<vmem>> -> memref<1x1x128x16xf32, #tpu.memory_space<vmem>>
    %dma_start3A_127 = tpu.memref_squeeze %dma_start3A_126 : memref<1x1x128x16xf32, #tpu.memory_space<vmem>> -> memref<128x16xf32, #tpu.memory_space<vmem>>
    %dma_start3A_128 = arith.constant 0 : i32
    %dma_start3A_129 = tpu.memref_slice %arg10[%dma_start3A, %dma_start3A_128] : memref<79x128xi32, #tpu.memory_space<vmem>> -> memref<1x128xi32, #tpu.memory_space<vmem>>
    %dma_start3A_130 = tpu.memref_squeeze %dma_start3A_129 : memref<1x128xi32, #tpu.memory_space<vmem>> -> memref<128xi32, #tpu.memory_space<vmem>>
    %dma_start3A_131 = arith.constant 0 : i32
    %dma_start3A_132 = arith.constant 0 : i32
    %dma_start3A_133 = tpu.memref_slice %arg9[%dma_start3A_131, %dma_start3A_132] : memref<10000x16xf32, #tpu.memory_space<vmem_shared>> -> memref<10000x16xf32, #tpu.memory_space<vmem_shared>>
    tpu.enqueue_indirect_dma source(%dma_start3A_133 : memref<10000x16xf32, #tpu.memory_space<vmem_shared>>) target(%dma_start3A_127 : memref<128x16xf32, #tpu.memory_space<vmem>>) offsets(%dma_start3A_130 : memref<128xi32, #tpu.memory_space<vmem>>) semaphore(%arg21 : memref<!tpu.dma_semaphore, #tpu.memory_space<semaphore_mem>>)
    %dma_start3A_134 = arith.constant 1 : i32
    %dma_start3A_135 = arith.constant 0 : i32
    %dma_start3A_136 = arith.constant 1 : i32
    %dma_start3A_137 = arith.constant 0 : i32
    %dma_start3A_138 = arith.constant 0 : i32
    %dma_start3A_139 = tpu.memref_slice %arg12[%dma_start3A_135, %dma_start3A_136, %dma_start3A_137, %dma_start3A_138] : memref<2x8x128x16xf32, #tpu.memory_space<vmem>> -> memref<1x1x128x16xf32, #tpu.memory_space<vmem>>
    %dma_start3A_140 = tpu.memref_squeeze %dma_start3A_139 : memref<1x1x128x16xf32, #tpu.memory_space<vmem>> -> memref<128x16xf32, #tpu.memory_space<vmem>>
    %dma_start3A_141 = arith.constant 0 : i32
    %dma_start3A_142 = tpu.memref_slice %arg10[%dma_start3A_134, %dma_start3A_141] : memref<79x128xi32, #tpu.memory_space<vmem>> -> memref<1x128xi32, #tpu.memory_space<vmem>>
    %dma_start3A_143 = tpu.memref_squeeze %dma_start3A_142 : memref<1x128xi32, #tpu.memory_space<vmem>> -> memref<128xi32, #tpu.memory_space<vmem>>
    %dma_start3A_144 = arith.constant 0 : i32
    %dma_start3A_145 = arith.constant 0 : i32
    %dma_start3A_146 = tpu.memref_slice %arg9[%dma_start3A_144, %dma_start3A_145] : memref<10000x16xf32, #tpu.memory_space<vmem_shared>> -> memref<10000x16xf32, #tpu.memory_space<vmem_shared>>
    tpu.enqueue_indirect_dma source(%dma_start3A_146 : memref<10000x16xf32, #tpu.memory_space<vmem_shared>>) target(%dma_start3A_140 : memref<128x16xf32, #tpu.memory_space<vmem>>) offsets(%dma_start3A_143 : memref<128xi32, #tpu.memory_space<vmem>>) semaphore(%arg21 : memref<!tpu.dma_semaphore, #tpu.memory_space<semaphore_mem>>)
    %dma_start3A_147 = arith.constant 2 : i32
    %dma_start3A_148 = arith.constant 0 : i32
    %dma_start3A_149 = arith.constant 2 : i32
    %dma_start3A_150 = arith.constant 0 : i32
    %dma_start3A_151 = arith.constant 0 : i32
    %dma_start3A_152 = tpu.memref_slice %arg12[%dma_start3A_148, %dma_start3A_149, %dma_start3A_150, %dma_start3A_151] : memref<2x8x128x16xf32, #tpu.memory_space<vmem>> -> memref<1x1x128x16xf32, #tpu.memory_space<vmem>>
    %dma_start3A_153 = tpu.memref_squeeze %dma_start3A_152 : memref<1x1x128x16xf32, #tpu.memory_space<vmem>> -> memref<128x16xf32, #tpu.memory_space<vmem>>
    %dma_start3A_154 = arith.constant 0 : i32
    %dma_start3A_155 = tpu.memref_slice %arg10[%dma_start3A_147, %dma_start3A_154] : memref<79x128xi32, #tpu.memory_space<vmem>> -> memref<1x128xi32, #tpu.memory_space<vmem>>
    %dma_start3A_156 = tpu.memref_squeeze %dma_start3A_155 : memref<1x128xi32, #tpu.memory_space<vmem>> -> memref<128xi32, #tpu.memory_space<vmem>>
    %dma_start3A_157 = arith.constant 0 : i32
    %dma_start3A_158 = arith.constant 0 : i32
    %dma_start3A_159 = tpu.memref_slice %arg9[%dma_start3A_157, %dma_start3A_158] : memref<10000x16xf32, #tpu.memory_space<vmem_shared>> -> memref<10000x16xf32, #tpu.memory_space<vmem_shared>>
    tpu.enqueue_indirect_dma source(%dma_start3A_159 : memref<10000x16xf32, #tpu.memory_space<vmem_shared>>) target(%dma_start3A_153 : memref<128x16xf32, #tpu.memory_space<vmem>>) offsets(%dma_start3A_156 : memref<128xi32, #tpu.memory_space<vmem>>) semaphore(%arg21 : memref<!tpu.dma_semaphore, #tpu.memory_space<semaphore_mem>>)
    %dma_start3A_160 = arith.constant 3 : i32
    %dma_start3A_161 = arith.constant 0 : i32
    %dma_start3A_162 = arith.constant 3 : i32
    %dma_start3A_163 = arith.constant 0 : i32
    %dma_start3A_164 = arith.constant 0 : i32
    %dma_start3A_165 = tpu.memref_slice %arg12[%dma_start3A_161, %dma_start3A_162, %dma_start3A_163, %dma_start3A_164] : memref<2x8x128x16xf32, #tpu.memory_space<vmem>> -> memref<1x1x128x16xf32, #tpu.memory_space<vmem>>
    %dma_start3A_166 = tpu.memref_squeeze %dma_start3A_165 : memref<1x1x128x16xf32, #tpu.memory_space<vmem>> -> memref<128x16xf32, #tpu.memory_space<vmem>>
    %dma_start3A_167 = arith.constant 0 : i32
    %dma_start3A_168 = tpu.memref_slice %arg10[%dma_start3A_160, %dma_start3A_167] : memref<79x128xi32, #tpu.memory_space<vmem>> -> memref<1x128xi32, #tpu.memory_space<vmem>>
    %dma_start3A_169 = tpu.memref_squeeze %dma_start3A_168 : memref<1x128xi32, #tpu.memory_space<vmem>> -> memref<128xi32, #tpu.memory_space<vmem>>
    %dma_start3A_170 = arith.constant 0 : i32
    %dma_start3A_171 = arith.constant 0 : i32
    %dma_start3A_172 = tpu.memref_slice %arg9[%dma_start3A_170, %dma_start3A_171] : memref<10000x16xf32, #tpu.memory_space<vmem_shared>> -> memref<10000x16xf32, #tpu.memory_space<vmem_shared>>
    tpu.enqueue_indirect_dma source(%dma_start3A_172 : memref<10000x16xf32, #tpu.memory_space<vmem_shared>>) target(%dma_start3A_166 : memref<128x16xf32, #tpu.memory_space<vmem>>) offsets(%dma_start3A_169 : memref<128xi32, #tpu.memory_space<vmem>>) semaphore(%arg21 : memref<!tpu.dma_semaphore, #tpu.memory_space<semaphore_mem>>)
    %dma_start3A_173 = arith.constant 4 : i32
    %dma_start3A_174 = arith.constant 0 : i32
    %dma_start3A_175 = arith.constant 4 : i32
    %dma_start3A_176 = arith.constant 0 : i32
    %dma_start3A_177 = arith.constant 0 : i32
    %dma_start3A_178 = tpu.memref_slice %arg12[%dma_start3A_174, %dma_start3A_175, %dma_start3A_176, %dma_start3A_177] : memref<2x8x128x16xf32, #tpu.memory_space<vmem>> -> memref<1x1x128x16xf32, #tpu.memory_space<vmem>>
    %dma_start3A_179 = tpu.memref_squeeze %dma_start3A_178 : memref<1x1x128x16xf32, #tpu.memory_space<vmem>> -> memref<128x16xf32, #tpu.memory_space<vmem>>
    %dma_start3A_180 = arith.constant 0 : i32
    %dma_start3A_181 = tpu.memref_slice %arg10[%dma_start3A_173, %dma_start3A_180] : memref<79x128xi32, #tpu.memory_space<vmem>> -> memref<1x128xi32, #tpu.memory_space<vmem>>
    %dma_start3A_182 = tpu.memref_squeeze %dma_start3A_181 : memref<1x128xi32, #tpu.memory_space<vmem>> -> memref<128xi32, #tpu.memory_space<vmem>>
    %dma_start3A_183 = arith.constant 0 : i32
    %dma_start3A_184 = arith.constant 0 : i32
    %dma_start3A_185 = tpu.memref_slice %arg9[%dma_start3A_183, %dma_start3A_184] : memref<10000x16xf32, #tpu.memory_space<vmem_shared>> -> memref<10000x16xf32, #tpu.memory_space<vmem_shared>>
    tpu.enqueue_indirect_dma source(%dma_start3A_185 : memref<10000x16xf32, #tpu.memory_space<vmem_shared>>) target(%dma_start3A_179 : memref<128x16xf32, #tpu.memory_space<vmem>>) offsets(%dma_start3A_182 : memref<128xi32, #tpu.memory_space<vmem>>) semaphore(%arg21 : memref<!tpu.dma_semaphore, #tpu.memory_space<semaphore_mem>>)
    %dma_start3A_186 = arith.constant 5 : i32
    %dma_start3A_187 = arith.constant 0 : i32
    %dma_start3A_188 = arith.constant 5 : i32
    %dma_start3A_189 = arith.constant 0 : i32
    %dma_start3A_190 = arith.constant 0 : i32
    %dma_start3A_191 = tpu.memref_slice %arg12[%dma_start3A_187, %dma_start3A_188, %dma_start3A_189, %dma_start3A_190] : memref<2x8x128x16xf32, #tpu.memory_space<vmem>> -> memref<1x1x128x16xf32, #tpu.memory_space<vmem>>
    %dma_start3A_192 = tpu.memref_squeeze %dma_start3A_191 : memref<1x1x128x16xf32, #tpu.memory_space<vmem>> -> memref<128x16xf32, #tpu.memory_space<vmem>>
    %dma_start3A_193 = arith.constant 0 : i32
    %dma_start3A_194 = tpu.memref_slice %arg10[%dma_start3A_186, %dma_start3A_193] : memref<79x128xi32, #tpu.memory_space<vmem>> -> memref<1x128xi32, #tpu.memory_space<vmem>>
    %dma_start3A_195 = tpu.memref_squeeze %dma_start3A_194 : memref<1x128xi32, #tpu.memory_space<vmem>> -> memref<128xi32, #tpu.memory_space<vmem>>
    %dma_start3A_196 = arith.constant 0 : i32
    %dma_start3A_197 = arith.constant 0 : i32
    %dma_start3A_198 = tpu.memref_slice %arg9[%dma_start3A_196, %dma_start3A_197] : memref<10000x16xf32, #tpu.memory_space<vmem_shared>> -> memref<10000x16xf32, #tpu.memory_space<vmem_shared>>
    tpu.enqueue_indirect_dma source(%dma_start3A_198 : memref<10000x16xf32, #tpu.memory_space<vmem_shared>>) target(%dma_start3A_192 : memref<128x16xf32, #tpu.memory_space<vmem>>) offsets(%dma_start3A_195 : memref<128xi32, #tpu.memory_space<vmem>>) semaphore(%arg21 : memref<!tpu.dma_semaphore, #tpu.memory_space<semaphore_mem>>)
    %dma_start3A_199 = arith.constant 6 : i32
    %dma_start3A_200 = arith.constant 0 : i32
    %dma_start3A_201 = arith.constant 6 : i32
    %dma_start3A_202 = arith.constant 0 : i32
    %dma_start3A_203 = arith.constant 0 : i32
    %dma_start3A_204 = tpu.memref_slice %arg12[%dma_start3A_200, %dma_start3A_201, %dma_start3A_202, %dma_start3A_203] : memref<2x8x128x16xf32, #tpu.memory_space<vmem>> -> memref<1x1x128x16xf32, #tpu.memory_space<vmem>>
    %dma_start3A_205 = tpu.memref_squeeze %dma_start3A_204 : memref<1x1x128x16xf32, #tpu.memory_space<vmem>> -> memref<128x16xf32, #tpu.memory_space<vmem>>
    %dma_start3A_206 = arith.constant 0 : i32
    %dma_start3A_207 = tpu.memref_slice %arg10[%dma_start3A_199, %dma_start3A_206] : memref<79x128xi32, #tpu.memory_space<vmem>> -> memref<1x128xi32, #tpu.memory_space<vmem>>
    %dma_start3A_208 = tpu.memref_squeeze %dma_start3A_207 : memref<1x128xi32, #tpu.memory_space<vmem>> -> memref<128xi32, #tpu.memory_space<vmem>>
    %dma_start3A_209 = arith.constant 0 : i32
    %dma_start3A_210 = arith.constant 0 : i32
    %dma_start3A_211 = tpu.memref_slice %arg9[%dma_start3A_209, %dma_start3A_210] : memref<10000x16xf32, #tpu.memory_space<vmem_shared>> -> memref<10000x16xf32, #tpu.memory_space<vmem_shared>>
    tpu.enqueue_indirect_dma source(%dma_start3A_211 : memref<10000x16xf32, #tpu.memory_space<vmem_shared>>) target(%dma_start3A_205 : memref<128x16xf32, #tpu.memory_space<vmem>>) offsets(%dma_start3A_208 : memref<128xi32, #tpu.memory_space<vmem>>) semaphore(%arg21 : memref<!tpu.dma_semaphore, #tpu.memory_space<semaphore_mem>>)
    %dma_start3A_212 = arith.constant 7 : i32
    %dma_start3A_213 = arith.constant 0 : i32
    %dma_start3A_214 = arith.constant 7 : i32
    %dma_start3A_215 = arith.constant 0 : i32
    %dma_start3A_216 = arith.constant 0 : i32
    %dma_start3A_217 = tpu.memref_slice %arg12[%dma_start3A_213, %dma_start3A_214, %dma_start3A_215, %dma_start3A_216] : memref<2x8x128x16xf32, #tpu.memory_space<vmem>> -> memref<1x1x128x16xf32, #tpu.memory_space<vmem>>
    %dma_start3A_218 = tpu.memref_squeeze %dma_start3A_217 : memref<1x1x128x16xf32, #tpu.memory_space<vmem>> -> memref<128x16xf32, #tpu.memory_space<vmem>>
    %dma_start3A_219 = arith.constant 0 : i32
    %dma_start3A_220 = tpu.memref_slice %arg10[%dma_start3A_212, %dma_start3A_219] : memref<79x128xi32, #tpu.memory_space<vmem>> -> memref<1x128xi32, #tpu.memory_space<vmem>>
    %dma_start3A_221 = tpu.memref_squeeze %dma_start3A_220 : memref<1x128xi32, #tpu.memory_space<vmem>> -> memref<128xi32, #tpu.memory_space<vmem>>
    %dma_start3A_222 = arith.constant 0 : i32
    %dma_start3A_223 = arith.constant 0 : i32
    %dma_start3A_224 = tpu.memref_slice %arg9[%dma_start3A_222, %dma_start3A_223] : memref<10000x16xf32, #tpu.memory_space<vmem_shared>> -> memref<10000x16xf32, #tpu.memory_space<vmem_shared>>
    tpu.enqueue_indirect_dma source(%dma_start3A_224 : memref<10000x16xf32, #tpu.memory_space<vmem_shared>>) target(%dma_start3A_218 : memref<128x16xf32, #tpu.memory_space<vmem>>) offsets(%dma_start3A_221 : memref<128xi32, #tpu.memory_space<vmem>>) semaphore(%arg21 : memref<!tpu.dma_semaphore, #tpu.memory_space<semaphore_mem>>)
    %while3A = arith.constant 0 : i32
    %while3A_225 = arith.constant 0 : i32
    %while3A_226 = arith.subi %select_n3A_121, %while3A_225 : i32
    %while3A_227 = arith.addi %while3A_225, %while3A_226 : i32
    %while3A_228 = arith.constant 1 : i32
    %while3A_229 = arith.divsi %while3A_226, %while3A_228 : i32
    %while3A_230 = arith.muli %while3A_229, %while3A_228 : i32
    %while3A_231 = arith.addi %while3A_225, %while3A_230 : i32
    %while3A_232 = arith.constant 1 : i32
    scf.for %while3A_250 = %while3A_225 to %while3A_231 step %while3A_232  : i32 {
      %mul3A_251 = arith.constant 8 : i32
      %mul3A_252 = arith.muli %while3A_250, %mul3A_251 : i32
      %rem3A_253 = arith.constant 2 : i32
      %rem3A_254 = arith.remsi %while3A_250, %rem3A_253 : i32
      %dma_wait3A = arith.constant 0 : i32
      %dma_wait3A_255 = arith.constant 0 : i32
      %dma_wait3A_256 = arith.constant 0 : i32
      %dma_wait3A_257 = arith.constant 0 : i32
      %dma_wait3A_258 = tpu.memref_slice %arg12[%rem3A_254, %dma_wait3A_255, %dma_wait3A_256, %dma_wait3A_257] : memref<2x8x128x16xf32, #tpu.memory_space<vmem>> -> memref<1x1x128x16xf32, #tpu.memory_space<vmem>>
      %dma_wait3A_259 = tpu.memref_squeeze %dma_wait3A_258 : memref<1x1x128x16xf32, #tpu.memory_space<vmem>> -> memref<128x16xf32, #tpu.memory_space<vmem>>
      %dma_wait3A_260 = arith.constant 0 : i32
      %dma_wait3A_261 = tpu.memref_slice %arg10[%dma_wait3A, %dma_wait3A_260] : memref<79x128xi32, #tpu.memory_space<vmem>> -> memref<1x128xi32, #tpu.memory_space<vmem>>
      %dma_wait3A_262 = tpu.memref_squeeze %dma_wait3A_261 : memref<1x128xi32, #tpu.memory_space<vmem>> -> memref<128xi32, #tpu.memory_space<vmem>>
      %dma_wait3A_263 = arith.constant 0 : i32
      %dma_wait3A_264 = arith.constant 0 : i32
      %dma_wait3A_265 = tpu.memref_slice %arg9[%dma_wait3A_263, %dma_wait3A_264] : memref<10000x16xf32, #tpu.memory_space<vmem_shared>> -> memref<10000x16xf32, #tpu.memory_space<vmem_shared>>
      tpu.wait_indirect_dma semaphore(%arg21 : memref<!tpu.dma_semaphore, #tpu.memory_space<semaphore_mem>>) src(%dma_wait3A_265 : memref<10000x16xf32, #tpu.memory_space<vmem_shared>>) dst(%dma_wait3A_259 : memref<128x16xf32, #tpu.memory_space<vmem>>)
      %dma_wait3A_266 = arith.constant 0 : i32
      %dma_wait3A_267 = arith.constant 1 : i32
      %dma_wait3A_268 = arith.constant 0 : i32
      %dma_wait3A_269 = arith.constant 0 : i32
      %dma_wait3A_270 = tpu.memref_slice %arg12[%rem3A_254, %dma_wait3A_267, %dma_wait3A_268, %dma_wait3A_269] : memref<2x8x128x16xf32, #tpu.memory_space<vmem>> -> memref<1x1x128x16xf32, #tpu.memory_space<vmem>>
      %dma_wait3A_271 = tpu.memref_squeeze %dma_wait3A_270 : memref<1x1x128x16xf32, #tpu.memory_space<vmem>> -> memref<128x16xf32, #tpu.memory_space<vmem>>
      %dma_wait3A_272 = arith.constant 0 : i32
      %dma_wait3A_273 = tpu.memref_slice %arg10[%dma_wait3A_266, %dma_wait3A_272] : memref<79x128xi32, #tpu.memory_space<vmem>> -> memref<1x128xi32, #tpu.memory_space<vmem>>
      %dma_wait3A_274 = tpu.memref_squeeze %dma_wait3A_273 : memref<1x128xi32, #tpu.memory_space<vmem>> -> memref<128xi32, #tpu.memory_space<vmem>>
      %dma_wait3A_275 = arith.constant 0 : i32
      %dma_wait3A_276 = arith.constant 0 : i32
      %dma_wait3A_277 = tpu.memref_slice %arg9[%dma_wait3A_275, %dma_wait3A_276] : memref<10000x16xf32, #tpu.memory_space<vmem_shared>> -> memref<10000x16xf32, #tpu.memory_space<vmem_shared>>
      tpu.wait_indirect_dma semaphore(%arg21 : memref<!tpu.dma_semaphore, #tpu.memory_space<semaphore_mem>>) src(%dma_wait3A_277 : memref<10000x16xf32, #tpu.memory_space<vmem_shared>>) dst(%dma_wait3A_271 : memref<128x16xf32, #tpu.memory_space<vmem>>)
      %dma_wait3A_278 = arith.constant 0 : i32
      %dma_wait3A_279 = arith.constant 2 : i32
      %dma_wait3A_280 = arith.constant 0 : i32
      %dma_wait3A_281 = arith.constant 0 : i32
      %dma_wait3A_282 = tpu.memref_slice %arg12[%rem3A_254, %dma_wait3A_279, %dma_wait3A_280, %dma_wait3A_281] : memref<2x8x128x16xf32, #tpu.memory_space<vmem>> -> memref<1x1x128x16xf32, #tpu.memory_space<vmem>>
      %dma_wait3A_283 = tpu.memref_squeeze %dma_wait3A_282 : memref<1x1x128x16xf32, #tpu.memory_space<vmem>> -> memref<128x16xf32, #tpu.memory_space<vmem>>
      %dma_wait3A_284 = arith.constant 0 : i32
      %dma_wait3A_285 = tpu.memref_slice %arg10[%dma_wait3A_278, %dma_wait3A_284] : memref<79x128xi32, #tpu.memory_space<vmem>> -> memref<1x128xi32, #tpu.memory_space<vmem>>
      %dma_wait3A_286 = tpu.memref_squeeze %dma_wait3A_285 : memref<1x128xi32, #tpu.memory_space<vmem>> -> memref<128xi32, #tpu.memory_space<vmem>>
      %dma_wait3A_287 = arith.constant 0 : i32
      %dma_wait3A_288 = arith.constant 0 : i32
      %dma_wait3A_289 = tpu.memref_slice %arg9[%dma_wait3A_287, %dma_wait3A_288] : memref<10000x16xf32, #tpu.memory_space<vmem_shared>> -> memref<10000x16xf32, #tpu.memory_space<vmem_shared>>
      tpu.wait_indirect_dma semaphore(%arg21 : memref<!tpu.dma_semaphore, #tpu.memory_space<semaphore_mem>>) src(%dma_wait3A_289 : memref<10000x16xf32, #tpu.memory_space<vmem_shared>>) dst(%dma_wait3A_283 : memref<128x16xf32, #tpu.memory_space<vmem>>)
      %dma_wait3A_290 = arith.constant 0 : i32
      %dma_wait3A_291 = arith.constant 3 : i32
      %dma_wait3A_292 = arith.constant 0 : i32
      %dma_wait3A_293 = arith.constant 0 : i32
      %dma_wait3A_294 = tpu.memref_slice %arg12[%rem3A_254, %dma_wait3A_291, %dma_wait3A_292, %dma_wait3A_293] : memref<2x8x128x16xf32, #tpu.memory_space<vmem>> -> memref<1x1x128x16xf32, #tpu.memory_space<vmem>>
      %dma_wait3A_295 = tpu.memref_squeeze %dma_wait3A_294 : memref<1x1x128x16xf32, #tpu.memory_space<vmem>> -> memref<128x16xf32, #tpu.memory_space<vmem>>
      %dma_wait3A_296 = arith.constant 0 : i32
      %dma_wait3A_297 = tpu.memref_slice %arg10[%dma_wait3A_290, %dma_wait3A_296] : memref<79x128xi32, #tpu.memory_space<vmem>> -> memref<1x128xi32, #tpu.memory_space<vmem>>
      %dma_wait3A_298 = tpu.memref_squeeze %dma_wait3A_297 : memref<1x128xi32, #tpu.memory_space<vmem>> -> memref<128xi32, #tpu.memory_space<vmem>>
      %dma_wait3A_299 = arith.constant 0 : i32
      %dma_wait3A_300 = arith.constant 0 : i32
      %dma_wait3A_301 = tpu.memref_slice %arg9[%dma_wait3A_299, %dma_wait3A_300] : memref<10000x16xf32, #tpu.memory_space<vmem_shared>> -> memref<10000x16xf32, #tpu.memory_space<vmem_shared>>
      tpu.wait_indirect_dma semaphore(%arg21 : memref<!tpu.dma_semaphore, #tpu.memory_space<semaphore_mem>>) src(%dma_wait3A_301 : memref<10000x16xf32, #tpu.memory_space<vmem_shared>>) dst(%dma_wait3A_295 : memref<128x16xf32, #tpu.memory_space<vmem>>)
      %dma_wait3A_302 = arith.constant 0 : i32
      %dma_wait3A_303 = arith.constant 4 : i32
      %dma_wait3A_304 = arith.constant 0 : i32
      %dma_wait3A_305 = arith.constant 0 : i32
      %dma_wait3A_306 = tpu.memref_slice %arg12[%rem3A_254, %dma_wait3A_303, %dma_wait3A_304, %dma_wait3A_305] : memref<2x8x128x16xf32, #tpu.memory_space<vmem>> -> memref<1x1x128x16xf32, #tpu.memory_space<vmem>>
      %dma_wait3A_307 = tpu.memref_squeeze %dma_wait3A_306 : memref<1x1x128x16xf32, #tpu.memory_space<vmem>> -> memref<128x16xf32, #tpu.memory_space<vmem>>
      %dma_wait3A_308 = arith.constant 0 : i32
      %dma_wait3A_309 = tpu.memref_slice %arg10[%dma_wait3A_302, %dma_wait3A_308] : memref<79x128xi32, #tpu.memory_space<vmem>> -> memref<1x128xi32, #tpu.memory_space<vmem>>
      %dma_wait3A_310 = tpu.memref_squeeze %dma_wait3A_309 : memref<1x128xi32, #tpu.memory_space<vmem>> -> memref<128xi32, #tpu.memory_space<vmem>>
      %dma_wait3A_311 = arith.constant 0 : i32
      %dma_wait3A_312 = arith.constant 0 : i32
      %dma_wait3A_313 = tpu.memref_slice %arg9[%dma_wait3A_311, %dma_wait3A_312] : memref<10000x16xf32, #tpu.memory_space<vmem_shared>> -> memref<10000x16xf32, #tpu.memory_space<vmem_shared>>
      tpu.wait_indirect_dma semaphore(%arg21 : memref<!tpu.dma_semaphore, #tpu.memory_space<semaphore_mem>>) src(%dma_wait3A_313 : memref<10000x16xf32, #tpu.memory_space<vmem_shared>>) dst(%dma_wait3A_307 : memref<128x16xf32, #tpu.memory_space<vmem>>)
      %dma_wait3A_314 = arith.constant 0 : i32
      %dma_wait3A_315 = arith.constant 5 : i32
      %dma_wait3A_316 = arith.constant 0 : i32
      %dma_wait3A_317 = arith.constant 0 : i32
      %dma_wait3A_318 = tpu.memref_slice %arg12[%rem3A_254, %dma_wait3A_315, %dma_wait3A_316, %dma_wait3A_317] : memref<2x8x128x16xf32, #tpu.memory_space<vmem>> -> memref<1x1x128x16xf32, #tpu.memory_space<vmem>>
      %dma_wait3A_319 = tpu.memref_squeeze %dma_wait3A_318 : memref<1x1x128x16xf32, #tpu.memory_space<vmem>> -> memref<128x16xf32, #tpu.memory_space<vmem>>
      %dma_wait3A_320 = arith.constant 0 : i32
      %dma_wait3A_321 = tpu.memref_slice %arg10[%dma_wait3A_314, %dma_wait3A_320] : memref<79x128xi32, #tpu.memory_space<vmem>> -> memref<1x128xi32, #tpu.memory_space<vmem>>
      %dma_wait3A_322 = tpu.memref_squeeze %dma_wait3A_321 : memref<1x128xi32, #tpu.memory_space<vmem>> -> memref<128xi32, #tpu.memory_space<vmem>>
      %dma_wait3A_323 = arith.constant 0 : i32
      %dma_wait3A_324 = arith.constant 0 : i32
      %dma_wait3A_325 = tpu.memref_slice %arg9[%dma_wait3A_323, %dma_wait3A_324] : memref<10000x16xf32, #tpu.memory_space<vmem_shared>> -> memref<10000x16xf32, #tpu.memory_space<vmem_shared>>
      tpu.wait_indirect_dma semaphore(%arg21 : memref<!tpu.dma_semaphore, #tpu.memory_space<semaphore_mem>>) src(%dma_wait3A_325 : memref<10000x16xf32, #tpu.memory_space<vmem_shared>>) dst(%dma_wait3A_319 : memref<128x16xf32, #tpu.memory_space<vmem>>)
      %dma_wait3A_326 = arith.constant 0 : i32
      %dma_wait3A_327 = arith.constant 6 : i32
      %dma_wait3A_328 = arith.constant 0 : i32
      %dma_wait3A_329 = arith.constant 0 : i32
      %dma_wait3A_330 = tpu.memref_slice %arg12[%rem3A_254, %dma_wait3A_327, %dma_wait3A_328, %dma_wait3A_329] : memref<2x8x128x16xf32, #tpu.memory_space<vmem>> -> memref<1x1x128x16xf32, #tpu.memory_space<vmem>>
      %dma_wait3A_331 = tpu.memref_squeeze %dma_wait3A_330 : memref<1x1x128x16xf32, #tpu.memory_space<vmem>> -> memref<128x16xf32, #tpu.memory_space<vmem>>
      %dma_wait3A_332 = arith.constant 0 : i32
      %dma_wait3A_333 = tpu.memref_slice %arg10[%dma_wait3A_326, %dma_wait3A_332] : memref<79x128xi32, #tpu.memory_space<vmem>> -> memref<1x128xi32, #tpu.memory_space<vmem>>
      %dma_wait3A_334 = tpu.memref_squeeze %dma_wait3A_333 : memref<1x128xi32, #tpu.memory_space<vmem>> -> memref<128xi32, #tpu.memory_space<vmem>>
      %dma_wait3A_335 = arith.constant 0 : i32
      %dma_wait3A_336 = arith.constant 0 : i32
      %dma_wait3A_337 = tpu.memref_slice %arg9[%dma_wait3A_335, %dma_wait3A_336] : memref<10000x16xf32, #tpu.memory_space<vmem_shared>> -> memref<10000x16xf32, #tpu.memory_space<vmem_shared>>
      tpu.wait_indirect_dma semaphore(%arg21 : memref<!tpu.dma_semaphore, #tpu.memory_space<semaphore_mem>>) src(%dma_wait3A_337 : memref<10000x16xf32, #tpu.memory_space<vmem_shared>>) dst(%dma_wait3A_331 : memref<128x16xf32, #tpu.memory_space<vmem>>)
      %dma_wait3A_338 = arith.constant 0 : i32
      %dma_wait3A_339 = arith.constant 7 : i32
      %dma_wait3A_340 = arith.constant 0 : i32
      %dma_wait3A_341 = arith.constant 0 : i32
      %dma_wait3A_342 = tpu.memref_slice %arg12[%rem3A_254, %dma_wait3A_339, %dma_wait3A_340, %dma_wait3A_341] : memref<2x8x128x16xf32, #tpu.memory_space<vmem>> -> memref<1x1x128x16xf32, #tpu.memory_space<vmem>>
      %dma_wait3A_343 = tpu.memref_squeeze %dma_wait3A_342 : memref<1x1x128x16xf32, #tpu.memory_space<vmem>> -> memref<128x16xf32, #tpu.memory_space<vmem>>
      %dma_wait3A_344 = arith.constant 0 : i32
      %dma_wait3A_345 = tpu.memref_slice %arg10[%dma_wait3A_338, %dma_wait3A_344] : memref<79x128xi32, #tpu.memory_space<vmem>> -> memref<1x128xi32, #tpu.memory_space<vmem>>
      %dma_wait3A_346 = tpu.memref_squeeze %dma_wait3A_345 : memref<1x128xi32, #tpu.memory_space<vmem>> -> memref<128xi32, #tpu.memory_space<vmem>>
      %dma_wait3A_347 = arith.constant 0 : i32
      %dma_wait3A_348 = arith.constant 0 : i32
      %dma_wait3A_349 = tpu.memref_slice %arg9[%dma_wait3A_347, %dma_wait3A_348] : memref<10000x16xf32, #tpu.memory_space<vmem_shared>> -> memref<10000x16xf32, #tpu.memory_space<vmem_shared>>
      tpu.wait_indirect_dma semaphore(%arg21 : memref<!tpu.dma_semaphore, #tpu.memory_space<semaphore_mem>>) src(%dma_wait3A_349 : memref<10000x16xf32, #tpu.memory_space<vmem_shared>>) dst(%dma_wait3A_343 : memref<128x16xf32, #tpu.memory_space<vmem>>)
      %add3A_350 = arith.constant 0 : i32
      %add3A_351 = arith.addi %mul3A_252, %add3A_350 : i32
      %dma_start3A_352 = arith.constant 0 : i32
      %dma_start3A_353 = arith.constant 0 : i32
      %dma_start3A_354 = arith.constant 0 : i32
      %dma_start3A_355 = tpu.memref_slice %arg12[%rem3A_254, %dma_start3A_352, %dma_start3A_353, %dma_start3A_354] : memref<2x8x128x16xf32, #tpu.memory_space<vmem>> -> memref<1x1x128x16xf32, #tpu.memory_space<vmem>>
      %dma_start3A_356 = tpu.memref_squeeze %dma_start3A_355 : memref<1x1x128x16xf32, #tpu.memory_space<vmem>> -> memref<128x16xf32, #tpu.memory_space<vmem>>
      %dma_start3A_357 = arith.constant 0 : i32
      %dma_start3A_358 = tpu.memref_slice %arg11[%add3A_351, %dma_start3A_357] : memref<79x128xi32, #tpu.memory_space<vmem>> -> memref<1x128xi32, #tpu.memory_space<vmem>>
      %dma_start3A_359 = tpu.memref_squeeze %dma_start3A_358 : memref<1x128xi32, #tpu.memory_space<vmem>> -> memref<128xi32, #tpu.memory_space<vmem>>
      %dma_start3A_360 = arith.constant 0 : i32
      %dma_start3A_361 = arith.constant 0 : i32
      %dma_start3A_362 = tpu.memref_slice %arg8[%dma_start3A_360, %dma_start3A_361] : memref<10000x16xf32, #tpu.memory_space<vmem_shared>> -> memref<10000x16xf32, #tpu.memory_space<vmem_shared>>
      tpu.enqueue_indirect_dma source(%dma_start3A_356 : memref<128x16xf32, #tpu.memory_space<vmem>>) target(%dma_start3A_362 : memref<10000x16xf32, #tpu.memory_space<vmem_shared>>) offsets(%dma_start3A_359 : memref<128xi32, #tpu.memory_space<vmem>>) semaphore(%arg22 : memref<!tpu.dma_semaphore, #tpu.memory_space<semaphore_mem>>) {add = true}
      %add3A_363 = arith.constant 1 : i32
      %add3A_364 = arith.addi %mul3A_252, %add3A_363 : i32
      %dma_start3A_365 = arith.constant 1 : i32
      %dma_start3A_366 = arith.constant 0 : i32
      %dma_start3A_367 = arith.constant 0 : i32
      %dma_start3A_368 = tpu.memref_slice %arg12[%rem3A_254, %dma_start3A_365, %dma_start3A_366, %dma_start3A_367] : memref<2x8x128x16xf32, #tpu.memory_space<vmem>> -> memref<1x1x128x16xf32, #tpu.memory_space<vmem>>
      %dma_start3A_369 = tpu.memref_squeeze %dma_start3A_368 : memref<1x1x128x16xf32, #tpu.memory_space<vmem>> -> memref<128x16xf32, #tpu.memory_space<vmem>>
      %dma_start3A_370 = arith.constant 0 : i32
      %dma_start3A_371 = tpu.memref_slice %arg11[%add3A_364, %dma_start3A_370] : memref<79x128xi32, #tpu.memory_space<vmem>> -> memref<1x128xi32, #tpu.memory_space<vmem>>
      %dma_start3A_372 = tpu.memref_squeeze %dma_start3A_371 : memref<1x128xi32, #tpu.memory_space<vmem>> -> memref<128xi32, #tpu.memory_space<vmem>>
      %dma_start3A_373 = arith.constant 0 : i32
      %dma_start3A_374 = arith.constant 0 : i32
      %dma_start3A_375 = tpu.memref_slice %arg8[%dma_start3A_373, %dma_start3A_374] : memref<10000x16xf32, #tpu.memory_space<vmem_shared>> -> memref<10000x16xf32, #tpu.memory_space<vmem_shared>>
      tpu.enqueue_indirect_dma source(%dma_start3A_369 : memref<128x16xf32, #tpu.memory_space<vmem>>) target(%dma_start3A_375 : memref<10000x16xf32, #tpu.memory_space<vmem_shared>>) offsets(%dma_start3A_372 : memref<128xi32, #tpu.memory_space<vmem>>) semaphore(%arg22 : memref<!tpu.dma_semaphore, #tpu.memory_space<semaphore_mem>>) {add = true}
      %add3A_376 = arith.constant 2 : i32
      %add3A_377 = arith.addi %mul3A_252, %add3A_376 : i32
      %dma_start3A_378 = arith.constant 2 : i32
      %dma_start3A_379 = arith.constant 0 : i32
      %dma_start3A_380 = arith.constant 0 : i32
      %dma_start3A_381 = tpu.memref_slice %arg12[%rem3A_254, %dma_start3A_378, %dma_start3A_379, %dma_start3A_380] : memref<2x8x128x16xf32, #tpu.memory_space<vmem>> -> memref<1x1x128x16xf32, #tpu.memory_space<vmem>>
      %dma_start3A_382 = tpu.memref_squeeze %dma_start3A_381 : memref<1x1x128x16xf32, #tpu.memory_space<vmem>> -> memref<128x16xf32, #tpu.memory_space<vmem>>
      %dma_start3A_383 = arith.constant 0 : i32
      %dma_start3A_384 = tpu.memref_slice %arg11[%add3A_377, %dma_start3A_383] : memref<79x128xi32, #tpu.memory_space<vmem>> -> memref<1x128xi32, #tpu.memory_space<vmem>>
      %dma_start3A_385 = tpu.memref_squeeze %dma_start3A_384 : memref<1x128xi32, #tpu.memory_space<vmem>> -> memref<128xi32, #tpu.memory_space<vmem>>
      %dma_start3A_386 = arith.constant 0 : i32
      %dma_start3A_387 = arith.constant 0 : i32
      %dma_start3A_388 = tpu.memref_slice %arg8[%dma_start3A_386, %dma_start3A_387] : memref<10000x16xf32, #tpu.memory_space<vmem_shared>> -> memref<10000x16xf32, #tpu.memory_space<vmem_shared>>
      tpu.enqueue_indirect_dma source(%dma_start3A_382 : memref<128x16xf32, #tpu.memory_space<vmem>>) target(%dma_start3A_388 : memref<10000x16xf32, #tpu.memory_space<vmem_shared>>) offsets(%dma_start3A_385 : memref<128xi32, #tpu.memory_space<vmem>>) semaphore(%arg22 : memref<!tpu.dma_semaphore, #tpu.memory_space<semaphore_mem>>) {add = true}
      %add3A_389 = arith.constant 3 : i32
      %add3A_390 = arith.addi %mul3A_252, %add3A_389 : i32
      %dma_start3A_391 = arith.constant 3 : i32
      %dma_start3A_392 = arith.constant 0 : i32
      %dma_start3A_393 = arith.constant 0 : i32
      %dma_start3A_394 = tpu.memref_slice %arg12[%rem3A_254, %dma_start3A_391, %dma_start3A_392, %dma_start3A_393] : memref<2x8x128x16xf32, #tpu.memory_space<vmem>> -> memref<1x1x128x16xf32, #tpu.memory_space<vmem>>
      %dma_start3A_395 = tpu.memref_squeeze %dma_start3A_394 : memref<1x1x128x16xf32, #tpu.memory_space<vmem>> -> memref<128x16xf32, #tpu.memory_space<vmem>>
      %dma_start3A_396 = arith.constant 0 : i32
      %dma_start3A_397 = tpu.memref_slice %arg11[%add3A_390, %dma_start3A_396] : memref<79x128xi32, #tpu.memory_space<vmem>> -> memref<1x128xi32, #tpu.memory_space<vmem>>
      %dma_start3A_398 = tpu.memref_squeeze %dma_start3A_397 : memref<1x128xi32, #tpu.memory_space<vmem>> -> memref<128xi32, #tpu.memory_space<vmem>>
      %dma_start3A_399 = arith.constant 0 : i32
      %dma_start3A_400 = arith.constant 0 : i32
      %dma_start3A_401 = tpu.memref_slice %arg8[%dma_start3A_399, %dma_start3A_400] : memref<10000x16xf32, #tpu.memory_space<vmem_shared>> -> memref<10000x16xf32, #tpu.memory_space<vmem_shared>>
      tpu.enqueue_indirect_dma source(%dma_start3A_395 : memref<128x16xf32, #tpu.memory_space<vmem>>) target(%dma_start3A_401 : memref<10000x16xf32, #tpu.memory_space<vmem_shared>>) offsets(%dma_start3A_398 : memref<128xi32, #tpu.memory_space<vmem>>) semaphore(%arg22 : memref<!tpu.dma_semaphore, #tpu.memory_space<semaphore_mem>>) {add = true}
      %add3A_402 = arith.constant 4 : i32
      %add3A_403 = arith.addi %mul3A_252, %add3A_402 : i32
      %dma_start3A_404 = arith.constant 4 : i32
      %dma_start3A_405 = arith.constant 0 : i32
      %dma_start3A_406 = arith.constant 0 : i32
      %dma_start3A_407 = tpu.memref_slice %arg12[%rem3A_254, %dma_start3A_404, %dma_start3A_405, %dma_start3A_406] : memref<2x8x128x16xf32, #tpu.memory_space<vmem>> -> memref<1x1x128x16xf32, #tpu.memory_space<vmem>>
      %dma_start3A_408 = tpu.memref_squeeze %dma_start3A_407 : memref<1x1x128x16xf32, #tpu.memory_space<vmem>> -> memref<128x16xf32, #tpu.memory_space<vmem>>
      %dma_start3A_409 = arith.constant 0 : i32
      %dma_start3A_410 = tpu.memref_slice %arg11[%add3A_403, %dma_start3A_409] : memref<79x128xi32, #tpu.memory_space<vmem>> -> memref<1x128xi32, #tpu.memory_space<vmem>>
      %dma_start3A_411 = tpu.memref_squeeze %dma_start3A_410 : memref<1x128xi32, #tpu.memory_space<vmem>> -> memref<128xi32, #tpu.memory_space<vmem>>
      %dma_start3A_412 = arith.constant 0 : i32
      %dma_start3A_413 = arith.constant 0 : i32
      %dma_start3A_414 = tpu.memref_slice %arg8[%dma_start3A_412, %dma_start3A_413] : memref<10000x16xf32, #tpu.memory_space<vmem_shared>> -> memref<10000x16xf32, #tpu.memory_space<vmem_shared>>
      tpu.enqueue_indirect_dma source(%dma_start3A_408 : memref<128x16xf32, #tpu.memory_space<vmem>>) target(%dma_start3A_414 : memref<10000x16xf32, #tpu.memory_space<vmem_shared>>) offsets(%dma_start3A_411 : memref<128xi32, #tpu.memory_space<vmem>>) semaphore(%arg22 : memref<!tpu.dma_semaphore, #tpu.memory_space<semaphore_mem>>) {add = true}
      %add3A_415 = arith.constant 5 : i32
      %add3A_416 = arith.addi %mul3A_252, %add3A_415 : i32
      %dma_start3A_417 = arith.constant 5 : i32
      %dma_start3A_418 = arith.constant 0 : i32
      %dma_start3A_419 = arith.constant 0 : i32
      %dma_start3A_420 = tpu.memref_slice %arg12[%rem3A_254, %dma_start3A_417, %dma_start3A_418, %dma_start3A_419] : memref<2x8x128x16xf32, #tpu.memory_space<vmem>> -> memref<1x1x128x16xf32, #tpu.memory_space<vmem>>
      %dma_start3A_421 = tpu.memref_squeeze %dma_start3A_420 : memref<1x1x128x16xf32, #tpu.memory_space<vmem>> -> memref<128x16xf32, #tpu.memory_space<vmem>>
      %dma_start3A_422 = arith.constant 0 : i32
      %dma_start3A_423 = tpu.memref_slice %arg11[%add3A_416, %dma_start3A_422] : memref<79x128xi32, #tpu.memory_space<vmem>> -> memref<1x128xi32, #tpu.memory_space<vmem>>
      %dma_start3A_424 = tpu.memref_squeeze %dma_start3A_423 : memref<1x128xi32, #tpu.memory_space<vmem>> -> memref<128xi32, #tpu.memory_space<vmem>>
      %dma_start3A_425 = arith.constant 0 : i32
      %dma_start3A_426 = arith.constant 0 : i32
      %dma_start3A_427 = tpu.memref_slice %arg8[%dma_start3A_425, %dma_start3A_426] : memref<10000x16xf32, #tpu.memory_space<vmem_shared>> -> memref<10000x16xf32, #tpu.memory_space<vmem_shared>>
      tpu.enqueue_indirect_dma source(%dma_start3A_421 : memref<128x16xf32, #tpu.memory_space<vmem>>) target(%dma_start3A_427 : memref<10000x16xf32, #tpu.memory_space<vmem_shared>>) offsets(%dma_start3A_424 : memref<128xi32, #tpu.memory_space<vmem>>) semaphore(%arg22 : memref<!tpu.dma_semaphore, #tpu.memory_space<semaphore_mem>>) {add = true}
      %add3A_428 = arith.constant 6 : i32
      %add3A_429 = arith.addi %mul3A_252, %add3A_428 : i32
      %dma_start3A_430 = arith.constant 6 : i32
      %dma_start3A_431 = arith.constant 0 : i32
      %dma_start3A_432 = arith.constant 0 : i32
      %dma_start3A_433 = tpu.memref_slice %arg12[%rem3A_254, %dma_start3A_430, %dma_start3A_431, %dma_start3A_432] : memref<2x8x128x16xf32, #tpu.memory_space<vmem>> -> memref<1x1x128x16xf32, #tpu.memory_space<vmem>>
      %dma_start3A_434 = tpu.memref_squeeze %dma_start3A_433 : memref<1x1x128x16xf32, #tpu.memory_space<vmem>> -> memref<128x16xf32, #tpu.memory_space<vmem>>
      %dma_start3A_435 = arith.constant 0 : i32
      %dma_start3A_436 = tpu.memref_slice %arg11[%add3A_429, %dma_start3A_435] : memref<79x128xi32, #tpu.memory_space<vmem>> -> memref<1x128xi32, #tpu.memory_space<vmem>>
      %dma_start3A_437 = tpu.memref_squeeze %dma_start3A_436 : memref<1x128xi32, #tpu.memory_space<vmem>> -> memref<128xi32, #tpu.memory_space<vmem>>
      %dma_start3A_438 = arith.constant 0 : i32
      %dma_start3A_439 = arith.constant 0 : i32
      %dma_start3A_440 = tpu.memref_slice %arg8[%dma_start3A_438, %dma_start3A_439] : memref<10000x16xf32, #tpu.memory_space<vmem_shared>> -> memref<10000x16xf32, #tpu.memory_space<vmem_shared>>
      tpu.enqueue_indirect_dma source(%dma_start3A_434 : memref<128x16xf32, #tpu.memory_space<vmem>>) target(%dma_start3A_440 : memref<10000x16xf32, #tpu.memory_space<vmem_shared>>) offsets(%dma_start3A_437 : memref<128xi32, #tpu.memory_space<vmem>>) semaphore(%arg22 : memref<!tpu.dma_semaphore, #tpu.memory_space<semaphore_mem>>) {add = true}
      %add3A_441 = arith.constant 7 : i32
      %add3A_442 = arith.addi %mul3A_252, %add3A_441 : i32
      %dma_start3A_443 = arith.constant 7 : i32
      %dma_start3A_444 = arith.constant 0 : i32
      %dma_start3A_445 = arith.constant 0 : i32
      %dma_start3A_446 = tpu.memref_slice %arg12[%rem3A_254, %dma_start3A_443, %dma_start3A_444, %dma_start3A_445] : memref<2x8x128x16xf32, #tpu.memory_space<vmem>> -> memref<1x1x128x16xf32, #tpu.memory_space<vmem>>
      %dma_start3A_447 = tpu.memref_squeeze %dma_start3A_446 : memref<1x1x128x16xf32, #tpu.memory_space<vmem>> -> memref<128x16xf32, #tpu.memory_space<vmem>>
      %dma_start3A_448 = arith.constant 0 : i32
      %dma_start3A_449 = tpu.memref_slice %arg11[%add3A_442, %dma_start3A_448] : memref<79x128xi32, #tpu.memory_space<vmem>> -> memref<1x128xi32, #tpu.memory_space<vmem>>
      %dma_start3A_450 = tpu.memref_squeeze %dma_start3A_449 : memref<1x128xi32, #tpu.memory_space<vmem>> -> memref<128xi32, #tpu.memory_space<vmem>>
      %dma_start3A_451 = arith.constant 0 : i32
      %dma_start3A_452 = arith.constant 0 : i32
      %dma_start3A_453 = tpu.memref_slice %arg8[%dma_start3A_451, %dma_start3A_452] : memref<10000x16xf32, #tpu.memory_space<vmem_shared>> -> memref<10000x16xf32, #tpu.memory_space<vmem_shared>>
      tpu.enqueue_indirect_dma source(%dma_start3A_447 : memref<128x16xf32, #tpu.memory_space<vmem>>) target(%dma_start3A_453 : memref<10000x16xf32, #tpu.memory_space<vmem_shared>>) offsets(%dma_start3A_450 : memref<128xi32, #tpu.memory_space<vmem>>) semaphore(%arg22 : memref<!tpu.dma_semaphore, #tpu.memory_space<semaphore_mem>>) {add = true}
      %add3A_454 = arith.constant 1 : i32
      %add3A_455 = arith.addi %while3A_250, %add3A_454 : i32
      %lt3A_456 = arith.cmpi slt, %add3A_455, %select_n3A_121 : i32
      %convert_element_type3A_457 = arith.extui %lt3A_456 : i1 to i32
      %cond3A_458 = arith.constant 0 : i32
      %cond3A_459 = arith.cmpi ne, %convert_element_type3A_457, %cond3A_458 : i32
      scf.if %cond3A_459 {
        %add3A_548 = arith.constant 8 : i32
        %add3A_549 = arith.addi %mul3A_252, %add3A_548 : i32
        %add3A_550 = arith.constant 0 : i32
        %add3A_551 = arith.addi %add3A_549, %add3A_550 : i32
        %sub3A_552 = arith.constant 1 : i32
        %sub3A_553 = arith.subi %sub3A_552, %rem3A_254 : i32
        %dma_start3A_554 = arith.constant 0 : i32
        %dma_start3A_555 = arith.constant 0 : i32
        %dma_start3A_556 = arith.constant 0 : i32
        %dma_start3A_557 = tpu.memref_slice %arg12[%sub3A_553, %dma_start3A_554, %dma_start3A_555, %dma_start3A_556] : memref<2x8x128x16xf32, #tpu.memory_space<vmem>> -> memref<1x1x128x16xf32, #tpu.memory_space<vmem>>
        %dma_start3A_558 = tpu.memref_squeeze %dma_start3A_557 : memref<1x1x128x16xf32, #tpu.memory_space<vmem>> -> memref<128x16xf32, #tpu.memory_space<vmem>>
        %dma_start3A_559 = arith.constant 0 : i32
        %dma_start3A_560 = tpu.memref_slice %arg10[%add3A_551, %dma_start3A_559] : memref<79x128xi32, #tpu.memory_space<vmem>> -> memref<1x128xi32, #tpu.memory_space<vmem>>
        %dma_start3A_561 = tpu.memref_squeeze %dma_start3A_560 : memref<1x128xi32, #tpu.memory_space<vmem>> -> memref<128xi32, #tpu.memory_space<vmem>>
        %dma_start3A_562 = arith.constant 0 : i32
        %dma_start3A_563 = arith.constant 0 : i32
        %dma_start3A_564 = tpu.memref_slice %arg9[%dma_start3A_562, %dma_start3A_563] : memref<10000x16xf32, #tpu.memory_space<vmem_shared>> -> memref<10000x16xf32, #tpu.memory_space<vmem_shared>>
        tpu.enqueue_indirect_dma source(%dma_start3A_564 : memref<10000x16xf32, #tpu.memory_space<vmem_shared>>) target(%dma_start3A_558 : memref<128x16xf32, #tpu.memory_space<vmem>>) offsets(%dma_start3A_561 : memref<128xi32, #tpu.memory_space<vmem>>) semaphore(%arg21 : memref<!tpu.dma_semaphore, #tpu.memory_space<semaphore_mem>>)
        %add3A_565 = arith.constant 8 : i32
        %add3A_566 = arith.addi %mul3A_252, %add3A_565 : i32
        %add3A_567 = arith.constant 1 : i32
        %add3A_568 = arith.addi %add3A_566, %add3A_567 : i32
        %sub3A_569 = arith.constant 1 : i32
        %sub3A_570 = arith.subi %sub3A_569, %rem3A_254 : i32
        %dma_start3A_571 = arith.constant 1 : i32
        %dma_start3A_572 = arith.constant 0 : i32
        %dma_start3A_573 = arith.constant 0 : i32
        %dma_start3A_574 = tpu.memref_slice %arg12[%sub3A_570, %dma_start3A_571, %dma_start3A_572, %dma_start3A_573] : memref<2x8x128x16xf32, #tpu.memory_space<vmem>> -> memref<1x1x128x16xf32, #tpu.memory_space<vmem>>
        %dma_start3A_575 = tpu.memref_squeeze %dma_start3A_574 : memref<1x1x128x16xf32, #tpu.memory_space<vmem>> -> memref<128x16xf32, #tpu.memory_space<vmem>>
        %dma_start3A_576 = arith.constant 0 : i32
        %dma_start3A_577 = tpu.memref_slice %arg10[%add3A_568, %dma_start3A_576] : memref<79x128xi32, #tpu.memory_space<vmem>> -> memref<1x128xi32, #tpu.memory_space<vmem>>
        %dma_start3A_578 = tpu.memref_squeeze %dma_start3A_577 : memref<1x128xi32, #tpu.memory_space<vmem>> -> memref<128xi32, #tpu.memory_space<vmem>>
        %dma_start3A_579 = arith.constant 0 : i32
        %dma_start3A_580 = arith.constant 0 : i32
        %dma_start3A_581 = tpu.memref_slice %arg9[%dma_start3A_579, %dma_start3A_580] : memref<10000x16xf32, #tpu.memory_space<vmem_shared>> -> memref<10000x16xf32, #tpu.memory_space<vmem_shared>>
        tpu.enqueue_indirect_dma source(%dma_start3A_581 : memref<10000x16xf32, #tpu.memory_space<vmem_shared>>) target(%dma_start3A_575 : memref<128x16xf32, #tpu.memory_space<vmem>>) offsets(%dma_start3A_578 : memref<128xi32, #tpu.memory_space<vmem>>) semaphore(%arg21 : memref<!tpu.dma_semaphore, #tpu.memory_space<semaphore_mem>>)
        %add3A_582 = arith.constant 8 : i32
        %add3A_583 = arith.addi %mul3A_252, %add3A_582 : i32
        %add3A_584 = arith.constant 2 : i32
        %add3A_585 = arith.addi %add3A_583, %add3A_584 : i32
        %sub3A_586 = arith.constant 1 : i32
        %sub3A_587 = arith.subi %sub3A_586, %rem3A_254 : i32
        %dma_start3A_588 = arith.constant 2 : i32
        %dma_start3A_589 = arith.constant 0 : i32
        %dma_start3A_590 = arith.constant 0 : i32
        %dma_start3A_591 = tpu.memref_slice %arg12[%sub3A_587, %dma_start3A_588, %dma_start3A_589, %dma_start3A_590] : memref<2x8x128x16xf32, #tpu.memory_space<vmem>> -> memref<1x1x128x16xf32, #tpu.memory_space<vmem>>
        %dma_start3A_592 = tpu.memref_squeeze %dma_start3A_591 : memref<1x1x128x16xf32, #tpu.memory_space<vmem>> -> memref<128x16xf32, #tpu.memory_space<vmem>>
        %dma_start3A_593 = arith.constant 0 : i32
        %dma_start3A_594 = tpu.memref_slice %arg10[%add3A_585, %dma_start3A_593] : memref<79x128xi32, #tpu.memory_space<vmem>> -> memref<1x128xi32, #tpu.memory_space<vmem>>
        %dma_start3A_595 = tpu.memref_squeeze %dma_start3A_594 : memref<1x128xi32, #tpu.memory_space<vmem>> -> memref<128xi32, #tpu.memory_space<vmem>>
        %dma_start3A_596 = arith.constant 0 : i32
        %dma_start3A_597 = arith.constant 0 : i32
        %dma_start3A_598 = tpu.memref_slice %arg9[%dma_start3A_596, %dma_start3A_597] : memref<10000x16xf32, #tpu.memory_space<vmem_shared>> -> memref<10000x16xf32, #tpu.memory_space<vmem_shared>>
        tpu.enqueue_indirect_dma source(%dma_start3A_598 : memref<10000x16xf32, #tpu.memory_space<vmem_shared>>) target(%dma_start3A_592 : memref<128x16xf32, #tpu.memory_space<vmem>>) offsets(%dma_start3A_595 : memref<128xi32, #tpu.memory_space<vmem>>) semaphore(%arg21 : memref<!tpu.dma_semaphore, #tpu.memory_space<semaphore_mem>>)
        %add3A_599 = arith.constant 8 : i32
        %add3A_600 = arith.addi %mul3A_252, %add3A_599 : i32
        %add3A_601 = arith.constant 3 : i32
        %add3A_602 = arith.addi %add3A_600, %add3A_601 : i32
        %sub3A_603 = arith.constant 1 : i32
        %sub3A_604 = arith.subi %sub3A_603, %rem3A_254 : i32
        %dma_start3A_605 = arith.constant 3 : i32
        %dma_start3A_606 = arith.constant 0 : i32
        %dma_start3A_607 = arith.constant 0 : i32
        %dma_start3A_608 = tpu.memref_slice %arg12[%sub3A_604, %dma_start3A_605, %dma_start3A_606, %dma_start3A_607] : memref<2x8x128x16xf32, #tpu.memory_space<vmem>> -> memref<1x1x128x16xf32, #tpu.memory_space<vmem>>
        %dma_start3A_609 = tpu.memref_squeeze %dma_start3A_608 : memref<1x1x128x16xf32, #tpu.memory_space<vmem>> -> memref<128x16xf32, #tpu.memory_space<vmem>>
        %dma_start3A_610 = arith.constant 0 : i32
        %dma_start3A_611 = tpu.memref_slice %arg10[%add3A_602, %dma_start3A_610] : memref<79x128xi32, #tpu.memory_space<vmem>> -> memref<1x128xi32, #tpu.memory_space<vmem>>
        %dma_start3A_612 = tpu.memref_squeeze %dma_start3A_611 : memref<1x128xi32, #tpu.memory_space<vmem>> -> memref<128xi32, #tpu.memory_space<vmem>>
        %dma_start3A_613 = arith.constant 0 : i32
        %dma_start3A_614 = arith.constant 0 : i32
        %dma_start3A_615 = tpu.memref_slice %arg9[%dma_start3A_613, %dma_start3A_614] : memref<10000x16xf32, #tpu.memory_space<vmem_shared>> -> memref<10000x16xf32, #tpu.memory_space<vmem_shared>>
        tpu.enqueue_indirect_dma source(%dma_start3A_615 : memref<10000x16xf32, #tpu.memory_space<vmem_shared>>) target(%dma_start3A_609 : memref<128x16xf32, #tpu.memory_space<vmem>>) offsets(%dma_start3A_612 : memref<128xi32, #tpu.memory_space<vmem>>) semaphore(%arg21 : memref<!tpu.dma_semaphore, #tpu.memory_space<semaphore_mem>>)
        %add3A_616 = arith.constant 8 : i32
        %add3A_617 = arith.addi %mul3A_252, %add3A_616 : i32
        %add3A_618 = arith.constant 4 : i32
        %add3A_619 = arith.addi %add3A_617, %add3A_618 : i32
        %sub3A_620 = arith.constant 1 : i32
        %sub3A_621 = arith.subi %sub3A_620, %rem3A_254 : i32
        %dma_start3A_622 = arith.constant 4 : i32
        %dma_start3A_623 = arith.constant 0 : i32
        %dma_start3A_624 = arith.constant 0 : i32
        %dma_start3A_625 = tpu.memref_slice %arg12[%sub3A_621, %dma_start3A_622, %dma_start3A_623, %dma_start3A_624] : memref<2x8x128x16xf32, #tpu.memory_space<vmem>> -> memref<1x1x128x16xf32, #tpu.memory_space<vmem>>
        %dma_start3A_626 = tpu.memref_squeeze %dma_start3A_625 : memref<1x1x128x16xf32, #tpu.memory_space<vmem>> -> memref<128x16xf32, #tpu.memory_space<vmem>>
        %dma_start3A_627 = arith.constant 0 : i32
        %dma_start3A_628 = tpu.memref_slice %arg10[%add3A_619, %dma_start3A_627] : memref<79x128xi32, #tpu.memory_space<vmem>> -> memref<1x128xi32, #tpu.memory_space<vmem>>
        %dma_start3A_629 = tpu.memref_squeeze %dma_start3A_628 : memref<1x128xi32, #tpu.memory_space<vmem>> -> memref<128xi32, #tpu.memory_space<vmem>>
        %dma_start3A_630 = arith.constant 0 : i32
        %dma_start3A_631 = arith.constant 0 : i32
        %dma_start3A_632 = tpu.memref_slice %arg9[%dma_start3A_630, %dma_start3A_631] : memref<10000x16xf32, #tpu.memory_space<vmem_shared>> -> memref<10000x16xf32, #tpu.memory_space<vmem_shared>>
        tpu.enqueue_indirect_dma source(%dma_start3A_632 : memref<10000x16xf32, #tpu.memory_space<vmem_shared>>) target(%dma_start3A_626 : memref<128x16xf32, #tpu.memory_space<vmem>>) offsets(%dma_start3A_629 : memref<128xi32, #tpu.memory_space<vmem>>) semaphore(%arg21 : memref<!tpu.dma_semaphore, #tpu.memory_space<semaphore_mem>>)
        %add3A_633 = arith.constant 8 : i32
        %add3A_634 = arith.addi %mul3A_252, %add3A_633 : i32
        %add3A_635 = arith.constant 5 : i32
        %add3A_636 = arith.addi %add3A_634, %add3A_635 : i32
        %sub3A_637 = arith.constant 1 : i32
        %sub3A_638 = arith.subi %sub3A_637, %rem3A_254 : i32
        %dma_start3A_639 = arith.constant 5 : i32
        %dma_start3A_640 = arith.constant 0 : i32
        %dma_start3A_641 = arith.constant 0 : i32
        %dma_start3A_642 = tpu.memref_slice %arg12[%sub3A_638, %dma_start3A_639, %dma_start3A_640, %dma_start3A_641] : memref<2x8x128x16xf32, #tpu.memory_space<vmem>> -> memref<1x1x128x16xf32, #tpu.memory_space<vmem>>
        %dma_start3A_643 = tpu.memref_squeeze %dma_start3A_642 : memref<1x1x128x16xf32, #tpu.memory_space<vmem>> -> memref<128x16xf32, #tpu.memory_space<vmem>>
        %dma_start3A_644 = arith.constant 0 : i32
        %dma_start3A_645 = tpu.memref_slice %arg10[%add3A_636, %dma_start3A_644] : memref<79x128xi32, #tpu.memory_space<vmem>> -> memref<1x128xi32, #tpu.memory_space<vmem>>
        %dma_start3A_646 = tpu.memref_squeeze %dma_start3A_645 : memref<1x128xi32, #tpu.memory_space<vmem>> -> memref<128xi32, #tpu.memory_space<vmem>>
        %dma_start3A_647 = arith.constant 0 : i32
        %dma_start3A_648 = arith.constant 0 : i32
        %dma_start3A_649 = tpu.memref_slice %arg9[%dma_start3A_647, %dma_start3A_648] : memref<10000x16xf32, #tpu.memory_space<vmem_shared>> -> memref<10000x16xf32, #tpu.memory_space<vmem_shared>>
        tpu.enqueue_indirect_dma source(%dma_start3A_649 : memref<10000x16xf32, #tpu.memory_space<vmem_shared>>) target(%dma_start3A_643 : memref<128x16xf32, #tpu.memory_space<vmem>>) offsets(%dma_start3A_646 : memref<128xi32, #tpu.memory_space<vmem>>) semaphore(%arg21 : memref<!tpu.dma_semaphore, #tpu.memory_space<semaphore_mem>>)
        %add3A_650 = arith.constant 8 : i32
        %add3A_651 = arith.addi %mul3A_252, %add3A_650 : i32
        %add3A_652 = arith.constant 6 : i32
        %add3A_653 = arith.addi %add3A_651, %add3A_652 : i32
        %sub3A_654 = arith.constant 1 : i32
        %sub3A_655 = arith.subi %sub3A_654, %rem3A_254 : i32
        %dma_start3A_656 = arith.constant 6 : i32
        %dma_start3A_657 = arith.constant 0 : i32
        %dma_start3A_658 = arith.constant 0 : i32
        %dma_start3A_659 = tpu.memref_slice %arg12[%sub3A_655, %dma_start3A_656, %dma_start3A_657, %dma_start3A_658] : memref<2x8x128x16xf32, #tpu.memory_space<vmem>> -> memref<1x1x128x16xf32, #tpu.memory_space<vmem>>
        %dma_start3A_660 = tpu.memref_squeeze %dma_start3A_659 : memref<1x1x128x16xf32, #tpu.memory_space<vmem>> -> memref<128x16xf32, #tpu.memory_space<vmem>>
        %dma_start3A_661 = arith.constant 0 : i32
        %dma_start3A_662 = tpu.memref_slice %arg10[%add3A_653, %dma_start3A_661] : memref<79x128xi32, #tpu.memory_space<vmem>> -> memref<1x128xi32, #tpu.memory_space<vmem>>
        %dma_start3A_663 = tpu.memref_squeeze %dma_start3A_662 : memref<1x128xi32, #tpu.memory_space<vmem>> -> memref<128xi32, #tpu.memory_space<vmem>>
        %dma_start3A_664 = arith.constant 0 : i32
        %dma_start3A_665 = arith.constant 0 : i32
        %dma_start3A_666 = tpu.memref_slice %arg9[%dma_start3A_664, %dma_start3A_665] : memref<10000x16xf32, #tpu.memory_space<vmem_shared>> -> memref<10000x16xf32, #tpu.memory_space<vmem_shared>>
        tpu.enqueue_indirect_dma source(%dma_start3A_666 : memref<10000x16xf32, #tpu.memory_space<vmem_shared>>) target(%dma_start3A_660 : memref<128x16xf32, #tpu.memory_space<vmem>>) offsets(%dma_start3A_663 : memref<128xi32, #tpu.memory_space<vmem>>) semaphore(%arg21 : memref<!tpu.dma_semaphore, #tpu.memory_space<semaphore_mem>>)
        %add3A_667 = arith.constant 8 : i32
        %add3A_668 = arith.addi %mul3A_252, %add3A_667 : i32
        %add3A_669 = arith.constant 7 : i32
        %add3A_670 = arith.addi %add3A_668, %add3A_669 : i32
        %sub3A_671 = arith.constant 1 : i32
        %sub3A_672 = arith.subi %sub3A_671, %rem3A_254 : i32
        %dma_start3A_673 = arith.constant 7 : i32
        %dma_start3A_674 = arith.constant 0 : i32
        %dma_start3A_675 = arith.constant 0 : i32
        %dma_start3A_676 = tpu.memref_slice %arg12[%sub3A_672, %dma_start3A_673, %dma_start3A_674, %dma_start3A_675] : memref<2x8x128x16xf32, #tpu.memory_space<vmem>> -> memref<1x1x128x16xf32, #tpu.memory_space<vmem>>
        %dma_start3A_677 = tpu.memref_squeeze %dma_start3A_676 : memref<1x1x128x16xf32, #tpu.memory_space<vmem>> -> memref<128x16xf32, #tpu.memory_space<vmem>>
        %dma_start3A_678 = arith.constant 0 : i32
        %dma_start3A_679 = tpu.memref_slice %arg10[%add3A_670, %dma_start3A_678] : memref<79x128xi32, #tpu.memory_space<vmem>> -> memref<1x128xi32, #tpu.memory_space<vmem>>
        %dma_start3A_680 = tpu.memref_squeeze %dma_start3A_679 : memref<1x128xi32, #tpu.memory_space<vmem>> -> memref<128xi32, #tpu.memory_space<vmem>>
        %dma_start3A_681 = arith.constant 0 : i32
        %dma_start3A_682 = arith.constant 0 : i32
        %dma_start3A_683 = tpu.memref_slice %arg9[%dma_start3A_681, %dma_start3A_682] : memref<10000x16xf32, #tpu.memory_space<vmem_shared>> -> memref<10000x16xf32, #tpu.memory_space<vmem_shared>>
        tpu.enqueue_indirect_dma source(%dma_start3A_683 : memref<10000x16xf32, #tpu.memory_space<vmem_shared>>) target(%dma_start3A_677 : memref<128x16xf32, #tpu.memory_space<vmem>>) offsets(%dma_start3A_680 : memref<128xi32, #tpu.memory_space<vmem>>) semaphore(%arg21 : memref<!tpu.dma_semaphore, #tpu.memory_space<semaphore_mem>>)
      } else {
      }
      %dma_wait3A_460 = arith.constant 0 : i32
      %dma_wait3A_461 = arith.constant 0 : i32
      %dma_wait3A_462 = arith.constant 0 : i32
      %dma_wait3A_463 = tpu.memref_slice %arg12[%rem3A_254, %dma_wait3A_460, %dma_wait3A_461, %dma_wait3A_462] : memref<2x8x128x16xf32, #tpu.memory_space<vmem>> -> memref<1x1x128x16xf32, #tpu.memory_space<vmem>>
      %dma_wait3A_464 = tpu.memref_squeeze %dma_wait3A_463 : memref<1x1x128x16xf32, #tpu.memory_space<vmem>> -> memref<128x16xf32, #tpu.memory_space<vmem>>
      %dma_wait3A_465 = arith.constant 0 : i32
      %dma_wait3A_466 = tpu.memref_slice %arg11[%mul3A_252, %dma_wait3A_465] : memref<79x128xi32, #tpu.memory_space<vmem>> -> memref<1x128xi32, #tpu.memory_space<vmem>>
      %dma_wait3A_467 = tpu.memref_squeeze %dma_wait3A_466 : memref<1x128xi32, #tpu.memory_space<vmem>> -> memref<128xi32, #tpu.memory_space<vmem>>
      %dma_wait3A_468 = arith.constant 0 : i32
      %dma_wait3A_469 = arith.constant 0 : i32
      %dma_wait3A_470 = tpu.memref_slice %arg8[%dma_wait3A_468, %dma_wait3A_469] : memref<10000x16xf32, #tpu.memory_space<vmem_shared>> -> memref<10000x16xf32, #tpu.memory_space<vmem_shared>>
      tpu.wait_indirect_dma semaphore(%arg22 : memref<!tpu.dma_semaphore, #tpu.memory_space<semaphore_mem>>) src(%dma_wait3A_464 : memref<128x16xf32, #tpu.memory_space<vmem>>) dst(%dma_wait3A_470 : memref<10000x16xf32, #tpu.memory_space<vmem_shared>>)
      %dma_wait3A_471 = arith.constant 1 : i32
      %dma_wait3A_472 = arith.constant 0 : i32
      %dma_wait3A_473 = arith.constant 0 : i32
      %dma_wait3A_474 = tpu.memref_slice %arg12[%rem3A_254, %dma_wait3A_471, %dma_wait3A_472, %dma_wait3A_473] : memref<2x8x128x16xf32, #tpu.memory_space<vmem>> -> memref<1x1x128x16xf32, #tpu.memory_space<vmem>>
      %dma_wait3A_475 = tpu.memref_squeeze %dma_wait3A_474 : memref<1x1x128x16xf32, #tpu.memory_space<vmem>> -> memref<128x16xf32, #tpu.memory_space<vmem>>
      %dma_wait3A_476 = arith.constant 0 : i32
      %dma_wait3A_477 = tpu.memref_slice %arg11[%mul3A_252, %dma_wait3A_476] : memref<79x128xi32, #tpu.memory_space<vmem>> -> memref<1x128xi32, #tpu.memory_space<vmem>>
      %dma_wait3A_478 = tpu.memref_squeeze %dma_wait3A_477 : memref<1x128xi32, #tpu.memory_space<vmem>> -> memref<128xi32, #tpu.memory_space<vmem>>
      %dma_wait3A_479 = arith.constant 0 : i32
      %dma_wait3A_480 = arith.constant 0 : i32
      %dma_wait3A_481 = tpu.memref_slice %arg8[%dma_wait3A_479, %dma_wait3A_480] : memref<10000x16xf32, #tpu.memory_space<vmem_shared>> -> memref<10000x16xf32, #tpu.memory_space<vmem_shared>>
      tpu.wait_indirect_dma semaphore(%arg22 : memref<!tpu.dma_semaphore, #tpu.memory_space<semaphore_mem>>) src(%dma_wait3A_475 : memref<128x16xf32, #tpu.memory_space<vmem>>) dst(%dma_wait3A_481 : memref<10000x16xf32, #tpu.memory_space<vmem_shared>>)
      %dma_wait3A_482 = arith.constant 2 : i32
      %dma_wait3A_483 = arith.constant 0 : i32
      %dma_wait3A_484 = arith.constant 0 : i32
      %dma_wait3A_485 = tpu.memref_slice %arg12[%rem3A_254, %dma_wait3A_482, %dma_wait3A_483, %dma_wait3A_484] : memref<2x8x128x16xf32, #tpu.memory_space<vmem>> -> memref<1x1x128x16xf32, #tpu.memory_space<vmem>>
      %dma_wait3A_486 = tpu.memref_squeeze %dma_wait3A_485 : memref<1x1x128x16xf32, #tpu.memory_space<vmem>> -> memref<128x16xf32, #tpu.memory_space<vmem>>
      %dma_wait3A_487 = arith.constant 0 : i32
      %dma_wait3A_488 = tpu.memref_slice %arg11[%mul3A_252, %dma_wait3A_487] : memref<79x128xi32, #tpu.memory_space<vmem>> -> memref<1x128xi32, #tpu.memory_space<vmem>>
      %dma_wait3A_489 = tpu.memref_squeeze %dma_wait3A_488 : memref<1x128xi32, #tpu.memory_space<vmem>> -> memref<128xi32, #tpu.memory_space<vmem>>
      %dma_wait3A_490 = arith.constant 0 : i32
      %dma_wait3A_491 = arith.constant 0 : i32
      %dma_wait3A_492 = tpu.memref_slice %arg8[%dma_wait3A_490, %dma_wait3A_491] : memref<10000x16xf32, #tpu.memory_space<vmem_shared>> -> memref<10000x16xf32, #tpu.memory_space<vmem_shared>>
      tpu.wait_indirect_dma semaphore(%arg22 : memref<!tpu.dma_semaphore, #tpu.memory_space<semaphore_mem>>) src(%dma_wait3A_486 : memref<128x16xf32, #tpu.memory_space<vmem>>) dst(%dma_wait3A_492 : memref<10000x16xf32, #tpu.memory_space<vmem_shared>>)
      %dma_wait3A_493 = arith.constant 3 : i32
      %dma_wait3A_494 = arith.constant 0 : i32
      %dma_wait3A_495 = arith.constant 0 : i32
      %dma_wait3A_496 = tpu.memref_slice %arg12[%rem3A_254, %dma_wait3A_493, %dma_wait3A_494, %dma_wait3A_495] : memref<2x8x128x16xf32, #tpu.memory_space<vmem>> -> memref<1x1x128x16xf32, #tpu.memory_space<vmem>>
      %dma_wait3A_497 = tpu.memref_squeeze %dma_wait3A_496 : memref<1x1x128x16xf32, #tpu.memory_space<vmem>> -> memref<128x16xf32, #tpu.memory_space<vmem>>
      %dma_wait3A_498 = arith.constant 0 : i32
      %dma_wait3A_499 = tpu.memref_slice %arg11[%mul3A_252, %dma_wait3A_498] : memref<79x128xi32, #tpu.memory_space<vmem>> -> memref<1x128xi32, #tpu.memory_space<vmem>>
      %dma_wait3A_500 = tpu.memref_squeeze %dma_wait3A_499 : memref<1x128xi32, #tpu.memory_space<vmem>> -> memref<128xi32, #tpu.memory_space<vmem>>
      %dma_wait3A_501 = arith.constant 0 : i32
      %dma_wait3A_502 = arith.constant 0 : i32
      %dma_wait3A_503 = tpu.memref_slice %arg8[%dma_wait3A_501, %dma_wait3A_502] : memref<10000x16xf32, #tpu.memory_space<vmem_shared>> -> memref<10000x16xf32, #tpu.memory_space<vmem_shared>>
      tpu.wait_indirect_dma semaphore(%arg22 : memref<!tpu.dma_semaphore, #tpu.memory_space<semaphore_mem>>) src(%dma_wait3A_497 : memref<128x16xf32, #tpu.memory_space<vmem>>) dst(%dma_wait3A_503 : memref<10000x16xf32, #tpu.memory_space<vmem_shared>>)
      %dma_wait3A_504 = arith.constant 4 : i32
      %dma_wait3A_505 = arith.constant 0 : i32
      %dma_wait3A_506 = arith.constant 0 : i32
      %dma_wait3A_507 = tpu.memref_slice %arg12[%rem3A_254, %dma_wait3A_504, %dma_wait3A_505, %dma_wait3A_506] : memref<2x8x128x16xf32, #tpu.memory_space<vmem>> -> memref<1x1x128x16xf32, #tpu.memory_space<vmem>>
      %dma_wait3A_508 = tpu.memref_squeeze %dma_wait3A_507 : memref<1x1x128x16xf32, #tpu.memory_space<vmem>> -> memref<128x16xf32, #tpu.memory_space<vmem>>
      %dma_wait3A_509 = arith.constant 0 : i32
      %dma_wait3A_510 = tpu.memref_slice %arg11[%mul3A_252, %dma_wait3A_509] : memref<79x128xi32, #tpu.memory_space<vmem>> -> memref<1x128xi32, #tpu.memory_space<vmem>>
      %dma_wait3A_511 = tpu.memref_squeeze %dma_wait3A_510 : memref<1x128xi32, #tpu.memory_space<vmem>> -> memref<128xi32, #tpu.memory_space<vmem>>
      %dma_wait3A_512 = arith.constant 0 : i32
      %dma_wait3A_513 = arith.constant 0 : i32
      %dma_wait3A_514 = tpu.memref_slice %arg8[%dma_wait3A_512, %dma_wait3A_513] : memref<10000x16xf32, #tpu.memory_space<vmem_shared>> -> memref<10000x16xf32, #tpu.memory_space<vmem_shared>>
      tpu.wait_indirect_dma semaphore(%arg22 : memref<!tpu.dma_semaphore, #tpu.memory_space<semaphore_mem>>) src(%dma_wait3A_508 : memref<128x16xf32, #tpu.memory_space<vmem>>) dst(%dma_wait3A_514 : memref<10000x16xf32, #tpu.memory_space<vmem_shared>>)
      %dma_wait3A_515 = arith.constant 5 : i32
      %dma_wait3A_516 = arith.constant 0 : i32
      %dma_wait3A_517 = arith.constant 0 : i32
      %dma_wait3A_518 = tpu.memref_slice %arg12[%rem3A_254, %dma_wait3A_515, %dma_wait3A_516, %dma_wait3A_517] : memref<2x8x128x16xf32, #tpu.memory_space<vmem>> -> memref<1x1x128x16xf32, #tpu.memory_space<vmem>>
      %dma_wait3A_519 = tpu.memref_squeeze %dma_wait3A_518 : memref<1x1x128x16xf32, #tpu.memory_space<vmem>> -> memref<128x16xf32, #tpu.memory_space<vmem>>
      %dma_wait3A_520 = arith.constant 0 : i32
      %dma_wait3A_521 = tpu.memref_slice %arg11[%mul3A_252, %dma_wait3A_520] : memref<79x128xi32, #tpu.memory_space<vmem>> -> memref<1x128xi32, #tpu.memory_space<vmem>>
      %dma_wait3A_522 = tpu.memref_squeeze %dma_wait3A_521 : memref<1x128xi32, #tpu.memory_space<vmem>> -> memref<128xi32, #tpu.memory_space<vmem>>
      %dma_wait3A_523 = arith.constant 0 : i32
      %dma_wait3A_524 = arith.constant 0 : i32
      %dma_wait3A_525 = tpu.memref_slice %arg8[%dma_wait3A_523, %dma_wait3A_524] : memref<10000x16xf32, #tpu.memory_space<vmem_shared>> -> memref<10000x16xf32, #tpu.memory_space<vmem_shared>>
      tpu.wait_indirect_dma semaphore(%arg22 : memref<!tpu.dma_semaphore, #tpu.memory_space<semaphore_mem>>) src(%dma_wait3A_519 : memref<128x16xf32, #tpu.memory_space<vmem>>) dst(%dma_wait3A_525 : memref<10000x16xf32, #tpu.memory_space<vmem_shared>>)
      %dma_wait3A_526 = arith.constant 6 : i32
      %dma_wait3A_527 = arith.constant 0 : i32
      %dma_wait3A_528 = arith.constant 0 : i32
      %dma_wait3A_529 = tpu.memref_slice %arg12[%rem3A_254, %dma_wait3A_526, %dma_wait3A_527, %dma_wait3A_528] : memref<2x8x128x16xf32, #tpu.memory_space<vmem>> -> memref<1x1x128x16xf32, #tpu.memory_space<vmem>>
      %dma_wait3A_530 = tpu.memref_squeeze %dma_wait3A_529 : memref<1x1x128x16xf32, #tpu.memory_space<vmem>> -> memref<128x16xf32, #tpu.memory_space<vmem>>
      %dma_wait3A_531 = arith.constant 0 : i32
      %dma_wait3A_532 = tpu.memref_slice %arg11[%mul3A_252, %dma_wait3A_531] : memref<79x128xi32, #tpu.memory_space<vmem>> -> memref<1x128xi32, #tpu.memory_space<vmem>>
      %dma_wait3A_533 = tpu.memref_squeeze %dma_wait3A_532 : memref<1x128xi32, #tpu.memory_space<vmem>> -> memref<128xi32, #tpu.memory_space<vmem>>
      %dma_wait3A_534 = arith.constant 0 : i32
      %dma_wait3A_535 = arith.constant 0 : i32
      %dma_wait3A_536 = tpu.memref_slice %arg8[%dma_wait3A_534, %dma_wait3A_535] : memref<10000x16xf32, #tpu.memory_space<vmem_shared>> -> memref<10000x16xf32, #tpu.memory_space<vmem_shared>>
      tpu.wait_indirect_dma semaphore(%arg22 : memref<!tpu.dma_semaphore, #tpu.memory_space<semaphore_mem>>) src(%dma_wait3A_530 : memref<128x16xf32, #tpu.memory_space<vmem>>) dst(%dma_wait3A_536 : memref<10000x16xf32, #tpu.memory_space<vmem_shared>>)
      %dma_wait3A_537 = arith.constant 7 : i32
      %dma_wait3A_538 = arith.constant 0 : i32
      %dma_wait3A_539 = arith.constant 0 : i32
      %dma_wait3A_540 = tpu.memref_slice %arg12[%rem3A_254, %dma_wait3A_537, %dma_wait3A_538, %dma_wait3A_539] : memref<2x8x128x16xf32, #tpu.memory_space<vmem>> -> memref<1x1x128x16xf32, #tpu.memory_space<vmem>>
      %dma_wait3A_541 = tpu.memref_squeeze %dma_wait3A_540 : memref<1x1x128x16xf32, #tpu.memory_space<vmem>> -> memref<128x16xf32, #tpu.memory_space<vmem>>
      %dma_wait3A_542 = arith.constant 0 : i32
      %dma_wait3A_543 = tpu.memref_slice %arg11[%mul3A_252, %dma_wait3A_542] : memref<79x128xi32, #tpu.memory_space<vmem>> -> memref<1x128xi32, #tpu.memory_space<vmem>>
      %dma_wait3A_544 = tpu.memref_squeeze %dma_wait3A_543 : memref<1x128xi32, #tpu.memory_space<vmem>> -> memref<128xi32, #tpu.memory_space<vmem>>
      %dma_wait3A_545 = arith.constant 0 : i32
      %dma_wait3A_546 = arith.constant 0 : i32
      %dma_wait3A_547 = tpu.memref_slice %arg8[%dma_wait3A_545, %dma_wait3A_546] : memref<10000x16xf32, #tpu.memory_space<vmem_shared>> -> memref<10000x16xf32, #tpu.memory_space<vmem_shared>>
      tpu.wait_indirect_dma semaphore(%arg22 : memref<!tpu.dma_semaphore, #tpu.memory_space<semaphore_mem>>) src(%dma_wait3A_541 : memref<128x16xf32, #tpu.memory_space<vmem>>) dst(%dma_wait3A_547 : memref<10000x16xf32, #tpu.memory_space<vmem_shared>>)
    }
    %while3A_233 = arith.constant 1 : i32
    scf.for %while3A_250 = %while3A_231 to %while3A_227 step %while3A_233  : i32 {
      %mul3A_251 = arith.constant 8 : i32
      %mul3A_252 = arith.muli %while3A_250, %mul3A_251 : i32
      %rem3A_253 = arith.constant 2 : i32
      %rem3A_254 = arith.remsi %while3A_250, %rem3A_253 : i32
      %dma_wait3A = arith.constant 0 : i32
      %dma_wait3A_255 = arith.constant 0 : i32
      %dma_wait3A_256 = arith.constant 0 : i32
      %dma_wait3A_257 = arith.constant 0 : i32
      %dma_wait3A_258 = tpu.memref_slice %arg12[%rem3A_254, %dma_wait3A_255, %dma_wait3A_256, %dma_wait3A_257] : memref<2x8x128x16xf32, #tpu.memory_space<vmem>> -> memref<1x1x128x16xf32, #tpu.memory_space<vmem>>
      %dma_wait3A_259 = tpu.memref_squeeze %dma_wait3A_258 : memref<1x1x128x16xf32, #tpu.memory_space<vmem>> -> memref<128x16xf32, #tpu.memory_space<vmem>>
      %dma_wait3A_260 = arith.constant 0 : i32
      %dma_wait3A_261 = tpu.memref_slice %arg10[%dma_wait3A, %dma_wait3A_260] : memref<79x128xi32, #tpu.memory_space<vmem>> -> memref<1x128xi32, #tpu.memory_space<vmem>>
      %dma_wait3A_262 = tpu.memref_squeeze %dma_wait3A_261 : memref<1x128xi32, #tpu.memory_space<vmem>> -> memref<128xi32, #tpu.memory_space<vmem>>
      %dma_wait3A_263 = arith.constant 0 : i32
      %dma_wait3A_264 = arith.constant 0 : i32
      %dma_wait3A_265 = tpu.memref_slice %arg9[%dma_wait3A_263, %dma_wait3A_264] : memref<10000x16xf32, #tpu.memory_space<vmem_shared>> -> memref<10000x16xf32, #tpu.memory_space<vmem_shared>>
      tpu.wait_indirect_dma semaphore(%arg21 : memref<!tpu.dma_semaphore, #tpu.memory_space<semaphore_mem>>) src(%dma_wait3A_265 : memref<10000x16xf32, #tpu.memory_space<vmem_shared>>) dst(%dma_wait3A_259 : memref<128x16xf32, #tpu.memory_space<vmem>>)
      %dma_wait3A_266 = arith.constant 0 : i32
      %dma_wait3A_267 = arith.constant 1 : i32
      %dma_wait3A_268 = arith.constant 0 : i32
      %dma_wait3A_269 = arith.constant 0 : i32
      %dma_wait3A_270 = tpu.memref_slice %arg12[%rem3A_254, %dma_wait3A_267, %dma_wait3A_268, %dma_wait3A_269] : memref<2x8x128x16xf32, #tpu.memory_space<vmem>> -> memref<1x1x128x16xf32, #tpu.memory_space<vmem>>
      %dma_wait3A_271 = tpu.memref_squeeze %dma_wait3A_270 : memref<1x1x128x16xf32, #tpu.memory_space<vmem>> -> memref<128x16xf32, #tpu.memory_space<vmem>>
      %dma_wait3A_272 = arith.constant 0 : i32
      %dma_wait3A_273 = tpu.memref_slice %arg10[%dma_wait3A_266, %dma_wait3A_272] : memref<79x128xi32, #tpu.memory_space<vmem>> -> memref<1x128xi32, #tpu.memory_space<vmem>>
      %dma_wait3A_274 = tpu.memref_squeeze %dma_wait3A_273 : memref<1x128xi32, #tpu.memory_space<vmem>> -> memref<128xi32, #tpu.memory_space<vmem>>
      %dma_wait3A_275 = arith.constant 0 : i32
      %dma_wait3A_276 = arith.constant 0 : i32
      %dma_wait3A_277 = tpu.memref_slice %arg9[%dma_wait3A_275, %dma_wait3A_276] : memref<10000x16xf32, #tpu.memory_space<vmem_shared>> -> memref<10000x16xf32, #tpu.memory_space<vmem_shared>>
      tpu.wait_indirect_dma semaphore(%arg21 : memref<!tpu.dma_semaphore, #tpu.memory_space<semaphore_mem>>) src(%dma_wait3A_277 : memref<10000x16xf32, #tpu.memory_space<vmem_shared>>) dst(%dma_wait3A_271 : memref<128x16xf32, #tpu.memory_space<vmem>>)
      %dma_wait3A_278 = arith.constant 0 : i32
      %dma_wait3A_279 = arith.constant 2 : i32
      %dma_wait3A_280 = arith.constant 0 : i32
      %dma_wait3A_281 = arith.constant 0 : i32
      %dma_wait3A_282 = tpu.memref_slice %arg12[%rem3A_254, %dma_wait3A_279, %dma_wait3A_280, %dma_wait3A_281] : memref<2x8x128x16xf32, #tpu.memory_space<vmem>> -> memref<1x1x128x16xf32, #tpu.memory_space<vmem>>
      %dma_wait3A_283 = tpu.memref_squeeze %dma_wait3A_282 : memref<1x1x128x16xf32, #tpu.memory_space<vmem>> -> memref<128x16xf32, #tpu.memory_space<vmem>>
      %dma_wait3A_284 = arith.constant 0 : i32
      %dma_wait3A_285 = tpu.memref_slice %arg10[%dma_wait3A_278, %dma_wait3A_284] : memref<79x128xi32, #tpu.memory_space<vmem>> -> memref<1x128xi32, #tpu.memory_space<vmem>>
      %dma_wait3A_286 = tpu.memref_squeeze %dma_wait3A_285 : memref<1x128xi32, #tpu.memory_space<vmem>> -> memref<128xi32, #tpu.memory_space<vmem>>
      %dma_wait3A_287 = arith.constant 0 : i32
      %dma_wait3A_288 = arith.constant 0 : i32
      %dma_wait3A_289 = tpu.memref_slice %arg9[%dma_wait3A_287, %dma_wait3A_288] : memref<10000x16xf32, #tpu.memory_space<vmem_shared>> -> memref<10000x16xf32, #tpu.memory_space<vmem_shared>>
      tpu.wait_indirect_dma semaphore(%arg21 : memref<!tpu.dma_semaphore, #tpu.memory_space<semaphore_mem>>) src(%dma_wait3A_289 : memref<10000x16xf32, #tpu.memory_space<vmem_shared>>) dst(%dma_wait3A_283 : memref<128x16xf32, #tpu.memory_space<vmem>>)
      %dma_wait3A_290 = arith.constant 0 : i32
      %dma_wait3A_291 = arith.constant 3 : i32
      %dma_wait3A_292 = arith.constant 0 : i32
      %dma_wait3A_293 = arith.constant 0 : i32
      %dma_wait3A_294 = tpu.memref_slice %arg12[%rem3A_254, %dma_wait3A_291, %dma_wait3A_292, %dma_wait3A_293] : memref<2x8x128x16xf32, #tpu.memory_space<vmem>> -> memref<1x1x128x16xf32, #tpu.memory_space<vmem>>
      %dma_wait3A_295 = tpu.memref_squeeze %dma_wait3A_294 : memref<1x1x128x16xf32, #tpu.memory_space<vmem>> -> memref<128x16xf32, #tpu.memory_space<vmem>>
      %dma_wait3A_296 = arith.constant 0 : i32
      %dma_wait3A_297 = tpu.memref_slice %arg10[%dma_wait3A_290, %dma_wait3A_296] : memref<79x128xi32, #tpu.memory_space<vmem>> -> memref<1x128xi32, #tpu.memory_space<vmem>>
      %dma_wait3A_298 = tpu.memref_squeeze %dma_wait3A_297 : memref<1x128xi32, #tpu.memory_space<vmem>> -> memref<128xi32, #tpu.memory_space<vmem>>
      %dma_wait3A_299 = arith.constant 0 : i32
      %dma_wait3A_300 = arith.constant 0 : i32
      %dma_wait3A_301 = tpu.memref_slice %arg9[%dma_wait3A_299, %dma_wait3A_300] : memref<10000x16xf32, #tpu.memory_space<vmem_shared>> -> memref<10000x16xf32, #tpu.memory_space<vmem_shared>>
      tpu.wait_indirect_dma semaphore(%arg21 : memref<!tpu.dma_semaphore, #tpu.memory_space<semaphore_mem>>) src(%dma_wait3A_301 : memref<10000x16xf32, #tpu.memory_space<vmem_shared>>) dst(%dma_wait3A_295 : memref<128x16xf32, #tpu.memory_space<vmem>>)
      %dma_wait3A_302 = arith.constant 0 : i32
      %dma_wait3A_303 = arith.constant 4 : i32
      %dma_wait3A_304 = arith.constant 0 : i32
      %dma_wait3A_305 = arith.constant 0 : i32
      %dma_wait3A_306 = tpu.memref_slice %arg12[%rem3A_254, %dma_wait3A_303, %dma_wait3A_304, %dma_wait3A_305] : memref<2x8x128x16xf32, #tpu.memory_space<vmem>> -> memref<1x1x128x16xf32, #tpu.memory_space<vmem>>
      %dma_wait3A_307 = tpu.memref_squeeze %dma_wait3A_306 : memref<1x1x128x16xf32, #tpu.memory_space<vmem>> -> memref<128x16xf32, #tpu.memory_space<vmem>>
      %dma_wait3A_308 = arith.constant 0 : i32
      %dma_wait3A_309 = tpu.memref_slice %arg10[%dma_wait3A_302, %dma_wait3A_308] : memref<79x128xi32, #tpu.memory_space<vmem>> -> memref<1x128xi32, #tpu.memory_space<vmem>>
      %dma_wait3A_310 = tpu.memref_squeeze %dma_wait3A_309 : memref<1x128xi32, #tpu.memory_space<vmem>> -> memref<128xi32, #tpu.memory_space<vmem>>
      %dma_wait3A_311 = arith.constant 0 : i32
      %dma_wait3A_312 = arith.constant 0 : i32
      %dma_wait3A_313 = tpu.memref_slice %arg9[%dma_wait3A_311, %dma_wait3A_312] : memref<10000x16xf32, #tpu.memory_space<vmem_shared>> -> memref<10000x16xf32, #tpu.memory_space<vmem_shared>>
      tpu.wait_indirect_dma semaphore(%arg21 : memref<!tpu.dma_semaphore, #tpu.memory_space<semaphore_mem>>) src(%dma_wait3A_313 : memref<10000x16xf32, #tpu.memory_space<vmem_shared>>) dst(%dma_wait3A_307 : memref<128x16xf32, #tpu.memory_space<vmem>>)
      %dma_wait3A_314 = arith.constant 0 : i32
      %dma_wait3A_315 = arith.constant 5 : i32
      %dma_wait3A_316 = arith.constant 0 : i32
      %dma_wait3A_317 = arith.constant 0 : i32
      %dma_wait3A_318 = tpu.memref_slice %arg12[%rem3A_254, %dma_wait3A_315, %dma_wait3A_316, %dma_wait3A_317] : memref<2x8x128x16xf32, #tpu.memory_space<vmem>> -> memref<1x1x128x16xf32, #tpu.memory_space<vmem>>
      %dma_wait3A_319 = tpu.memref_squeeze %dma_wait3A_318 : memref<1x1x128x16xf32, #tpu.memory_space<vmem>> -> memref<128x16xf32, #tpu.memory_space<vmem>>
      %dma_wait3A_320 = arith.constant 0 : i32
      %dma_wait3A_321 = tpu.memref_slice %arg10[%dma_wait3A_314, %dma_wait3A_320] : memref<79x128xi32, #tpu.memory_space<vmem>> -> memref<1x128xi32, #tpu.memory_space<vmem>>
      %dma_wait3A_322 = tpu.memref_squeeze %dma_wait3A_321 : memref<1x128xi32, #tpu.memory_space<vmem>> -> memref<128xi32, #tpu.memory_space<vmem>>
      %dma_wait3A_323 = arith.constant 0 : i32
      %dma_wait3A_324 = arith.constant 0 : i32
      %dma_wait3A_325 = tpu.memref_slice %arg9[%dma_wait3A_323, %dma_wait3A_324] : memref<10000x16xf32, #tpu.memory_space<vmem_shared>> -> memref<10000x16xf32, #tpu.memory_space<vmem_shared>>
      tpu.wait_indirect_dma semaphore(%arg21 : memref<!tpu.dma_semaphore, #tpu.memory_space<semaphore_mem>>) src(%dma_wait3A_325 : memref<10000x16xf32, #tpu.memory_space<vmem_shared>>) dst(%dma_wait3A_319 : memref<128x16xf32, #tpu.memory_space<vmem>>)
      %dma_wait3A_326 = arith.constant 0 : i32
      %dma_wait3A_327 = arith.constant 6 : i32
      %dma_wait3A_328 = arith.constant 0 : i32
      %dma_wait3A_329 = arith.constant 0 : i32
      %dma_wait3A_330 = tpu.memref_slice %arg12[%rem3A_254, %dma_wait3A_327, %dma_wait3A_328, %dma_wait3A_329] : memref<2x8x128x16xf32, #tpu.memory_space<vmem>> -> memref<1x1x128x16xf32, #tpu.memory_space<vmem>>
      %dma_wait3A_331 = tpu.memref_squeeze %dma_wait3A_330 : memref<1x1x128x16xf32, #tpu.memory_space<vmem>> -> memref<128x16xf32, #tpu.memory_space<vmem>>
      %dma_wait3A_332 = arith.constant 0 : i32
      %dma_wait3A_333 = tpu.memref_slice %arg10[%dma_wait3A_326, %dma_wait3A_332] : memref<79x128xi32, #tpu.memory_space<vmem>> -> memref<1x128xi32, #tpu.memory_space<vmem>>
      %dma_wait3A_334 = tpu.memref_squeeze %dma_wait3A_333 : memref<1x128xi32, #tpu.memory_space<vmem>> -> memref<128xi32, #tpu.memory_space<vmem>>
      %dma_wait3A_335 = arith.constant 0 : i32
      %dma_wait3A_336 = arith.constant 0 : i32
      %dma_wait3A_337 = tpu.memref_slice %arg9[%dma_wait3A_335, %dma_wait3A_336] : memref<10000x16xf32, #tpu.memory_space<vmem_shared>> -> memref<10000x16xf32, #tpu.memory_space<vmem_shared>>
      tpu.wait_indirect_dma semaphore(%arg21 : memref<!tpu.dma_semaphore, #tpu.memory_space<semaphore_mem>>) src(%dma_wait3A_337 : memref<10000x16xf32, #tpu.memory_space<vmem_shared>>) dst(%dma_wait3A_331 : memref<128x16xf32, #tpu.memory_space<vmem>>)
      %dma_wait3A_338 = arith.constant 0 : i32
      %dma_wait3A_339 = arith.constant 7 : i32
      %dma_wait3A_340 = arith.constant 0 : i32
      %dma_wait3A_341 = arith.constant 0 : i32
      %dma_wait3A_342 = tpu.memref_slice %arg12[%rem3A_254, %dma_wait3A_339, %dma_wait3A_340, %dma_wait3A_341] : memref<2x8x128x16xf32, #tpu.memory_space<vmem>> -> memref<1x1x128x16xf32, #tpu.memory_space<vmem>>
      %dma_wait3A_343 = tpu.memref_squeeze %dma_wait3A_342 : memref<1x1x128x16xf32, #tpu.memory_space<vmem>> -> memref<128x16xf32, #tpu.memory_space<vmem>>
      %dma_wait3A_344 = arith.constant 0 : i32
      %dma_wait3A_345 = tpu.memref_slice %arg10[%dma_wait3A_338, %dma_wait3A_344] : memref<79x128xi32, #tpu.memory_space<vmem>> -> memref<1x128xi32, #tpu.memory_space<vmem>>
      %dma_wait3A_346 = tpu.memref_squeeze %dma_wait3A_345 : memref<1x128xi32, #tpu.memory_space<vmem>> -> memref<128xi32, #tpu.memory_space<vmem>>
      %dma_wait3A_347 = arith.constant 0 : i32
      %dma_wait3A_348 = arith.constant 0 : i32
      %dma_wait3A_349 = tpu.memref_slice %arg9[%dma_wait3A_347, %dma_wait3A_348] : memref<10000x16xf32, #tpu.memory_space<vmem_shared>> -> memref<10000x16xf32, #tpu.memory_space<vmem_shared>>
      tpu.wait_indirect_dma semaphore(%arg21 : memref<!tpu.dma_semaphore, #tpu.memory_space<semaphore_mem>>) src(%dma_wait3A_349 : memref<10000x16xf32, #tpu.memory_space<vmem_shared>>) dst(%dma_wait3A_343 : memref<128x16xf32, #tpu.memory_space<vmem>>)
      %add3A_350 = arith.constant 0 : i32
      %add3A_351 = arith.addi %mul3A_252, %add3A_350 : i32
      %dma_start3A_352 = arith.constant 0 : i32
      %dma_start3A_353 = arith.constant 0 : i32
      %dma_start3A_354 = arith.constant 0 : i32
      %dma_start3A_355 = tpu.memref_slice %arg12[%rem3A_254, %dma_start3A_352, %dma_start3A_353, %dma_start3A_354] : memref<2x8x128x16xf32, #tpu.memory_space<vmem>> -> memref<1x1x128x16xf32, #tpu.memory_space<vmem>>
      %dma_start3A_356 = tpu.memref_squeeze %dma_start3A_355 : memref<1x1x128x16xf32, #tpu.memory_space<vmem>> -> memref<128x16xf32, #tpu.memory_space<vmem>>
      %dma_start3A_357 = arith.constant 0 : i32
      %dma_start3A_358 = tpu.memref_slice %arg11[%add3A_351, %dma_start3A_357] : memref<79x128xi32, #tpu.memory_space<vmem>> -> memref<1x128xi32, #tpu.memory_space<vmem>>
      %dma_start3A_359 = tpu.memref_squeeze %dma_start3A_358 : memref<1x128xi32, #tpu.memory_space<vmem>> -> memref<128xi32, #tpu.memory_space<vmem>>
      %dma_start3A_360 = arith.constant 0 : i32
      %dma_start3A_361 = arith.constant 0 : i32
      %dma_start3A_362 = tpu.memref_slice %arg8[%dma_start3A_360, %dma_start3A_361] : memref<10000x16xf32, #tpu.memory_space<vmem_shared>> -> memref<10000x16xf32, #tpu.memory_space<vmem_shared>>
      tpu.enqueue_indirect_dma source(%dma_start3A_356 : memref<128x16xf32, #tpu.memory_space<vmem>>) target(%dma_start3A_362 : memref<10000x16xf32, #tpu.memory_space<vmem_shared>>) offsets(%dma_start3A_359 : memref<128xi32, #tpu.memory_space<vmem>>) semaphore(%arg22 : memref<!tpu.dma_semaphore, #tpu.memory_space<semaphore_mem>>) {add = true}
      %add3A_363 = arith.constant 1 : i32
      %add3A_364 = arith.addi %mul3A_252, %add3A_363 : i32
      %dma_start3A_365 = arith.constant 1 : i32
      %dma_start3A_366 = arith.constant 0 : i32
      %dma_start3A_367 = arith.constant 0 : i32
      %dma_start3A_368 = tpu.memref_slice %arg12[%rem3A_254, %dma_start3A_365, %dma_start3A_366, %dma_start3A_367] : memref<2x8x128x16xf32, #tpu.memory_space<vmem>> -> memref<1x1x128x16xf32, #tpu.memory_space<vmem>>
      %dma_start3A_369 = tpu.memref_squeeze %dma_start3A_368 : memref<1x1x128x16xf32, #tpu.memory_space<vmem>> -> memref<128x16xf32, #tpu.memory_space<vmem>>
      %dma_start3A_370 = arith.constant 0 : i32
      %dma_start3A_371 = tpu.memref_slice %arg11[%add3A_364, %dma_start3A_370] : memref<79x128xi32, #tpu.memory_space<vmem>> -> memref<1x128xi32, #tpu.memory_space<vmem>>
      %dma_start3A_372 = tpu.memref_squeeze %dma_start3A_371 : memref<1x128xi32, #tpu.memory_space<vmem>> -> memref<128xi32, #tpu.memory_space<vmem>>
      %dma_start3A_373 = arith.constant 0 : i32
      %dma_start3A_374 = arith.constant 0 : i32
      %dma_start3A_375 = tpu.memref_slice %arg8[%dma_start3A_373, %dma_start3A_374] : memref<10000x16xf32, #tpu.memory_space<vmem_shared>> -> memref<10000x16xf32, #tpu.memory_space<vmem_shared>>
      tpu.enqueue_indirect_dma source(%dma_start3A_369 : memref<128x16xf32, #tpu.memory_space<vmem>>) target(%dma_start3A_375 : memref<10000x16xf32, #tpu.memory_space<vmem_shared>>) offsets(%dma_start3A_372 : memref<128xi32, #tpu.memory_space<vmem>>) semaphore(%arg22 : memref<!tpu.dma_semaphore, #tpu.memory_space<semaphore_mem>>) {add = true}
      %add3A_376 = arith.constant 2 : i32
      %add3A_377 = arith.addi %mul3A_252, %add3A_376 : i32
      %dma_start3A_378 = arith.constant 2 : i32
      %dma_start3A_379 = arith.constant 0 : i32
      %dma_start3A_380 = arith.constant 0 : i32
      %dma_start3A_381 = tpu.memref_slice %arg12[%rem3A_254, %dma_start3A_378, %dma_start3A_379, %dma_start3A_380] : memref<2x8x128x16xf32, #tpu.memory_space<vmem>> -> memref<1x1x128x16xf32, #tpu.memory_space<vmem>>
      %dma_start3A_382 = tpu.memref_squeeze %dma_start3A_381 : memref<1x1x128x16xf32, #tpu.memory_space<vmem>> -> memref<128x16xf32, #tpu.memory_space<vmem>>
      %dma_start3A_383 = arith.constant 0 : i32
      %dma_start3A_384 = tpu.memref_slice %arg11[%add3A_377, %dma_start3A_383] : memref<79x128xi32, #tpu.memory_space<vmem>> -> memref<1x128xi32, #tpu.memory_space<vmem>>
      %dma_start3A_385 = tpu.memref_squeeze %dma_start3A_384 : memref<1x128xi32, #tpu.memory_space<vmem>> -> memref<128xi32, #tpu.memory_space<vmem>>
      %dma_start3A_386 = arith.constant 0 : i32
      %dma_start3A_387 = arith.constant 0 : i32
      %dma_start3A_388 = tpu.memref_slice %arg8[%dma_start3A_386, %dma_start3A_387] : memref<10000x16xf32, #tpu.memory_space<vmem_shared>> -> memref<10000x16xf32, #tpu.memory_space<vmem_shared>>
      tpu.enqueue_indirect_dma source(%dma_start3A_382 : memref<128x16xf32, #tpu.memory_space<vmem>>) target(%dma_start3A_388 : memref<10000x16xf32, #tpu.memory_space<vmem_shared>>) offsets(%dma_start3A_385 : memref<128xi32, #tpu.memory_space<vmem>>) semaphore(%arg22 : memref<!tpu.dma_semaphore, #tpu.memory_space<semaphore_mem>>) {add = true}
      %add3A_389 = arith.constant 3 : i32
      %add3A_390 = arith.addi %mul3A_252, %add3A_389 : i32
      %dma_start3A_391 = arith.constant 3 : i32
      %dma_start3A_392 = arith.constant 0 : i32
      %dma_start3A_393 = arith.constant 0 : i32
      %dma_start3A_394 = tpu.memref_slice %arg12[%rem3A_254, %dma_start3A_391, %dma_start3A_392, %dma_start3A_393] : memref<2x8x128x16xf32, #tpu.memory_space<vmem>> -> memref<1x1x128x16xf32, #tpu.memory_space<vmem>>
      %dma_start3A_395 = tpu.memref_squeeze %dma_start3A_394 : memref<1x1x128x16xf32, #tpu.memory_space<vmem>> -> memref<128x16xf32, #tpu.memory_space<vmem>>
      %dma_start3A_396 = arith.constant 0 : i32
      %dma_start3A_397 = tpu.memref_slice %arg11[%add3A_390, %dma_start3A_396] : memref<79x128xi32, #tpu.memory_space<vmem>> -> memref<1x128xi32, #tpu.memory_space<vmem>>
      %dma_start3A_398 = tpu.memref_squeeze %dma_start3A_397 : memref<1x128xi32, #tpu.memory_space<vmem>> -> memref<128xi32, #tpu.memory_space<vmem>>
      %dma_start3A_399 = arith.constant 0 : i32
      %dma_start3A_400 = arith.constant 0 : i32
      %dma_start3A_401 = tpu.memref_slice %arg8[%dma_start3A_399, %dma_start3A_400] : memref<10000x16xf32, #tpu.memory_space<vmem_shared>> -> memref<10000x16xf32, #tpu.memory_space<vmem_shared>>
      tpu.enqueue_indirect_dma source(%dma_start3A_395 : memref<128x16xf32, #tpu.memory_space<vmem>>) target(%dma_start3A_401 : memref<10000x16xf32, #tpu.memory_space<vmem_shared>>) offsets(%dma_start3A_398 : memref<128xi32, #tpu.memory_space<vmem>>) semaphore(%arg22 : memref<!tpu.dma_semaphore, #tpu.memory_space<semaphore_mem>>) {add = true}
      %add3A_402 = arith.constant 4 : i32
      %add3A_403 = arith.addi %mul3A_252, %add3A_402 : i32
      %dma_start3A_404 = arith.constant 4 : i32
      %dma_start3A_405 = arith.constant 0 : i32
      %dma_start3A_406 = arith.constant 0 : i32
      %dma_start3A_407 = tpu.memref_slice %arg12[%rem3A_254, %dma_start3A_404, %dma_start3A_405, %dma_start3A_406] : memref<2x8x128x16xf32, #tpu.memory_space<vmem>> -> memref<1x1x128x16xf32, #tpu.memory_space<vmem>>
      %dma_start3A_408 = tpu.memref_squeeze %dma_start3A_407 : memref<1x1x128x16xf32, #tpu.memory_space<vmem>> -> memref<128x16xf32, #tpu.memory_space<vmem>>
      %dma_start3A_409 = arith.constant 0 : i32
      %dma_start3A_410 = tpu.memref_slice %arg11[%add3A_403, %dma_start3A_409] : memref<79x128xi32, #tpu.memory_space<vmem>> -> memref<1x128xi32, #tpu.memory_space<vmem>>
      %dma_start3A_411 = tpu.memref_squeeze %dma_start3A_410 : memref<1x128xi32, #tpu.memory_space<vmem>> -> memref<128xi32, #tpu.memory_space<vmem>>
      %dma_start3A_412 = arith.constant 0 : i32
      %dma_start3A_413 = arith.constant 0 : i32
      %dma_start3A_414 = tpu.memref_slice %arg8[%dma_start3A_412, %dma_start3A_413] : memref<10000x16xf32, #tpu.memory_space<vmem_shared>> -> memref<10000x16xf32, #tpu.memory_space<vmem_shared>>
      tpu.enqueue_indirect_dma source(%dma_start3A_408 : memref<128x16xf32, #tpu.memory_space<vmem>>) target(%dma_start3A_414 : memref<10000x16xf32, #tpu.memory_space<vmem_shared>>) offsets(%dma_start3A_411 : memref<128xi32, #tpu.memory_space<vmem>>) semaphore(%arg22 : memref<!tpu.dma_semaphore, #tpu.memory_space<semaphore_mem>>) {add = true}
      %add3A_415 = arith.constant 5 : i32
      %add3A_416 = arith.addi %mul3A_252, %add3A_415 : i32
      %dma_start3A_417 = arith.constant 5 : i32
      %dma_start3A_418 = arith.constant 0 : i32
      %dma_start3A_419 = arith.constant 0 : i32
      %dma_start3A_420 = tpu.memref_slice %arg12[%rem3A_254, %dma_start3A_417, %dma_start3A_418, %dma_start3A_419] : memref<2x8x128x16xf32, #tpu.memory_space<vmem>> -> memref<1x1x128x16xf32, #tpu.memory_space<vmem>>
      %dma_start3A_421 = tpu.memref_squeeze %dma_start3A_420 : memref<1x1x128x16xf32, #tpu.memory_space<vmem>> -> memref<128x16xf32, #tpu.memory_space<vmem>>
      %dma_start3A_422 = arith.constant 0 : i32
      %dma_start3A_423 = tpu.memref_slice %arg11[%add3A_416, %dma_start3A_422] : memref<79x128xi32, #tpu.memory_space<vmem>> -> memref<1x128xi32, #tpu.memory_space<vmem>>
      %dma_start3A_424 = tpu.memref_squeeze %dma_start3A_423 : memref<1x128xi32, #tpu.memory_space<vmem>> -> memref<128xi32, #tpu.memory_space<vmem>>
      %dma_start3A_425 = arith.constant 0 : i32
      %dma_start3A_426 = arith.constant 0 : i32
      %dma_start3A_427 = tpu.memref_slice %arg8[%dma_start3A_425, %dma_start3A_426] : memref<10000x16xf32, #tpu.memory_space<vmem_shared>> -> memref<10000x16xf32, #tpu.memory_space<vmem_shared>>
      tpu.enqueue_indirect_dma source(%dma_start3A_421 : memref<128x16xf32, #tpu.memory_space<vmem>>) target(%dma_start3A_427 : memref<10000x16xf32, #tpu.memory_space<vmem_shared>>) offsets(%dma_start3A_424 : memref<128xi32, #tpu.memory_space<vmem>>) semaphore(%arg22 : memref<!tpu.dma_semaphore, #tpu.memory_space<semaphore_mem>>) {add = true}
      %add3A_428 = arith.constant 6 : i32
      %add3A_429 = arith.addi %mul3A_252, %add3A_428 : i32
      %dma_start3A_430 = arith.constant 6 : i32
      %dma_start3A_431 = arith.constant 0 : i32
      %dma_start3A_432 = arith.constant 0 : i32
      %dma_start3A_433 = tpu.memref_slice %arg12[%rem3A_254, %dma_start3A_430, %dma_start3A_431, %dma_start3A_432] : memref<2x8x128x16xf32, #tpu.memory_space<vmem>> -> memref<1x1x128x16xf32, #tpu.memory_space<vmem>>
      %dma_start3A_434 = tpu.memref_squeeze %dma_start3A_433 : memref<1x1x128x16xf32, #tpu.memory_space<vmem>> -> memref<128x16xf32, #tpu.memory_space<vmem>>
      %dma_start3A_435 = arith.constant 0 : i32
      %dma_start3A_436 = tpu.memref_slice %arg11[%add3A_429, %dma_start3A_435] : memref<79x128xi32, #tpu.memory_space<vmem>> -> memref<1x128xi32, #tpu.memory_space<vmem>>
      %dma_start3A_437 = tpu.memref_squeeze %dma_start3A_436 : memref<1x128xi32, #tpu.memory_space<vmem>> -> memref<128xi32, #tpu.memory_space<vmem>>
      %dma_start3A_438 = arith.constant 0 : i32
      %dma_start3A_439 = arith.constant 0 : i32
      %dma_start3A_440 = tpu.memref_slice %arg8[%dma_start3A_438, %dma_start3A_439] : memref<10000x16xf32, #tpu.memory_space<vmem_shared>> -> memref<10000x16xf32, #tpu.memory_space<vmem_shared>>
      tpu.enqueue_indirect_dma source(%dma_start3A_434 : memref<128x16xf32, #tpu.memory_space<vmem>>) target(%dma_start3A_440 : memref<10000x16xf32, #tpu.memory_space<vmem_shared>>) offsets(%dma_start3A_437 : memref<128xi32, #tpu.memory_space<vmem>>) semaphore(%arg22 : memref<!tpu.dma_semaphore, #tpu.memory_space<semaphore_mem>>) {add = true}
      %add3A_441 = arith.constant 7 : i32
      %add3A_442 = arith.addi %mul3A_252, %add3A_441 : i32
      %dma_start3A_443 = arith.constant 7 : i32
      %dma_start3A_444 = arith.constant 0 : i32
      %dma_start3A_445 = arith.constant 0 : i32
      %dma_start3A_446 = tpu.memref_slice %arg12[%rem3A_254, %dma_start3A_443, %dma_start3A_444, %dma_start3A_445] : memref<2x8x128x16xf32, #tpu.memory_space<vmem>> -> memref<1x1x128x16xf32, #tpu.memory_space<vmem>>
      %dma_start3A_447 = tpu.memref_squeeze %dma_start3A_446 : memref<1x1x128x16xf32, #tpu.memory_space<vmem>> -> memref<128x16xf32, #tpu.memory_space<vmem>>
      %dma_start3A_448 = arith.constant 0 : i32
      %dma_start3A_449 = tpu.memref_slice %arg11[%add3A_442, %dma_start3A_448] : memref<79x128xi32, #tpu.memory_space<vmem>> -> memref<1x128xi32, #tpu.memory_space<vmem>>
      %dma_start3A_450 = tpu.memref_squeeze %dma_start3A_449 : memref<1x128xi32, #tpu.memory_space<vmem>> -> memref<128xi32, #tpu.memory_space<vmem>>
      %dma_start3A_451 = arith.constant 0 : i32
      %dma_start3A_452 = arith.constant 0 : i32
      %dma_start3A_453 = tpu.memref_slice %arg8[%dma_start3A_451, %dma_start3A_452] : memref<10000x16xf32, #tpu.memory_space<vmem_shared>> -> memref<10000x16xf32, #tpu.memory_space<vmem_shared>>
      tpu.enqueue_indirect_dma source(%dma_start3A_447 : memref<128x16xf32, #tpu.memory_space<vmem>>) target(%dma_start3A_453 : memref<10000x16xf32, #tpu.memory_space<vmem_shared>>) offsets(%dma_start3A_450 : memref<128xi32, #tpu.memory_space<vmem>>) semaphore(%arg22 : memref<!tpu.dma_semaphore, #tpu.memory_space<semaphore_mem>>) {add = true}
      %add3A_454 = arith.constant 1 : i32
      %add3A_455 = arith.addi %while3A_250, %add3A_454 : i32
      %lt3A_456 = arith.cmpi slt, %add3A_455, %select_n3A_121 : i32
      %convert_element_type3A_457 = arith.extui %lt3A_456 : i1 to i32
      %cond3A_458 = arith.constant 0 : i32
      %cond3A_459 = arith.cmpi ne, %convert_element_type3A_457, %cond3A_458 : i32
      scf.if %cond3A_459 {
        %add3A_548 = arith.constant 8 : i32
        %add3A_549 = arith.addi %mul3A_252, %add3A_548 : i32
        %add3A_550 = arith.constant 0 : i32
        %add3A_551 = arith.addi %add3A_549, %add3A_550 : i32
        %sub3A_552 = arith.constant 1 : i32
        %sub3A_553 = arith.subi %sub3A_552, %rem3A_254 : i32
        %dma_start3A_554 = arith.constant 0 : i32
        %dma_start3A_555 = arith.constant 0 : i32
        %dma_start3A_556 = arith.constant 0 : i32
        %dma_start3A_557 = tpu.memref_slice %arg12[%sub3A_553, %dma_start3A_554, %dma_start3A_555, %dma_start3A_556] : memref<2x8x128x16xf32, #tpu.memory_space<vmem>> -> memref<1x1x128x16xf32, #tpu.memory_space<vmem>>
        %dma_start3A_558 = tpu.memref_squeeze %dma_start3A_557 : memref<1x1x128x16xf32, #tpu.memory_space<vmem>> -> memref<128x16xf32, #tpu.memory_space<vmem>>
        %dma_start3A_559 = arith.constant 0 : i32
        %dma_start3A_560 = tpu.memref_slice %arg10[%add3A_551, %dma_start3A_559] : memref<79x128xi32, #tpu.memory_space<vmem>> -> memref<1x128xi32, #tpu.memory_space<vmem>>
        %dma_start3A_561 = tpu.memref_squeeze %dma_start3A_560 : memref<1x128xi32, #tpu.memory_space<vmem>> -> memref<128xi32, #tpu.memory_space<vmem>>
        %dma_start3A_562 = arith.constant 0 : i32
        %dma_start3A_563 = arith.constant 0 : i32
        %dma_start3A_564 = tpu.memref_slice %arg9[%dma_start3A_562, %dma_start3A_563] : memref<10000x16xf32, #tpu.memory_space<vmem_shared>> -> memref<10000x16xf32, #tpu.memory_space<vmem_shared>>
        tpu.enqueue_indirect_dma source(%dma_start3A_564 : memref<10000x16xf32, #tpu.memory_space<vmem_shared>>) target(%dma_start3A_558 : memref<128x16xf32, #tpu.memory_space<vmem>>) offsets(%dma_start3A_561 : memref<128xi32, #tpu.memory_space<vmem>>) semaphore(%arg21 : memref<!tpu.dma_semaphore, #tpu.memory_space<semaphore_mem>>)
        %add3A_565 = arith.constant 8 : i32
        %add3A_566 = arith.addi %mul3A_252, %add3A_565 : i32
        %add3A_567 = arith.constant 1 : i32
        %add3A_568 = arith.addi %add3A_566, %add3A_567 : i32
        %sub3A_569 = arith.constant 1 : i32
        %sub3A_570 = arith.subi %sub3A_569, %rem3A_254 : i32
        %dma_start3A_571 = arith.constant 1 : i32
        %dma_start3A_572 = arith.constant 0 : i32
        %dma_start3A_573 = arith.constant 0 : i32
        %dma_start3A_574 = tpu.memref_slice %arg12[%sub3A_570, %dma_start3A_571, %dma_start3A_572, %dma_start3A_573] : memref<2x8x128x16xf32, #tpu.memory_space<vmem>> -> memref<1x1x128x16xf32, #tpu.memory_space<vmem>>
        %dma_start3A_575 = tpu.memref_squeeze %dma_start3A_574 : memref<1x1x128x16xf32, #tpu.memory_space<vmem>> -> memref<128x16xf32, #tpu.memory_space<vmem>>
        %dma_start3A_576 = arith.constant 0 : i32
        %dma_start3A_577 = tpu.memref_slice %arg10[%add3A_568, %dma_start3A_576] : memref<79x128xi32, #tpu.memory_space<vmem>> -> memref<1x128xi32, #tpu.memory_space<vmem>>
        %dma_start3A_578 = tpu.memref_squeeze %dma_start3A_577 : memref<1x128xi32, #tpu.memory_space<vmem>> -> memref<128xi32, #tpu.memory_space<vmem>>
        %dma_start3A_579 = arith.constant 0 : i32
        %dma_start3A_580 = arith.constant 0 : i32
        %dma_start3A_581 = tpu.memref_slice %arg9[%dma_start3A_579, %dma_start3A_580] : memref<10000x16xf32, #tpu.memory_space<vmem_shared>> -> memref<10000x16xf32, #tpu.memory_space<vmem_shared>>
        tpu.enqueue_indirect_dma source(%dma_start3A_581 : memref<10000x16xf32, #tpu.memory_space<vmem_shared>>) target(%dma_start3A_575 : memref<128x16xf32, #tpu.memory_space<vmem>>) offsets(%dma_start3A_578 : memref<128xi32, #tpu.memory_space<vmem>>) semaphore(%arg21 : memref<!tpu.dma_semaphore, #tpu.memory_space<semaphore_mem>>)
        %add3A_582 = arith.constant 8 : i32
        %add3A_583 = arith.addi %mul3A_252, %add3A_582 : i32
        %add3A_584 = arith.constant 2 : i32
        %add3A_585 = arith.addi %add3A_583, %add3A_584 : i32
        %sub3A_586 = arith.constant 1 : i32
        %sub3A_587 = arith.subi %sub3A_586, %rem3A_254 : i32
        %dma_start3A_588 = arith.constant 2 : i32
        %dma_start3A_589 = arith.constant 0 : i32
        %dma_start3A_590 = arith.constant 0 : i32
        %dma_start3A_591 = tpu.memref_slice %arg12[%sub3A_587, %dma_start3A_588, %dma_start3A_589, %dma_start3A_590] : memref<2x8x128x16xf32, #tpu.memory_space<vmem>> -> memref<1x1x128x16xf32, #tpu.memory_space<vmem>>
        %dma_start3A_592 = tpu.memref_squeeze %dma_start3A_591 : memref<1x1x128x16xf32, #tpu.memory_space<vmem>> -> memref<128x16xf32, #tpu.memory_space<vmem>>
        %dma_start3A_593 = arith.constant 0 : i32
        %dma_start3A_594 = tpu.memref_slice %arg10[%add3A_585, %dma_start3A_593] : memref<79x128xi32, #tpu.memory_space<vmem>> -> memref<1x128xi32, #tpu.memory_space<vmem>>
        %dma_start3A_595 = tpu.memref_squeeze %dma_start3A_594 : memref<1x128xi32, #tpu.memory_space<vmem>> -> memref<128xi32, #tpu.memory_space<vmem>>
        %dma_start3A_596 = arith.constant 0 : i32
        %dma_start3A_597 = arith.constant 0 : i32
        %dma_start3A_598 = tpu.memref_slice %arg9[%dma_start3A_596, %dma_start3A_597] : memref<10000x16xf32, #tpu.memory_space<vmem_shared>> -> memref<10000x16xf32, #tpu.memory_space<vmem_shared>>
        tpu.enqueue_indirect_dma source(%dma_start3A_598 : memref<10000x16xf32, #tpu.memory_space<vmem_shared>>) target(%dma_start3A_592 : memref<128x16xf32, #tpu.memory_space<vmem>>) offsets(%dma_start3A_595 : memref<128xi32, #tpu.memory_space<vmem>>) semaphore(%arg21 : memref<!tpu.dma_semaphore, #tpu.memory_space<semaphore_mem>>)
        %add3A_599 = arith.constant 8 : i32
        %add3A_600 = arith.addi %mul3A_252, %add3A_599 : i32
        %add3A_601 = arith.constant 3 : i32
        %add3A_602 = arith.addi %add3A_600, %add3A_601 : i32
        %sub3A_603 = arith.constant 1 : i32
        %sub3A_604 = arith.subi %sub3A_603, %rem3A_254 : i32
        %dma_start3A_605 = arith.constant 3 : i32
        %dma_start3A_606 = arith.constant 0 : i32
        %dma_start3A_607 = arith.constant 0 : i32
        %dma_start3A_608 = tpu.memref_slice %arg12[%sub3A_604, %dma_start3A_605, %dma_start3A_606, %dma_start3A_607] : memref<2x8x128x16xf32, #tpu.memory_space<vmem>> -> memref<1x1x128x16xf32, #tpu.memory_space<vmem>>
        %dma_start3A_609 = tpu.memref_squeeze %dma_start3A_608 : memref<1x1x128x16xf32, #tpu.memory_space<vmem>> -> memref<128x16xf32, #tpu.memory_space<vmem>>
        %dma_start3A_610 = arith.constant 0 : i32
        %dma_start3A_611 = tpu.memref_slice %arg10[%add3A_602, %dma_start3A_610] : memref<79x128xi32, #tpu.memory_space<vmem>> -> memref<1x128xi32, #tpu.memory_space<vmem>>
        %dma_start3A_612 = tpu.memref_squeeze %dma_start3A_611 : memref<1x128xi32, #tpu.memory_space<vmem>> -> memref<128xi32, #tpu.memory_space<vmem>>
        %dma_start3A_613 = arith.constant 0 : i32
        %dma_start3A_614 = arith.constant 0 : i32
        %dma_start3A_615 = tpu.memref_slice %arg9[%dma_start3A_613, %dma_start3A_614] : memref<10000x16xf32, #tpu.memory_space<vmem_shared>> -> memref<10000x16xf32, #tpu.memory_space<vmem_shared>>
        tpu.enqueue_indirect_dma source(%dma_start3A_615 : memref<10000x16xf32, #tpu.memory_space<vmem_shared>>) target(%dma_start3A_609 : memref<128x16xf32, #tpu.memory_space<vmem>>) offsets(%dma_start3A_612 : memref<128xi32, #tpu.memory_space<vmem>>) semaphore(%arg21 : memref<!tpu.dma_semaphore, #tpu.memory_space<semaphore_mem>>)
        %add3A_616 = arith.constant 8 : i32
        %add3A_617 = arith.addi %mul3A_252, %add3A_616 : i32
        %add3A_618 = arith.constant 4 : i32
        %add3A_619 = arith.addi %add3A_617, %add3A_618 : i32
        %sub3A_620 = arith.constant 1 : i32
        %sub3A_621 = arith.subi %sub3A_620, %rem3A_254 : i32
        %dma_start3A_622 = arith.constant 4 : i32
        %dma_start3A_623 = arith.constant 0 : i32
        %dma_start3A_624 = arith.constant 0 : i32
        %dma_start3A_625 = tpu.memref_slice %arg12[%sub3A_621, %dma_start3A_622, %dma_start3A_623, %dma_start3A_624] : memref<2x8x128x16xf32, #tpu.memory_space<vmem>> -> memref<1x1x128x16xf32, #tpu.memory_space<vmem>>
        %dma_start3A_626 = tpu.memref_squeeze %dma_start3A_625 : memref<1x1x128x16xf32, #tpu.memory_space<vmem>> -> memref<128x16xf32, #tpu.memory_space<vmem>>
        %dma_start3A_627 = arith.constant 0 : i32
        %dma_start3A_628 = tpu.memref_slice %arg10[%add3A_619, %dma_start3A_627] : memref<79x128xi32, #tpu.memory_space<vmem>> -> memref<1x128xi32, #tpu.memory_space<vmem>>
        %dma_start3A_629 = tpu.memref_squeeze %dma_start3A_628 : memref<1x128xi32, #tpu.memory_space<vmem>> -> memref<128xi32, #tpu.memory_space<vmem>>
        %dma_start3A_630 = arith.constant 0 : i32
        %dma_start3A_631 = arith.constant 0 : i32
        %dma_start3A_632 = tpu.memref_slice %arg9[%dma_start3A_630, %dma_start3A_631] : memref<10000x16xf32, #tpu.memory_space<vmem_shared>> -> memref<10000x16xf32, #tpu.memory_space<vmem_shared>>
        tpu.enqueue_indirect_dma source(%dma_start3A_632 : memref<10000x16xf32, #tpu.memory_space<vmem_shared>>) target(%dma_start3A_626 : memref<128x16xf32, #tpu.memory_space<vmem>>) offsets(%dma_start3A_629 : memref<128xi32, #tpu.memory_space<vmem>>) semaphore(%arg21 : memref<!tpu.dma_semaphore, #tpu.memory_space<semaphore_mem>>)
        %add3A_633 = arith.constant 8 : i32
        %add3A_634 = arith.addi %mul3A_252, %add3A_633 : i32
        %add3A_635 = arith.constant 5 : i32
        %add3A_636 = arith.addi %add3A_634, %add3A_635 : i32
        %sub3A_637 = arith.constant 1 : i32
        %sub3A_638 = arith.subi %sub3A_637, %rem3A_254 : i32
        %dma_start3A_639 = arith.constant 5 : i32
        %dma_start3A_640 = arith.constant 0 : i32
        %dma_start3A_641 = arith.constant 0 : i32
        %dma_start3A_642 = tpu.memref_slice %arg12[%sub3A_638, %dma_start3A_639, %dma_start3A_640, %dma_start3A_641] : memref<2x8x128x16xf32, #tpu.memory_space<vmem>> -> memref<1x1x128x16xf32, #tpu.memory_space<vmem>>
        %dma_start3A_643 = tpu.memref_squeeze %dma_start3A_642 : memref<1x1x128x16xf32, #tpu.memory_space<vmem>> -> memref<128x16xf32, #tpu.memory_space<vmem>>
        %dma_start3A_644 = arith.constant 0 : i32
        %dma_start3A_645 = tpu.memref_slice %arg10[%add3A_636, %dma_start3A_644] : memref<79x128xi32, #tpu.memory_space<vmem>> -> memref<1x128xi32, #tpu.memory_space<vmem>>
        %dma_start3A_646 = tpu.memref_squeeze %dma_start3A_645 : memref<1x128xi32, #tpu.memory_space<vmem>> -> memref<128xi32, #tpu.memory_space<vmem>>
        %dma_start3A_647 = arith.constant 0 : i32
        %dma_start3A_648 = arith.constant 0 : i32
        %dma_start3A_649 = tpu.memref_slice %arg9[%dma_start3A_647, %dma_start3A_648] : memref<10000x16xf32, #tpu.memory_space<vmem_shared>> -> memref<10000x16xf32, #tpu.memory_space<vmem_shared>>
        tpu.enqueue_indirect_dma source(%dma_start3A_649 : memref<10000x16xf32, #tpu.memory_space<vmem_shared>>) target(%dma_start3A_643 : memref<128x16xf32, #tpu.memory_space<vmem>>) offsets(%dma_start3A_646 : memref<128xi32, #tpu.memory_space<vmem>>) semaphore(%arg21 : memref<!tpu.dma_semaphore, #tpu.memory_space<semaphore_mem>>)
        %add3A_650 = arith.constant 8 : i32
        %add3A_651 = arith.addi %mul3A_252, %add3A_650 : i32
        %add3A_652 = arith.constant 6 : i32
        %add3A_653 = arith.addi %add3A_651, %add3A_652 : i32
        %sub3A_654 = arith.constant 1 : i32
        %sub3A_655 = arith.subi %sub3A_654, %rem3A_254 : i32
        %dma_start3A_656 = arith.constant 6 : i32
        %dma_start3A_657 = arith.constant 0 : i32
        %dma_start3A_658 = arith.constant 0 : i32
        %dma_start3A_659 = tpu.memref_slice %arg12[%sub3A_655, %dma_start3A_656, %dma_start3A_657, %dma_start3A_658] : memref<2x8x128x16xf32, #tpu.memory_space<vmem>> -> memref<1x1x128x16xf32, #tpu.memory_space<vmem>>
        %dma_start3A_660 = tpu.memref_squeeze %dma_start3A_659 : memref<1x1x128x16xf32, #tpu.memory_space<vmem>> -> memref<128x16xf32, #tpu.memory_space<vmem>>
        %dma_start3A_661 = arith.constant 0 : i32
        %dma_start3A_662 = tpu.memref_slice %arg10[%add3A_653, %dma_start3A_661] : memref<79x128xi32, #tpu.memory_space<vmem>> -> memref<1x128xi32, #tpu.memory_space<vmem>>
        %dma_start3A_663 = tpu.memref_squeeze %dma_start3A_662 : memref<1x128xi32, #tpu.memory_space<vmem>> -> memref<128xi32, #tpu.memory_space<vmem>>
        %dma_start3A_664 = arith.constant 0 : i32
        %dma_start3A_665 = arith.constant 0 : i32
        %dma_start3A_666 = tpu.memref_slice %arg9[%dma_start3A_664, %dma_start3A_665] : memref<10000x16xf32, #tpu.memory_space<vmem_shared>> -> memref<10000x16xf32, #tpu.memory_space<vmem_shared>>
        tpu.enqueue_indirect_dma source(%dma_start3A_666 : memref<10000x16xf32, #tpu.memory_space<vmem_shared>>) target(%dma_start3A_660 : memref<128x16xf32, #tpu.memory_space<vmem>>) offsets(%dma_start3A_663 : memref<128xi32, #tpu.memory_space<vmem>>) semaphore(%arg21 : memref<!tpu.dma_semaphore, #tpu.memory_space<semaphore_mem>>)
        %add3A_667 = arith.constant 8 : i32
        %add3A_668 = arith.addi %mul3A_252, %add3A_667 : i32
        %add3A_669 = arith.constant 7 : i32
        %add3A_670 = arith.addi %add3A_668, %add3A_669 : i32
        %sub3A_671 = arith.constant 1 : i32
        %sub3A_672 = arith.subi %sub3A_671, %rem3A_254 : i32
        %dma_start3A_673 = arith.constant 7 : i32
        %dma_start3A_674 = arith.constant 0 : i32
        %dma_start3A_675 = arith.constant 0 : i32
        %dma_start3A_676 = tpu.memref_slice %arg12[%sub3A_672, %dma_start3A_673, %dma_start3A_674, %dma_start3A_675] : memref<2x8x128x16xf32, #tpu.memory_space<vmem>> -> memref<1x1x128x16xf32, #tpu.memory_space<vmem>>
        %dma_start3A_677 = tpu.memref_squeeze %dma_start3A_676 : memref<1x1x128x16xf32, #tpu.memory_space<vmem>> -> memref<128x16xf32, #tpu.memory_space<vmem>>
        %dma_start3A_678 = arith.constant 0 : i32
        %dma_start3A_679 = tpu.memref_slice %arg10[%add3A_670, %dma_start3A_678] : memref<79x128xi32, #tpu.memory_space<vmem>> -> memref<1x128xi32, #tpu.memory_space<vmem>>
        %dma_start3A_680 = tpu.memref_squeeze %dma_start3A_679 : memref<1x128xi32, #tpu.memory_space<vmem>> -> memref<128xi32, #tpu.memory_space<vmem>>
        %dma_start3A_681 = arith.constant 0 : i32
        %dma_start3A_682 = arith.constant 0 : i32
        %dma_start3A_683 = tpu.memref_slice %arg9[%dma_start3A_681, %dma_start3A_682] : memref<10000x16xf32, #tpu.memory_space<vmem_shared>> -> memref<10000x16xf32, #tpu.memory_space<vmem_shared>>
        tpu.enqueue_indirect_dma source(%dma_start3A_683 : memref<10000x16xf32, #tpu.memory_space<vmem_shared>>) target(%dma_start3A_677 : memref<128x16xf32, #tpu.memory_space<vmem>>) offsets(%dma_start3A_680 : memref<128xi32, #tpu.memory_space<vmem>>) semaphore(%arg21 : memref<!tpu.dma_semaphore, #tpu.memory_space<semaphore_mem>>)
      } else {
      }
      %dma_wait3A_460 = arith.constant 0 : i32
      %dma_wait3A_461 = arith.constant 0 : i32
      %dma_wait3A_462 = arith.constant 0 : i32
      %dma_wait3A_463 = tpu.memref_slice %arg12[%rem3A_254, %dma_wait3A_460, %dma_wait3A_461, %dma_wait3A_462] : memref<2x8x128x16xf32, #tpu.memory_space<vmem>> -> memref<1x1x128x16xf32, #tpu.memory_space<vmem>>
      %dma_wait3A_464 = tpu.memref_squeeze %dma_wait3A_463 : memref<1x1x128x16xf32, #tpu.memory_space<vmem>> -> memref<128x16xf32, #tpu.memory_space<vmem>>
      %dma_wait3A_465 = arith.constant 0 : i32
      %dma_wait3A_466 = tpu.memref_slice %arg11[%mul3A_252, %dma_wait3A_465] : memref<79x128xi32, #tpu.memory_space<vmem>> -> memref<1x128xi32, #tpu.memory_space<vmem>>
      %dma_wait3A_467 = tpu.memref_squeeze %dma_wait3A_466 : memref<1x128xi32, #tpu.memory_space<vmem>> -> memref<128xi32, #tpu.memory_space<vmem>>
      %dma_wait3A_468 = arith.constant 0 : i32
      %dma_wait3A_469 = arith.constant 0 : i32
      %dma_wait3A_470 = tpu.memref_slice %arg8[%dma_wait3A_468, %dma_wait3A_469] : memref<10000x16xf32, #tpu.memory_space<vmem_shared>> -> memref<10000x16xf32, #tpu.memory_space<vmem_shared>>
      tpu.wait_indirect_dma semaphore(%arg22 : memref<!tpu.dma_semaphore, #tpu.memory_space<semaphore_mem>>) src(%dma_wait3A_464 : memref<128x16xf32, #tpu.memory_space<vmem>>) dst(%dma_wait3A_470 : memref<10000x16xf32, #tpu.memory_space<vmem_shared>>)
      %dma_wait3A_471 = arith.constant 1 : i32
      %dma_wait3A_472 = arith.constant 0 : i32
      %dma_wait3A_473 = arith.constant 0 : i32
      %dma_wait3A_474 = tpu.memref_slice %arg12[%rem3A_254, %dma_wait3A_471, %dma_wait3A_472, %dma_wait3A_473] : memref<2x8x128x16xf32, #tpu.memory_space<vmem>> -> memref<1x1x128x16xf32, #tpu.memory_space<vmem>>
      %dma_wait3A_475 = tpu.memref_squeeze %dma_wait3A_474 : memref<1x1x128x16xf32, #tpu.memory_space<vmem>> -> memref<128x16xf32, #tpu.memory_space<vmem>>
      %dma_wait3A_476 = arith.constant 0 : i32
      %dma_wait3A_477 = tpu.memref_slice %arg11[%mul3A_252, %dma_wait3A_476] : memref<79x128xi32, #tpu.memory_space<vmem>> -> memref<1x128xi32, #tpu.memory_space<vmem>>
      %dma_wait3A_478 = tpu.memref_squeeze %dma_wait3A_477 : memref<1x128xi32, #tpu.memory_space<vmem>> -> memref<128xi32, #tpu.memory_space<vmem>>
      %dma_wait3A_479 = arith.constant 0 : i32
      %dma_wait3A_480 = arith.constant 0 : i32
      %dma_wait3A_481 = tpu.memref_slice %arg8[%dma_wait3A_479, %dma_wait3A_480] : memref<10000x16xf32, #tpu.memory_space<vmem_shared>> -> memref<10000x16xf32, #tpu.memory_space<vmem_shared>>
      tpu.wait_indirect_dma semaphore(%arg22 : memref<!tpu.dma_semaphore, #tpu.memory_space<semaphore_mem>>) src(%dma_wait3A_475 : memref<128x16xf32, #tpu.memory_space<vmem>>) dst(%dma_wait3A_481 : memref<10000x16xf32, #tpu.memory_space<vmem_shared>>)
      %dma_wait3A_482 = arith.constant 2 : i32
      %dma_wait3A_483 = arith.constant 0 : i32
      %dma_wait3A_484 = arith.constant 0 : i32
      %dma_wait3A_485 = tpu.memref_slice %arg12[%rem3A_254, %dma_wait3A_482, %dma_wait3A_483, %dma_wait3A_484] : memref<2x8x128x16xf32, #tpu.memory_space<vmem>> -> memref<1x1x128x16xf32, #tpu.memory_space<vmem>>
      %dma_wait3A_486 = tpu.memref_squeeze %dma_wait3A_485 : memref<1x1x128x16xf32, #tpu.memory_space<vmem>> -> memref<128x16xf32, #tpu.memory_space<vmem>>
      %dma_wait3A_487 = arith.constant 0 : i32
      %dma_wait3A_488 = tpu.memref_slice %arg11[%mul3A_252, %dma_wait3A_487] : memref<79x128xi32, #tpu.memory_space<vmem>> -> memref<1x128xi32, #tpu.memory_space<vmem>>
      %dma_wait3A_489 = tpu.memref_squeeze %dma_wait3A_488 : memref<1x128xi32, #tpu.memory_space<vmem>> -> memref<128xi32, #tpu.memory_space<vmem>>
      %dma_wait3A_490 = arith.constant 0 : i32
      %dma_wait3A_491 = arith.constant 0 : i32
      %dma_wait3A_492 = tpu.memref_slice %arg8[%dma_wait3A_490, %dma_wait3A_491] : memref<10000x16xf32, #tpu.memory_space<vmem_shared>> -> memref<10000x16xf32, #tpu.memory_space<vmem_shared>>
      tpu.wait_indirect_dma semaphore(%arg22 : memref<!tpu.dma_semaphore, #tpu.memory_space<semaphore_mem>>) src(%dma_wait3A_486 : memref<128x16xf32, #tpu.memory_space<vmem>>) dst(%dma_wait3A_492 : memref<10000x16xf32, #tpu.memory_space<vmem_shared>>)
      %dma_wait3A_493 = arith.constant 3 : i32
      %dma_wait3A_494 = arith.constant 0 : i32
      %dma_wait3A_495 = arith.constant 0 : i32
      %dma_wait3A_496 = tpu.memref_slice %arg12[%rem3A_254, %dma_wait3A_493, %dma_wait3A_494, %dma_wait3A_495] : memref<2x8x128x16xf32, #tpu.memory_space<vmem>> -> memref<1x1x128x16xf32, #tpu.memory_space<vmem>>
      %dma_wait3A_497 = tpu.memref_squeeze %dma_wait3A_496 : memref<1x1x128x16xf32, #tpu.memory_space<vmem>> -> memref<128x16xf32, #tpu.memory_space<vmem>>
      %dma_wait3A_498 = arith.constant 0 : i32
      %dma_wait3A_499 = tpu.memref_slice %arg11[%mul3A_252, %dma_wait3A_498] : memref<79x128xi32, #tpu.memory_space<vmem>> -> memref<1x128xi32, #tpu.memory_space<vmem>>
      %dma_wait3A_500 = tpu.memref_squeeze %dma_wait3A_499 : memref<1x128xi32, #tpu.memory_space<vmem>> -> memref<128xi32, #tpu.memory_space<vmem>>
      %dma_wait3A_501 = arith.constant 0 : i32
      %dma_wait3A_502 = arith.constant 0 : i32
      %dma_wait3A_503 = tpu.memref_slice %arg8[%dma_wait3A_501, %dma_wait3A_502] : memref<10000x16xf32, #tpu.memory_space<vmem_shared>> -> memref<10000x16xf32, #tpu.memory_space<vmem_shared>>
      tpu.wait_indirect_dma semaphore(%arg22 : memref<!tpu.dma_semaphore, #tpu.memory_space<semaphore_mem>>) src(%dma_wait3A_497 : memref<128x16xf32, #tpu.memory_space<vmem>>) dst(%dma_wait3A_503 : memref<10000x16xf32, #tpu.memory_space<vmem_shared>>)
      %dma_wait3A_504 = arith.constant 4 : i32
      %dma_wait3A_505 = arith.constant 0 : i32
      %dma_wait3A_506 = arith.constant 0 : i32
      %dma_wait3A_507 = tpu.memref_slice %arg12[%rem3A_254, %dma_wait3A_504, %dma_wait3A_505, %dma_wait3A_506] : memref<2x8x128x16xf32, #tpu.memory_space<vmem>> -> memref<1x1x128x16xf32, #tpu.memory_space<vmem>>
      %dma_wait3A_508 = tpu.memref_squeeze %dma_wait3A_507 : memref<1x1x128x16xf32, #tpu.memory_space<vmem>> -> memref<128x16xf32, #tpu.memory_space<vmem>>
      %dma_wait3A_509 = arith.constant 0 : i32
      %dma_wait3A_510 = tpu.memref_slice %arg11[%mul3A_252, %dma_wait3A_509] : memref<79x128xi32, #tpu.memory_space<vmem>> -> memref<1x128xi32, #tpu.memory_space<vmem>>
      %dma_wait3A_511 = tpu.memref_squeeze %dma_wait3A_510 : memref<1x128xi32, #tpu.memory_space<vmem>> -> memref<128xi32, #tpu.memory_space<vmem>>
      %dma_wait3A_512 = arith.constant 0 : i32
      %dma_wait3A_513 = arith.constant 0 : i32
      %dma_wait3A_514 = tpu.memref_slice %arg8[%dma_wait3A_512, %dma_wait3A_513] : memref<10000x16xf32, #tpu.memory_space<vmem_shared>> -> memref<10000x16xf32, #tpu.memory_space<vmem_shared>>
      tpu.wait_indirect_dma semaphore(%arg22 : memref<!tpu.dma_semaphore, #tpu.memory_space<semaphore_mem>>) src(%dma_wait3A_508 : memref<128x16xf32, #tpu.memory_space<vmem>>) dst(%dma_wait3A_514 : memref<10000x16xf32, #tpu.memory_space<vmem_shared>>)
      %dma_wait3A_515 = arith.constant 5 : i32
      %dma_wait3A_516 = arith.constant 0 : i32
      %dma_wait3A_517 = arith.constant 0 : i32
      %dma_wait3A_518 = tpu.memref_slice %arg12[%rem3A_254, %dma_wait3A_515, %dma_wait3A_516, %dma_wait3A_517] : memref<2x8x128x16xf32, #tpu.memory_space<vmem>> -> memref<1x1x128x16xf32, #tpu.memory_space<vmem>>
      %dma_wait3A_519 = tpu.memref_squeeze %dma_wait3A_518 : memref<1x1x128x16xf32, #tpu.memory_space<vmem>> -> memref<128x16xf32, #tpu.memory_space<vmem>>
      %dma_wait3A_520 = arith.constant 0 : i32
      %dma_wait3A_521 = tpu.memref_slice %arg11[%mul3A_252, %dma_wait3A_520] : memref<79x128xi32, #tpu.memory_space<vmem>> -> memref<1x128xi32, #tpu.memory_space<vmem>>
      %dma_wait3A_522 = tpu.memref_squeeze %dma_wait3A_521 : memref<1x128xi32, #tpu.memory_space<vmem>> -> memref<128xi32, #tpu.memory_space<vmem>>
      %dma_wait3A_523 = arith.constant 0 : i32
      %dma_wait3A_524 = arith.constant 0 : i32
      %dma_wait3A_525 = tpu.memref_slice %arg8[%dma_wait3A_523, %dma_wait3A_524] : memref<10000x16xf32, #tpu.memory_space<vmem_shared>> -> memref<10000x16xf32, #tpu.memory_space<vmem_shared>>
      tpu.wait_indirect_dma semaphore(%arg22 : memref<!tpu.dma_semaphore, #tpu.memory_space<semaphore_mem>>) src(%dma_wait3A_519 : memref<128x16xf32, #tpu.memory_space<vmem>>) dst(%dma_wait3A_525 : memref<10000x16xf32, #tpu.memory_space<vmem_shared>>)
      %dma_wait3A_526 = arith.constant 6 : i32
      %dma_wait3A_527 = arith.constant 0 : i32
      %dma_wait3A_528 = arith.constant 0 : i32
      %dma_wait3A_529 = tpu.memref_slice %arg12[%rem3A_254, %dma_wait3A_526, %dma_wait3A_527, %dma_wait3A_528] : memref<2x8x128x16xf32, #tpu.memory_space<vmem>> -> memref<1x1x128x16xf32, #tpu.memory_space<vmem>>
      %dma_wait3A_530 = tpu.memref_squeeze %dma_wait3A_529 : memref<1x1x128x16xf32, #tpu.memory_space<vmem>> -> memref<128x16xf32, #tpu.memory_space<vmem>>
      %dma_wait3A_531 = arith.constant 0 : i32
      %dma_wait3A_532 = tpu.memref_slice %arg11[%mul3A_252, %dma_wait3A_531] : memref<79x128xi32, #tpu.memory_space<vmem>> -> memref<1x128xi32, #tpu.memory_space<vmem>>
      %dma_wait3A_533 = tpu.memref_squeeze %dma_wait3A_532 : memref<1x128xi32, #tpu.memory_space<vmem>> -> memref<128xi32, #tpu.memory_space<vmem>>
      %dma_wait3A_534 = arith.constant 0 : i32
      %dma_wait3A_535 = arith.constant 0 : i32
      %dma_wait3A_536 = tpu.memref_slice %arg8[%dma_wait3A_534, %dma_wait3A_535] : memref<10000x16xf32, #tpu.memory_space<vmem_shared>> -> memref<10000x16xf32, #tpu.memory_space<vmem_shared>>
      tpu.wait_indirect_dma semaphore(%arg22 : memref<!tpu.dma_semaphore, #tpu.memory_space<semaphore_mem>>) src(%dma_wait3A_530 : memref<128x16xf32, #tpu.memory_space<vmem>>) dst(%dma_wait3A_536 : memref<10000x16xf32, #tpu.memory_space<vmem_shared>>)
      %dma_wait3A_537 = arith.constant 7 : i32
      %dma_wait3A_538 = arith.constant 0 : i32
      %dma_wait3A_539 = arith.constant 0 : i32
      %dma_wait3A_540 = tpu.memref_slice %arg12[%rem3A_254, %dma_wait3A_537, %dma_wait3A_538, %dma_wait3A_539] : memref<2x8x128x16xf32, #tpu.memory_space<vmem>> -> memref<1x1x128x16xf32, #tpu.memory_space<vmem>>
      %dma_wait3A_541 = tpu.memref_squeeze %dma_wait3A_540 : memref<1x1x128x16xf32, #tpu.memory_space<vmem>> -> memref<128x16xf32, #tpu.memory_space<vmem>>
      %dma_wait3A_542 = arith.constant 0 : i32
      %dma_wait3A_543 = tpu.memref_slice %arg11[%mul3A_252, %dma_wait3A_542] : memref<79x128xi32, #tpu.memory_space<vmem>> -> memref<1x128xi32, #tpu.memory_space<vmem>>
      %dma_wait3A_544 = tpu.memref_squeeze %dma_wait3A_543 : memref<1x128xi32, #tpu.memory_space<vmem>> -> memref<128xi32, #tpu.memory_space<vmem>>
      %dma_wait3A_545 = arith.constant 0 : i32
      %dma_wait3A_546 = arith.constant 0 : i32
      %dma_wait3A_547 = tpu.memref_slice %arg8[%dma_wait3A_545, %dma_wait3A_546] : memref<10000x16xf32, #tpu.memory_space<vmem_shared>> -> memref<10000x16xf32, #tpu.memory_space<vmem_shared>>
      tpu.wait_indirect_dma semaphore(%arg22 : memref<!tpu.dma_semaphore, #tpu.memory_space<semaphore_mem>>) src(%dma_wait3A_541 : memref<128x16xf32, #tpu.memory_space<vmem>>) dst(%dma_wait3A_547 : memref<10000x16xf32, #tpu.memory_space<vmem_shared>>)
    }
    %mul3A_234 = arith.constant 8 : i32
    %mul3A_235 = arith.muli %select_n3A_121, %mul3A_234 : i32
    %while3A_236 = arith.constant 0 : i32
    %while3A_237 = arith.subi %select_n3A_92, %mul3A_235 : i32
    %while3A_238 = arith.addi %mul3A_235, %while3A_237 : i32
    %while3A_239 = arith.constant 1 : i32
    %while3A_240 = arith.divsi %while3A_237, %while3A_239 : i32
    %while3A_241 = arith.muli %while3A_240, %while3A_239 : i32
    %while3A_242 = arith.addi %mul3A_235, %while3A_241 : i32
    %while3A_243 = arith.constant 1 : i32
    scf.for %while3A_250 = %mul3A_235 to %while3A_242 step %while3A_243  : i32 {
      %dma_start3A_251 = arith.constant 0 : i32
      %dma_start3A_252 = arith.constant 0 : i32
      %dma_start3A_253 = arith.constant 0 : i32
      %dma_start3A_254 = arith.constant 0 : i32
      %dma_start3A_255 = tpu.memref_slice %arg12[%dma_start3A_251, %dma_start3A_252, %dma_start3A_253, %dma_start3A_254] : memref<2x8x128x16xf32, #tpu.memory_space<vmem>> -> memref<1x1x128x16xf32, #tpu.memory_space<vmem>>
      %dma_start3A_256 = tpu.memref_squeeze %dma_start3A_255 : memref<1x1x128x16xf32, #tpu.memory_space<vmem>> -> memref<128x16xf32, #tpu.memory_space<vmem>>
      %dma_start3A_257 = arith.constant 0 : i32
      %dma_start3A_258 = tpu.memref_slice %arg10[%while3A_250, %dma_start3A_257] : memref<79x128xi32, #tpu.memory_space<vmem>> -> memref<1x128xi32, #tpu.memory_space<vmem>>
      %dma_start3A_259 = tpu.memref_squeeze %dma_start3A_258 : memref<1x128xi32, #tpu.memory_space<vmem>> -> memref<128xi32, #tpu.memory_space<vmem>>
      %dma_start3A_260 = arith.constant 0 : i32
      %dma_start3A_261 = arith.constant 0 : i32
      %dma_start3A_262 = tpu.memref_slice %arg9[%dma_start3A_260, %dma_start3A_261] : memref<10000x16xf32, #tpu.memory_space<vmem_shared>> -> memref<10000x16xf32, #tpu.memory_space<vmem_shared>>
      tpu.enqueue_indirect_dma source(%dma_start3A_262 : memref<10000x16xf32, #tpu.memory_space<vmem_shared>>) target(%dma_start3A_256 : memref<128x16xf32, #tpu.memory_space<vmem>>) offsets(%dma_start3A_259 : memref<128xi32, #tpu.memory_space<vmem>>) semaphore(%arg21 : memref<!tpu.dma_semaphore, #tpu.memory_space<semaphore_mem>>)
      %dma_wait3A = arith.constant 0 : i32
      %dma_wait3A_263 = arith.constant 0 : i32
      %dma_wait3A_264 = arith.constant 0 : i32
      %dma_wait3A_265 = arith.constant 0 : i32
      %dma_wait3A_266 = tpu.memref_slice %arg12[%dma_wait3A, %dma_wait3A_263, %dma_wait3A_264, %dma_wait3A_265] : memref<2x8x128x16xf32, #tpu.memory_space<vmem>> -> memref<1x1x128x16xf32, #tpu.memory_space<vmem>>
      %dma_wait3A_267 = tpu.memref_squeeze %dma_wait3A_266 : memref<1x1x128x16xf32, #tpu.memory_space<vmem>> -> memref<128x16xf32, #tpu.memory_space<vmem>>
      %dma_wait3A_268 = arith.constant 0 : i32
      %dma_wait3A_269 = tpu.memref_slice %arg10[%while3A_250, %dma_wait3A_268] : memref<79x128xi32, #tpu.memory_space<vmem>> -> memref<1x128xi32, #tpu.memory_space<vmem>>
      %dma_wait3A_270 = tpu.memref_squeeze %dma_wait3A_269 : memref<1x128xi32, #tpu.memory_space<vmem>> -> memref<128xi32, #tpu.memory_space<vmem>>
      %dma_wait3A_271 = arith.constant 0 : i32
      %dma_wait3A_272 = arith.constant 0 : i32
      %dma_wait3A_273 = tpu.memref_slice %arg9[%dma_wait3A_271, %dma_wait3A_272] : memref<10000x16xf32, #tpu.memory_space<vmem_shared>> -> memref<10000x16xf32, #tpu.memory_space<vmem_shared>>
      tpu.wait_indirect_dma semaphore(%arg21 : memref<!tpu.dma_semaphore, #tpu.memory_space<semaphore_mem>>) src(%dma_wait3A_273 : memref<10000x16xf32, #tpu.memory_space<vmem_shared>>) dst(%dma_wait3A_267 : memref<128x16xf32, #tpu.memory_space<vmem>>)
      %run_scoped3A_274 = arith.constant 0 : i32
      %run_scoped3A_275 = arith.constant 0 : i32
      "tpu.region"() ({
        %run_scoped3A_276 = tpu.sem_alloc : memref<!tpu.dma_semaphore, #tpu.memory_space<semaphore_mem>>
        %dma_start3A_277 = arith.constant 0 : i32
        %dma_start3A_278 = arith.constant 0 : i32
        %dma_start3A_279 = tpu.memref_slice %arg12[%run_scoped3A_274, %run_scoped3A_275, %dma_start3A_277, %dma_start3A_278] : memref<2x8x128x16xf32, #tpu.memory_space<vmem>> -> memref<1x1x128x16xf32, #tpu.memory_space<vmem>>
        %dma_start3A_280 = tpu.memref_squeeze %dma_start3A_279 : memref<1x1x128x16xf32, #tpu.memory_space<vmem>> -> memref<128x16xf32, #tpu.memory_space<vmem>>
        %dma_start3A_281 = arith.constant 0 : i32
        %dma_start3A_282 = tpu.memref_slice %arg11[%while3A_250, %dma_start3A_281] : memref<79x128xi32, #tpu.memory_space<vmem>> -> memref<1x128xi32, #tpu.memory_space<vmem>>
        %dma_start3A_283 = tpu.memref_squeeze %dma_start3A_282 : memref<1x128xi32, #tpu.memory_space<vmem>> -> memref<128xi32, #tpu.memory_space<vmem>>
        %dma_start3A_284 = arith.constant 0 : i32
        %dma_start3A_285 = arith.constant 0 : i32
        %dma_start3A_286 = tpu.memref_slice %arg8[%dma_start3A_284, %dma_start3A_285] : memref<10000x16xf32, #tpu.memory_space<vmem_shared>> -> memref<10000x16xf32, #tpu.memory_space<vmem_shared>>
        tpu.enqueue_indirect_dma source(%dma_start3A_280 : memref<128x16xf32, #tpu.memory_space<vmem>>) target(%dma_start3A_286 : memref<10000x16xf32, #tpu.memory_space<vmem_shared>>) offsets(%dma_start3A_283 : memref<128xi32, #tpu.memory_space<vmem>>) semaphore(%run_scoped3A_276 : memref<!tpu.dma_semaphore, #tpu.memory_space<semaphore_mem>>) {add = true}
        %dma_wait3A_287 = arith.constant 0 : i32
        %dma_wait3A_288 = arith.constant 0 : i32
        %dma_wait3A_289 = tpu.memref_slice %arg12[%run_scoped3A_274, %run_scoped3A_275, %dma_wait3A_287, %dma_wait3A_288] : memref<2x8x128x16xf32, #tpu.memory_space<vmem>> -> memref<1x1x128x16xf32, #tpu.memory_space<vmem>>
        %dma_wait3A_290 = tpu.memref_squeeze %dma_wait3A_289 : memref<1x1x128x16xf32, #tpu.memory_space<vmem>> -> memref<128x16xf32, #tpu.memory_space<vmem>>
        %dma_wait3A_291 = arith.constant 0 : i32
        %dma_wait3A_292 = tpu.memref_slice %arg11[%while3A_250, %dma_wait3A_291] : memref<79x128xi32, #tpu.memory_space<vmem>> -> memref<1x128xi32, #tpu.memory_space<vmem>>
        %dma_wait3A_293 = tpu.memref_squeeze %dma_wait3A_292 : memref<1x128xi32, #tpu.memory_space<vmem>> -> memref<128xi32, #tpu.memory_space<vmem>>
        %dma_wait3A_294 = arith.constant 0 : i32
        %dma_wait3A_295 = arith.constant 0 : i32
        %dma_wait3A_296 = tpu.memref_slice %arg8[%dma_wait3A_294, %dma_wait3A_295] : memref<10000x16xf32, #tpu.memory_space<vmem_shared>> -> memref<10000x16xf32, #tpu.memory_space<vmem_shared>>
        tpu.wait_indirect_dma semaphore(%run_scoped3A_276 : memref<!tpu.dma_semaphore, #tpu.memory_space<semaphore_mem>>) src(%dma_wait3A_290 : memref<128x16xf32, #tpu.memory_space<vmem>>) dst(%dma_wait3A_296 : memref<10000x16xf32, #tpu.memory_space<vmem_shared>>)
        tpu.yield
      }) : () -> ()
    }
    %while3A_244 = arith.constant 1 : i32
    scf.for %while3A_250 = %while3A_242 to %while3A_238 step %while3A_244  : i32 {
      %dma_start3A_251 = arith.constant 0 : i32
      %dma_start3A_252 = arith.constant 0 : i32
      %dma_start3A_253 = arith.constant 0 : i32
      %dma_start3A_254 = arith.constant 0 : i32
      %dma_start3A_255 = tpu.memref_slice %arg12[%dma_start3A_251, %dma_start3A_252, %dma_start3A_253, %dma_start3A_254] : memref<2x8x128x16xf32, #tpu.memory_space<vmem>> -> memref<1x1x128x16xf32, #tpu.memory_space<vmem>>
      %dma_start3A_256 = tpu.memref_squeeze %dma_start3A_255 : memref<1x1x128x16xf32, #tpu.memory_space<vmem>> -> memref<128x16xf32, #tpu.memory_space<vmem>>
      %dma_start3A_257 = arith.constant 0 : i32
      %dma_start3A_258 = tpu.memref_slice %arg10[%while3A_250, %dma_start3A_257] : memref<79x128xi32, #tpu.memory_space<vmem>> -> memref<1x128xi32, #tpu.memory_space<vmem>>
      %dma_start3A_259 = tpu.memref_squeeze %dma_start3A_258 : memref<1x128xi32, #tpu.memory_space<vmem>> -> memref<128xi32, #tpu.memory_space<vmem>>
      %dma_start3A_260 = arith.constant 0 : i32
      %dma_start3A_261 = arith.constant 0 : i32
      %dma_start3A_262 = tpu.memref_slice %arg9[%dma_start3A_260, %dma_start3A_261] : memref<10000x16xf32, #tpu.memory_space<vmem_shared>> -> memref<10000x16xf32, #tpu.memory_space<vmem_shared>>
      tpu.enqueue_indirect_dma source(%dma_start3A_262 : memref<10000x16xf32, #tpu.memory_space<vmem_shared>>) target(%dma_start3A_256 : memref<128x16xf32, #tpu.memory_space<vmem>>) offsets(%dma_start3A_259 : memref<128xi32, #tpu.memory_space<vmem>>) semaphore(%arg21 : memref<!tpu.dma_semaphore, #tpu.memory_space<semaphore_mem>>)
      %dma_wait3A = arith.constant 0 : i32
      %dma_wait3A_263 = arith.constant 0 : i32
      %dma_wait3A_264 = arith.constant 0 : i32
      %dma_wait3A_265 = arith.constant 0 : i32
      %dma_wait3A_266 = tpu.memref_slice %arg12[%dma_wait3A, %dma_wait3A_263, %dma_wait3A_264, %dma_wait3A_265] : memref<2x8x128x16xf32, #tpu.memory_space<vmem>> -> memref<1x1x128x16xf32, #tpu.memory_space<vmem>>
      %dma_wait3A_267 = tpu.memref_squeeze %dma_wait3A_266 : memref<1x1x128x16xf32, #tpu.memory_space<vmem>> -> memref<128x16xf32, #tpu.memory_space<vmem>>
      %dma_wait3A_268 = arith.constant 0 : i32
      %dma_wait3A_269 = tpu.memref_slice %arg10[%while3A_250, %dma_wait3A_268] : memref<79x128xi32, #tpu.memory_space<vmem>> -> memref<1x128xi32, #tpu.memory_space<vmem>>
      %dma_wait3A_270 = tpu.memref_squeeze %dma_wait3A_269 : memref<1x128xi32, #tpu.memory_space<vmem>> -> memref<128xi32, #tpu.memory_space<vmem>>
      %dma_wait3A_271 = arith.constant 0 : i32
      %dma_wait3A_272 = arith.constant 0 : i32
      %dma_wait3A_273 = tpu.memref_slice %arg9[%dma_wait3A_271, %dma_wait3A_272] : memref<10000x16xf32, #tpu.memory_space<vmem_shared>> -> memref<10000x16xf32, #tpu.memory_space<vmem_shared>>
      tpu.wait_indirect_dma semaphore(%arg21 : memref<!tpu.dma_semaphore, #tpu.memory_space<semaphore_mem>>) src(%dma_wait3A_273 : memref<10000x16xf32, #tpu.memory_space<vmem_shared>>) dst(%dma_wait3A_267 : memref<128x16xf32, #tpu.memory_space<vmem>>)
      %run_scoped3A_274 = arith.constant 0 : i32
      %run_scoped3A_275 = arith.constant 0 : i32
      "tpu.region"() ({
        %run_scoped3A_276 = tpu.sem_alloc : memref<!tpu.dma_semaphore, #tpu.memory_space<semaphore_mem>>
        %dma_start3A_277 = arith.constant 0 : i32
        %dma_start3A_278 = arith.constant 0 : i32
        %dma_start3A_279 = tpu.memref_slice %arg12[%run_scoped3A_274, %run_scoped3A_275, %dma_start3A_277, %dma_start3A_278] : memref<2x8x128x16xf32, #tpu.memory_space<vmem>> -> memref<1x1x128x16xf32, #tpu.memory_space<vmem>>
        %dma_start3A_280 = tpu.memref_squeeze %dma_start3A_279 : memref<1x1x128x16xf32, #tpu.memory_space<vmem>> -> memref<128x16xf32, #tpu.memory_space<vmem>>
        %dma_start3A_281 = arith.constant 0 : i32
        %dma_start3A_282 = tpu.memref_slice %arg11[%while3A_250, %dma_start3A_281] : memref<79x128xi32, #tpu.memory_space<vmem>> -> memref<1x128xi32, #tpu.memory_space<vmem>>
        %dma_start3A_283 = tpu.memref_squeeze %dma_start3A_282 : memref<1x128xi32, #tpu.memory_space<vmem>> -> memref<128xi32, #tpu.memory_space<vmem>>
        %dma_start3A_284 = arith.constant 0 : i32
        %dma_start3A_285 = arith.constant 0 : i32
        %dma_start3A_286 = tpu.memref_slice %arg8[%dma_start3A_284, %dma_start3A_285] : memref<10000x16xf32, #tpu.memory_space<vmem_shared>> -> memref<10000x16xf32, #tpu.memory_space<vmem_shared>>
        tpu.enqueue_indirect_dma source(%dma_start3A_280 : memref<128x16xf32, #tpu.memory_space<vmem>>) target(%dma_start3A_286 : memref<10000x16xf32, #tpu.memory_space<vmem_shared>>) offsets(%dma_start3A_283 : memref<128xi32, #tpu.memory_space<vmem>>) semaphore(%run_scoped3A_276 : memref<!tpu.dma_semaphore, #tpu.memory_space<semaphore_mem>>) {add = true}
        %dma_wait3A_287 = arith.constant 0 : i32
        %dma_wait3A_288 = arith.constant 0 : i32
        %dma_wait3A_289 = tpu.memref_slice %arg12[%run_scoped3A_274, %run_scoped3A_275, %dma_wait3A_287, %dma_wait3A_288] : memref<2x8x128x16xf32, #tpu.memory_space<vmem>> -> memref<1x1x128x16xf32, #tpu.memory_space<vmem>>
        %dma_wait3A_290 = tpu.memref_squeeze %dma_wait3A_289 : memref<1x1x128x16xf32, #tpu.memory_space<vmem>> -> memref<128x16xf32, #tpu.memory_space<vmem>>
        %dma_wait3A_291 = arith.constant 0 : i32
        %dma_wait3A_292 = tpu.memref_slice %arg11[%while3A_250, %dma_wait3A_291] : memref<79x128xi32, #tpu.memory_space<vmem>> -> memref<1x128xi32, #tpu.memory_space<vmem>>
        %dma_wait3A_293 = tpu.memref_squeeze %dma_wait3A_292 : memref<1x128xi32, #tpu.memory_space<vmem>> -> memref<128xi32, #tpu.memory_space<vmem>>
        %dma_wait3A_294 = arith.constant 0 : i32
        %dma_wait3A_295 = arith.constant 0 : i32
        %dma_wait3A_296 = tpu.memref_slice %arg8[%dma_wait3A_294, %dma_wait3A_295] : memref<10000x16xf32, #tpu.memory_space<vmem_shared>> -> memref<10000x16xf32, #tpu.memory_space<vmem_shared>>
        tpu.wait_indirect_dma semaphore(%run_scoped3A_276 : memref<!tpu.dma_semaphore, #tpu.memory_space<semaphore_mem>>) src(%dma_wait3A_290 : memref<128x16xf32, #tpu.memory_space<vmem>>) dst(%dma_wait3A_296 : memref<10000x16xf32, #tpu.memory_space<vmem_shared>>)
        tpu.yield
      }) : () -> ()
    }
    %barrier3A_245 = arith.constant 0 : index
    tpu.barrier barrier_id(%barrier3A_245)
    %mul3A_246 = arith.constant 625 : i32
    %mul3A_247 = arith.muli %arg1, %mul3A_246 : i32
    "tpu.region"() ({
      %run_scoped3A_250 = tpu.sem_alloc : memref<!tpu.dma_semaphore, #tpu.memory_space<semaphore_mem>>
      %dma_start3A_251 = arith.constant 0 : i32
      %dma_start3A_252 = tpu.memref_slice %arg8[%mul3A_247, %dma_start3A_251] : memref<10000x16xf32, #tpu.memory_space<vmem_shared>> -> memref<625x16xf32, #tpu.memory_space<vmem_shared>>
      %dma_start3A_253 = arith.constant 0 : i32
      %dma_start3A_254 = tpu.memref_slice %arg8[%mul3A_247, %dma_start3A_253] : memref<10000x16xf32, #tpu.memory_space<vmem_shared>> -> memref<625x16xf32, #tpu.memory_space<vmem_shared>>
      tpu.enqueue_dma source(%dma_start3A_254 : memref<625x16xf32, #tpu.memory_space<vmem_shared>>) target(%arg13 : memref<625x16xf32, #tpu.memory_space<vmem>>) target_semaphore(%run_scoped3A_250 : memref<!tpu.dma_semaphore, #tpu.memory_space<semaphore_mem>>)
      %dma_wait3A = arith.constant 0 : i32
      %dma_wait3A_255 = tpu.memref_slice %arg8[%mul3A_247, %dma_wait3A] : memref<10000x16xf32, #tpu.memory_space<vmem_shared>> -> memref<625x16xf32, #tpu.memory_space<vmem_shared>>
      %dma_wait3A_256 = arith.constant 0 : i32
      %dma_wait3A_257 = tpu.memref_slice %arg8[%mul3A_247, %dma_wait3A_256] : memref<10000x16xf32, #tpu.memory_space<vmem_shared>> -> memref<625x16xf32, #tpu.memory_space<vmem_shared>>
      tpu.wait_dma2 semaphore(%run_scoped3A_250 : memref<!tpu.dma_semaphore, #tpu.memory_space<semaphore_mem>>) src(%dma_wait3A_257 : memref<625x16xf32, #tpu.memory_space<vmem_shared>>) dst(%arg13 : memref<625x16xf32, #tpu.memory_space<vmem>>)
      tpu.yield
    }) : () -> ()
    %mul3A_248 = arith.constant 625 : i32
    %mul3A_249 = arith.muli %arg1, %mul3A_248 : i32
    "tpu.region"() ({
      %run_scoped3A_250 = tpu.sem_alloc : memref<!tpu.dma_semaphore, #tpu.memory_space<semaphore_mem>>
      %dma_start3A_251 = arith.constant 0 : i32
      %dma_start3A_252 = tpu.memref_slice %arg7[%arg0, %mul3A_249, %dma_start3A_251] : memref<2x10000x16xf32, #tpu.memory_space<hbm>> -> memref<1x625x16xf32, #tpu.memory_space<hbm>>
      %dma_start3A_253 = tpu.memref_squeeze %dma_start3A_252 : memref<1x625x16xf32, #tpu.memory_space<hbm>> -> memref<625x16xf32, #tpu.memory_space<hbm>>
      %dma_start3A_254 = arith.constant 0 : i32
      %dma_start3A_255 = tpu.memref_slice %arg7[%arg0, %mul3A_249, %dma_start3A_254] : memref<2x10000x16xf32, #tpu.memory_space<hbm>> -> memref<1x625x16xf32, #tpu.memory_space<hbm>>
      %dma_start3A_256 = tpu.memref_squeeze %dma_start3A_255 : memref<1x625x16xf32, #tpu.memory_space<hbm>> -> memref<625x16xf32, #tpu.memory_space<hbm>>
      tpu.enqueue_dma source(%arg13 : memref<625x16xf32, #tpu.memory_space<vmem>>) target(%dma_start3A_256 : memref<625x16xf32, #tpu.memory_space<hbm>>) target_semaphore(%run_scoped3A_250 : memref<!tpu.dma_semaphore, #tpu.memory_space<semaphore_mem>>)
      %dma_wait3A = arith.constant 0 : i32
      %dma_wait3A_257 = tpu.memref_slice %arg7[%arg0, %mul3A_249, %dma_wait3A] : memref<2x10000x16xf32, #tpu.memory_space<hbm>> -> memref<1x625x16xf32, #tpu.memory_space<hbm>>
      %dma_wait3A_258 = tpu.memref_squeeze %dma_wait3A_257 : memref<1x625x16xf32, #tpu.memory_space<hbm>> -> memref<625x16xf32, #tpu.memory_space<hbm>>
      %dma_wait3A_259 = arith.constant 0 : i32
      %dma_wait3A_260 = tpu.memref_slice %arg7[%arg0, %mul3A_249, %dma_wait3A_259] : memref<2x10000x16xf32, #tpu.memory_space<hbm>> -> memref<1x625x16xf32, #tpu.memory_space<hbm>>
      %dma_wait3A_261 = tpu.memref_squeeze %dma_wait3A_260 : memref<1x625x16xf32, #tpu.memory_space<hbm>> -> memref<625x16xf32, #tpu.memory_space<hbm>>
      tpu.wait_dma2 semaphore(%run_scoped3A_250 : memref<!tpu.dma_semaphore, #tpu.memory_space<semaphore_mem>>) src(%arg13 : memref<625x16xf32, #tpu.memory_space<vmem>>) dst(%dma_wait3A_261 : memref<625x16xf32, #tpu.memory_space<hbm>>)
      tpu.yield
    }) : () -> ()
    return
  }
}

#map = affine_map<(d0, d1) -> (0, 0, 0)>
#map1 = affine_map<(d0, d1) -> (0, 0)>
module attributes {stable_mosaic.version = 14 : i64} {
  func.func @k(%arg0: i32, %arg1: i32, %arg2: memref<2x2500x128xi32, #tpu.memory_space<hbm>>, %arg3: memref<2x10240xf32, #tpu.memory_space<hbm>>, %arg4: memref<10240xf32, #tpu.memory_space<vmem_shared>>, %arg5: memref<79x128xi32, #tpu.memory_space<vmem>>, %arg6: memref<128xf32, #tpu.memory_space<vmem>>, %arg7: memref<640xf32, #tpu.memory_space<vmem>>, %arg8: memref<!tpu.dma_semaphore, #tpu.memory_space<semaphore_mem>>) attributes {dimension_semantics = [#tpu.dimension_semantics<core_parallel>, #tpu.dimension_semantics<subcore_parallel>], iteration_bounds = array<i64: 2, 16>, scalar_prefetch = 0 : i64, scratch_operands = 5 : i64, tpu.core_type = #tpu.core_type<sc_vector_subcore>, window_params = [{transform_indices = #map}, {transform_indices = #map1}]} {
    %mul3A = arith.constant 16 : i32
    %mul3A_0 = arith.muli %arg0, %mul3A : i32
    %add3A = arith.addi %mul3A_0, %arg1 : i32
    %lt3A = arith.constant 4 : i32
    %lt3A_1 = arith.cmpi slt, %add3A, %lt3A : i32
    %jit3A = arith.constant 79 : i32
    %jit3A_2 = arith.constant 78 : i32
    %select_n3A = arith.select %lt3A_1, %jit3A, %jit3A_2 : i32
    %mul3A_3 = arith.constant 78 : i32
    %mul3A_4 = arith.muli %add3A, %mul3A_3 : i32
    %min3A = arith.constant 4 : i32
    %min3A_5 = arith.minsi %add3A, %min3A : i32
    %add3A_6 = arith.addi %mul3A_4, %min3A_5 : i32
    %scan3A = arith.constant 0 : i32
    %scan3A_7 = arith.constant 0 : i32
    %scan3A_8 = arith.constant 40 : i32
    %scan3A_9 = arith.addi %scan3A_7, %scan3A_8 : i32
    %scan3A_10 = arith.constant 1 : i32
    scf.for %scan3A_80 = %scan3A_7 to %scan3A_9 step %scan3A_10  : i32 {
      %broadcast_in_dim3A = arith.constant 0.000000e+00 : f32
      %broadcast_in_dim3A_81 = vector.broadcast %broadcast_in_dim3A : f32 to vector<16xf32>
      %mul3A_82 = arith.constant 16 : i32
      %mul3A_83 = arith.muli %scan3A_80, %mul3A_82 : i32
      %swap3A = arith.index_cast %mul3A_83 : i32 to index
      %swap3A_84 = tpu.vector_load %arg7[%swap3A] {strides = array<i32>} : memref<640xf32, #tpu.memory_space<vmem>>, vector<16xf32>,
      tpu.vector_store %arg7[%swap3A], %broadcast_in_dim3A_81 {strides = array<i32>} : memref<640xf32, #tpu.memory_space<vmem>>, vector<16xf32>,
    }
    %scan3A_11 = arith.constant 40 : i32
    %scan3A_12 = arith.constant 0 : i32
    %scan3A_13 = arith.constant 0 : i32
    %scan3A_14 = arith.constant 8 : i32
    %scan3A_15 = arith.addi %scan3A_13, %scan3A_14 : i32
    %scan3A_16 = arith.constant 1 : i32
    scf.for %scan3A_80 = %scan3A_13 to %scan3A_15 step %scan3A_16  : i32 {
      %broadcast_in_dim3A = arith.constant 1.000000e+00 : f32
      %broadcast_in_dim3A_81 = vector.broadcast %broadcast_in_dim3A : f32 to vector<16xf32>
      %mul3A_82 = arith.constant 16 : i32
      %mul3A_83 = arith.muli %scan3A_80, %mul3A_82 : i32
      %swap3A = arith.index_cast %mul3A_83 : i32 to index
      %swap3A_84 = tpu.vector_load %arg6[%swap3A] {strides = array<i32>} : memref<128xf32, #tpu.memory_space<vmem>>, vector<16xf32>,
      tpu.vector_store %arg6[%swap3A], %broadcast_in_dim3A_81 {strides = array<i32>} : memref<128xf32, #tpu.memory_space<vmem>>, vector<16xf32>,
    }
    %scan3A_17 = arith.constant 8 : i32
    %mul3A_18 = arith.constant 640 : i32
    %mul3A_19 = arith.muli %arg1, %mul3A_18 : i32
    "tpu.region"() ({
      %run_scoped3A = tpu.sem_alloc : memref<!tpu.dma_semaphore, #tpu.memory_space<semaphore_mem>>
      %dma_start3A = tpu.memref_slice %arg4[%mul3A_19] : memref<10240xf32, #tpu.memory_space<vmem_shared>> -> memref<640xf32, #tpu.memory_space<vmem_shared>>
      %dma_start3A_80 = tpu.memref_slice %arg4[%mul3A_19] : memref<10240xf32, #tpu.memory_space<vmem_shared>> -> memref<640xf32, #tpu.memory_space<vmem_shared>>
      tpu.enqueue_dma source(%arg7 : memref<640xf32, #tpu.memory_space<vmem>>) target(%dma_start3A_80 : memref<640xf32, #tpu.memory_space<vmem_shared>>) target_semaphore(%run_scoped3A : memref<!tpu.dma_semaphore, #tpu.memory_space<semaphore_mem>>)
      %dma_wait3A = tpu.memref_slice %arg4[%mul3A_19] : memref<10240xf32, #tpu.memory_space<vmem_shared>> -> memref<640xf32, #tpu.memory_space<vmem_shared>>
      %dma_wait3A_81 = tpu.memref_slice %arg4[%mul3A_19] : memref<10240xf32, #tpu.memory_space<vmem_shared>> -> memref<640xf32, #tpu.memory_space<vmem_shared>>
      tpu.wait_dma2 semaphore(%run_scoped3A : memref<!tpu.dma_semaphore, #tpu.memory_space<semaphore_mem>>) src(%arg7 : memref<640xf32, #tpu.memory_space<vmem>>) dst(%dma_wait3A_81 : memref<640xf32, #tpu.memory_space<vmem_shared>>)
      tpu.yield
    }) : () -> ()
    %lt3A_20 = arith.constant 4 : i32
    %lt3A_21 = arith.cmpi slt, %add3A, %lt3A_20 : i32
    %jit3A_22 = arith.constant 79 : i32
    %jit3A_23 = arith.constant 78 : i32
    %select_n3A_24 = arith.select %lt3A_21, %jit3A_22, %jit3A_23 : i32
    %mul3A_25 = arith.constant 78 : i32
    %mul3A_26 = arith.muli %add3A, %mul3A_25 : i32
    %min3A_27 = arith.constant 4 : i32
    %min3A_28 = arith.minsi %add3A, %min3A_27 : i32
    %add3A_29 = arith.addi %mul3A_26, %min3A_28 : i32
    %lt3A_30 = arith.constant 4 : i32
    %lt3A_31 = arith.cmpi slt, %add3A, %lt3A_30 : i32
    %convert_element_type3A = arith.extui %lt3A_31 : i1 to i32
    %cond3A = arith.constant 0 : i32
    %cond3A_32 = arith.cmpi ne, %convert_element_type3A, %cond3A : i32
    scf.if %cond3A_32 {
      %run_scoped3A = arith.constant 1 : i32
      "tpu.region"() ({
        %run_scoped3A_80 = tpu.sem_alloc : memref<!tpu.dma_semaphore, #tpu.memory_space<semaphore_mem>>
        %dma_start3A = arith.constant 0 : i32
        %dma_start3A_81 = tpu.memref_slice %arg2[%run_scoped3A, %add3A_29, %dma_start3A] : memref<2x2500x128xi32, #tpu.memory_space<hbm>> -> memref<1x79x128xi32, #tpu.memory_space<hbm>>
        %dma_start3A_82 = tpu.memref_squeeze %dma_start3A_81 : memref<1x79x128xi32, #tpu.memory_space<hbm>> -> memref<79x128xi32, #tpu.memory_space<hbm>>
        %dma_start3A_83 = arith.constant 0 : i32
        %dma_start3A_84 = tpu.memref_slice %arg2[%run_scoped3A, %add3A_29, %dma_start3A_83] : memref<2x2500x128xi32, #tpu.memory_space<hbm>> -> memref<1x79x128xi32, #tpu.memory_space<hbm>>
        %dma_start3A_85 = tpu.memref_squeeze %dma_start3A_84 : memref<1x79x128xi32, #tpu.memory_space<hbm>> -> memref<79x128xi32, #tpu.memory_space<hbm>>
        tpu.enqueue_dma source(%dma_start3A_85 : memref<79x128xi32, #tpu.memory_space<hbm>>) target(%arg5 : memref<79x128xi32, #tpu.memory_space<vmem>>) target_semaphore(%run_scoped3A_80 : memref<!tpu.dma_semaphore, #tpu.memory_space<semaphore_mem>>)
        %dma_wait3A = arith.constant 0 : i32
        %dma_wait3A_86 = tpu.memref_slice %arg2[%run_scoped3A, %add3A_29, %dma_wait3A] : memref<2x2500x128xi32, #tpu.memory_space<hbm>> -> memref<1x79x128xi32, #tpu.memory_space<hbm>>
        %dma_wait3A_87 = tpu.memref_squeeze %dma_wait3A_86 : memref<1x79x128xi32, #tpu.memory_space<hbm>> -> memref<79x128xi32, #tpu.memory_space<hbm>>
        %dma_wait3A_88 = arith.constant 0 : i32
        %dma_wait3A_89 = tpu.memref_slice %arg2[%run_scoped3A, %add3A_29, %dma_wait3A_88] : memref<2x2500x128xi32, #tpu.memory_space<hbm>> -> memref<1x79x128xi32, #tpu.memory_space<hbm>>
        %dma_wait3A_90 = tpu.memref_squeeze %dma_wait3A_89 : memref<1x79x128xi32, #tpu.memory_space<hbm>> -> memref<79x128xi32, #tpu.memory_space<hbm>>
        tpu.wait_dma2 semaphore(%run_scoped3A_80 : memref<!tpu.dma_semaphore, #tpu.memory_space<semaphore_mem>>) src(%dma_wait3A_90 : memref<79x128xi32, #tpu.memory_space<hbm>>) dst(%arg5 : memref<79x128xi32, #tpu.memory_space<vmem>>)
        tpu.yield
      }) : () -> ()
    } else {
    }
    %ge3A = arith.constant 4 : i32
    %ge3A_33 = arith.cmpi sge, %add3A, %ge3A : i32
    %convert_element_type3A_34 = arith.extui %ge3A_33 : i1 to i32
    %cond3A_35 = arith.constant 0 : i32
    %cond3A_36 = arith.cmpi ne, %convert_element_type3A_34, %cond3A_35 : i32
    scf.if %cond3A_36 {
      %run_scoped3A = arith.constant 1 : i32
      "tpu.region"() ({
        %run_scoped3A_80 = tpu.sem_alloc : memref<!tpu.dma_semaphore, #tpu.memory_space<semaphore_mem>>
        %dma_start3A = arith.constant 0 : i32
        %dma_start3A_81 = arith.constant 0 : i32
        %dma_start3A_82 = tpu.memref_slice %arg5[%dma_start3A, %dma_start3A_81] : memref<79x128xi32, #tpu.memory_space<vmem>> -> memref<78x128xi32, #tpu.memory_space<vmem>>
        %dma_start3A_83 = arith.constant 0 : i32
        %dma_start3A_84 = tpu.memref_slice %arg2[%run_scoped3A, %add3A_29, %dma_start3A_83] : memref<2x2500x128xi32, #tpu.memory_space<hbm>> -> memref<1x78x128xi32, #tpu.memory_space<hbm>>
        %dma_start3A_85 = tpu.memref_squeeze %dma_start3A_84 : memref<1x78x128xi32, #tpu.memory_space<hbm>> -> memref<78x128xi32, #tpu.memory_space<hbm>>
        %dma_start3A_86 = arith.constant 0 : i32
        %dma_start3A_87 = arith.constant 0 : i32
        %dma_start3A_88 = tpu.memref_slice %arg5[%dma_start3A_86, %dma_start3A_87] : memref<79x128xi32, #tpu.memory_space<vmem>> -> memref<78x128xi32, #tpu.memory_space<vmem>>
        %dma_start3A_89 = arith.constant 0 : i32
        %dma_start3A_90 = tpu.memref_slice %arg2[%run_scoped3A, %add3A_29, %dma_start3A_89] : memref<2x2500x128xi32, #tpu.memory_space<hbm>> -> memref<1x78x128xi32, #tpu.memory_space<hbm>>
        %dma_start3A_91 = tpu.memref_squeeze %dma_start3A_90 : memref<1x78x128xi32, #tpu.memory_space<hbm>> -> memref<78x128xi32, #tpu.memory_space<hbm>>
        tpu.enqueue_dma source(%dma_start3A_91 : memref<78x128xi32, #tpu.memory_space<hbm>>) target(%dma_start3A_88 : memref<78x128xi32, #tpu.memory_space<vmem>>) target_semaphore(%run_scoped3A_80 : memref<!tpu.dma_semaphore, #tpu.memory_space<semaphore_mem>>)
        %dma_wait3A = arith.constant 0 : i32
        %dma_wait3A_92 = arith.constant 0 : i32
        %dma_wait3A_93 = tpu.memref_slice %arg5[%dma_wait3A, %dma_wait3A_92] : memref<79x128xi32, #tpu.memory_space<vmem>> -> memref<78x128xi32, #tpu.memory_space<vmem>>
        %dma_wait3A_94 = arith.constant 0 : i32
        %dma_wait3A_95 = tpu.memref_slice %arg2[%run_scoped3A, %add3A_29, %dma_wait3A_94] : memref<2x2500x128xi32, #tpu.memory_space<hbm>> -> memref<1x78x128xi32, #tpu.memory_space<hbm>>
        %dma_wait3A_96 = tpu.memref_squeeze %dma_wait3A_95 : memref<1x78x128xi32, #tpu.memory_space<hbm>> -> memref<78x128xi32, #tpu.memory_space<hbm>>
        %dma_wait3A_97 = arith.constant 0 : i32
        %dma_wait3A_98 = arith.constant 0 : i32
        %dma_wait3A_99 = tpu.memref_slice %arg5[%dma_wait3A_97, %dma_wait3A_98] : memref<79x128xi32, #tpu.memory_space<vmem>> -> memref<78x128xi32, #tpu.memory_space<vmem>>
        %dma_wait3A_100 = arith.constant 0 : i32
        %dma_wait3A_101 = tpu.memref_slice %arg2[%run_scoped3A, %add3A_29, %dma_wait3A_100] : memref<2x2500x128xi32, #tpu.memory_space<hbm>> -> memref<1x78x128xi32, #tpu.memory_space<hbm>>
        %dma_wait3A_102 = tpu.memref_squeeze %dma_wait3A_101 : memref<1x78x128xi32, #tpu.memory_space<hbm>> -> memref<78x128xi32, #tpu.memory_space<hbm>>
        tpu.wait_dma2 semaphore(%run_scoped3A_80 : memref<!tpu.dma_semaphore, #tpu.memory_space<semaphore_mem>>) src(%dma_wait3A_102 : memref<78x128xi32, #tpu.memory_space<hbm>>) dst(%dma_wait3A_99 : memref<78x128xi32, #tpu.memory_space<vmem>>)
        tpu.yield
      }) : () -> ()
    } else {
    }
    %barrier3A = arith.constant 0 : index
    tpu.barrier barrier_id(%barrier3A)
    %jit3A_37 = arith.constant 8 : i32
    %div3A = arith.divsi %select_n3A, %jit3A_37 : i32
    %sign3A = arith.constant 0 : i32
    %sign3A_38 = arith.cmpi sgt, %select_n3A, %sign3A : i32
    %sign3A_39 = arith.extui %sign3A_38 : i1 to i32
    %sign3A_40 = arith.constant 0 : i32
    %sign3A_41 = arith.cmpi slt, %select_n3A, %sign3A_40 : i32
    %sign3A_42 = arith.extui %sign3A_41 : i1 to i32
    %sign3A_43 = arith.subi %sign3A_39, %sign3A_42 : i32
    %sign3A_44 = arith.constant 0 : i32
    %sign3A_45 = arith.cmpi sgt, %jit3A_37, %sign3A_44 : i32
    %sign3A_46 = arith.extui %sign3A_45 : i1 to i32
    %sign3A_47 = arith.constant 0 : i32
    %sign3A_48 = arith.cmpi slt, %jit3A_37, %sign3A_47 : i32
    %sign3A_49 = arith.extui %sign3A_48 : i1 to i32
    %sign3A_50 = arith.subi %sign3A_46, %sign3A_49 : i32
    %ne3A = arith.cmpi ne, %sign3A_43, %sign3A_50 : i32
    %rem3A = arith.remsi %select_n3A, %jit3A_37 : i32
    %ne3A_51 = arith.constant 0 : i32
    %ne3A_52 = arith.cmpi ne, %rem3A, %ne3A_51 : i32
    %and3A = arith.andi %ne3A, %ne3A_52 : i1
    %sub3A = arith.constant 1 : i32
    %sub3A_53 = arith.subi %div3A, %sub3A : i32
    %select_n3A_54 = arith.select %and3A, %sub3A_53, %div3A : i32
    %while3A = arith.constant 0 : i32
    %while3A_55 = arith.constant 0 : i32
    %while3A_56 = arith.subi %select_n3A_54, %while3A_55 : i32
    %while3A_57 = arith.addi %while3A_55, %while3A_56 : i32
    %while3A_58 = arith.constant 1 : i32
    %while3A_59 = arith.divsi %while3A_56, %while3A_58 : i32
    %while3A_60 = arith.muli %while3A_59, %while3A_58 : i32
    %while3A_61 = arith.addi %while3A_55, %while3A_60 : i32
    %while3A_62 = arith.constant 1 : i32
    scf.for %while3A_80 = %while3A_55 to %while3A_61 step %while3A_62  : i32 {
      %mul3A_81 = arith.constant 8 : i32
      %mul3A_82 = arith.muli %while3A_80, %mul3A_81 : i32
      %add3A_83 = arith.constant 0 : i32
      %add3A_84 = arith.addi %mul3A_82, %add3A_83 : i32
      %dma_start3A = arith.constant 0 : i32
      %dma_start3A_85 = tpu.memref_slice %arg5[%add3A_84, %dma_start3A] : memref<79x128xi32, #tpu.memory_space<vmem>> -> memref<1x128xi32, #tpu.memory_space<vmem>>
      %dma_start3A_86 = tpu.memref_squeeze %dma_start3A_85 : memref<1x128xi32, #tpu.memory_space<vmem>> -> memref<128xi32, #tpu.memory_space<vmem>>
      %dma_start3A_87 = arith.constant 0 : i32
      %dma_start3A_88 = tpu.memref_slice %arg4[%dma_start3A_87] : memref<10240xf32, #tpu.memory_space<vmem_shared>> -> memref<10240xf32, #tpu.memory_space<vmem_shared>>
      tpu.enqueue_indirect_dma source(%arg6 : memref<128xf32, #tpu.memory_space<vmem>>) target(%dma_start3A_88 : memref<10240xf32, #tpu.memory_space<vmem_shared>>) offsets(%dma_start3A_86 : memref<128xi32, #tpu.memory_space<vmem>>) semaphore(%arg8 : memref<!tpu.dma_semaphore, #tpu.memory_space<semaphore_mem>>) {add = true}
      %add3A_89 = arith.constant 1 : i32
      %add3A_90 = arith.addi %mul3A_82, %add3A_89 : i32
      %dma_start3A_91 = arith.constant 0 : i32
      %dma_start3A_92 = tpu.memref_slice %arg5[%add3A_90, %dma_start3A_91] : memref<79x128xi32, #tpu.memory_space<vmem>> -> memref<1x128xi32, #tpu.memory_space<vmem>>
      %dma_start3A_93 = tpu.memref_squeeze %dma_start3A_92 : memref<1x128xi32, #tpu.memory_space<vmem>> -> memref<128xi32, #tpu.memory_space<vmem>>
      %dma_start3A_94 = arith.constant 0 : i32
      %dma_start3A_95 = tpu.memref_slice %arg4[%dma_start3A_94] : memref<10240xf32, #tpu.memory_space<vmem_shared>> -> memref<10240xf32, #tpu.memory_space<vmem_shared>>
      tpu.enqueue_indirect_dma source(%arg6 : memref<128xf32, #tpu.memory_space<vmem>>) target(%dma_start3A_95 : memref<10240xf32, #tpu.memory_space<vmem_shared>>) offsets(%dma_start3A_93 : memref<128xi32, #tpu.memory_space<vmem>>) semaphore(%arg8 : memref<!tpu.dma_semaphore, #tpu.memory_space<semaphore_mem>>) {add = true}
      %add3A_96 = arith.constant 2 : i32
      %add3A_97 = arith.addi %mul3A_82, %add3A_96 : i32
      %dma_start3A_98 = arith.constant 0 : i32
      %dma_start3A_99 = tpu.memref_slice %arg5[%add3A_97, %dma_start3A_98] : memref<79x128xi32, #tpu.memory_space<vmem>> -> memref<1x128xi32, #tpu.memory_space<vmem>>
      %dma_start3A_100 = tpu.memref_squeeze %dma_start3A_99 : memref<1x128xi32, #tpu.memory_space<vmem>> -> memref<128xi32, #tpu.memory_space<vmem>>
      %dma_start3A_101 = arith.constant 0 : i32
      %dma_start3A_102 = tpu.memref_slice %arg4[%dma_start3A_101] : memref<10240xf32, #tpu.memory_space<vmem_shared>> -> memref<10240xf32, #tpu.memory_space<vmem_shared>>
      tpu.enqueue_indirect_dma source(%arg6 : memref<128xf32, #tpu.memory_space<vmem>>) target(%dma_start3A_102 : memref<10240xf32, #tpu.memory_space<vmem_shared>>) offsets(%dma_start3A_100 : memref<128xi32, #tpu.memory_space<vmem>>) semaphore(%arg8 : memref<!tpu.dma_semaphore, #tpu.memory_space<semaphore_mem>>) {add = true}
      %add3A_103 = arith.constant 3 : i32
      %add3A_104 = arith.addi %mul3A_82, %add3A_103 : i32
      %dma_start3A_105 = arith.constant 0 : i32
      %dma_start3A_106 = tpu.memref_slice %arg5[%add3A_104, %dma_start3A_105] : memref<79x128xi32, #tpu.memory_space<vmem>> -> memref<1x128xi32, #tpu.memory_space<vmem>>
      %dma_start3A_107 = tpu.memref_squeeze %dma_start3A_106 : memref<1x128xi32, #tpu.memory_space<vmem>> -> memref<128xi32, #tpu.memory_space<vmem>>
      %dma_start3A_108 = arith.constant 0 : i32
      %dma_start3A_109 = tpu.memref_slice %arg4[%dma_start3A_108] : memref<10240xf32, #tpu.memory_space<vmem_shared>> -> memref<10240xf32, #tpu.memory_space<vmem_shared>>
      tpu.enqueue_indirect_dma source(%arg6 : memref<128xf32, #tpu.memory_space<vmem>>) target(%dma_start3A_109 : memref<10240xf32, #tpu.memory_space<vmem_shared>>) offsets(%dma_start3A_107 : memref<128xi32, #tpu.memory_space<vmem>>) semaphore(%arg8 : memref<!tpu.dma_semaphore, #tpu.memory_space<semaphore_mem>>) {add = true}
      %add3A_110 = arith.constant 4 : i32
      %add3A_111 = arith.addi %mul3A_82, %add3A_110 : i32
      %dma_start3A_112 = arith.constant 0 : i32
      %dma_start3A_113 = tpu.memref_slice %arg5[%add3A_111, %dma_start3A_112] : memref<79x128xi32, #tpu.memory_space<vmem>> -> memref<1x128xi32, #tpu.memory_space<vmem>>
      %dma_start3A_114 = tpu.memref_squeeze %dma_start3A_113 : memref<1x128xi32, #tpu.memory_space<vmem>> -> memref<128xi32, #tpu.memory_space<vmem>>
      %dma_start3A_115 = arith.constant 0 : i32
      %dma_start3A_116 = tpu.memref_slice %arg4[%dma_start3A_115] : memref<10240xf32, #tpu.memory_space<vmem_shared>> -> memref<10240xf32, #tpu.memory_space<vmem_shared>>
      tpu.enqueue_indirect_dma source(%arg6 : memref<128xf32, #tpu.memory_space<vmem>>) target(%dma_start3A_116 : memref<10240xf32, #tpu.memory_space<vmem_shared>>) offsets(%dma_start3A_114 : memref<128xi32, #tpu.memory_space<vmem>>) semaphore(%arg8 : memref<!tpu.dma_semaphore, #tpu.memory_space<semaphore_mem>>) {add = true}
      %add3A_117 = arith.constant 5 : i32
      %add3A_118 = arith.addi %mul3A_82, %add3A_117 : i32
      %dma_start3A_119 = arith.constant 0 : i32
      %dma_start3A_120 = tpu.memref_slice %arg5[%add3A_118, %dma_start3A_119] : memref<79x128xi32, #tpu.memory_space<vmem>> -> memref<1x128xi32, #tpu.memory_space<vmem>>
      %dma_start3A_121 = tpu.memref_squeeze %dma_start3A_120 : memref<1x128xi32, #tpu.memory_space<vmem>> -> memref<128xi32, #tpu.memory_space<vmem>>
      %dma_start3A_122 = arith.constant 0 : i32
      %dma_start3A_123 = tpu.memref_slice %arg4[%dma_start3A_122] : memref<10240xf32, #tpu.memory_space<vmem_shared>> -> memref<10240xf32, #tpu.memory_space<vmem_shared>>
      tpu.enqueue_indirect_dma source(%arg6 : memref<128xf32, #tpu.memory_space<vmem>>) target(%dma_start3A_123 : memref<10240xf32, #tpu.memory_space<vmem_shared>>) offsets(%dma_start3A_121 : memref<128xi32, #tpu.memory_space<vmem>>) semaphore(%arg8 : memref<!tpu.dma_semaphore, #tpu.memory_space<semaphore_mem>>) {add = true}
      %add3A_124 = arith.constant 6 : i32
      %add3A_125 = arith.addi %mul3A_82, %add3A_124 : i32
      %dma_start3A_126 = arith.constant 0 : i32
      %dma_start3A_127 = tpu.memref_slice %arg5[%add3A_125, %dma_start3A_126] : memref<79x128xi32, #tpu.memory_space<vmem>> -> memref<1x128xi32, #tpu.memory_space<vmem>>
      %dma_start3A_128 = tpu.memref_squeeze %dma_start3A_127 : memref<1x128xi32, #tpu.memory_space<vmem>> -> memref<128xi32, #tpu.memory_space<vmem>>
      %dma_start3A_129 = arith.constant 0 : i32
      %dma_start3A_130 = tpu.memref_slice %arg4[%dma_start3A_129] : memref<10240xf32, #tpu.memory_space<vmem_shared>> -> memref<10240xf32, #tpu.memory_space<vmem_shared>>
      tpu.enqueue_indirect_dma source(%arg6 : memref<128xf32, #tpu.memory_space<vmem>>) target(%dma_start3A_130 : memref<10240xf32, #tpu.memory_space<vmem_shared>>) offsets(%dma_start3A_128 : memref<128xi32, #tpu.memory_space<vmem>>) semaphore(%arg8 : memref<!tpu.dma_semaphore, #tpu.memory_space<semaphore_mem>>) {add = true}
      %add3A_131 = arith.constant 7 : i32
      %add3A_132 = arith.addi %mul3A_82, %add3A_131 : i32
      %dma_start3A_133 = arith.constant 0 : i32
      %dma_start3A_134 = tpu.memref_slice %arg5[%add3A_132, %dma_start3A_133] : memref<79x128xi32, #tpu.memory_space<vmem>> -> memref<1x128xi32, #tpu.memory_space<vmem>>
      %dma_start3A_135 = tpu.memref_squeeze %dma_start3A_134 : memref<1x128xi32, #tpu.memory_space<vmem>> -> memref<128xi32, #tpu.memory_space<vmem>>
      %dma_start3A_136 = arith.constant 0 : i32
      %dma_start3A_137 = tpu.memref_slice %arg4[%dma_start3A_136] : memref<10240xf32, #tpu.memory_space<vmem_shared>> -> memref<10240xf32, #tpu.memory_space<vmem_shared>>
      tpu.enqueue_indirect_dma source(%arg6 : memref<128xf32, #tpu.memory_space<vmem>>) target(%dma_start3A_137 : memref<10240xf32, #tpu.memory_space<vmem_shared>>) offsets(%dma_start3A_135 : memref<128xi32, #tpu.memory_space<vmem>>) semaphore(%arg8 : memref<!tpu.dma_semaphore, #tpu.memory_space<semaphore_mem>>) {add = true}
      %dma_wait3A = arith.constant 0 : i32
      %dma_wait3A_138 = tpu.memref_slice %arg5[%mul3A_82, %dma_wait3A] : memref<79x128xi32, #tpu.memory_space<vmem>> -> memref<1x128xi32, #tpu.memory_space<vmem>>
      %dma_wait3A_139 = tpu.memref_squeeze %dma_wait3A_138 : memref<1x128xi32, #tpu.memory_space<vmem>> -> memref<128xi32, #tpu.memory_space<vmem>>
      %dma_wait3A_140 = arith.constant 0 : i32
      %dma_wait3A_141 = tpu.memref_slice %arg4[%dma_wait3A_140] : memref<10240xf32, #tpu.memory_space<vmem_shared>> -> memref<10240xf32, #tpu.memory_space<vmem_shared>>
      tpu.wait_indirect_dma semaphore(%arg8 : memref<!tpu.dma_semaphore, #tpu.memory_space<semaphore_mem>>) src(%arg6 : memref<128xf32, #tpu.memory_space<vmem>>) dst(%dma_wait3A_141 : memref<10240xf32, #tpu.memory_space<vmem_shared>>)
      %dma_wait3A_142 = arith.constant 0 : i32
      %dma_wait3A_143 = tpu.memref_slice %arg5[%mul3A_82, %dma_wait3A_142] : memref<79x128xi32, #tpu.memory_space<vmem>> -> memref<1x128xi32, #tpu.memory_space<vmem>>
      %dma_wait3A_144 = tpu.memref_squeeze %dma_wait3A_143 : memref<1x128xi32, #tpu.memory_space<vmem>> -> memref<128xi32, #tpu.memory_space<vmem>>
      %dma_wait3A_145 = arith.constant 0 : i32
      %dma_wait3A_146 = tpu.memref_slice %arg4[%dma_wait3A_145] : memref<10240xf32, #tpu.memory_space<vmem_shared>> -> memref<10240xf32, #tpu.memory_space<vmem_shared>>
      tpu.wait_indirect_dma semaphore(%arg8 : memref<!tpu.dma_semaphore, #tpu.memory_space<semaphore_mem>>) src(%arg6 : memref<128xf32, #tpu.memory_space<vmem>>) dst(%dma_wait3A_146 : memref<10240xf32, #tpu.memory_space<vmem_shared>>)
      %dma_wait3A_147 = arith.constant 0 : i32
      %dma_wait3A_148 = tpu.memref_slice %arg5[%mul3A_82, %dma_wait3A_147] : memref<79x128xi32, #tpu.memory_space<vmem>> -> memref<1x128xi32, #tpu.memory_space<vmem>>
      %dma_wait3A_149 = tpu.memref_squeeze %dma_wait3A_148 : memref<1x128xi32, #tpu.memory_space<vmem>> -> memref<128xi32, #tpu.memory_space<vmem>>
      %dma_wait3A_150 = arith.constant 0 : i32
      %dma_wait3A_151 = tpu.memref_slice %arg4[%dma_wait3A_150] : memref<10240xf32, #tpu.memory_space<vmem_shared>> -> memref<10240xf32, #tpu.memory_space<vmem_shared>>
      tpu.wait_indirect_dma semaphore(%arg8 : memref<!tpu.dma_semaphore, #tpu.memory_space<semaphore_mem>>) src(%arg6 : memref<128xf32, #tpu.memory_space<vmem>>) dst(%dma_wait3A_151 : memref<10240xf32, #tpu.memory_space<vmem_shared>>)
      %dma_wait3A_152 = arith.constant 0 : i32
      %dma_wait3A_153 = tpu.memref_slice %arg5[%mul3A_82, %dma_wait3A_152] : memref<79x128xi32, #tpu.memory_space<vmem>> -> memref<1x128xi32, #tpu.memory_space<vmem>>
      %dma_wait3A_154 = tpu.memref_squeeze %dma_wait3A_153 : memref<1x128xi32, #tpu.memory_space<vmem>> -> memref<128xi32, #tpu.memory_space<vmem>>
      %dma_wait3A_155 = arith.constant 0 : i32
      %dma_wait3A_156 = tpu.memref_slice %arg4[%dma_wait3A_155] : memref<10240xf32, #tpu.memory_space<vmem_shared>> -> memref<10240xf32, #tpu.memory_space<vmem_shared>>
      tpu.wait_indirect_dma semaphore(%arg8 : memref<!tpu.dma_semaphore, #tpu.memory_space<semaphore_mem>>) src(%arg6 : memref<128xf32, #tpu.memory_space<vmem>>) dst(%dma_wait3A_156 : memref<10240xf32, #tpu.memory_space<vmem_shared>>)
      %dma_wait3A_157 = arith.constant 0 : i32
      %dma_wait3A_158 = tpu.memref_slice %arg5[%mul3A_82, %dma_wait3A_157] : memref<79x128xi32, #tpu.memory_space<vmem>> -> memref<1x128xi32, #tpu.memory_space<vmem>>
      %dma_wait3A_159 = tpu.memref_squeeze %dma_wait3A_158 : memref<1x128xi32, #tpu.memory_space<vmem>> -> memref<128xi32, #tpu.memory_space<vmem>>
      %dma_wait3A_160 = arith.constant 0 : i32
      %dma_wait3A_161 = tpu.memref_slice %arg4[%dma_wait3A_160] : memref<10240xf32, #tpu.memory_space<vmem_shared>> -> memref<10240xf32, #tpu.memory_space<vmem_shared>>
      tpu.wait_indirect_dma semaphore(%arg8 : memref<!tpu.dma_semaphore, #tpu.memory_space<semaphore_mem>>) src(%arg6 : memref<128xf32, #tpu.memory_space<vmem>>) dst(%dma_wait3A_161 : memref<10240xf32, #tpu.memory_space<vmem_shared>>)
      %dma_wait3A_162 = arith.constant 0 : i32
      %dma_wait3A_163 = tpu.memref_slice %arg5[%mul3A_82, %dma_wait3A_162] : memref<79x128xi32, #tpu.memory_space<vmem>> -> memref<1x128xi32, #tpu.memory_space<vmem>>
      %dma_wait3A_164 = tpu.memref_squeeze %dma_wait3A_163 : memref<1x128xi32, #tpu.memory_space<vmem>> -> memref<128xi32, #tpu.memory_space<vmem>>
      %dma_wait3A_165 = arith.constant 0 : i32
      %dma_wait3A_166 = tpu.memref_slice %arg4[%dma_wait3A_165] : memref<10240xf32, #tpu.memory_space<vmem_shared>> -> memref<10240xf32, #tpu.memory_space<vmem_shared>>
      tpu.wait_indirect_dma semaphore(%arg8 : memref<!tpu.dma_semaphore, #tpu.memory_space<semaphore_mem>>) src(%arg6 : memref<128xf32, #tpu.memory_space<vmem>>) dst(%dma_wait3A_166 : memref<10240xf32, #tpu.memory_space<vmem_shared>>)
      %dma_wait3A_167 = arith.constant 0 : i32
      %dma_wait3A_168 = tpu.memref_slice %arg5[%mul3A_82, %dma_wait3A_167] : memref<79x128xi32, #tpu.memory_space<vmem>> -> memref<1x128xi32, #tpu.memory_space<vmem>>
      %dma_wait3A_169 = tpu.memref_squeeze %dma_wait3A_168 : memref<1x128xi32, #tpu.memory_space<vmem>> -> memref<128xi32, #tpu.memory_space<vmem>>
      %dma_wait3A_170 = arith.constant 0 : i32
      %dma_wait3A_171 = tpu.memref_slice %arg4[%dma_wait3A_170] : memref<10240xf32, #tpu.memory_space<vmem_shared>> -> memref<10240xf32, #tpu.memory_space<vmem_shared>>
      tpu.wait_indirect_dma semaphore(%arg8 : memref<!tpu.dma_semaphore, #tpu.memory_space<semaphore_mem>>) src(%arg6 : memref<128xf32, #tpu.memory_space<vmem>>) dst(%dma_wait3A_171 : memref<10240xf32, #tpu.memory_space<vmem_shared>>)
      %dma_wait3A_172 = arith.constant 0 : i32
      %dma_wait3A_173 = tpu.memref_slice %arg5[%mul3A_82, %dma_wait3A_172] : memref<79x128xi32, #tpu.memory_space<vmem>> -> memref<1x128xi32, #tpu.memory_space<vmem>>
      %dma_wait3A_174 = tpu.memref_squeeze %dma_wait3A_173 : memref<1x128xi32, #tpu.memory_space<vmem>> -> memref<128xi32, #tpu.memory_space<vmem>>
      %dma_wait3A_175 = arith.constant 0 : i32
      %dma_wait3A_176 = tpu.memref_slice %arg4[%dma_wait3A_175] : memref<10240xf32, #tpu.memory_space<vmem_shared>> -> memref<10240xf32, #tpu.memory_space<vmem_shared>>
      tpu.wait_indirect_dma semaphore(%arg8 : memref<!tpu.dma_semaphore, #tpu.memory_space<semaphore_mem>>) src(%arg6 : memref<128xf32, #tpu.memory_space<vmem>>) dst(%dma_wait3A_176 : memref<10240xf32, #tpu.memory_space<vmem_shared>>)
    }
    %while3A_63 = arith.constant 1 : i32
    scf.for %while3A_80 = %while3A_61 to %while3A_57 step %while3A_63  : i32 {
      %mul3A_81 = arith.constant 8 : i32
      %mul3A_82 = arith.muli %while3A_80, %mul3A_81 : i32
      %add3A_83 = arith.constant 0 : i32
      %add3A_84 = arith.addi %mul3A_82, %add3A_83 : i32
      %dma_start3A = arith.constant 0 : i32
      %dma_start3A_85 = tpu.memref_slice %arg5[%add3A_84, %dma_start3A] : memref<79x128xi32, #tpu.memory_space<vmem>> -> memref<1x128xi32, #tpu.memory_space<vmem>>
      %dma_start3A_86 = tpu.memref_squeeze %dma_start3A_85 : memref<1x128xi32, #tpu.memory_space<vmem>> -> memref<128xi32, #tpu.memory_space<vmem>>
      %dma_start3A_87 = arith.constant 0 : i32
      %dma_start3A_88 = tpu.memref_slice %arg4[%dma_start3A_87] : memref<10240xf32, #tpu.memory_space<vmem_shared>> -> memref<10240xf32, #tpu.memory_space<vmem_shared>>
      tpu.enqueue_indirect_dma source(%arg6 : memref<128xf32, #tpu.memory_space<vmem>>) target(%dma_start3A_88 : memref<10240xf32, #tpu.memory_space<vmem_shared>>) offsets(%dma_start3A_86 : memref<128xi32, #tpu.memory_space<vmem>>) semaphore(%arg8 : memref<!tpu.dma_semaphore, #tpu.memory_space<semaphore_mem>>) {add = true}
      %add3A_89 = arith.constant 1 : i32
      %add3A_90 = arith.addi %mul3A_82, %add3A_89 : i32
      %dma_start3A_91 = arith.constant 0 : i32
      %dma_start3A_92 = tpu.memref_slice %arg5[%add3A_90, %dma_start3A_91] : memref<79x128xi32, #tpu.memory_space<vmem>> -> memref<1x128xi32, #tpu.memory_space<vmem>>
      %dma_start3A_93 = tpu.memref_squeeze %dma_start3A_92 : memref<1x128xi32, #tpu.memory_space<vmem>> -> memref<128xi32, #tpu.memory_space<vmem>>
      %dma_start3A_94 = arith.constant 0 : i32
      %dma_start3A_95 = tpu.memref_slice %arg4[%dma_start3A_94] : memref<10240xf32, #tpu.memory_space<vmem_shared>> -> memref<10240xf32, #tpu.memory_space<vmem_shared>>
      tpu.enqueue_indirect_dma source(%arg6 : memref<128xf32, #tpu.memory_space<vmem>>) target(%dma_start3A_95 : memref<10240xf32, #tpu.memory_space<vmem_shared>>) offsets(%dma_start3A_93 : memref<128xi32, #tpu.memory_space<vmem>>) semaphore(%arg8 : memref<!tpu.dma_semaphore, #tpu.memory_space<semaphore_mem>>) {add = true}
      %add3A_96 = arith.constant 2 : i32
      %add3A_97 = arith.addi %mul3A_82, %add3A_96 : i32
      %dma_start3A_98 = arith.constant 0 : i32
      %dma_start3A_99 = tpu.memref_slice %arg5[%add3A_97, %dma_start3A_98] : memref<79x128xi32, #tpu.memory_space<vmem>> -> memref<1x128xi32, #tpu.memory_space<vmem>>
      %dma_start3A_100 = tpu.memref_squeeze %dma_start3A_99 : memref<1x128xi32, #tpu.memory_space<vmem>> -> memref<128xi32, #tpu.memory_space<vmem>>
      %dma_start3A_101 = arith.constant 0 : i32
      %dma_start3A_102 = tpu.memref_slice %arg4[%dma_start3A_101] : memref<10240xf32, #tpu.memory_space<vmem_shared>> -> memref<10240xf32, #tpu.memory_space<vmem_shared>>
      tpu.enqueue_indirect_dma source(%arg6 : memref<128xf32, #tpu.memory_space<vmem>>) target(%dma_start3A_102 : memref<10240xf32, #tpu.memory_space<vmem_shared>>) offsets(%dma_start3A_100 : memref<128xi32, #tpu.memory_space<vmem>>) semaphore(%arg8 : memref<!tpu.dma_semaphore, #tpu.memory_space<semaphore_mem>>) {add = true}
      %add3A_103 = arith.constant 3 : i32
      %add3A_104 = arith.addi %mul3A_82, %add3A_103 : i32
      %dma_start3A_105 = arith.constant 0 : i32
      %dma_start3A_106 = tpu.memref_slice %arg5[%add3A_104, %dma_start3A_105] : memref<79x128xi32, #tpu.memory_space<vmem>> -> memref<1x128xi32, #tpu.memory_space<vmem>>
      %dma_start3A_107 = tpu.memref_squeeze %dma_start3A_106 : memref<1x128xi32, #tpu.memory_space<vmem>> -> memref<128xi32, #tpu.memory_space<vmem>>
      %dma_start3A_108 = arith.constant 0 : i32
      %dma_start3A_109 = tpu.memref_slice %arg4[%dma_start3A_108] : memref<10240xf32, #tpu.memory_space<vmem_shared>> -> memref<10240xf32, #tpu.memory_space<vmem_shared>>
      tpu.enqueue_indirect_dma source(%arg6 : memref<128xf32, #tpu.memory_space<vmem>>) target(%dma_start3A_109 : memref<10240xf32, #tpu.memory_space<vmem_shared>>) offsets(%dma_start3A_107 : memref<128xi32, #tpu.memory_space<vmem>>) semaphore(%arg8 : memref<!tpu.dma_semaphore, #tpu.memory_space<semaphore_mem>>) {add = true}
      %add3A_110 = arith.constant 4 : i32
      %add3A_111 = arith.addi %mul3A_82, %add3A_110 : i32
      %dma_start3A_112 = arith.constant 0 : i32
      %dma_start3A_113 = tpu.memref_slice %arg5[%add3A_111, %dma_start3A_112] : memref<79x128xi32, #tpu.memory_space<vmem>> -> memref<1x128xi32, #tpu.memory_space<vmem>>
      %dma_start3A_114 = tpu.memref_squeeze %dma_start3A_113 : memref<1x128xi32, #tpu.memory_space<vmem>> -> memref<128xi32, #tpu.memory_space<vmem>>
      %dma_start3A_115 = arith.constant 0 : i32
      %dma_start3A_116 = tpu.memref_slice %arg4[%dma_start3A_115] : memref<10240xf32, #tpu.memory_space<vmem_shared>> -> memref<10240xf32, #tpu.memory_space<vmem_shared>>
      tpu.enqueue_indirect_dma source(%arg6 : memref<128xf32, #tpu.memory_space<vmem>>) target(%dma_start3A_116 : memref<10240xf32, #tpu.memory_space<vmem_shared>>) offsets(%dma_start3A_114 : memref<128xi32, #tpu.memory_space<vmem>>) semaphore(%arg8 : memref<!tpu.dma_semaphore, #tpu.memory_space<semaphore_mem>>) {add = true}
      %add3A_117 = arith.constant 5 : i32
      %add3A_118 = arith.addi %mul3A_82, %add3A_117 : i32
      %dma_start3A_119 = arith.constant 0 : i32
      %dma_start3A_120 = tpu.memref_slice %arg5[%add3A_118, %dma_start3A_119] : memref<79x128xi32, #tpu.memory_space<vmem>> -> memref<1x128xi32, #tpu.memory_space<vmem>>
      %dma_start3A_121 = tpu.memref_squeeze %dma_start3A_120 : memref<1x128xi32, #tpu.memory_space<vmem>> -> memref<128xi32, #tpu.memory_space<vmem>>
      %dma_start3A_122 = arith.constant 0 : i32
      %dma_start3A_123 = tpu.memref_slice %arg4[%dma_start3A_122] : memref<10240xf32, #tpu.memory_space<vmem_shared>> -> memref<10240xf32, #tpu.memory_space<vmem_shared>>
      tpu.enqueue_indirect_dma source(%arg6 : memref<128xf32, #tpu.memory_space<vmem>>) target(%dma_start3A_123 : memref<10240xf32, #tpu.memory_space<vmem_shared>>) offsets(%dma_start3A_121 : memref<128xi32, #tpu.memory_space<vmem>>) semaphore(%arg8 : memref<!tpu.dma_semaphore, #tpu.memory_space<semaphore_mem>>) {add = true}
      %add3A_124 = arith.constant 6 : i32
      %add3A_125 = arith.addi %mul3A_82, %add3A_124 : i32
      %dma_start3A_126 = arith.constant 0 : i32
      %dma_start3A_127 = tpu.memref_slice %arg5[%add3A_125, %dma_start3A_126] : memref<79x128xi32, #tpu.memory_space<vmem>> -> memref<1x128xi32, #tpu.memory_space<vmem>>
      %dma_start3A_128 = tpu.memref_squeeze %dma_start3A_127 : memref<1x128xi32, #tpu.memory_space<vmem>> -> memref<128xi32, #tpu.memory_space<vmem>>
      %dma_start3A_129 = arith.constant 0 : i32
      %dma_start3A_130 = tpu.memref_slice %arg4[%dma_start3A_129] : memref<10240xf32, #tpu.memory_space<vmem_shared>> -> memref<10240xf32, #tpu.memory_space<vmem_shared>>
      tpu.enqueue_indirect_dma source(%arg6 : memref<128xf32, #tpu.memory_space<vmem>>) target(%dma_start3A_130 : memref<10240xf32, #tpu.memory_space<vmem_shared>>) offsets(%dma_start3A_128 : memref<128xi32, #tpu.memory_space<vmem>>) semaphore(%arg8 : memref<!tpu.dma_semaphore, #tpu.memory_space<semaphore_mem>>) {add = true}
      %add3A_131 = arith.constant 7 : i32
      %add3A_132 = arith.addi %mul3A_82, %add3A_131 : i32
      %dma_start3A_133 = arith.constant 0 : i32
      %dma_start3A_134 = tpu.memref_slice %arg5[%add3A_132, %dma_start3A_133] : memref<79x128xi32, #tpu.memory_space<vmem>> -> memref<1x128xi32, #tpu.memory_space<vmem>>
      %dma_start3A_135 = tpu.memref_squeeze %dma_start3A_134 : memref<1x128xi32, #tpu.memory_space<vmem>> -> memref<128xi32, #tpu.memory_space<vmem>>
      %dma_start3A_136 = arith.constant 0 : i32
      %dma_start3A_137 = tpu.memref_slice %arg4[%dma_start3A_136] : memref<10240xf32, #tpu.memory_space<vmem_shared>> -> memref<10240xf32, #tpu.memory_space<vmem_shared>>
      tpu.enqueue_indirect_dma source(%arg6 : memref<128xf32, #tpu.memory_space<vmem>>) target(%dma_start3A_137 : memref<10240xf32, #tpu.memory_space<vmem_shared>>) offsets(%dma_start3A_135 : memref<128xi32, #tpu.memory_space<vmem>>) semaphore(%arg8 : memref<!tpu.dma_semaphore, #tpu.memory_space<semaphore_mem>>) {add = true}
      %dma_wait3A = arith.constant 0 : i32
      %dma_wait3A_138 = tpu.memref_slice %arg5[%mul3A_82, %dma_wait3A] : memref<79x128xi32, #tpu.memory_space<vmem>> -> memref<1x128xi32, #tpu.memory_space<vmem>>
      %dma_wait3A_139 = tpu.memref_squeeze %dma_wait3A_138 : memref<1x128xi32, #tpu.memory_space<vmem>> -> memref<128xi32, #tpu.memory_space<vmem>>
      %dma_wait3A_140 = arith.constant 0 : i32
      %dma_wait3A_141 = tpu.memref_slice %arg4[%dma_wait3A_140] : memref<10240xf32, #tpu.memory_space<vmem_shared>> -> memref<10240xf32, #tpu.memory_space<vmem_shared>>
      tpu.wait_indirect_dma semaphore(%arg8 : memref<!tpu.dma_semaphore, #tpu.memory_space<semaphore_mem>>) src(%arg6 : memref<128xf32, #tpu.memory_space<vmem>>) dst(%dma_wait3A_141 : memref<10240xf32, #tpu.memory_space<vmem_shared>>)
      %dma_wait3A_142 = arith.constant 0 : i32
      %dma_wait3A_143 = tpu.memref_slice %arg5[%mul3A_82, %dma_wait3A_142] : memref<79x128xi32, #tpu.memory_space<vmem>> -> memref<1x128xi32, #tpu.memory_space<vmem>>
      %dma_wait3A_144 = tpu.memref_squeeze %dma_wait3A_143 : memref<1x128xi32, #tpu.memory_space<vmem>> -> memref<128xi32, #tpu.memory_space<vmem>>
      %dma_wait3A_145 = arith.constant 0 : i32
      %dma_wait3A_146 = tpu.memref_slice %arg4[%dma_wait3A_145] : memref<10240xf32, #tpu.memory_space<vmem_shared>> -> memref<10240xf32, #tpu.memory_space<vmem_shared>>
      tpu.wait_indirect_dma semaphore(%arg8 : memref<!tpu.dma_semaphore, #tpu.memory_space<semaphore_mem>>) src(%arg6 : memref<128xf32, #tpu.memory_space<vmem>>) dst(%dma_wait3A_146 : memref<10240xf32, #tpu.memory_space<vmem_shared>>)
      %dma_wait3A_147 = arith.constant 0 : i32
      %dma_wait3A_148 = tpu.memref_slice %arg5[%mul3A_82, %dma_wait3A_147] : memref<79x128xi32, #tpu.memory_space<vmem>> -> memref<1x128xi32, #tpu.memory_space<vmem>>
      %dma_wait3A_149 = tpu.memref_squeeze %dma_wait3A_148 : memref<1x128xi32, #tpu.memory_space<vmem>> -> memref<128xi32, #tpu.memory_space<vmem>>
      %dma_wait3A_150 = arith.constant 0 : i32
      %dma_wait3A_151 = tpu.memref_slice %arg4[%dma_wait3A_150] : memref<10240xf32, #tpu.memory_space<vmem_shared>> -> memref<10240xf32, #tpu.memory_space<vmem_shared>>
      tpu.wait_indirect_dma semaphore(%arg8 : memref<!tpu.dma_semaphore, #tpu.memory_space<semaphore_mem>>) src(%arg6 : memref<128xf32, #tpu.memory_space<vmem>>) dst(%dma_wait3A_151 : memref<10240xf32, #tpu.memory_space<vmem_shared>>)
      %dma_wait3A_152 = arith.constant 0 : i32
      %dma_wait3A_153 = tpu.memref_slice %arg5[%mul3A_82, %dma_wait3A_152] : memref<79x128xi32, #tpu.memory_space<vmem>> -> memref<1x128xi32, #tpu.memory_space<vmem>>
      %dma_wait3A_154 = tpu.memref_squeeze %dma_wait3A_153 : memref<1x128xi32, #tpu.memory_space<vmem>> -> memref<128xi32, #tpu.memory_space<vmem>>
      %dma_wait3A_155 = arith.constant 0 : i32
      %dma_wait3A_156 = tpu.memref_slice %arg4[%dma_wait3A_155] : memref<10240xf32, #tpu.memory_space<vmem_shared>> -> memref<10240xf32, #tpu.memory_space<vmem_shared>>
      tpu.wait_indirect_dma semaphore(%arg8 : memref<!tpu.dma_semaphore, #tpu.memory_space<semaphore_mem>>) src(%arg6 : memref<128xf32, #tpu.memory_space<vmem>>) dst(%dma_wait3A_156 : memref<10240xf32, #tpu.memory_space<vmem_shared>>)
      %dma_wait3A_157 = arith.constant 0 : i32
      %dma_wait3A_158 = tpu.memref_slice %arg5[%mul3A_82, %dma_wait3A_157] : memref<79x128xi32, #tpu.memory_space<vmem>> -> memref<1x128xi32, #tpu.memory_space<vmem>>
      %dma_wait3A_159 = tpu.memref_squeeze %dma_wait3A_158 : memref<1x128xi32, #tpu.memory_space<vmem>> -> memref<128xi32, #tpu.memory_space<vmem>>
      %dma_wait3A_160 = arith.constant 0 : i32
      %dma_wait3A_161 = tpu.memref_slice %arg4[%dma_wait3A_160] : memref<10240xf32, #tpu.memory_space<vmem_shared>> -> memref<10240xf32, #tpu.memory_space<vmem_shared>>
      tpu.wait_indirect_dma semaphore(%arg8 : memref<!tpu.dma_semaphore, #tpu.memory_space<semaphore_mem>>) src(%arg6 : memref<128xf32, #tpu.memory_space<vmem>>) dst(%dma_wait3A_161 : memref<10240xf32, #tpu.memory_space<vmem_shared>>)
      %dma_wait3A_162 = arith.constant 0 : i32
      %dma_wait3A_163 = tpu.memref_slice %arg5[%mul3A_82, %dma_wait3A_162] : memref<79x128xi32, #tpu.memory_space<vmem>> -> memref<1x128xi32, #tpu.memory_space<vmem>>
      %dma_wait3A_164 = tpu.memref_squeeze %dma_wait3A_163 : memref<1x128xi32, #tpu.memory_space<vmem>> -> memref<128xi32, #tpu.memory_space<vmem>>
      %dma_wait3A_165 = arith.constant 0 : i32
      %dma_wait3A_166 = tpu.memref_slice %arg4[%dma_wait3A_165] : memref<10240xf32, #tpu.memory_space<vmem_shared>> -> memref<10240xf32, #tpu.memory_space<vmem_shared>>
      tpu.wait_indirect_dma semaphore(%arg8 : memref<!tpu.dma_semaphore, #tpu.memory_space<semaphore_mem>>) src(%arg6 : memref<128xf32, #tpu.memory_space<vmem>>) dst(%dma_wait3A_166 : memref<10240xf32, #tpu.memory_space<vmem_shared>>)
      %dma_wait3A_167 = arith.constant 0 : i32
      %dma_wait3A_168 = tpu.memref_slice %arg5[%mul3A_82, %dma_wait3A_167] : memref<79x128xi32, #tpu.memory_space<vmem>> -> memref<1x128xi32, #tpu.memory_space<vmem>>
      %dma_wait3A_169 = tpu.memref_squeeze %dma_wait3A_168 : memref<1x128xi32, #tpu.memory_space<vmem>> -> memref<128xi32, #tpu.memory_space<vmem>>
      %dma_wait3A_170 = arith.constant 0 : i32
      %dma_wait3A_171 = tpu.memref_slice %arg4[%dma_wait3A_170] : memref<10240xf32, #tpu.memory_space<vmem_shared>> -> memref<10240xf32, #tpu.memory_space<vmem_shared>>
      tpu.wait_indirect_dma semaphore(%arg8 : memref<!tpu.dma_semaphore, #tpu.memory_space<semaphore_mem>>) src(%arg6 : memref<128xf32, #tpu.memory_space<vmem>>) dst(%dma_wait3A_171 : memref<10240xf32, #tpu.memory_space<vmem_shared>>)
      %dma_wait3A_172 = arith.constant 0 : i32
      %dma_wait3A_173 = tpu.memref_slice %arg5[%mul3A_82, %dma_wait3A_172] : memref<79x128xi32, #tpu.memory_space<vmem>> -> memref<1x128xi32, #tpu.memory_space<vmem>>
      %dma_wait3A_174 = tpu.memref_squeeze %dma_wait3A_173 : memref<1x128xi32, #tpu.memory_space<vmem>> -> memref<128xi32, #tpu.memory_space<vmem>>
      %dma_wait3A_175 = arith.constant 0 : i32
      %dma_wait3A_176 = tpu.memref_slice %arg4[%dma_wait3A_175] : memref<10240xf32, #tpu.memory_space<vmem_shared>> -> memref<10240xf32, #tpu.memory_space<vmem_shared>>
      tpu.wait_indirect_dma semaphore(%arg8 : memref<!tpu.dma_semaphore, #tpu.memory_space<semaphore_mem>>) src(%arg6 : memref<128xf32, #tpu.memory_space<vmem>>) dst(%dma_wait3A_176 : memref<10240xf32, #tpu.memory_space<vmem_shared>>)
    }
    %mul3A_64 = arith.constant 8 : i32
    %mul3A_65 = arith.muli %select_n3A_54, %mul3A_64 : i32
    %while3A_66 = arith.constant 0 : i32
    %while3A_67 = arith.subi %select_n3A, %mul3A_65 : i32
    %while3A_68 = arith.addi %mul3A_65, %while3A_67 : i32
    %while3A_69 = arith.constant 1 : i32
    %while3A_70 = arith.divsi %while3A_67, %while3A_69 : i32
    %while3A_71 = arith.muli %while3A_70, %while3A_69 : i32
    %while3A_72 = arith.addi %mul3A_65, %while3A_71 : i32
    %while3A_73 = arith.constant 1 : i32
    scf.for %while3A_80 = %mul3A_65 to %while3A_72 step %while3A_73  : i32 {
      "tpu.region"() ({
        %run_scoped3A = tpu.sem_alloc : memref<!tpu.dma_semaphore, #tpu.memory_space<semaphore_mem>>
        %dma_start3A = arith.constant 0 : i32
        %dma_start3A_81 = tpu.memref_slice %arg5[%while3A_80, %dma_start3A] : memref<79x128xi32, #tpu.memory_space<vmem>> -> memref<1x128xi32, #tpu.memory_space<vmem>>
        %dma_start3A_82 = tpu.memref_squeeze %dma_start3A_81 : memref<1x128xi32, #tpu.memory_space<vmem>> -> memref<128xi32, #tpu.memory_space<vmem>>
        %dma_start3A_83 = arith.constant 0 : i32
        %dma_start3A_84 = tpu.memref_slice %arg4[%dma_start3A_83] : memref<10240xf32, #tpu.memory_space<vmem_shared>> -> memref<10240xf32, #tpu.memory_space<vmem_shared>>
        tpu.enqueue_indirect_dma source(%arg6 : memref<128xf32, #tpu.memory_space<vmem>>) target(%dma_start3A_84 : memref<10240xf32, #tpu.memory_space<vmem_shared>>) offsets(%dma_start3A_82 : memref<128xi32, #tpu.memory_space<vmem>>) semaphore(%run_scoped3A : memref<!tpu.dma_semaphore, #tpu.memory_space<semaphore_mem>>) {add = true}
        %dma_wait3A = arith.constant 0 : i32
        %dma_wait3A_85 = tpu.memref_slice %arg5[%while3A_80, %dma_wait3A] : memref<79x128xi32, #tpu.memory_space<vmem>> -> memref<1x128xi32, #tpu.memory_space<vmem>>
        %dma_wait3A_86 = tpu.memref_squeeze %dma_wait3A_85 : memref<1x128xi32, #tpu.memory_space<vmem>> -> memref<128xi32, #tpu.memory_space<vmem>>
        %dma_wait3A_87 = arith.constant 0 : i32
        %dma_wait3A_88 = tpu.memref_slice %arg4[%dma_wait3A_87] : memref<10240xf32, #tpu.memory_space<vmem_shared>> -> memref<10240xf32, #tpu.memory_space<vmem_shared>>
        tpu.wait_indirect_dma semaphore(%run_scoped3A : memref<!tpu.dma_semaphore, #tpu.memory_space<semaphore_mem>>) src(%arg6 : memref<128xf32, #tpu.memory_space<vmem>>) dst(%dma_wait3A_88 : memref<10240xf32, #tpu.memory_space<vmem_shared>>)
        tpu.yield
      }) : () -> ()
    }
    %while3A_74 = arith.constant 1 : i32
    scf.for %while3A_80 = %while3A_72 to %while3A_68 step %while3A_74  : i32 {
      "tpu.region"() ({
        %run_scoped3A = tpu.sem_alloc : memref<!tpu.dma_semaphore, #tpu.memory_space<semaphore_mem>>
        %dma_start3A = arith.constant 0 : i32
        %dma_start3A_81 = tpu.memref_slice %arg5[%while3A_80, %dma_start3A] : memref<79x128xi32, #tpu.memory_space<vmem>> -> memref<1x128xi32, #tpu.memory_space<vmem>>
        %dma_start3A_82 = tpu.memref_squeeze %dma_start3A_81 : memref<1x128xi32, #tpu.memory_space<vmem>> -> memref<128xi32, #tpu.memory_space<vmem>>
        %dma_start3A_83 = arith.constant 0 : i32
        %dma_start3A_84 = tpu.memref_slice %arg4[%dma_start3A_83] : memref<10240xf32, #tpu.memory_space<vmem_shared>> -> memref<10240xf32, #tpu.memory_space<vmem_shared>>
        tpu.enqueue_indirect_dma source(%arg6 : memref<128xf32, #tpu.memory_space<vmem>>) target(%dma_start3A_84 : memref<10240xf32, #tpu.memory_space<vmem_shared>>) offsets(%dma_start3A_82 : memref<128xi32, #tpu.memory_space<vmem>>) semaphore(%run_scoped3A : memref<!tpu.dma_semaphore, #tpu.memory_space<semaphore_mem>>) {add = true}
        %dma_wait3A = arith.constant 0 : i32
        %dma_wait3A_85 = tpu.memref_slice %arg5[%while3A_80, %dma_wait3A] : memref<79x128xi32, #tpu.memory_space<vmem>> -> memref<1x128xi32, #tpu.memory_space<vmem>>
        %dma_wait3A_86 = tpu.memref_squeeze %dma_wait3A_85 : memref<1x128xi32, #tpu.memory_space<vmem>> -> memref<128xi32, #tpu.memory_space<vmem>>
        %dma_wait3A_87 = arith.constant 0 : i32
        %dma_wait3A_88 = tpu.memref_slice %arg4[%dma_wait3A_87] : memref<10240xf32, #tpu.memory_space<vmem_shared>> -> memref<10240xf32, #tpu.memory_space<vmem_shared>>
        tpu.wait_indirect_dma semaphore(%run_scoped3A : memref<!tpu.dma_semaphore, #tpu.memory_space<semaphore_mem>>) src(%arg6 : memref<128xf32, #tpu.memory_space<vmem>>) dst(%dma_wait3A_88 : memref<10240xf32, #tpu.memory_space<vmem_shared>>)
        tpu.yield
      }) : () -> ()
    }
    %barrier3A_75 = arith.constant 0 : index
    tpu.barrier barrier_id(%barrier3A_75)
    %mul3A_76 = arith.constant 640 : i32
    %mul3A_77 = arith.muli %arg1, %mul3A_76 : i32
    "tpu.region"() ({
      %run_scoped3A = tpu.sem_alloc : memref<!tpu.dma_semaphore, #tpu.memory_space<semaphore_mem>>
      %dma_start3A = tpu.memref_slice %arg4[%mul3A_77] : memref<10240xf32, #tpu.memory_space<vmem_shared>> -> memref<640xf32, #tpu.memory_space<vmem_shared>>
      %dma_start3A_80 = tpu.memref_slice %arg4[%mul3A_77] : memref<10240xf32, #tpu.memory_space<vmem_shared>> -> memref<640xf32, #tpu.memory_space<vmem_shared>>
      tpu.enqueue_dma source(%dma_start3A_80 : memref<640xf32, #tpu.memory_space<vmem_shared>>) target(%arg7 : memref<640xf32, #tpu.memory_space<vmem>>) target_semaphore(%run_scoped3A : memref<!tpu.dma_semaphore, #tpu.memory_space<semaphore_mem>>)
      %dma_wait3A = tpu.memref_slice %arg4[%mul3A_77] : memref<10240xf32, #tpu.memory_space<vmem_shared>> -> memref<640xf32, #tpu.memory_space<vmem_shared>>
      %dma_wait3A_81 = tpu.memref_slice %arg4[%mul3A_77] : memref<10240xf32, #tpu.memory_space<vmem_shared>> -> memref<640xf32, #tpu.memory_space<vmem_shared>>
      tpu.wait_dma2 semaphore(%run_scoped3A : memref<!tpu.dma_semaphore, #tpu.memory_space<semaphore_mem>>) src(%dma_wait3A_81 : memref<640xf32, #tpu.memory_space<vmem_shared>>) dst(%arg7 : memref<640xf32, #tpu.memory_space<vmem>>)
      tpu.yield
    }) : () -> ()
    %mul3A_78 = arith.constant 640 : i32
    %mul3A_79 = arith.muli %arg1, %mul3A_78 : i32
    "tpu.region"() ({
      %run_scoped3A = tpu.sem_alloc : memref<!tpu.dma_semaphore, #tpu.memory_space<semaphore_mem>>
      %dma_start3A = tpu.memref_slice %arg3[%arg0, %mul3A_79] : memref<2x10240xf32, #tpu.memory_space<hbm>> -> memref<1x640xf32, #tpu.memory_space<hbm>>
      %dma_start3A_80 = tpu.memref_squeeze %dma_start3A : memref<1x640xf32, #tpu.memory_space<hbm>> -> memref<640xf32, #tpu.memory_space<hbm>>
      %dma_start3A_81 = tpu.memref_slice %arg3[%arg0, %mul3A_79] : memref<2x10240xf32, #tpu.memory_space<hbm>> -> memref<1x640xf32, #tpu.memory_space<hbm>>
      %dma_start3A_82 = tpu.memref_squeeze %dma_start3A_81 : memref<1x640xf32, #tpu.memory_space<hbm>> -> memref<640xf32, #tpu.memory_space<hbm>>
      tpu.enqueue_dma source(%arg7 : memref<640xf32, #tpu.memory_space<vmem>>) target(%dma_start3A_82 : memref<640xf32, #tpu.memory_space<hbm>>) target_semaphore(%run_scoped3A : memref<!tpu.dma_semaphore, #tpu.memory_space<semaphore_mem>>)
      %dma_wait3A = tpu.memref_slice %arg3[%arg0, %mul3A_79] : memref<2x10240xf32, #tpu.memory_space<hbm>> -> memref<1x640xf32, #tpu.memory_space<hbm>>
      %dma_wait3A_83 = tpu.memref_squeeze %dma_wait3A : memref<1x640xf32, #tpu.memory_space<hbm>> -> memref<640xf32, #tpu.memory_space<hbm>>
      %dma_wait3A_84 = tpu.memref_slice %arg3[%arg0, %mul3A_79] : memref<2x10240xf32, #tpu.memory_space<hbm>> -> memref<1x640xf32, #tpu.memory_space<hbm>>
      %dma_wait3A_85 = tpu.memref_squeeze %dma_wait3A_84 : memref<1x640xf32, #tpu.memory_space<hbm>> -> memref<640xf32, #tpu.memory_space<hbm>>
      tpu.wait_dma2 semaphore(%run_scoped3A : memref<!tpu.dma_semaphore, #tpu.memory_space<semaphore_mem>>) src(%arg7 : memref<640xf32, #tpu.memory_space<vmem>>) dst(%dma_wait3A_85 : memref<640xf32, #tpu.memory_space<hbm>>)
      tpu.yield
    }) : () -> ()
    return
  }
}

module attributes {stable_mosaic.version = 14 : i64} {
  func.func @body(%arg0: memref<10000x128xf32, #tpu.memory_space<vmem>>, %arg1: memref<128x16xf32, #tpu.memory_space<vmem>>, %arg2: memref<10000x16xf32, #tpu.memory_space<vmem>>) attributes {dimension_semantics = [], scalar_prefetch = 0 : i64, scratch_operands = 0 : i64, tpu.core_type = #tpu.core_type<tc>} {
    %get3A = arith.constant 0 : index
    %get3A_0 = arith.constant 0 : index
    %get3A_1 = vector.load %arg0[%get3A, %get3A_0] : memref<10000x128xf32, #tpu.memory_space<vmem>>, vector<10000x128xf32>
    %get3A_2 = arith.constant 0 : index
    %get3A_3 = arith.constant 0 : index
    %get3A_4 = vector.load %arg1[%get3A_2, %get3A_3] : memref<128x16xf32, #tpu.memory_space<vmem>>, vector<128x16xf32>
    %dot_general3A = arith.constant dense<0.000000e+00> : vector<10000x16xf32>
    %dot_general3A_5 = tpu.matmul %get3A_1, %get3A_4, %dot_general3A {dimension_numbers = #tpu.dot_dimension_numbers<[1], [0], [0], [1], [0, 0, 1, 1], [], []>, transpose_lhs_hint = false} : vector<10000x128xf32>, vector<128x16xf32>, vector<10000x16xf32> -> vector<10000x16xf32>
    %swap3A = arith.constant 0 : index
    %swap3A_6 = arith.constant 0 : index
    %swap3A_7 = vector.load %arg2[%swap3A, %swap3A_6] : memref<10000x16xf32, #tpu.memory_space<vmem>>, vector<10000x16xf32>
    tpu.vector_store %arg2[%swap3A, %swap3A_6], %dot_general3A_5 {strides = array<i32>} : memref<10000x16xf32, #tpu.memory_space<vmem>>, vector<10000x16xf32>,
    return
  }
}

module attributes {stable_mosaic.version = 14 : i64} {
  func.func @body(%arg0: i32, %arg1: memref<2x2000x16xf32, #tpu.memory_space<vmem>>, %arg2: memref<2x2000x16xf32, #tpu.memory_space<vmem>>, %arg3: memref<2000x16xf32, #tpu.memory_space<vmem>>, %arg4: memref<2000x2xf32, #tpu.memory_space<vmem>>, %arg5: memref<1x16xf32, #tpu.memory_space<vmem>>, %arg6: memref<16x128xf32, #tpu.memory_space<vmem>>, %arg7: memref<1x128xf32, #tpu.memory_space<vmem>>, %arg8: memref<2000x128xf32, #tpu.memory_space<vmem>>) attributes {dimension_semantics = [#tpu.dimension_semantics<arbitrary>], iteration_bounds = array<i64: 5>, scalar_prefetch = 0 : i64, scratch_operands = 0 : i64, tpu.core_type = #tpu.core_type<tc>, window_params = [{transform_indices = @transform_0, window_bounds = array<i64: 2, 2000, 16>}, {transform_indices = @transform_1, window_bounds = array<i64: 2, 2000, 16>}, {transform_indices = @transform_2, window_bounds = array<i64: 2000, 16>}, {transform_indices = @transform_3, window_bounds = array<i64: 2000, 2>}, {pipeline_mode = #tpu.pipeline_mode<synchronous>, transform_indices = @transform_4, window_bounds = array<i64: 1, 16>}, {pipeline_mode = #tpu.pipeline_mode<synchronous>, transform_indices = @transform_5, window_bounds = array<i64: 16, 128>}, {pipeline_mode = #tpu.pipeline_mode<synchronous>, transform_indices = @transform_6, window_bounds = array<i64: 1, 128>}, {transform_indices = @transform_7, window_bounds = array<i64: 2000, 128>}]} {
    %get3A = arith.constant 0 : index
    %get3A_0 = arith.constant 0 : index
    %get3A_1 = vector.load %arg4[%get3A, %get3A_0] : memref<2000x2xf32, #tpu.memory_space<vmem>>, vector<2000x1xf32>
    %get3A_2 = arith.constant 0 : index
    %get3A_3 = arith.constant 1 : index
    %get3A_4 = vector.load %arg4[%get3A_2, %get3A_3] : memref<2000x2xf32, #tpu.memory_space<vmem>>, vector<2000x1xf32>
    %add3A = arith.addf %get3A_1, %get3A_4 : vector<2000x1xf32>
    %add3A_5 = arith.constant 1.000000e+00 : f32
    %add3A_6 = vector.broadcast %add3A_5 : f32 to vector<2000x1xf32>
    %add3A_7 = arith.addf %add3A, %add3A_6 : vector<2000x1xf32>
    %rsqrt3A = math.rsqrt %add3A_7 : vector<2000x1xf32>
    %get3A_8 = arith.constant 0 : index
    %get3A_9 = arith.constant 0 : index
    %get3A_10 = vector.load %arg3[%get3A_8, %get3A_9] : memref<2000x16xf32, #tpu.memory_space<vmem>>, vector<2000x16xf32>
    %mul3A = vector.broadcast %rsqrt3A : vector<2000x1xf32> to vector<2000x16xf32>
    %mul3A_11 = arith.mulf %get3A_10, %mul3A : vector<2000x16xf32>
    %get3A_12 = arith.constant 0 : index
    %get3A_13 = arith.constant 0 : index
    %get3A_14 = arith.constant 0 : index
    %get3A_15 = vector.load %arg1[%get3A_12, %get3A_13, %get3A_14] : memref<2x2000x16xf32, #tpu.memory_space<vmem>>, vector<1x2000x16xf32>
    %get3A_16 = vector.shape_cast %get3A_15 : vector<1x2000x16xf32> to vector<2000x16xf32>
    %get3A_17 = arith.constant 1 : index
    %get3A_18 = arith.constant 0 : index
    %get3A_19 = arith.constant 0 : index
    %get3A_20 = vector.load %arg1[%get3A_17, %get3A_18, %get3A_19] : memref<2x2000x16xf32, #tpu.memory_space<vmem>>, vector<1x2000x16xf32>
    %get3A_21 = vector.shape_cast %get3A_20 : vector<1x2000x16xf32> to vector<2000x16xf32>
    %add3A_22 = arith.addf %get3A_16, %get3A_21 : vector<2000x16xf32>
    %add3A_23 = arith.addf %add3A_22, %mul3A_11 : vector<2000x16xf32>
    %mul3A_24 = vector.broadcast %rsqrt3A : vector<2000x1xf32> to vector<2000x16xf32>
    %mul3A_25 = arith.mulf %mul3A_24, %add3A_23 : vector<2000x16xf32>
    %get3A_26 = arith.constant 0 : index
    %get3A_27 = arith.constant 0 : index
    %get3A_28 = vector.load %arg5[%get3A_26, %get3A_27] : memref<1x16xf32, #tpu.memory_space<vmem>>, vector<1x16xf32>
    %add3A_29 = vector.broadcast %get3A_28 : vector<1x16xf32> to vector<2000x16xf32>
    %add3A_30 = arith.addf %mul3A_25, %add3A_29 : vector<2000x16xf32>
    %max3A = arith.constant 0.000000e+00 : f32
    %max3A_31 = vector.broadcast %max3A : f32 to vector<2000x16xf32>
    %max3A_32 = arith.maximumf %add3A_30, %max3A_31 : vector<2000x16xf32>
    %mul3A_33 = vector.broadcast %rsqrt3A : vector<2000x1xf32> to vector<2000x16xf32>
    %mul3A_34 = arith.mulf %max3A_32, %mul3A_33 : vector<2000x16xf32>
    %get3A_35 = arith.constant 0 : index
    %get3A_36 = arith.constant 0 : index
    %get3A_37 = arith.constant 0 : index
    %get3A_38 = vector.load %arg2[%get3A_35, %get3A_36, %get3A_37] : memref<2x2000x16xf32, #tpu.memory_space<vmem>>, vector<1x2000x16xf32>
    %get3A_39 = vector.shape_cast %get3A_38 : vector<1x2000x16xf32> to vector<2000x16xf32>
    %get3A_40 = arith.constant 1 : index
    %get3A_41 = arith.constant 0 : index
    %get3A_42 = arith.constant 0 : index
    %get3A_43 = vector.load %arg2[%get3A_40, %get3A_41, %get3A_42] : memref<2x2000x16xf32, #tpu.memory_space<vmem>>, vector<1x2000x16xf32>
    %get3A_44 = vector.shape_cast %get3A_43 : vector<1x2000x16xf32> to vector<2000x16xf32>
    %add3A_45 = arith.addf %get3A_39, %get3A_44 : vector<2000x16xf32>
    %add3A_46 = arith.addf %add3A_45, %mul3A_34 : vector<2000x16xf32>
    %mul3A_47 = vector.broadcast %rsqrt3A : vector<2000x1xf32> to vector<2000x16xf32>
    %mul3A_48 = arith.mulf %mul3A_47, %add3A_46 : vector<2000x16xf32>
    %get3A_49 = arith.constant 0 : index
    %get3A_50 = arith.constant 0 : index
    %get3A_51 = vector.load %arg6[%get3A_49, %get3A_50] : memref<16x128xf32, #tpu.memory_space<vmem>>, vector<16x128xf32>
    %dot_general3A = arith.constant dense<0.000000e+00> : vector<2000x128xf32>
    %dot_general3A_52 = tpu.matmul %mul3A_48, %get3A_51, %dot_general3A {dimension_numbers = #tpu.dot_dimension_numbers<[1], [0], [0], [1], [0, 0, 1, 1], [], []>, transpose_lhs_hint = false} : vector<2000x16xf32>, vector<16x128xf32>, vector<2000x128xf32> -> vector<2000x128xf32>
    %get3A_53 = arith.constant 0 : index
    %get3A_54 = arith.constant 0 : index
    %get3A_55 = vector.load %arg7[%get3A_53, %get3A_54] : memref<1x128xf32, #tpu.memory_space<vmem>>, vector<1x128xf32>
    %add3A_56 = vector.broadcast %get3A_55 : vector<1x128xf32> to vector<2000x128xf32>
    %add3A_57 = arith.addf %dot_general3A_52, %add3A_56 : vector<2000x128xf32>
    %swap3A = arith.constant 0 : index
    %swap3A_58 = arith.constant 0 : index
    %swap3A_59 = vector.load %arg8[%swap3A, %swap3A_58] : memref<2000x128xf32, #tpu.memory_space<vmem>>, vector<2000x128xf32>
    tpu.vector_store %arg8[%swap3A, %swap3A_58], %add3A_57 {strides = array<i32>} : memref<2000x128xf32, #tpu.memory_space<vmem>>, vector<2000x128xf32>,
    return
  }
  func.func @transform_0(%arg0: i32) -> (i32, i32, i32) {
    %c0_i32 = arith.constant 0 : i32
    %c0_i32_0 = arith.constant 0 : i32
    %c0_i32_1 = arith.constant 0 : i32
    return %c0_i32, %arg0, %c0_i32_0 : i32, i32, i32
  }
  func.func @transform_1(%arg0: i32) -> (i32, i32, i32) {
    %c0_i32 = arith.constant 0 : i32
    %c0_i32_0 = arith.constant 0 : i32
    %c0_i32_1 = arith.constant 0 : i32
    return %c0_i32, %arg0, %c0_i32_0 : i32, i32, i32
  }
  func.func @transform_2(%arg0: i32) -> (i32, i32) {
    %c0_i32 = arith.constant 0 : i32
    %c0_i32_0 = arith.constant 0 : i32
    return %arg0, %c0_i32 : i32, i32
  }
  func.func @transform_3(%arg0: i32) -> (i32, i32) {
    %c0_i32 = arith.constant 0 : i32
    %c0_i32_0 = arith.constant 0 : i32
    return %arg0, %c0_i32 : i32, i32
  }
  func.func @transform_4(%arg0: i32) -> (i32, i32) {
    %c0_i32 = arith.constant 0 : i32
    %c0_i32_0 = arith.constant 0 : i32
    %c0_i32_1 = arith.constant 0 : i32
    return %c0_i32, %c0_i32_0 : i32, i32
  }
  func.func @transform_5(%arg0: i32) -> (i32, i32) {
    %c0_i32 = arith.constant 0 : i32
    %c0_i32_0 = arith.constant 0 : i32
    %c0_i32_1 = arith.constant 0 : i32
    return %c0_i32, %c0_i32_0 : i32, i32
  }
  func.func @transform_6(%arg0: i32) -> (i32, i32) {
    %c0_i32 = arith.constant 0 : i32
    %c0_i32_0 = arith.constant 0 : i32
    %c0_i32_1 = arith.constant 0 : i32
    return %c0_i32, %c0_i32_0 : i32, i32
  }
  func.func @transform_7(%arg0: i32) -> (i32, i32) {
    %c0_i32 = arith.constant 0 : i32
    %c0_i32_0 = arith.constant 0 : i32
    return %arg0, %c0_i32 : i32, i32
  }
}

</mosaic_0001>

<sc_bundles>
// kernel: kernel.10.cloned.1.call-start
scs
__scs_entry_jumppad:
0x0: {  	(pc) =	sbr.rel $0x88, $3  }
0x1: {  	(tag) =	ssettag $0x0;
	lr =	simm.s32 $0x1  }
0x2: {  	[smem:$0x3F9B] =	sst lr;
	_ =	strace $0xD0000000  }
0x3: {  	_ = 	snop  }
0x4: {  	_ = 	snop  }
0x5: {  	_ = 	snop  }
0x6: {  	_ = 	snop  }
0x7: {  	_ = 	snop  }
__scs_overlays_trampoline_lowered:
0x8: {  	[smem:$0x3FAA] =	sst s0  }
0x9: {  	[smem:$0x3FAB] =	sst s1  }
0xa: {  	[smem:$0x3FAC] =	sst s2  }
0xb: {  	[smem:$0x3FAD] =	sst s3  }
0xc: {  	[smem:$0x3FAE] =	sst s4  }
0xd: {  	[smem:$0x3FAF] =	sst s5  }
0xe: {  	[smem:$0x3FB0] =	sst s6  }
0xf: {  	[smem:$0x3FB1] =	sst s7  }
0x10: {  	[smem:$0x3FB2] =	sst s8  }
0x11: {  	[smem:$0x3FB3] =	sst s9;
	s0 =	simm.s32 @!p0 $0x0  }
0x12: {  	s1 =	sld [smem:$0x3F99];
	s0 =	simm.s32 @p0 $0x1  }
0x13: {  	[smem:$0x3FB4] =	sst s0;
	s0 =	simm.s32 @!p1 $0x0  }
0x14: {  	s2 =	sld [smem:$0x3F98];
	s0 =	simm.s32 @p1 $0x1  }
0x15: {  	[smem:$0x3FB5] =	sst s0;
	s0 =	simm.s32 @!p2 $0x0  }
0x16: {  	s3 =	sld [smem:$0x3FDB];
	s0 =	simm.s32 @p2 $0x1  }
0x17: {  	s4 =	simm.s32 $0x1BF5;
	[smem:$0x3FB7] =	sst s0  }
0x18: {  	s0 =	sld [smem:$0x3F9A];
	_ =	swait.ge [sflag:s4], $0x0  }
0x19: {  	s7 =	sld [smem:$0x3F9B]  }
0x1a: {  	s8 =	sadd.s32 $0xFFFFE003, lr  }
0x1b: {  	s9 =	sadd.s32 $0xFFFFFEF7, lr;
	s5 =	simm.s32 $0xFFFFFFFF;
	p2 =	slt.u32 s8, $0xFFFFF086  }
0x1c: {  	p1 =	slt.u32 s9, $0xF7A;
	s5 =	simm.s32 @!p2 $0x0  }
0x1d: {  	s5 =	simm.s32 @p1 $0x1;
	p0 =	seq.s32 s7, s2  }
0x1e: {  	s7 =	smul.u32 @!p0 $0xF7A, s2;
	p2 =	seq.s32 @!p0 s5, $0x0  }
0x1f: {  	s9 =	smul.u32 $0xF7A, s1;
	s8 =	simm.s32 @!p0 $0x1BF5;
	p2 =	por !p2, p0  }
0x20: {  	[sflag:s8] =	ssyncset.s32 @!p0 $0xFFFFF086;
	s6 =	sadd.s32 @!p0 s3, s7;
	s7 =	simm.s32 @!p0 $0x108  }
0x21: {  	s3 =	sadd.s32 s3, s9;
	s6 =	sadd.s32 @!p0 $0x88, s6;
	s7 =	simm.s32 @p2 $0x1082  }
0x22: {  	[simem:s7], [sflag:s8] =	dma.local @!p0 [hbm:s6], $0xF7A  }
0x23: {  	s9 =	sor.u32 $0xD0000000, s2;
	s6 =	simm.s32 $0x108;
	_ =	swait.ge @!p0 [sflag:s8], $0x0  }
0x24: {  	s3 =	sadd.s32 $0x88, s3;
	s6 =	simm.s32 @!p1 $0x1082;
	[sflag:s4] =	ssyncset.s32 $0xFFFFF086  }
0x25: {  	[simem:s6], [sflag:s4] =	dma.local [hbm:s3], $0xF7A  }
0x26: {  	[smem:$0x3F9B] =	sst s1;
	(tag) =	ssettag s2;
	_ =	strace s9  }
0x27: {  	s1 =	sld [smem:$0x3FAB]  }
0x28: {  	s2 =	sld [smem:$0x3FAC]  }
0x29: {  	s4 =	sld [smem:$0x3FAE]  }
0x2a: {  	p0 =	seq.s32 s5, $0x0;
	s5 =	sld [smem:$0x3FAF]  }
0x2b: {  	s6 =	sld [smem:$0x3FB0]  }
0x2c: {  	s7 =	sld [smem:$0x3FB1]  }
0x2d: {  	s3 =	simm.s32 $0x108;
	s8 =	sld [smem:$0x3FB2]  }
0x2e: {  	s3 =	simm.s32 @!p0 $0x1082;
	s9 =	sld [smem:$0x3FB3]  }
0x2f: {  	lr =	sadd.s32 s0, s3;
	s0 =	sld [smem:$0x3FAA]  }
0x30: {  	s3 =	sld [smem:$0x3FAD]  }
0x31: {  	[smem:$0x3FB6] =	sst s10  }
0x32: {  	s10 =	sld [smem:$0x3FB4];
	_ =	sdelay $0x3  }
0x33: {  	p0 =	seq.s32 s10, $0x1;
	s10 =	sld [smem:$0x3FB6];
	_ =	sdelay $0x3  }
0x34: {  	[smem:$0x3FB6] =	sst s10  }
0x35: {  	s10 =	sld [smem:$0x3FB5];
	_ =	sdelay $0x3  }
0x36: {  	p1 =	seq.s32 s10, $0x1;
	s10 =	sld [smem:$0x3FB6];
	_ =	sdelay $0x3  }
0x37: {  	[smem:$0x3FB6] =	sst s10  }
0x38: {  	s10 =	sld [smem:$0x3FB7]  }
0x39: {  	_ = 	snop;
	(pc) =	sbr.ind lr, $3  }
0x3a: {  	_ = 	snop  }
0x3b: {  	_ = 	snop  }
0x3c: {  	p2 =	seq.s32 s10, $0x1;
	s10 =	sld [smem:$0x3FB6]  }
0x3d: {  	_ =	shalt  }
0x3e: {  	_ =	shalt  }
0x3f: {  	_ =	shalt  }
0x40: {  	_ =	shalt  }
0x41: {  	_ =	shalt  }
0x42: {  	_ =	shalt  }
0x43: {  	_ =	shalt  }
0x44: {  	_ =	shalt  }
0x45: {  	_ =	shalt  }
0x46: {  	_ =	shalt  }
0x47: {  	_ =	shalt  }
0x48: {  	_ =	shalt  }
0x49: {  	_ =	shalt  }
0x4a: {  	_ =	shalt  }
0x4b: {  	_ =	shalt  }
0x4c: {  	_ =	shalt  }
0x4d: {  	_ =	shalt  }
0x4e: {  	_ =	shalt  }
0x4f: {  	_ =	shalt  }
0x50: {  	_ =	shalt  }
0x51: {  	_ =	shalt  }
0x52: {  	_ =	shalt  }
0x53: {  	_ =	shalt  }
0x54: {  	_ =	shalt  }
0x55: {  	_ =	shalt  }
0x56: {  	_ =	shalt  }
0x57: {  	_ =	shalt  }
0x58: {  	_ =	shalt  }
0x59: {  	_ =	shalt  }
0x5a: {  	_ =	shalt  }
0x5b: {  	_ =	shalt  }
0x5c: {  	_ =	shalt  }
0x5d: {  	_ =	shalt  }
0x5e: {  	_ =	shalt  }
0x5f: {  	_ =	shalt  }
0x60: {  	_ =	shalt  }
0x61: {  	_ =	shalt  }
0x62: {  	_ =	shalt  }
0x63: {  	_ =	shalt  }
0x64: {  	_ =	shalt  }
0x65: {  	_ =	shalt  }
0x66: {  	_ =	shalt  }
0x67: {  	_ =	shalt  }
0x68: {  	_ =	shalt  }
0x69: {  	_ =	shalt  }
0x6a: {  	_ =	shalt  }
0x6b: {  	_ =	shalt  }
0x6c: {  	_ =	shalt  }
0x6d: {  	_ =	shalt  }
0x6e: {  	_ =	shalt  }
0x6f: {  	_ =	shalt  }
0x70: {  	_ =	shalt  }
0x71: {  	_ =	shalt  }
0x72: {  	_ =	shalt  }
0x73: {  	_ =	shalt  }
0x74: {  	_ =	shalt  }
0x75: {  	_ =	shalt  }
0x76: {  	_ =	shalt  }
0x77: {  	_ =	shalt  }
0x78: {  	_ =	shalt  }
0x79: {  	_ =	shalt  }
0x7a: {  	_ =	shalt  }
0x7b: {  	_ =	shalt  }
0x7c: {  	_ =	shalt  }
0x7d: {  	_ =	shalt  }
0x7e: {  	_ =	shalt  }
0x7f: {  	_ =	shalt  }
0x80: {  	_ =	shalt  }
0x81: {  	_ =	shalt  }
0x82: {  	_ =	shalt  }
0x83: {  	_ =	shalt  }
0x84: {  	_ =	shalt  }
0x85: {  	_ =	shalt  }
0x86: {  	_ =	shalt  }
0x87: {  	_ =	shalt  }
.Lfunc_end0:
.L_simem_size_0:
called_computation.1_lowered:
.L_overlay_start_0:
0x88: {  	s2 =	sld [smem:$0x3FD9]  }
0x89: {  	s3 =	sld [smem:$0x3FFE];
	_ =	sdelay $0x1  }
0x8a: {  	s1 =	srdreg.scid  }
0x8b: {  	s0 =	sand.u32 $0x1, s1  }
0x8c: {  	s17 =	sshll.u32 s0, $0xA;
	s2 =	sadd.s32 s3, s2  }
0x8d: {  	s2 =	sadd.s32 s2, s17  }
0x8e: {  	[smem:$0x3FC2] =	sst s2  }
0x8f: {  	_ = 	snop  }
0x90: {  	s2 =	sld [smem:$0x3FD0];
	(tm) =	ssettm $0x1  }
0x91: {  	s18 =	sld [smem:$0x3FFB];
	_ =	sdelay $0x3  }
0x92: {  	_ =	strace s18  }
0x93: {  	s3 =	sld [smem:$0x3FFC];
	_ =	sdelay $0x3  }
0x94: {  	_ =	strace s3  }
0x95: {  	s3 =	sld [smem:$0x3FFD];
	_ =	sdelay $0x3  }
0x96: {  	_ =	strace s3  }
0x97: {  	_ =	strace $0x8FFFFFFF  }
0x98: {  	s19 =	sld [smem:$0x3FDB];
	_ =	sdelay $0x1  }
0x99: {  	s4 =	simm.s32 $_scs_section_size  }
0x9a: {  	s5 =	simm.s32 $_size__tile_overlayer_lowered;
	s6 =	simm.s32 $_tile_overlayer_lowered  }
0x9b: {  	s22 =	simm.s32 $0x1BFF;
	s21 =	sshll.u32 s6, $0x1;
	s3 =	sadd.s32 s4, s19  }
0x9c: {  	s7 =	simm.s32 $0x0;
	s20 =	sshll.u32 s5, $0x1;
	s5 =	sadd.s32 s21, s3  }
0x9d: {  	[timem:s7], [sflag:s22] =	dma.local [hbm:s5], s20  }
0x9e: {  	_ =	swait.ge [sflag:s22], s20  }
0x9f: {  	s4 =	ssub.s32 $0x0, s20;
	[sflag:s22] =	ssyncset.done $0x0  }
0xa0: {  	[sflag:s22] =	ssyncadd.s32 s4;
	_ =	sdelay $0x1  }
0xa1: {  	s23 =	simm.s32 $0x1B8B  }
0xa2: {  	_ =	swait.ge [sflag:s23], $0x1  }
0xa3: {  	[sflag:s23] =	ssyncset.done $0x0  }
0xa4: {  	s25 =	simm.s32 $0x1B8E;
	s24 =	sld [smem:$0x3FFE];
	[sflag:s23] =	ssyncadd.s32 $0xFFFFFFFF  }
0xa5: {  	s26 =	simm.s32 $execute0_lowered;
	[smem:$0x3FD2] =	sst s25  }
0xa6: {  	s5 =	sshll.u32 s26, $0x1;
	_ =	strace $0x80000049;
	[dreg:$0x1] =	wrdreg $0xFFFFFFFF  }
0xa7: {  	s28 =	simm.s32 $_size_execute0_lowered;
	s3 =	sadd.s32 s3, s5;
	[dreg:$0x0] =	wrdreg $0x0  }
0xa8: {  	s5 =	sshll.u32 s28, $0x1;
	[dreg:$0x2] =	wrdreg s3  }
0xa9: {  	[dreg:$0x3] =	wrdreg s5  }
0xaa: {  	[dreg:$0x4] =	wrdreg $0xC0  }
0xab: {  	_ =	task [dreg:s7], $0x5FFFF  }
0xac: {  	[dreg:$0x1] =	wrdreg $0xFFFFFFFF  }
0xad: {  	[dreg:$0x0] =	wrdreg $0x60  }
0xae: {  	[dreg:$0x2] =	wrdreg s24  }
0xaf: {  	[dreg:$0x3] =	wrdreg s2  }
0xb0: {  	[dreg:$0x4] =	wrdreg $0x27100  }
0xb1: {  	[dreg:$0x5] =	wrdreg $0x0  }
0xb2: {  	[dreg:$0x6] =	wrdreg $0x9  }
0xb3: {  	_ =	task.clear_ibuf [dreg:s7], $0x7FFFF;
	_ =	strace $0x90000049  }
0xb4: {  	s29 =	simm.s32 $0x9;
	_ =	strace $0x8000004B  }
0xb5: {  	_ =	swait.ge [sflag:s29], $0x1  }
0xb6: {  	[sflag:s29] =	ssyncadd.s32 $0xFFFFFFFF  }
0xb7: {  	_ =	strace $0x9000004B  }
0xb8: {  	_ =	sfence  }
0xb9: {  	s30 =	sld [smem:$0x0];
	_ =	sdelay $0x2  }
0xba: {  	s31 =	sshll.u32 s1, $0xD;
	s1 =	sshrl.u32 s1, $0x2  }
0xbb: {  	s3 =	sand.u32 $0x4000, s31;
	s1 =	sadd.s32 s1, s30  }
0xbc: {  	s0 =	sor.u32 s3, s0;
	s1 =	sshll.u32 s1, $0x11  }
0xbd: {  	s0 =	sor.u32 s1, s0  }
0xbe: {  	s0 =	sadd.s32 $0x8F2B, s0  }
0xbf: {  	[sflag:s0] =	ssyncadd.remote.s32 $0x1  }
0xc0: {  	_ =	sfence.sel $0xFFFF  }
0xc1: {  	[dreg:$0x0] =	wrdreg $0xFFFFFFFF;
	(pc) =	sbr.abs _section_cstart, $3  }
0xc2: {  	[dreg:$0x1] =	wrdreg $0xFFFFFFFF  }
0xc3: {  	_ =	task.clear_ibuf [dreg:s7], $0x2FFFF;
	_ =	strace $0x9FFFFFFF  }
0xc4: {  	(tm) =	ssettm $0x7FFFFFFF  }
0xc5: {  	_ =	shalt  }
tec
execute0_lowered:
.L_overlay_start_1:
0x0: {  	(tag) =	ssettag $0x1  }
0x1: {  	s0 =	rddreg [dreg:$0x0]  }
0x2: {  	s1 =	rddreg [dreg:$0x1]  }
0x3: {  	s2 =	rddreg [dreg:$0x2]  }
0x4: {  	s3 =	rddreg [dreg:$0x3]  }
0x5: {  	s12 =	stileid.u32;
	s4 =	simm.s32 $0x0;
	s5 =	srdreg.scid  }
0x6: {  	s15 =	simm.s32 $0x3;
	s18 =	simm.s32 $0x17050;
	s20 =	simm.s32 $0x80  }
0x7: {  	s22 =	simm.s32 $0x9D20;
	s25 =	simm.s32 $0x0;
	s10 =	smul.u32 $0x2710, s12  }
0x8: {  	[smem:$0x7FF] =	sst s4;
	s8 =	smul.u32 $0x271, s12;
	s5 =	sand.u32 $0x1, s5  }
0x9: {  	_ =	strace $0x8000004A;
	s7 =	smul.u32 $0x27100, s5;
	s11 =	sshll.u32 s5, $0x4  }
0xa: {  	s5 =	ssub.s32 $0x2, s5;
	s6 =	sshrl.u32 s10, $0x3;
	s9 =	sshrl.u32 s8, $0x3  }
0xb: {  	s16 =	sor.u32 s12, s11;
	s28 =	sshrl.u32 s5, $0x1;
	s14 =	sand.u32 $0x7, s8  }
0xc: {  	s8 =	sadd.s32 s10, s2;
	s6 =	sadd.s32 s6, s0;
	s9 =	sadd.s32 s9, s0  }
0xd: {  	s7 =	sadd.s32 s10, s7;
	s11 =	smul.u32 $0x4E, s16;
	s12 =	smin.u32 s16, $0x4  }
0xe: {  	s13 =	ssub.s32 s5, s28;
	s10 =	sadd.s32 s10, s3;
	s23 =	sor.u32 $0x16B40, s14  }
0xf: {  	s24 =	sor.u32 $0x16DC8, s14;
	s14 =	simm.s32 $0x11D20;
	p0 =	sgt.u32 s16, $0x3  }
0x10: {  	s7 =	sshrl.u32 s7, $0x3;
	s29 =	sadd.s32 $0x2A00, s6;
	s30 =	sadd.s32 $0x2000, s9;
	v0 =	vmov s23  }
0x11: {  	s13 =	smax.u32 s13, $0x1;
	s23 =	simm.s32 $0x1;
	s11 =	sadd.s32 s12, s11  }
0x12: {  	v1 =	vmov s24;
	s24 =	simm.s32 $0x2;
	s0 =	sadd.s32 s7, s0;
	s31 =	sshll.u32 s11, $0x4  }
0x13: {  	[dreg:$0x5] =	wrdreg s29;
	s7 =	sadd.s32 $0x2500, s9;
	s9 =	sadd.s32 s1, s31  }
0x14: {  	v2 =	vimm.f32 $0.0e+00;
	[dreg:$0x6] =	wrdreg s30;
	s12 =	sadd.s32 $0x7A00, s0;
	s11 =	sadd.s32 $0x9C40, s9  }
.LBB2_1:
0x15: {  	s0 =	rddreg [dreg:$0x5]  }
0x16: {  	[tilespmem:s14], [sflag:$0x3] =	stream.linear.gather [hbm4b:s0+s4], $0x2710, $0x38;
	[tilespmem:$0x172D0] =	vst v63  }
0x17: {  	_ =	swait.ge [sflag:s15], $0x2710  }
0x18: {  	[sflag:s15] =	ssyncset.done $0x0  }
0x19: {  	s1 =	simm.s32 $0x16B40;
	s30 =	rddreg [dreg:$0x6];
	[sflag:s15] =	ssyncadd.s32 $0xFFFFD8F0  }
0x1a: {  	[tilespmem:s1], [sflag:$0x3] =	stream.linear.gather [hbm4b:s30+s4], $0x288, $0x38;
	[tilespmem:$0x172D0] =	vst v63  }
0x1b: {  	_ =	swait.ge [sflag:s15], $0x288  }
0x1c: {  	[sflag:s15] =	ssyncset.done $0x0  }
0x1d: {  	s31 =	simm.s32 $0x16DC8;
	[sflag:s15] =	ssyncadd.s32 $0xFFFFFD78  }
0x1e: {  	[tilespmem:s31], [sflag:$0x3] =	stream.linear.gather [hbm4b:s7+s4], $0x288, $0x38;
	[tilespmem:$0x172D0] =	vst v63  }
0x1f: {  	_ =	swait.ge [sflag:s15], $0x288  }
0x20: {  	[sflag:s15] =	ssyncset.done $0x0  }
0x21: {  	s26 =	simm.s32 $0x0;
	[sflag:s15] =	ssyncadd.s32 $0xFFFFFD78  }
0x22: {  	s28 =	simm.s32 $0x40;
	v3 =	vld.idx.msk [tilespmem:v1+s26+$0x0 ss:$0x1], $0xffff  }
.LBB2_2:
0x23: {  	p1 =	sne.s32 s28, $0x9C0;
	v4 =	vld.idx.msk [tilespmem:v0+s26+$0x0 ss:$0x1], $0xffff;
	_ =	sdelay $0x5  }
0x24: {  	v3 =	vadd.f32 v3, v4;
	_ =	sdelay $0x1  }
0x25: {  	v3 =	vadd.f32 $1.000000000e+00, v3;
	_ =	sdelay $0x1  }
0x26: {  	v4 =	vshrl.u32 v3, $0x1;
	v3 =	vmul.f32 $5.000000000e-01, v3  }
0x27: {  	v4 =	vsub.s32 $0x5F3759DF, v4  }
0x28: {  	v5 =	vmul.f32 v4, v3;
	_ =	sdelay $0x1  }
0x29: {  	v5 =	vmul.f32 v4, v5;
	_ =	sdelay $0x1  }
0x2a: {  	v5 =	vsub.f32 $1.500000000e+00, v5;
	_ =	sdelay $0x1  }
0x2b: {  	v4 =	vmul.f32 v4, v5;
	_ =	sdelay $0x1  }
0x2c: {  	v5 =	vmul.f32 v4, v3;
	_ =	sdelay $0x1  }
0x2d: {  	v5 =	vmul.f32 v5, v4;
	_ =	sdelay $0x1  }
0x2e: {  	v5 =	vsub.f32 $1.500000000e+00, v5;
	_ =	sdelay $0x1  }
0x2f: {  	v4 =	vmul.f32 v5, v4;
	_ =	sdelay $0x1  }
0x30: {  	v3 =	vmul.f32 v4, v3;
	_ =	sdelay $0x1  }
0x31: {  	v3 =	vmul.f32 v3, v4;
	_ =	sdelay $0x1  }
0x32: {  	v3 =	vsub.f32 $1.500000000e+00, v3  }
.Ltmp0:
0x33: {  	(pc) =	sbr.rel @p1 .LBB2_2-.Ltmp0, $3  }
0x34: {  	v3 =	vmul.f32 v3, v4;
	_ =	sdelay $0x1  }
0x35: {  	[tilespmem:s26+$0x17050] =	vst v3;
	s26 =	sshra.s32 s28, $0x2  }
0x36: {  	s28 =	sadd.s32 $0x40, s28;
	v3 =	vld.idx.msk [tilespmem:v1+s26+$0x0 ss:$0x1], $0xffff  }
0x37: {  	_ =	sdelay $0x3  }
0x38: {  	v4 =	vld.idx.msk [tilespmem:v0+s26+$0x0 ss:$0x1], $0xffff;
	_ =	sdelay $0x4  }
0x39: {  	v3 =	vadd.f32 v3, v4;
	_ =	sdelay $0x1  }
0x3a: {  	v3 =	vadd.f32 $1.000000000e+00, v3;
	_ =	sdelay $0x1  }
0x3b: {  	v4 =	vshrl.u32 v3, $0x1;
	v3 =	vmul.f32 $5.000000000e-01, v3  }
0x3c: {  	v4 =	vsub.s32 $0x5F3759DF, v4  }
0x3d: {  	v5 =	vmul.f32 v4, v3;
	_ =	sdelay $0x1  }
0x3e: {  	v5 =	vmul.f32 v4, v5;
	_ =	sdelay $0x1  }
0x3f: {  	v5 =	vsub.f32 $1.500000000e+00, v5;
	_ =	sdelay $0x1  }
0x40: {  	v4 =	vmul.f32 v4, v5;
	_ =	sdelay $0x1  }
0x41: {  	v5 =	vmul.f32 v4, v3;
	_ =	sdelay $0x1  }
0x42: {  	v5 =	vmul.f32 v5, v4;
	_ =	sdelay $0x1  }
0x43: {  	v5 =	vsub.f32 $1.500000000e+00, v5;
	_ =	sdelay $0x1  }
0x44: {  	v4 =	vmul.f32 v5, v4;
	_ =	sdelay $0x1  }
0x45: {  	v3 =	vmul.f32 v4, v3;
	_ =	sdelay $0x1  }
0x46: {  	v3 =	vmul.f32 v3, v4  }
0x47: {  	s28 =	simm.s32 $0x0  }
0x48: {  	v5 =	vmov s28;
	v3 =	vsub.f32 $1.500000000e+00, v3;
	_ =	sdelay $0x1  }
0x49: {  	v3 =	vmul.f32 v3, v4;
	_ =	sdelay $0x1  }
0x4a: {  	[tilespmem:s26+$0x17050] =	vst v3  }
0x4b: {  	s26 =	simm.s32 $0x11D20;
	v3 =	vld.idx.msk [tilespmem:v5+s18+$0x0], $0xffff  }
0x4c: {  	v5 =	vld [tilespmem:s26+$0x0];
	_ =	sdelay $0x1  }
0x4d: {  	s28 =	simm.s32 $0x1  }
0x4e: {  	v4 =	vmov s28;
	s28 =	simm.s32 $0x2  }
.LBB2_4:
0x4f: {  	p1 =	sne.s32 s28, $0x270  }
0x50: {  	v3 =	vmul.f32 v3, v5;
	_ =	sdelay $0x1  }
0x51: {  	[tilespmem:s26+$0x0] =	vst v3  }
.Ltmp1:
0x52: {  	s26 =	sadd.s32 $0x10, s26;
	v3 =	vld.idx.msk [tilespmem:v4+s18+$0x0], $0xffff;
	(pc) =	sbr.rel @p1 .LBB2_4-.Ltmp1, $2  }
0x53: {  	v5 =	vld [tilespmem:s26+$0x0];
	_ =	sdelay $0x2  }
0x54: {  	v4 =	vmov s28;
	s28 =	sadd.s32 $0x1, s28  }
0x55: {  	_ = 	snop  }
0x56: {  	v3 =	vmul.f32 v3, v5;
	_ =	sdelay $0x1  }
0x57: {  	[tilespmem:s26+$0x0] =	vst v3  }
0x58: {  	s31 =	sadd.s32 $0x10, s26;
	v3 =	vld.idx.msk [tilespmem:v4+s18+$0x0], $0xffff  }
0x59: {  	v63 =	vld [tilespmem:s31+$0x0];
	_ =	sdelay $0x4  }
0x5a: {  	v3 =	vmul.f32 v3, v63;
	_ =	sdelay $0x1  }
0x5b: {  	[tilespmem:s31+$0x0] =	vst v3  }
0x5c: {  	[spmem:s8] =	stream.linear.scatter [tilespmem:s14], [sflag:$0x3], $0x2710, $0x38;
	[tilespmem:$0x172D0] =	vst v63  }
0x5d: {  	_ =	swait.ge [sflag:s15], $0x2710  }
0x5e: {  	[sflag:s15] =	ssyncset.done $0x0  }
0x5f: {  	s28 =	simm.s32 $0x0;
	s26 =	simm.s32 $0x40;
	[sflag:s15] =	ssyncadd.s32 $0xFFFFD8F0  }
.LBB2_6:
0x60: {  	p1 =	sne.s32 s26, $0x9C00;
	[tilespmem:s28+$0x14430] =	vst v2;
	s28 =	smov.u32 s26;
	s26 =	sadd.s32 $0x40, s26  }
.Ltmp2:
0x61: {  	(pc) =	sbr.rel @p1 .LBB2_6-.Ltmp2, $2  }
0x62: {  	_ =	sdelay $0x2  }
0x63: {  	s28 =	sshra.s32 s28, $0x2  }
0x64: {  	[tilespmem:s28+$0x14430] =	vst v2;
	s0 =	simm.s32 $0x14430  }
0x65: {  	[spmem:s10] =	stream.linear.scatter [tilespmem:s0], [sflag:$0x3], $0x2710, $0x38;
	[tilespmem:$0x172D0] =	vst v63  }
0x66: {  	_ =	swait.ge [sflag:s15], $0x2710  }
0x67: {  	[sflag:s15] =	ssyncset.done $0x0  }
0x68: {  	s26 =	simm.s32 @p0 $0x0;
	s28 =	simm.s32 @p0 $0x4E20;
	[sflag:s15] =	ssyncadd.s32 $0xFFFFD8F0  }
0x69: {  	[tilespmem:s28], [sflag:$0x3] =	stream.linear.gather @p0 [hbm4b:s9+s26], $0x2700, $0x38;
	[tilespmem:$0x172D0] =	vst v63  }
0x6a: {  	s28 =	simm.s32 @p0 $0x3  }
0x6b: {  	_ =	swait.ge @p0 [sflag:s28], $0x2700  }
0x6c: {  	[sflag:s28] =	ssyncset.done @p0 $0x0  }
0x6d: {  	s29 =	simm.s32 @p0 $0x75A0;
	[sflag:s28] =	ssyncadd.s32 @p0 $0xFFFFD900  }
0x6e: {  	[tilespmem:s29], [sflag:$0x3] =	stream.linear.gather @p0 [hbm4b:s11+s26], $0x2700, $0x38;
	[tilespmem:$0x172D0] =	vst v63  }
0x6f: {  	_ =	swait.ge @p0 [sflag:s28], $0x2700  }
0x70: {  	[sflag:s28] =	ssyncset.done @p0 $0x0  }
0x71: {  	s26 =	simm.s32 @!p0 $0x0;
	[sflag:s28] =	ssyncadd.s32 @p0 $0xFFFFD900;
	s28 =	simm.s32 @!p0 $0x4E20  }
0x72: {  	[tilespmem:s28], [sflag:$0x3] =	stream.linear.gather @!p0 [hbm4b:s9+s26], $0x2780, $0x38;
	[tilespmem:$0x172D0] =	vst v63  }
0x73: {  	s28 =	simm.s32 @!p0 $0x3  }
0x74: {  	_ =	swait.ge @!p0 [sflag:s28], $0x2780  }
0x75: {  	[sflag:s28] =	ssyncset.done @!p0 $0x0  }
0x76: {  	s29 =	simm.s32 @!p0 $0x75A0;
	[sflag:s28] =	ssyncadd.s32 @!p0 $0xFFFFD880  }
0x77: {  	[tilespmem:s29], [sflag:$0x3] =	stream.linear.gather @!p0 [hbm4b:s11+s26], $0x2780, $0x38;
	[tilespmem:$0x172D0] =	vst v63  }
0x78: {  	_ =	swait.ge @!p0 [sflag:s28], $0x2780  }
0x79: {  	[sflag:s28] =	ssyncset.done @!p0 $0x0  }
0x7a: {  	[sflag:s28] =	ssyncadd.s32 @!p0 $0xFFFFD880  }
0x7b: {  	s21 =	simm.s32 $0x4E20;
	[bflag:$0x0] =	sbarrier.arrive $0xFFFF  }
0x7c: {  	[tilespmem:s22], [sflag:$0x1] =	stream.indirect.gather [spmem:s2], $0x10, s21, s20, $0xb8;
	[tilespmem:$0x172D0] =	vst v63  }
0x7d: {  	s1 =	simm.s32 $0xA520;
	s26 =	simm.s32 $0x4EA0  }
0x7e: {  	[tilespmem:s1], [sflag:$0x1] =	stream.indirect.gather [spmem:s2], $0x10, s26, s20, $0xb8;
	[tilespmem:$0x172D0] =	vst v63  }
0x7f: {  	s30 =	simm.s32 $0x4F20;
	s31 =	simm.s32 $0xAD20  }
0x80: {  	[tilespmem:s31], [sflag:$0x1] =	stream.indirect.gather [spmem:s2], $0x10, s30, s20, $0xb8;
	[tilespmem:$0x172D0] =	vst v63  }
0x81: {  	s5 =	simm.s32 $0xB520;
	s1 =	simm.s32 $0x4FA0  }
0x82: {  	[tilespmem:s5], [sflag:$0x1] =	stream.indirect.gather [spmem:s2], $0x10, s1, s20, $0xb8;
	[tilespmem:$0x172D0] =	vst v63  }
0x83: {  	s6 =	simm.s32 $0x5020;
	s16 =	simm.s32 $0xBD20  }
0x84: {  	[tilespmem:s16], [sflag:$0x1] =	stream.indirect.gather [spmem:s2], $0x10, s6, s20, $0xb8;
	[tilespmem:$0x172D0] =	vst v63  }
0x85: {  	s17 =	simm.s32 $0x50A0;
	s19 =	simm.s32 $0xC520  }
0x86: {  	[tilespmem:s19], [sflag:$0x1] =	stream.indirect.gather [spmem:s2], $0x10, s17, s20, $0xb8;
	[tilespmem:$0x172D0] =	vst v63  }
0x87: {  	s21 =	simm.s32 $0x5120;
	s26 =	simm.s32 $0xCD20  }
0x88: {  	[tilespmem:s26], [sflag:$0x1] =	stream.indirect.gather [spmem:s2], $0x10, s21, s20, $0xb8;
	[tilespmem:$0x172D0] =	vst v63  }
0x89: {  	s30 =	simm.s32 $0x51A0;
	s31 =	simm.s32 $0xD520  }
0x8a: {  	[tilespmem:s31], [sflag:$0x1] =	stream.indirect.gather [spmem:s2], $0x10, s30, s20, $0xb8;
	[tilespmem:$0x172D0] =	vst v63  }
0x8b: {  	_ =	swait.ge [sflag:s23], $0x800  }
0x8c: {  	[sflag:s23] =	ssyncset.done $0x0  }
0x8d: {  	[sflag:s23] =	ssyncadd.s32 $0xFFFFF800  }
0x8e: {  	_ =	swait.ge [sflag:s23], $0x800  }
0x8f: {  	[sflag:s23] =	ssyncset.done $0x0  }
0x90: {  	[sflag:s23] =	ssyncadd.s32 $0xFFFFF800  }
0x91: {  	_ =	swait.ge [sflag:s23], $0x800  }
0x92: {  	[sflag:s23] =	ssyncset.done $0x0  }
0x93: {  	[sflag:s23] =	ssyncadd.s32 $0xFFFFF800  }
0x94: {  	_ =	swait.ge [sflag:s23], $0x800  }
0x95: {  	[sflag:s23] =	ssyncset.done $0x0  }
0x96: {  	[sflag:s23] =	ssyncadd.s32 $0xFFFFF800  }
0x97: {  	_ =	swait.ge [sflag:s23], $0x800  }
0x98: {  	[sflag:s23] =	ssyncset.done $0x0  }
0x99: {  	[sflag:s23] =	ssyncadd.s32 $0xFFFFF800  }
0x9a: {  	_ =	swait.ge [sflag:s23], $0x800  }
0x9b: {  	[sflag:s23] =	ssyncset.done $0x0  }
0x9c: {  	[sflag:s23] =	ssyncadd.s32 $0xFFFFF800  }
0x9d: {  	_ =	swait.ge [sflag:s23], $0x800  }
0x9e: {  	[sflag:s23] =	ssyncset.done $0x0  }
0x9f: {  	[sflag:s23] =	ssyncadd.s32 $0xFFFFF800  }
0xa0: {  	s26 =	simm.s32 $0x0;
	_ =	swait.ge [sflag:s23], $0x800  }
0xa1: {  	s28 =	sand.u32 $0x4000, s26;
	[sflag:s23] =	ssyncset.done $0x0  }
0xa2: {  	s29 =	sor.u32 $0x9D20, s28;
	s30 =	simm.s32 $0x75A0;
	[sflag:s23] =	ssyncadd.s32 $0xFFFFF800  }
0xa3: {  	[spmem:s3] =	stream.indirect.scatter.add.f32 [tilespmem:s29], [sflag:$0x2], $0x10, s30, s20, $0xb8;
	[tilespmem:$0x172D0] =	vst v63  }
0xa4: {  	s5 =	simm.s32 $0x7620;
	s29 =	sor.u32 $0xA520, s28  }
0xa5: {  	[spmem:s3] =	stream.indirect.scatter.add.f32 [tilespmem:s29], [sflag:$0x2], $0x10, s5, s20, $0xb8;
	[tilespmem:$0x172D0] =	vst v63  }
0xa6: {  	s6 =	simm.s32 $0x76A0;
	s29 =	sor.u32 $0xAD20, s28  }
0xa7: {  	[spmem:s3] =	stream.indirect.scatter.add.f32 [tilespmem:s29], [sflag:$0x2], $0x10, s6, s20, $0xb8;
	[tilespmem:$0x172D0] =	vst v63  }
0xa8: {  	s16 =	simm.s32 $0x7720;
	s29 =	sor.u32 $0xB520, s28  }
0xa9: {  	[spmem:s3] =	stream.indirect.scatter.add.f32 [tilespmem:s29], [sflag:$0x2], $0x10, s16, s20, $0xb8;
	[tilespmem:$0x172D0] =	vst v63  }
0xaa: {  	s17 =	simm.s32 $0x77A0;
	s29 =	sor.u32 $0xBD20, s28  }
0xab: {  	[spmem:s3] =	stream.indirect.scatter.add.f32 [tilespmem:s29], [sflag:$0x2], $0x10, s17, s20, $0xb8;
	[tilespmem:$0x172D0] =	vst v63  }
0xac: {  	s19 =	simm.s32 $0x7820;
	s29 =	sadd.s32 $0xC520, s28  }
0xad: {  	[spmem:s3] =	stream.indirect.scatter.add.f32 [tilespmem:s29], [sflag:$0x2], $0x10, s19, s20, $0xb8;
	[tilespmem:$0x172D0] =	vst v63  }
0xae: {  	s21 =	simm.s32 $0x78A0;
	s29 =	sadd.s32 $0xCD20, s28  }
0xaf: {  	[spmem:s3] =	stream.indirect.scatter.add.f32 [tilespmem:s29], [sflag:$0x2], $0x10, s21, s20, $0xb8;
	[tilespmem:$0x172D0] =	vst v63  }
0xb0: {  	p1 =	por $0x0, $0x0;
	s31 =	simm.s32 $0x7920;
	s29 =	sadd.s32 $0xD520, s28  }
0xb1: {  	[spmem:s3] =	stream.indirect.scatter.add.f32 [tilespmem:s29], [sflag:$0x2], $0x10, s31, s20, $0xb8;
	[tilespmem:$0x172D0] =	vst v63  }
0xb2: {  	s30 =	simm.s32 @!p1 $0x80;
	s29 =	ssub.s32 @!p1 $0xDD20, s28;
	s31 =	simm.s32 @!p1 $0x5220  }
0xb3: {  	[tilespmem:s29], [sflag:$0x1] =	stream.indirect.gather @!p1 [spmem:s2], $0x10, s31, s30, $0xb8;
	[tilespmem:$0x172D0] =	vst v63  }
0xb4: {  	s29 =	simm.s32 @!p1 $0x52A0;
	s31 =	ssub.s32 @!p1 $0xE520, s28  }
0xb5: {  	[tilespmem:s31], [sflag:$0x1] =	stream.indirect.gather @!p1 [spmem:s2], $0x10, s29, s30, $0xb8;
	[tilespmem:$0x172D0] =	vst v63  }
0xb6: {  	s29 =	simm.s32 @!p1 $0x5320;
	s31 =	ssub.s32 @!p1 $0xED20, s28  }
0xb7: {  	[tilespmem:s31], [sflag:$0x1] =	stream.indirect.gather @!p1 [spmem:s2], $0x10, s29, s30, $0xb8;
	[tilespmem:$0x172D0] =	vst v63  }
0xb8: {  	s29 =	simm.s32 @!p1 $0x53A0;
	s31 =	ssub.s32 @!p1 $0xF520, s28  }
0xb9: {  	[tilespmem:s31], [sflag:$0x1] =	stream.indirect.gather @!p1 [spmem:s2], $0x10, s29, s30, $0xb8;
	[tilespmem:$0x172D0] =	vst v63  }
0xba: {  	s29 =	simm.s32 @!p1 $0x5420;
	s31 =	ssub.s32 @!p1 $0xFD20, s28  }
0xbb: {  	[tilespmem:s31], [sflag:$0x1] =	stream.indirect.gather @!p1 [spmem:s2], $0x10, s29, s30, $0xb8;
	[tilespmem:$0x172D0] =	vst v63  }
0xbc: {  	s29 =	simm.s32 @!p1 $0x54A0;
	s31 =	ssub.s32 @!p1 $0x10520, s28  }
0xbd: {  	[tilespmem:s31], [sflag:$0x1] =	stream.indirect.gather @!p1 [spmem:s2], $0x10, s29, s30, $0xb8;
	[tilespmem:$0x172D0] =	vst v63  }
0xbe: {  	s29 =	simm.s32 @!p1 $0x5520;
	s31 =	ssub.s32 @!p1 $0x10D20, s28  }
0xbf: {  	[tilespmem:s31], [sflag:$0x1] =	stream.indirect.gather @!p1 [spmem:s2], $0x10, s29, s30, $0xb8;
	[tilespmem:$0x172D0] =	vst v63  }
0xc0: {  	s28 =	ssub.s32 @!p1 $0x11520, s28;
	s29 =	simm.s32 @!p1 $0x55A0  }
0xc1: {  	[tilespmem:s28], [sflag:$0x1] =	stream.indirect.gather @!p1 [spmem:s2], $0x10, s29, s30, $0xb8;
	[tilespmem:$0x172D0] =	vst v63  }
0xc2: {  	_ =	swait.ge [sflag:s24], $0x800  }
0xc3: {  	[sflag:s24] =	ssyncset.done $0x0  }
0xc4: {  	[sflag:s24] =	ssyncadd.s32 $0xFFFFF800  }
0xc5: {  	_ =	swait.ge [sflag:s24], $0x800  }
0xc6: {  	[sflag:s24] =	ssyncset.done $0x0  }
0xc7: {  	[sflag:s24] =	ssyncadd.s32 $0xFFFFF800  }
0xc8: {  	_ =	swait.ge [sflag:s24], $0x800  }
0xc9: {  	[sflag:s24] =	ssyncset.done $0x0  }
0xca: {  	[sflag:s24] =	ssyncadd.s32 $0xFFFFF800  }
0xcb: {  	_ =	swait.ge [sflag:s24], $0x800  }
0xcc: {  	[sflag:s24] =	ssyncset.done $0x0  }
0xcd: {  	[sflag:s24] =	ssyncadd.s32 $0xFFFFF800  }
0xce: {  	_ =	swait.ge [sflag:s24], $0x800  }
0xcf: {  	[sflag:s24] =	ssyncset.done $0x0  }
0xd0: {  	[sflag:s24] =	ssyncadd.s32 $0xFFFFF800  }
0xd1: {  	_ =	swait.ge [sflag:s24], $0x800  }
0xd2: {  	[sflag:s24] =	ssyncset.done $0x0  }
0xd3: {  	[sflag:s24] =	ssyncadd.s32 $0xFFFFF800  }
0xd4: {  	_ =	swait.ge [sflag:s24], $0x800  }
0xd5: {  	[sflag:s24] =	ssyncset.done $0x0  }
0xd6: {  	s28 =	simm.s32 @!p0 $0x4F;
	[sflag:s24] =	ssyncadd.s32 $0xFFFFF800  }
0xd7: {  	s29 =	simm.s32 $0x1000;
	s28 =	simm.s32 @p0 $0x4E;
	_ =	swait.ge [sflag:s24], $0x800  }
.LBB2_8:
0xd8: {  	[sflag:s24] =	ssyncset.done $0x0  }
0xd9: {  	s26 =	sadd.s32 $0x4000, s26;
	s30 =	smov.u32 s29;
	s29 =	sadd.s32 $0x1000, s29  }
0xda: {  	p1 =	sne.s32 s29, $0x9000;
	[sflag:s24] =	ssyncadd.s32 $0xFFFFF800  }
0xdb: {  	_ =	swait.ge [sflag:s23], $0x800  }
0xdc: {  	[sflag:s23] =	ssyncset.done $0x0  }
0xdd: {  	[sflag:s23] =	ssyncadd.s32 $0xFFFFF800  }
0xde: {  	_ =	swait.ge [sflag:s23], $0x800  }
0xdf: {  	[sflag:s23] =	ssyncset.done $0x0  }
0xe0: {  	[sflag:s23] =	ssyncadd.s32 $0xFFFFF800  }
0xe1: {  	_ =	swait.ge [sflag:s23], $0x800  }
0xe2: {  	[sflag:s23] =	ssyncset.done $0x0  }
0xe3: {  	[sflag:s23] =	ssyncadd.s32 $0xFFFFF800  }
0xe4: {  	_ =	swait.ge [sflag:s23], $0x800  }
0xe5: {  	[sflag:s23] =	ssyncset.done $0x0  }
0xe6: {  	[sflag:s23] =	ssyncadd.s32 $0xFFFFF800  }
0xe7: {  	_ =	swait.ge [sflag:s23], $0x800  }
0xe8: {  	[sflag:s23] =	ssyncset.done $0x0  }
0xe9: {  	[sflag:s23] =	ssyncadd.s32 $0xFFFFF800  }
0xea: {  	_ =	swait.ge [sflag:s23], $0x800  }
0xeb: {  	[sflag:s23] =	ssyncset.done $0x0  }
0xec: {  	[sflag:s23] =	ssyncadd.s32 $0xFFFFF800  }
0xed: {  	_ =	swait.ge [sflag:s23], $0x800  }
0xee: {  	[sflag:s23] =	ssyncset.done $0x0  }
0xef: {  	[sflag:s23] =	ssyncadd.s32 $0xFFFFF800  }
0xf0: {  	_ =	swait.ge [sflag:s23], $0x800  }
0xf1: {  	s31 =	sand.u32 $0x4000, s26;
	s0 =	sshra.s32 s30, $0x2;
	[sflag:s23] =	ssyncset.done $0x0  }
0xf2: {  	s1 =	sor.u32 $0x9D20, s31;
	s16 =	sadd.s32 $0x75A0, s0;
	[sflag:s23] =	ssyncadd.s32 $0xFFFFF800  }
0xf3: {  	[spmem:s3] =	stream.indirect.scatter.add.f32 [tilespmem:s1], [sflag:$0x2], $0x10, s16, s20, $0xb8;
	[tilespmem:$0x172D0] =	vst v63  }
0xf4: {  	s1 =	sor.u32 $0xA520, s31;
	s16 =	sadd.s32 $0x7620, s0  }
0xf5: {  	[spmem:s3] =	stream.indirect.scatter.add.f32 [tilespmem:s1], [sflag:$0x2], $0x10, s16, s20, $0xb8;
	[tilespmem:$0x172D0] =	vst v63  }
0xf6: {  	s1 =	sor.u32 $0xAD20, s31;
	s16 =	sadd.s32 $0x76A0, s0  }
0xf7: {  	[spmem:s3] =	stream.indirect.scatter.add.f32 [tilespmem:s1], [sflag:$0x2], $0x10, s16, s20, $0xb8;
	[tilespmem:$0x172D0] =	vst v63  }
0xf8: {  	s1 =	sor.u32 $0xB520, s31;
	s16 =	sadd.s32 $0x7720, s0  }
0xf9: {  	[spmem:s3] =	stream.indirect.scatter.add.f32 [tilespmem:s1], [sflag:$0x2], $0x10, s16, s20, $0xb8;
	[tilespmem:$0x172D0] =	vst v63  }
0xfa: {  	s1 =	sor.u32 $0xBD20, s31;
	s16 =	sadd.s32 $0x77A0, s0  }
0xfb: {  	[spmem:s3] =	stream.indirect.scatter.add.f32 [tilespmem:s1], [sflag:$0x2], $0x10, s16, s20, $0xb8;
	[tilespmem:$0x172D0] =	vst v63  }
0xfc: {  	s1 =	sadd.s32 $0xC520, s31;
	s16 =	sadd.s32 $0x7820, s0  }
0xfd: {  	[spmem:s3] =	stream.indirect.scatter.add.f32 [tilespmem:s1], [sflag:$0x2], $0x10, s16, s20, $0xb8;
	[tilespmem:$0x172D0] =	vst v63  }
0xfe: {  	s1 =	sadd.s32 $0xCD20, s31;
	s16 =	sadd.s32 $0x78A0, s0  }
0xff: {  	[spmem:s3] =	stream.indirect.scatter.add.f32 [tilespmem:s1], [sflag:$0x2], $0x10, s16, s20, $0xb8;
	[tilespmem:$0x172D0] =	vst v63  }
0x100: {  	p2 =	seq.s32 s30, $0x8000;
	s0 =	sadd.s32 $0x7920, s0;
	s1 =	sadd.s32 $0xD520, s31  }
0x101: {  	[spmem:s3] =	stream.indirect.scatter.add.f32 [tilespmem:s1], [sflag:$0x2], $0x10, s0, s20, $0xb8;
	[tilespmem:$0x172D0] =	vst v63  }
0x102: {  	s16 =	simm.s32 @!p2 $0x80;
	s0 =	ssub.s32 @!p2 $0xDD20, s31;
	s1 =	sshra.s32 @!p2 s30, $0x2  }
0x103: {  	s30 =	sadd.s32 @!p2 $0x5220, s1;
	s17 =	sadd.s32 @!p2 $0x52A0, s1;
	s19 =	sadd.s32 @!p2 $0x5320, s1  }
0x104: {  	[tilespmem:s0], [sflag:$0x1] =	stream.indirect.gather @!p2 [spmem:s2], $0x10, s30, s16, $0xb8;
	[tilespmem:$0x172D0] =	vst v63  }
0x105: {  	s21 =	sadd.s32 @!p2 $0x53A0, s1;
	s0 =	ssub.s32 @!p2 $0xE520, s31;
	s30 =	ssub.s32 @!p2 $0xED20, s31  }
0x106: {  	[tilespmem:s0], [sflag:$0x1] =	stream.indirect.gather @!p2 [spmem:s2], $0x10, s17, s16, $0xb8;
	[tilespmem:$0x172D0] =	vst v63  }
0x107: {  	s5 =	sadd.s32 @!p2 $0x54A0, s1;
	s0 =	ssub.s32 @!p2 $0xF520, s31;
	s17 =	sadd.s32 @!p2 $0x5420, s1  }
0x108: {  	[tilespmem:s30], [sflag:$0x1] =	stream.indirect.gather @!p2 [spmem:s2], $0x10, s19, s16, $0xb8;
	[tilespmem:$0x172D0] =	vst v63  }
0x109: {  	s6 =	sadd.s32 @!p2 $0x5520, s1;
	s19 =	ssub.s32 @!p2 $0xFD20, s31;
	s30 =	ssub.s32 @!p2 $0x10520, s31  }
0x10a: {  	[tilespmem:s0], [sflag:$0x1] =	stream.indirect.gather @!p2 [spmem:s2], $0x10, s21, s16, $0xb8;
	[tilespmem:$0x172D0] =	vst v63  }
0x10b: {  	s1 =	sadd.s32 @!p2 $0x55A0, s1;
	s0 =	ssub.s32 @!p2 $0x10D20, s31;
	s21 =	ssub.s32 @!p2 $0x11520, s31  }
0x10c: {  	[tilespmem:s19], [sflag:$0x1] =	stream.indirect.gather @!p2 [spmem:s2], $0x10, s17, s16, $0xb8;
	[tilespmem:$0x172D0] =	vst v63  }
0x10d: {  	_ = 	snop  }
0x10e: {  	[tilespmem:s30], [sflag:$0x1] =	stream.indirect.gather @!p2 [spmem:s2], $0x10, s5, s16, $0xb8;
	[tilespmem:$0x172D0] =	vst v63  }
0x10f: {  	_ = 	snop  }
0x110: {  	[tilespmem:s0], [sflag:$0x1] =	stream.indirect.gather @!p2 [spmem:s2], $0x10, s6, s16, $0xb8;
	[tilespmem:$0x172D0] =	vst v63  }
0x111: {  	_ = 	snop  }
0x112: {  	[tilespmem:s21], [sflag:$0x1] =	stream.indirect.gather @!p2 [spmem:s2], $0x10, s1, s16, $0xb8;
	[tilespmem:$0x172D0] =	vst v63  }
0x113: {  	_ =	swait.ge [sflag:s24], $0x800  }
0x114: {  	[sflag:s24] =	ssyncset.done $0x0  }
0x115: {  	[sflag:s24] =	ssyncadd.s32 $0xFFFFF800  }
0x116: {  	_ =	swait.ge [sflag:s24], $0x800  }
0x117: {  	[sflag:s24] =	ssyncset.done $0x0  }
0x118: {  	[sflag:s24] =	ssyncadd.s32 $0xFFFFF800  }
0x119: {  	_ =	swait.ge [sflag:s24], $0x800  }
0x11a: {  	[sflag:s24] =	ssyncset.done $0x0  }
0x11b: {  	[sflag:s24] =	ssyncadd.s32 $0xFFFFF800  }
0x11c: {  	_ =	swait.ge [sflag:s24], $0x800  }
0x11d: {  	[sflag:s24] =	ssyncset.done $0x0  }
0x11e: {  	[sflag:s24] =	ssyncadd.s32 $0xFFFFF800  }
0x11f: {  	_ =	swait.ge [sflag:s24], $0x800  }
0x120: {  	[sflag:s24] =	ssyncset.done $0x0  }
0x121: {  	[sflag:s24] =	ssyncadd.s32 $0xFFFFF800  }
0x122: {  	_ =	swait.ge [sflag:s24], $0x800  }
0x123: {  	[sflag:s24] =	ssyncset.done $0x0  }
.Ltmp3:
0x124: {  	[sflag:s24] =	ssyncadd.s32 $0xFFFFF800;
	(pc) =	sbr.rel @p1 .LBB2_8-.Ltmp3, $4  }
0x125: {  	_ =	swait.ge [sflag:s24], $0x800  }
0x126: {  	[sflag:s24] =	ssyncset.done $0x0  }
0x127: {  	[sflag:s24] =	ssyncadd.s32 $0xFFFFF800  }
0x128: {  	_ =	swait.ge [sflag:s24], $0x800  }
0x129: {  	[sflag:s24] =	ssyncset.done $0x0  }
0x12a: {  	s26 =	simm.s32 $0x7220;
	s0 =	sadd.s32 $0xFFFFFFB8, s28;
	[sflag:s24] =	ssyncadd.s32 $0xFFFFF800  }
0x12b: {  	[tilespmem:s22], [sflag:$0x1] =	stream.indirect.gather [spmem:s2], $0x10, s26, s20, $0xb8;
	[tilespmem:$0x172D0] =	vst v63  }
0x12c: {  	p1 =	sne.s32 s0, $0x1;
	_ =	swait.ge [sflag:s23], $0x800  }
.Ltmp4:
0x12d: {  	[sflag:s23] =	ssyncset.done $0x0;
	(pc) =	sbr.rel @!p1 .LBB2_11-.Ltmp4, $4  }
0x12e: {  	s28 =	simm.s32 $0x99A0;
	[sflag:s23] =	ssyncadd.s32 $0xFFFFF800  }
0x12f: {  	[spmem:s3] =	stream.indirect.scatter.add.f32 [tilespmem:s22], [sflag:$0x3], $0x10, s28, s20, $0xb8;
	[tilespmem:$0x172D0] =	vst v63  }
0x130: {  	_ =	swait.ge [sflag:s15], $0x800  }
0x131: {  	s29 =	sadd.s32 $0xFFFFFFFF, s0;
	[sflag:s15] =	ssyncset.done $0x0  }
.LBB2_10:
0x132: {  	[sflag:s15] =	ssyncadd.s32 $0xFFFFF800;
	s26 =	sadd.s32 $0x80, s26;
	s28 =	sadd.s32 $0x80, s28  }
0x133: {  	[tilespmem:s22], [sflag:$0x1] =	stream.indirect.gather [spmem:s2], $0x10, s26, s20, $0xb8;
	[tilespmem:$0x172D0] =	vst v63  }
0x134: {  	p1 =	sne.s32 s29, $0x1;
	s29 =	sadd.s32 $0xFFFFFFFF, s29;
	_ =	swait.ge [sflag:s23], $0x800  }
.Ltmp5:
0x135: {  	[sflag:s23] =	ssyncset.done $0x0;
	(pc) =	sbr.rel @p1 .LBB2_10-.Ltmp5, $4  }
0x136: {  	[sflag:s23] =	ssyncadd.s32 $0xFFFFF800  }
0x137: {  	[spmem:s3] =	stream.indirect.scatter.add.f32 [tilespmem:s22], [sflag:$0x3], $0x10, s28, s20, $0xb8;
	[tilespmem:$0x172D0] =	vst v63  }
0x138: {  	_ =	swait.ge [sflag:s15], $0x800  }
0x139: {  	[sflag:s15] =	ssyncset.done $0x0  }
.LBB2_11:
0x13a: {  	[sflag:s15] =	ssyncadd.s32 $0xFFFFF800  }
0x13b: {  	[bflag:$0x0] =	sbarrier.arrive $0xFFFF  }
0x13c: {  	[tilespmem:s14], [sflag:$0x3] =	stream.linear.gather [spmem:s10], $0x2710, $0x38;
	[tilespmem:$0x172D0] =	vst v63  }
0x13d: {  	s25 =	sadd.s32 $0x1, s25;
	_ =	swait.ge [sflag:s15], $0x2710  }
0x13e: {  	p1 =	sne.s32 s25, s13;
	[sflag:s15] =	ssyncset.done $0x0  }
.Ltmp6:
0x13f: {  	[sflag:s15] =	ssyncadd.s32 $0xFFFFD8F0;
	(pc) =	sbr.rel @p1 .LBB2_1-.Ltmp6, $4  }
0x140: {  	[hbm4b:s12+s4] =	stream.linear.scatter [tilespmem:s14], [sflag:$0x3], $0x2710, $0x38;
	[tilespmem:$0x172D0] =	vst v63  }
0x141: {  	_ =	swait.ge [sflag:s15], $0x2710  }
0x142: {  	[sflag:s15] =	ssyncset.done $0x0  }
0x143: {  	[sflag:s15] =	ssyncadd.s32 $0xFFFFD8F0  }
0x144: {  	_ =	sfence.sel $0x180000  }
0x145: {  	[bflag:$0x0] =	sbarrier.arrive $0xFFFF  }
0x146: {  	_ =	strace $0x9000004A  }
0x147: {  	s0 =	stileid.u32;
	[bflag:$0x2] =	sbarrier.arrive $0xFFFF  }
0x148: {  	p0 =	sne.s32 s0, $0x0;
	s0 =	rddreg [dreg:$0x4]  }
0x149: {  	s0 =	sadd.s32 @!p0 $0x100000, s0  }
0x14a: {  	[sflag:s0] =	ssyncadd.tile.s32 @!p0 $0x1;
	_ =	shalt  }
.Lfunc_end2:
_tile_overlayer_lowered:
.L_overlay_start_2:
0x14b: {  	(tag) =	ssettag $0x2  }
0x14c: {  	s0 =	rddreg [dreg:$0x0];
	s2 =	stileid.u32  }
0x14d: {  	s1 =	rddreg [dreg:$0x1];
	p0 =	sne.s32 s2, $0x0  }
0x14e: {  	s3 =	rddreg [dreg:$0x2];
	[bflag:$0x3] =	sbarrier.arrive $0xFFFF;
	s2 =	simm.s32 @!p0 $0x1C03  }
0x14f: {  	[timem:s3], [sflag:s2] =	dma.local @!p0 [hbm:s0], s1  }
0x150: {  	s0 =	simm.s32 @!p0 $0x3  }
0x151: {  	_ =	swait.ge @!p0 [sflag:s0], s1  }
0x152: {  	s1 =	ssub.s32 @!p0 $0x0, s1;
	[sflag:s0] =	ssyncset.done @!p0 $0x0  }
0x153: {  	[sflag:s0] =	ssyncadd.s32 @!p0 s1  }
0x154: {  	[bflag:$0x3] =	sbarrier.arrive $0xFFFF  }
0x155: {  	_ =	shalt  }

// kernel: kernel.13.cloned.1.call-start
scs
__scs_entry_jumppad:
0x0: {  	(pc) =	sbr.rel $0x88, $3  }
0x1: {  	(tag) =	ssettag $0x0;
	lr =	simm.s32 $0x1  }
0x2: {  	[smem:$0x3F9B] =	sst lr;
	_ =	strace $0xD0000000  }
0x3: {  	_ = 	snop  }
0x4: {  	_ = 	snop  }
0x5: {  	_ = 	snop  }
0x6: {  	_ = 	snop  }
0x7: {  	_ = 	snop  }
__scs_overlays_trampoline_lowered:
0x8: {  	[smem:$0x3FAA] =	sst s0  }
0x9: {  	[smem:$0x3FAB] =	sst s1  }
0xa: {  	[smem:$0x3FAC] =	sst s2  }
0xb: {  	[smem:$0x3FAD] =	sst s3  }
0xc: {  	[smem:$0x3FAE] =	sst s4  }
0xd: {  	[smem:$0x3FAF] =	sst s5  }
0xe: {  	[smem:$0x3FB0] =	sst s6  }
0xf: {  	[smem:$0x3FB1] =	sst s7  }
0x10: {  	[smem:$0x3FB2] =	sst s8  }
0x11: {  	[smem:$0x3FB3] =	sst s9;
	s0 =	simm.s32 @!p0 $0x0  }
0x12: {  	s1 =	sld [smem:$0x3F99];
	s0 =	simm.s32 @p0 $0x1  }
0x13: {  	[smem:$0x3FB4] =	sst s0;
	s0 =	simm.s32 @!p1 $0x0  }
0x14: {  	s2 =	sld [smem:$0x3F98];
	s0 =	simm.s32 @p1 $0x1  }
0x15: {  	[smem:$0x3FB5] =	sst s0;
	s0 =	simm.s32 @!p2 $0x0  }
0x16: {  	s3 =	sld [smem:$0x3FDB];
	s0 =	simm.s32 @p2 $0x1  }
0x17: {  	s4 =	simm.s32 $0x1BF5;
	[smem:$0x3FB7] =	sst s0  }
0x18: {  	s0 =	sld [smem:$0x3F9A];
	_ =	swait.ge [sflag:s4], $0x0  }
0x19: {  	s7 =	sld [smem:$0x3F9B]  }
0x1a: {  	s8 =	sadd.s32 $0xFFFFE003, lr  }
0x1b: {  	s9 =	sadd.s32 $0xFFFFFEF7, lr;
	s5 =	simm.s32 $0xFFFFFFFF;
	p2 =	slt.u32 s8, $0xFFFFF086  }
0x1c: {  	p1 =	slt.u32 s9, $0xF7A;
	s5 =	simm.s32 @!p2 $0x0  }
0x1d: {  	s5 =	simm.s32 @p1 $0x1;
	p0 =	seq.s32 s7, s2  }
0x1e: {  	s7 =	smul.u32 @!p0 $0xF7A, s2;
	p2 =	seq.s32 @!p0 s5, $0x0  }
0x1f: {  	s9 =	smul.u32 $0xF7A, s1;
	s8 =	simm.s32 @!p0 $0x1BF5;
	p2 =	por !p2, p0  }
0x20: {  	[sflag:s8] =	ssyncset.s32 @!p0 $0xFFFFF086;
	s6 =	sadd.s32 @!p0 s3, s7;
	s7 =	simm.s32 @!p0 $0x108  }
0x21: {  	s3 =	sadd.s32 s3, s9;
	s6 =	sadd.s32 @!p0 $0x88, s6;
	s7 =	simm.s32 @p2 $0x1082  }
0x22: {  	[simem:s7], [sflag:s8] =	dma.local @!p0 [hbm:s6], $0xF7A  }
0x23: {  	s9 =	sor.u32 $0xD0000000, s2;
	s6 =	simm.s32 $0x108;
	_ =	swait.ge @!p0 [sflag:s8], $0x0  }
0x24: {  	s3 =	sadd.s32 $0x88, s3;
	s6 =	simm.s32 @!p1 $0x1082;
	[sflag:s4] =	ssyncset.s32 $0xFFFFF086  }
0x25: {  	[simem:s6], [sflag:s4] =	dma.local [hbm:s3], $0xF7A  }
0x26: {  	[smem:$0x3F9B] =	sst s1;
	(tag) =	ssettag s2;
	_ =	strace s9  }
0x27: {  	s1 =	sld [smem:$0x3FAB]  }
0x28: {  	s2 =	sld [smem:$0x3FAC]  }
0x29: {  	s4 =	sld [smem:$0x3FAE]  }
0x2a: {  	p0 =	seq.s32 s5, $0x0;
	s5 =	sld [smem:$0x3FAF]  }
0x2b: {  	s6 =	sld [smem:$0x3FB0]  }
0x2c: {  	s7 =	sld [smem:$0x3FB1]  }
0x2d: {  	s3 =	simm.s32 $0x108;
	s8 =	sld [smem:$0x3FB2]  }
0x2e: {  	s3 =	simm.s32 @!p0 $0x1082;
	s9 =	sld [smem:$0x3FB3]  }
0x2f: {  	lr =	sadd.s32 s0, s3;
	s0 =	sld [smem:$0x3FAA]  }
0x30: {  	s3 =	sld [smem:$0x3FAD]  }
0x31: {  	[smem:$0x3FB6] =	sst s10  }
0x32: {  	s10 =	sld [smem:$0x3FB4];
	_ =	sdelay $0x3  }
0x33: {  	p0 =	seq.s32 s10, $0x1;
	s10 =	sld [smem:$0x3FB6];
	_ =	sdelay $0x3  }
0x34: {  	[smem:$0x3FB6] =	sst s10  }
0x35: {  	s10 =	sld [smem:$0x3FB5];
	_ =	sdelay $0x3  }
0x36: {  	p1 =	seq.s32 s10, $0x1;
	s10 =	sld [smem:$0x3FB6];
	_ =	sdelay $0x3  }
0x37: {  	[smem:$0x3FB6] =	sst s10  }
0x38: {  	s10 =	sld [smem:$0x3FB7]  }
0x39: {  	_ = 	snop;
	(pc) =	sbr.ind lr, $3  }
0x3a: {  	_ = 	snop  }
0x3b: {  	_ = 	snop  }
0x3c: {  	p2 =	seq.s32 s10, $0x1;
	s10 =	sld [smem:$0x3FB6]  }
0x3d: {  	_ =	shalt  }
0x3e: {  	_ =	shalt  }
0x3f: {  	_ =	shalt  }
0x40: {  	_ =	shalt  }
0x41: {  	_ =	shalt  }
0x42: {  	_ =	shalt  }
0x43: {  	_ =	shalt  }
0x44: {  	_ =	shalt  }
0x45: {  	_ =	shalt  }
0x46: {  	_ =	shalt  }
0x47: {  	_ =	shalt  }
0x48: {  	_ =	shalt  }
0x49: {  	_ =	shalt  }
0x4a: {  	_ =	shalt  }
0x4b: {  	_ =	shalt  }
0x4c: {  	_ =	shalt  }
0x4d: {  	_ =	shalt  }
0x4e: {  	_ =	shalt  }
0x4f: {  	_ =	shalt  }
0x50: {  	_ =	shalt  }
0x51: {  	_ =	shalt  }
0x52: {  	_ =	shalt  }
0x53: {  	_ =	shalt  }
0x54: {  	_ =	shalt  }
0x55: {  	_ =	shalt  }
0x56: {  	_ =	shalt  }
0x57: {  	_ =	shalt  }
0x58: {  	_ =	shalt  }
0x59: {  	_ =	shalt  }
0x5a: {  	_ =	shalt  }
0x5b: {  	_ =	shalt  }
0x5c: {  	_ =	shalt  }
0x5d: {  	_ =	shalt  }
0x5e: {  	_ =	shalt  }
0x5f: {  	_ =	shalt  }
0x60: {  	_ =	shalt  }
0x61: {  	_ =	shalt  }
0x62: {  	_ =	shalt  }
0x63: {  	_ =	shalt  }
0x64: {  	_ =	shalt  }
0x65: {  	_ =	shalt  }
0x66: {  	_ =	shalt  }
0x67: {  	_ =	shalt  }
0x68: {  	_ =	shalt  }
0x69: {  	_ =	shalt  }
0x6a: {  	_ =	shalt  }
0x6b: {  	_ =	shalt  }
0x6c: {  	_ =	shalt  }
0x6d: {  	_ =	shalt  }
0x6e: {  	_ =	shalt  }
0x6f: {  	_ =	shalt  }
0x70: {  	_ =	shalt  }
0x71: {  	_ =	shalt  }
0x72: {  	_ =	shalt  }
0x73: {  	_ =	shalt  }
0x74: {  	_ =	shalt  }
0x75: {  	_ =	shalt  }
0x76: {  	_ =	shalt  }
0x77: {  	_ =	shalt  }
0x78: {  	_ =	shalt  }
0x79: {  	_ =	shalt  }
0x7a: {  	_ =	shalt  }
0x7b: {  	_ =	shalt  }
0x7c: {  	_ =	shalt  }
0x7d: {  	_ =	shalt  }
0x7e: {  	_ =	shalt  }
0x7f: {  	_ =	shalt  }
0x80: {  	_ =	shalt  }
0x81: {  	_ =	shalt  }
0x82: {  	_ =	shalt  }
0x83: {  	_ =	shalt  }
0x84: {  	_ =	shalt  }
0x85: {  	_ =	shalt  }
0x86: {  	_ =	shalt  }
0x87: {  	_ =	shalt  }
.Lfunc_end0:
.L_simem_size_0:
called_computation.2_lowered:
.L_overlay_start_0:
0x88: {  	s2 =	sld [smem:$0x3FD9]  }
0x89: {  	s3 =	sld [smem:$0x3FFE];
	_ =	sdelay $0x1  }
0x8a: {  	s1 =	srdreg.scid  }
0x8b: {  	s0 =	sand.u32 $0x1, s1  }
0x8c: {  	s17 =	sshll.u32 s0, $0xA;
	s2 =	sadd.s32 s3, s2  }
0x8d: {  	s2 =	sadd.s32 s2, s17  }
0x8e: {  	[smem:$0x3FC2] =	sst s2  }
0x8f: {  	_ = 	snop  }
0x90: {  	s2 =	sld [smem:$0x3FC6]  }
0x91: {  	s18 =	sld [smem:$0x3FD0];
	(tm) =	ssettm $0x1  }
0x92: {  	s4 =	sld [smem:$0x3FFB];
	_ =	sdelay $0x3  }
0x93: {  	_ =	strace s4  }
0x94: {  	s4 =	sld [smem:$0x3FFC];
	_ =	sdelay $0x3  }
0x95: {  	_ =	strace s4  }
0x96: {  	s4 =	sld [smem:$0x3FFD];
	_ =	sdelay $0x3  }
0x97: {  	_ =	strace s4  }
0x98: {  	_ =	strace $0x8FFFFFFF  }
0x99: {  	s19 =	sld [smem:$0x3FDB];
	_ =	sdelay $0x1  }
0x9a: {  	s5 =	simm.s32 $_scs_section_size  }
0x9b: {  	s6 =	simm.s32 $_size__tile_overlayer_lowered;
	s7 =	simm.s32 $_tile_overlayer_lowered  }
0x9c: {  	s22 =	simm.s32 $0x1BFF;
	s21 =	sshll.u32 s7, $0x1;
	s4 =	sadd.s32 s5, s19  }
0x9d: {  	s8 =	simm.s32 $0x0;
	s20 =	sshll.u32 s6, $0x1;
	s6 =	sadd.s32 s21, s4  }
0x9e: {  	[timem:s8], [sflag:s22] =	dma.local [hbm:s6], s20  }
0x9f: {  	_ =	swait.ge [sflag:s22], s20  }
0xa0: {  	s5 =	ssub.s32 $0x0, s20;
	[sflag:s22] =	ssyncset.done $0x0  }
0xa1: {  	[sflag:s22] =	ssyncadd.s32 s5;
	_ =	sdelay $0x1  }
0xa2: {  	s23 =	simm.s32 $0x1B8B  }
0xa3: {  	_ =	swait.ge [sflag:s23], $0x1  }
0xa4: {  	[sflag:s23] =	ssyncset.done $0x0  }
0xa5: {  	s25 =	simm.s32 $0x1B8E;
	s24 =	sld [smem:$0x3FFE];
	[sflag:s23] =	ssyncadd.s32 $0xFFFFFFFF  }
0xa6: {  	s26 =	simm.s32 $execute0_lowered;
	[smem:$0x3FD2] =	sst s25  }
0xa7: {  	s6 =	sshll.u32 s26, $0x1;
	_ =	strace $0x8000004C;
	[dreg:$0x1] =	wrdreg $0xFFFFFFFF  }
0xa8: {  	s28 =	simm.s32 $_size_execute0_lowered;
	s4 =	sadd.s32 s4, s6;
	[dreg:$0x0] =	wrdreg $0x0  }
0xa9: {  	s6 =	sshll.u32 s28, $0x1;
	[dreg:$0x2] =	wrdreg s4  }
0xaa: {  	[dreg:$0x3] =	wrdreg s6  }
0xab: {  	[dreg:$0x4] =	wrdreg $0xC0  }
0xac: {  	_ =	task [dreg:s8], $0x5FFFF  }
0xad: {  	[dreg:$0x1] =	wrdreg $0xFFFFFFFF  }
0xae: {  	[dreg:$0x0] =	wrdreg $0x60  }
0xaf: {  	[dreg:$0x2] =	wrdreg s24  }
0xb0: {  	[dreg:$0x3] =	wrdreg s2  }
0xb1: {  	[dreg:$0x4] =	wrdreg s18  }
0xb2: {  	[dreg:$0x5] =	wrdreg $0x27100  }
0xb3: {  	[dreg:$0x6] =	wrdreg $0x0  }
0xb4: {  	[dreg:$0x7] =	wrdreg $0x9  }
0xb5: {  	_ =	task.clear_ibuf [dreg:s8], $0x8FFFF;
	_ =	strace $0x9000004C  }
0xb6: {  	s29 =	simm.s32 $0x9;
	_ =	strace $0x8000004E  }
0xb7: {  	_ =	swait.ge [sflag:s29], $0x1  }
0xb8: {  	[sflag:s29] =	ssyncadd.s32 $0xFFFFFFFF  }
0xb9: {  	_ =	strace $0x9000004E  }
0xba: {  	_ =	sfence  }
0xbb: {  	s30 =	sld [smem:$0x0];
	_ =	sdelay $0x2  }
0xbc: {  	s31 =	sshll.u32 s1, $0xD;
	s1 =	sshrl.u32 s1, $0x2  }
0xbd: {  	s3 =	sand.u32 $0x4000, s31;
	s1 =	sadd.s32 s1, s30  }
0xbe: {  	s0 =	sor.u32 s3, s0;
	s1 =	sshll.u32 s1, $0x11  }
0xbf: {  	s0 =	sor.u32 s1, s0  }
0xc0: {  	s0 =	sadd.s32 $0x8F2B, s0  }
0xc1: {  	[sflag:s0] =	ssyncadd.remote.s32 $0x1  }
0xc2: {  	_ =	sfence.sel $0xFFFF  }
0xc3: {  	[dreg:$0x0] =	wrdreg $0xFFFFFFFF;
	(pc) =	sbr.abs _section_cstart, $3  }
0xc4: {  	[dreg:$0x1] =	wrdreg $0xFFFFFFFF  }
0xc5: {  	_ =	task.clear_ibuf [dreg:s8], $0x2FFFF;
	_ =	strace $0x9FFFFFFF  }
0xc6: {  	(tm) =	ssettm $0x7FFFFFFF  }
0xc7: {  	_ =	shalt  }
tec
execute0_lowered:
.L_overlay_start_1:
0x0: {  	(tag) =	ssettag $0x1  }
0x1: {  	s0 =	rddreg [dreg:$0x0]  }
0x2: {  	s1 =	rddreg [dreg:$0x2]  }
0x3: {  	s3 =	rddreg [dreg:$0x3]  }
0x4: {  	s4 =	rddreg [dreg:$0x4];
	s12 =	stileid.u32  }
0x5: {  	s6 =	srdreg.scid;
	s5 =	simm.s32 $0x0;
	s2 =	smul.u32 $0x2710, s12  }
0x6: {  	s18 =	simm.s32 $0x3;
	s11 =	smul.u32 $0x271, s12;
	s6 =	sand.u32 $0x1, s6  }
0x7: {  	s29 =	simm.s32 $0x9D20;
	[smem:$0x7FF] =	sst s5;
	s8 =	smul.u32 $0x27100, s6  }
0x8: {  	_ =	strace $0x8000004D;
	s22 =	sshll.u32 s6, $0x4;
	s6 =	ssub.s32 $0x2, s6  }
0x9: {  	s7 =	sshrl.u32 s2, $0x3;
	s20 =	sshrl.u32 s11, $0x3;
	s19 =	sor.u32 s12, s22  }
0xa: {  	s23 =	sshrl.u32 s6, $0x1;
	s17 =	sand.u32 $0x7, s11;
	s11 =	sadd.s32 s2, s3  }
0xb: {  	s9 =	sadd.s32 s7, s0;
	s10 =	sadd.s32 s20, s0;
	s21 =	sadd.s32 s2, s8  }
0xc: {  	s12 =	smul.u32 $0x4E, s19;
	s16 =	ssub.s32 s6, s23;
	s13 =	smin.u32 s19, $0x4  }
0xd: {  	s30 =	sor.u32 $0x1B970, s17;
	s31 =	sor.u32 $0x1BBF8, s17;
	s17 =	simm.s32 $0x11D20  }
0xe: {  	p0 =	sgt.u32 s19, $0x3;
	s7 =	sshrl.u32 s21, $0x3;
	s24 =	sadd.s32 $0x2A00, s9  }
0xf: {  	s25 =	sadd.s32 $0x7A00, s9;
	s26 =	sadd.s32 $0xC820, s9;
	[dreg:$0x6] =	wrdreg s24  }
0x10: {  	s28 =	sadd.s32 $0x2000, s10;
	s10 =	sadd.s32 $0x2500, s10;
	[dreg:$0x7] =	wrdreg s25  }
0x11: {  	s16 =	smax.u32 s16, $0x1;
	v0 =	vmov s30;
	s0 =	sadd.s32 s7, s0;
	[dreg:$0x8] =	wrdreg s26  }
0x12: {  	s12 =	sadd.s32 s13, s12;
	[dreg:$0x9] =	wrdreg s28;
	s13 =	sadd.s32 s2, s4  }
0x13: {  	s24 =	simm.s32 $0x1BE80;
	s26 =	simm.s32 $0x80;
	s12 =	sshll.u32 s12, $0x4  }
0x14: {  	s2 =	simm.s32 $0x2;
	s15 =	sadd.s32 $0x11800, s0;
	s12 =	sadd.s32 s1, s12  }
0x15: {  	v2 =	vimm.f32 $0.0e+00;
	v1 =	vmov s31;
	s0 =	simm.s32 $0x1;
	s1 =	simm.s32 $0x0;
	s14 =	sadd.s32 $0x9C40, s12  }
.LBB2_1:
0x16: {  	s6 =	rddreg [dreg:$0x6]  }
0x17: {  	[tilespmem:s17], [sflag:$0x3] =	stream.linear.gather [hbm4b:s6+s5], $0x2710, $0x38;
	[tilespmem:$0x1C100] =	vst v63  }
0x18: {  	_ =	swait.ge [sflag:s18], $0x2710  }
0x19: {  	[sflag:s18] =	ssyncset.done $0x0  }
0x1a: {  	s7 =	simm.s32 $0x16B40;
	s20 =	rddreg [dreg:$0x7];
	[sflag:s18] =	ssyncadd.s32 $0xFFFFD8F0  }
0x1b: {  	[tilespmem:s7], [sflag:$0x3] =	stream.linear.gather [hbm4b:s20+s5], $0x2710, $0x38;
	[tilespmem:$0x1C100] =	vst v63  }
0x1c: {  	_ =	swait.ge [sflag:s18], $0x2710  }
0x1d: {  	[sflag:s18] =	ssyncset.done $0x0  }
0x1e: {  	s22 =	simm.s32 $0x19250;
	s21 =	rddreg [dreg:$0x8];
	[sflag:s18] =	ssyncadd.s32 $0xFFFFD8F0  }
0x1f: {  	[tilespmem:s22], [sflag:$0x3] =	stream.linear.gather [hbm4b:s21+s5], $0x2710, $0x38;
	[tilespmem:$0x1C100] =	vst v63  }
0x20: {  	_ =	swait.ge [sflag:s18], $0x2710  }
0x21: {  	[sflag:s18] =	ssyncset.done $0x0  }
0x22: {  	[sflag:s18] =	ssyncadd.s32 $0xFFFFD8F0  }
0x23: {  	s25 =	simm.s32 $0x1B960;
	s23 =	rddreg [dreg:$0x1]  }
0x24: {  	[tilespmem:s25], [sflag:$0x3] =	stream.linear.gather [hbm4b:s23+s5], $0x10, $0x38;
	[tilespmem:$0x1C100] =	vst v63  }
0x25: {  	_ =	swait.ge [sflag:s18], $0x10  }
0x26: {  	[sflag:s18] =	ssyncset.done $0x0  }
0x27: {  	s30 =	simm.s32 $0x1B970;
	s28 =	rddreg [dreg:$0x9];
	[sflag:s18] =	ssyncadd.s32 $0xFFFFFFF0  }
0x28: {  	v3 =	vld [tilespmem:$0x1B960];
	[tilespmem:s30], [sflag:$0x3] =	stream.linear.gather [hbm4b:s28+s5], $0x288, $0x38  }
0x29: {  	_ =	swait.ge [sflag:s18], $0x288  }
0x2a: {  	[sflag:s18] =	ssyncset.done $0x0  }
0x2b: {  	s31 =	simm.s32 $0x1BBF8;
	[sflag:s18] =	ssyncadd.s32 $0xFFFFFD78  }
0x2c: {  	[tilespmem:s31], [sflag:$0x3] =	stream.linear.gather [hbm4b:s10+s5], $0x288, $0x38;
	[tilespmem:$0x1C100] =	vst v63  }
0x2d: {  	_ =	swait.ge [sflag:s18], $0x288  }
0x2e: {  	[sflag:s18] =	ssyncset.done $0x0  }
0x2f: {  	s19 =	simm.s32 $0x0;
	[sflag:s18] =	ssyncadd.s32 $0xFFFFFD78  }
0x30: {  	s20 =	simm.s32 $0x40;
	v4 =	vld.idx.msk [tilespmem:v1+s19+$0x0 ss:$0x1], $0xffff  }
.LBB2_2:
0x31: {  	p1 =	sne.s32 s20, $0x9C0;
	v5 =	vld.idx.msk [tilespmem:v0+s19+$0x0 ss:$0x1], $0xffff;
	_ =	sdelay $0x5  }
0x32: {  	v4 =	vadd.f32 v4, v5;
	_ =	sdelay $0x1  }
0x33: {  	v4 =	vadd.f32 $1.000000000e+00, v4;
	_ =	sdelay $0x1  }
0x34: {  	v5 =	vshrl.u32 v4, $0x1;
	v4 =	vmul.f32 $5.000000000e-01, v4  }
0x35: {  	v5 =	vsub.s32 $0x5F3759DF, v5  }
0x36: {  	v6 =	vmul.f32 v5, v4;
	_ =	sdelay $0x1  }
0x37: {  	v6 =	vmul.f32 v5, v6;
	_ =	sdelay $0x1  }
0x38: {  	v6 =	vsub.f32 $1.500000000e+00, v6;
	_ =	sdelay $0x1  }
0x39: {  	v5 =	vmul.f32 v5, v6;
	_ =	sdelay $0x1  }
0x3a: {  	v6 =	vmul.f32 v5, v4;
	_ =	sdelay $0x1  }
0x3b: {  	v6 =	vmul.f32 v6, v5;
	_ =	sdelay $0x1  }
0x3c: {  	v6 =	vsub.f32 $1.500000000e+00, v6;
	_ =	sdelay $0x1  }
0x3d: {  	v5 =	vmul.f32 v6, v5;
	_ =	sdelay $0x1  }
0x3e: {  	v4 =	vmul.f32 v5, v4;
	_ =	sdelay $0x1  }
0x3f: {  	v4 =	vmul.f32 v4, v5;
	_ =	sdelay $0x1  }
0x40: {  	v4 =	vsub.f32 $1.500000000e+00, v4  }
.Ltmp0:
0x41: {  	(pc) =	sbr.rel @p1 .LBB2_2-.Ltmp0, $3  }
0x42: {  	v4 =	vmul.f32 v4, v5;
	_ =	sdelay $0x1  }
0x43: {  	[tilespmem:s19+$0x1BE80] =	vst v4;
	s19 =	sshra.s32 s20, $0x2  }
0x44: {  	s20 =	sadd.s32 $0x40, s20;
	v4 =	vld.idx.msk [tilespmem:v1+s19+$0x0 ss:$0x1], $0xffff  }
0x45: {  	_ =	sdelay $0x3  }
0x46: {  	v5 =	vld.idx.msk [tilespmem:v0+s19+$0x0 ss:$0x1], $0xffff;
	_ =	sdelay $0x4  }
0x47: {  	v4 =	vadd.f32 v4, v5;
	_ =	sdelay $0x1  }
0x48: {  	v4 =	vadd.f32 $1.000000000e+00, v4;
	_ =	sdelay $0x1  }
0x49: {  	v5 =	vshrl.u32 v4, $0x1;
	v4 =	vmul.f32 $5.000000000e-01, v4  }
0x4a: {  	v5 =	vsub.s32 $0x5F3759DF, v5  }
0x4b: {  	v6 =	vmul.f32 v5, v4;
	_ =	sdelay $0x1  }
0x4c: {  	v6 =	vmul.f32 v5, v6;
	_ =	sdelay $0x1  }
0x4d: {  	v6 =	vsub.f32 $1.500000000e+00, v6;
	_ =	sdelay $0x1  }
0x4e: {  	v5 =	vmul.f32 v5, v6;
	_ =	sdelay $0x1  }
0x4f: {  	v6 =	vmul.f32 v5, v4;
	_ =	sdelay $0x1  }
0x50: {  	v6 =	vmul.f32 v6, v5;
	_ =	sdelay $0x1  }
0x51: {  	v6 =	vsub.f32 $1.500000000e+00, v6;
	_ =	sdelay $0x1  }
0x52: {  	v5 =	vmul.f32 v6, v5;
	_ =	sdelay $0x1  }
0x53: {  	v4 =	vmul.f32 v5, v4;
	_ =	sdelay $0x1  }
0x54: {  	v4 =	vmul.f32 v4, v5;
	_ =	sdelay $0x1  }
0x55: {  	v4 =	vsub.f32 $1.500000000e+00, v4;
	_ =	sdelay $0x1  }
0x56: {  	s20 =	simm.s32 $0x0;
	v4 =	vmul.f32 v4, v5  }
0x57: {  	v5 =	vmov s20  }
0x58: {  	s21 =	simm.s32 $0x16B40;
	[tilespmem:s19+$0x1BE80] =	vst v4  }
0x59: {  	s20 =	simm.s32 $0x19250;
	v4 =	vld [tilespmem:s21+$0x0]  }
0x5a: {  	s19 =	simm.s32 $0x11D20;
	v6 =	vld [tilespmem:s20+$0x0]  }
0x5b: {  	v7 =	vld [tilespmem:s19+$0x0]  }
0x5c: {  	v5 =	vld.idx.msk [tilespmem:v5+s24+$0x0], $0xffff;
	_ =	sdelay $0x4  }
0x5d: {  	v4 =	vadd.f32 v6, v4;
	v6 =	vmul.f32 v7, v5;
	_ =	sdelay $0x1  }
0x5e: {  	v4 =	vadd.f32 v6, v4;
	_ =	sdelay $0x1  }
0x5f: {  	v4 =	vmul.f32 v4, v5;
	_ =	sdelay $0x1  }
0x60: {  	v4 =	vadd.f32 v4, v3;
	_ =	sdelay $0x1  }
0x61: {  	s22 =	simm.s32 $0x1;
	v6 =	vmax.f32 v4, $0.0e+00  }
0x62: {  	v4 =	vmov s22;
	s22 =	simm.s32 $0x2;
	v5 =	vmul.f32 v6, v5  }
.LBB2_4:
0x63: {  	p1 =	sne.s32 s22, $0x270  }
0x64: {  	s21 =	sadd.s32 $0x10, s21;
	[tilespmem:s19+$0x0] =	vst v5  }
0x65: {  	s20 =	sadd.s32 $0x10, s20;
	v5 =	vld [tilespmem:s21+$0x0]  }
0x66: {  	v6 =	vld [tilespmem:s20+$0x0]  }
0x67: {  	s19 =	sadd.s32 $0x10, s19;
	v7 =	vld.idx.msk [tilespmem:v4+s24+$0x0], $0xffff  }
0x68: {  	v4 =	vld [tilespmem:s19+$0x0];
	_ =	sdelay $0x4  }
0x69: {  	v5 =	vadd.f32 v6, v5;
	v4 =	vmul.f32 v4, v7;
	_ =	sdelay $0x1  }
0x6a: {  	v4 =	vadd.f32 v4, v5;
	_ =	sdelay $0x1  }
0x6b: {  	v4 =	vmul.f32 v4, v7  }
.Ltmp1:
0x6c: {  	(pc) =	sbr.rel @p1 .LBB2_4-.Ltmp1, $3  }
0x6d: {  	v4 =	vadd.f32 v4, v3;
	_ =	sdelay $0x1  }
0x6e: {  	v5 =	vmax.f32 v4, $0.0e+00  }
0x6f: {  	v4 =	vmov s22;
	s22 =	sadd.s32 $0x1, s22;
	v5 =	vmul.f32 v5, v7  }
0x70: {  	_ = 	snop  }
0x71: {  	s21 =	sadd.s32 $0x10, s21;
	[tilespmem:s19+$0x0] =	vst v5  }
0x72: {  	s20 =	sadd.s32 $0x10, s20;
	v5 =	vld [tilespmem:s21+$0x0]  }
0x73: {  	v6 =	vld [tilespmem:s20+$0x0]  }
0x74: {  	s31 =	sadd.s32 $0x10, s19;
	v4 =	vld.idx.msk [tilespmem:v4+s24+$0x0], $0xffff  }
0x75: {  	v7 =	vld [tilespmem:s31+$0x0];
	_ =	sdelay $0x4  }
0x76: {  	v5 =	vadd.f32 v6, v5;
	v63 =	vmul.f32 v7, v4;
	_ =	sdelay $0x1  }
0x77: {  	v5 =	vadd.f32 v63, v5;
	_ =	sdelay $0x1  }
0x78: {  	v5 =	vmul.f32 v5, v4;
	_ =	sdelay $0x1  }
0x79: {  	v3 =	vadd.f32 v5, v3;
	_ =	sdelay $0x1  }
0x7a: {  	v3 =	vmax.f32 v3, $0.0e+00  }
0x7b: {  	v3 =	vmul.f32 v3, v4;
	_ =	sdelay $0x1  }
0x7c: {  	[tilespmem:s31+$0x0] =	vst v3  }
0x7d: {  	[spmem:s11] =	stream.linear.scatter [tilespmem:s17], [sflag:$0x3], $0x2710, $0x38;
	[tilespmem:$0x1C100] =	vst v63  }
0x7e: {  	_ =	swait.ge [sflag:s18], $0x2710  }
0x7f: {  	[sflag:s18] =	ssyncset.done $0x0  }
0x80: {  	s19 =	simm.s32 $0x40;
	s20 =	simm.s32 $0x0;
	[sflag:s18] =	ssyncadd.s32 $0xFFFFD8F0  }
.LBB2_6:
0x81: {  	p1 =	sne.s32 s19, $0x9C00;
	[tilespmem:s20+$0x14430] =	vst v2;
	s20 =	smov.u32 s19;
	s19 =	sadd.s32 $0x40, s19  }
.Ltmp2:
0x82: {  	(pc) =	sbr.rel @p1 .LBB2_6-.Ltmp2, $2  }
0x83: {  	_ =	sdelay $0x2  }
0x84: {  	s20 =	sshra.s32 s20, $0x2  }
0x85: {  	[tilespmem:s20+$0x14430] =	vst v2;
	s6 =	simm.s32 $0x14430  }
0x86: {  	[spmem:s13] =	stream.linear.scatter [tilespmem:s6], [sflag:$0x3], $0x2710, $0x38;
	[tilespmem:$0x1C100] =	vst v63  }
0x87: {  	_ =	swait.ge [sflag:s18], $0x2710  }
0x88: {  	[sflag:s18] =	ssyncset.done $0x0  }
0x89: {  	s19 =	simm.s32 @p0 $0x0;
	s20 =	simm.s32 @p0 $0x4E20;
	[sflag:s18] =	ssyncadd.s32 $0xFFFFD8F0  }
0x8a: {  	[tilespmem:s20], [sflag:$0x3] =	stream.linear.gather @p0 [hbm4b:s12+s19], $0x2700, $0x38;
	[tilespmem:$0x1C100] =	vst v63  }
0x8b: {  	s20 =	simm.s32 @p0 $0x3  }
0x8c: {  	_ =	swait.ge @p0 [sflag:s20], $0x2700  }
0x8d: {  	[sflag:s20] =	ssyncset.done @p0 $0x0  }
0x8e: {  	s21 =	simm.s32 @p0 $0x75A0;
	[sflag:s20] =	ssyncadd.s32 @p0 $0xFFFFD900  }
0x8f: {  	[tilespmem:s21], [sflag:$0x3] =	stream.linear.gather @p0 [hbm4b:s14+s19], $0x2700, $0x38;
	[tilespmem:$0x1C100] =	vst v63  }
0x90: {  	_ =	swait.ge @p0 [sflag:s20], $0x2700  }
0x91: {  	[sflag:s20] =	ssyncset.done @p0 $0x0  }
0x92: {  	s19 =	simm.s32 @!p0 $0x0;
	[sflag:s20] =	ssyncadd.s32 @p0 $0xFFFFD900;
	s20 =	simm.s32 @!p0 $0x4E20  }
0x93: {  	[tilespmem:s20], [sflag:$0x3] =	stream.linear.gather @!p0 [hbm4b:s12+s19], $0x2780, $0x38;
	[tilespmem:$0x1C100] =	vst v63  }
0x94: {  	s20 =	simm.s32 @!p0 $0x3  }
0x95: {  	_ =	swait.ge @!p0 [sflag:s20], $0x2780  }
0x96: {  	[sflag:s20] =	ssyncset.done @!p0 $0x0  }
0x97: {  	s21 =	simm.s32 @!p0 $0x75A0;
	[sflag:s20] =	ssyncadd.s32 @!p0 $0xFFFFD880  }
0x98: {  	[tilespmem:s21], [sflag:$0x3] =	stream.linear.gather @!p0 [hbm4b:s14+s19], $0x2780, $0x38;
	[tilespmem:$0x1C100] =	vst v63  }
0x99: {  	_ =	swait.ge @!p0 [sflag:s20], $0x2780  }
0x9a: {  	[sflag:s20] =	ssyncset.done @!p0 $0x0  }
0x9b: {  	[sflag:s20] =	ssyncadd.s32 @!p0 $0xFFFFD880  }
0x9c: {  	s20 =	simm.s32 $0x4E20;
	[bflag:$0x0] =	sbarrier.arrive $0xFFFF  }
0x9d: {  	[tilespmem:s29], [sflag:$0x1] =	stream.indirect.gather [spmem:s3], $0x10, s20, s26, $0xb8;
	[tilespmem:$0x1C100] =	vst v63  }
0x9e: {  	s7 =	simm.s32 $0xA520;
	s21 =	simm.s32 $0x4EA0  }
0x9f: {  	[tilespmem:s7], [sflag:$0x1] =	stream.indirect.gather [spmem:s3], $0x10, s21, s26, $0xb8;
	[tilespmem:$0x1C100] =	vst v63  }
0xa0: {  	s22 =	simm.s32 $0x4F20;
	s23 =	simm.s32 $0xAD20  }
0xa1: {  	[tilespmem:s23], [sflag:$0x1] =	stream.indirect.gather [spmem:s3], $0x10, s22, s26, $0xb8;
	[tilespmem:$0x1C100] =	vst v63  }
0xa2: {  	s25 =	simm.s32 $0x4FA0;
	s28 =	simm.s32 $0xB520  }
0xa3: {  	[tilespmem:s28], [sflag:$0x1] =	stream.indirect.gather [spmem:s3], $0x10, s25, s26, $0xb8;
	[tilespmem:$0x1C100] =	vst v63  }
0xa4: {  	s30 =	simm.s32 $0x5020;
	s31 =	simm.s32 $0xBD20  }
0xa5: {  	[tilespmem:s31], [sflag:$0x1] =	stream.indirect.gather [spmem:s3], $0x10, s30, s26, $0xb8;
	[tilespmem:$0x1C100] =	vst v63  }
0xa6: {  	s8 =	simm.s32 $0x50A0;
	s9 =	simm.s32 $0xC520  }
0xa7: {  	[tilespmem:s9], [sflag:$0x1] =	stream.indirect.gather [spmem:s3], $0x10, s8, s26, $0xb8;
	[tilespmem:$0x1C100] =	vst v63  }
0xa8: {  	s19 =	simm.s32 $0x5120;
	s20 =	simm.s32 $0xCD20  }
0xa9: {  	[tilespmem:s20], [sflag:$0x1] =	stream.indirect.gather [spmem:s3], $0x10, s19, s26, $0xb8;
	[tilespmem:$0x1C100] =	vst v63  }
0xaa: {  	s21 =	simm.s32 $0x51A0;
	s22 =	simm.s32 $0xD520  }
0xab: {  	[tilespmem:s22], [sflag:$0x1] =	stream.indirect.gather [spmem:s3], $0x10, s21, s26, $0xb8;
	[tilespmem:$0x1C100] =	vst v63  }
0xac: {  	_ =	swait.ge [sflag:s0], $0x800  }
0xad: {  	[sflag:s0] =	ssyncset.done $0x0  }
0xae: {  	[sflag:s0] =	ssyncadd.s32 $0xFFFFF800  }
0xaf: {  	_ =	swait.ge [sflag:s0], $0x800  }
0xb0: {  	[sflag:s0] =	ssyncset.done $0x0  }
0xb1: {  	[sflag:s0] =	ssyncadd.s32 $0xFFFFF800  }
0xb2: {  	_ =	swait.ge [sflag:s0], $0x800  }
0xb3: {  	[sflag:s0] =	ssyncset.done $0x0  }
0xb4: {  	[sflag:s0] =	ssyncadd.s32 $0xFFFFF800  }
0xb5: {  	_ =	swait.ge [sflag:s0], $0x800  }
0xb6: {  	[sflag:s0] =	ssyncset.done $0x0  }
0xb7: {  	[sflag:s0] =	ssyncadd.s32 $0xFFFFF800  }
0xb8: {  	_ =	swait.ge [sflag:s0], $0x800  }
0xb9: {  	[sflag:s0] =	ssyncset.done $0x0  }
0xba: {  	[sflag:s0] =	ssyncadd.s32 $0xFFFFF800  }
0xbb: {  	_ =	swait.ge [sflag:s0], $0x800  }
0xbc: {  	[sflag:s0] =	ssyncset.done $0x0  }
0xbd: {  	[sflag:s0] =	ssyncadd.s32 $0xFFFFF800  }
0xbe: {  	_ =	swait.ge [sflag:s0], $0x800  }
0xbf: {  	[sflag:s0] =	ssyncset.done $0x0  }
0xc0: {  	[sflag:s0] =	ssyncadd.s32 $0xFFFFF800  }
0xc1: {  	s19 =	simm.s32 $0x0;
	_ =	swait.ge [sflag:s0], $0x800  }
0xc2: {  	s20 =	sand.u32 $0x4000, s19;
	[sflag:s0] =	ssyncset.done $0x0  }
0xc3: {  	s23 =	sor.u32 $0x9D20, s20;
	s22 =	simm.s32 $0x75A0;
	[sflag:s0] =	ssyncadd.s32 $0xFFFFF800  }
0xc4: {  	[spmem:s4] =	stream.indirect.scatter.add.f32 [tilespmem:s23], [sflag:$0x2], $0x10, s22, s26, $0xb8;
	[tilespmem:$0x1C100] =	vst v63  }
0xc5: {  	s28 =	simm.s32 $0x7620;
	s25 =	sor.u32 $0xA520, s20  }
0xc6: {  	[spmem:s4] =	stream.indirect.scatter.add.f32 [tilespmem:s25], [sflag:$0x2], $0x10, s28, s26, $0xb8;
	[tilespmem:$0x1C100] =	vst v63  }
0xc7: {  	s31 =	simm.s32 $0x76A0;
	s30 =	sor.u32 $0xAD20, s20  }
0xc8: {  	[spmem:s4] =	stream.indirect.scatter.add.f32 [tilespmem:s30], [sflag:$0x2], $0x10, s31, s26, $0xb8;
	[tilespmem:$0x1C100] =	vst v63  }
0xc9: {  	s7 =	simm.s32 $0x7720;
	s6 =	sor.u32 $0xB520, s20  }
0xca: {  	[spmem:s4] =	stream.indirect.scatter.add.f32 [tilespmem:s6], [sflag:$0x2], $0x10, s7, s26, $0xb8;
	[tilespmem:$0x1C100] =	vst v63  }
0xcb: {  	s9 =	simm.s32 $0x77A0;
	s8 =	sor.u32 $0xBD20, s20  }
0xcc: {  	[spmem:s4] =	stream.indirect.scatter.add.f32 [tilespmem:s8], [sflag:$0x2], $0x10, s9, s26, $0xb8;
	[tilespmem:$0x1C100] =	vst v63  }
0xcd: {  	s22 =	sadd.s32 $0xC520, s20;
	s23 =	simm.s32 $0x7820  }
0xce: {  	[spmem:s4] =	stream.indirect.scatter.add.f32 [tilespmem:s22], [sflag:$0x2], $0x10, s23, s26, $0xb8;
	[tilespmem:$0x1C100] =	vst v63  }
0xcf: {  	s25 =	sadd.s32 $0xCD20, s20;
	s28 =	simm.s32 $0x78A0  }
0xd0: {  	[spmem:s4] =	stream.indirect.scatter.add.f32 [tilespmem:s25], [sflag:$0x2], $0x10, s28, s26, $0xb8;
	[tilespmem:$0x1C100] =	vst v63  }
0xd1: {  	p1 =	por $0x0, $0x0;
	s30 =	sadd.s32 $0xD520, s20;
	s31 =	simm.s32 $0x7920  }
0xd2: {  	[spmem:s4] =	stream.indirect.scatter.add.f32 [tilespmem:s30], [sflag:$0x2], $0x10, s31, s26, $0xb8;
	[tilespmem:$0x1C100] =	vst v63  }
0xd3: {  	s21 =	ssub.s32 @!p1 $0xDD20, s20;
	s22 =	simm.s32 @!p1 $0x80;
	s23 =	simm.s32 @!p1 $0x5220  }
0xd4: {  	[tilespmem:s21], [sflag:$0x1] =	stream.indirect.gather @!p1 [spmem:s3], $0x10, s23, s22, $0xb8;
	[tilespmem:$0x1C100] =	vst v63  }
0xd5: {  	s21 =	simm.s32 @!p1 $0x52A0;
	s23 =	ssub.s32 @!p1 $0xE520, s20  }
0xd6: {  	[tilespmem:s23], [sflag:$0x1] =	stream.indirect.gather @!p1 [spmem:s3], $0x10, s21, s22, $0xb8;
	[tilespmem:$0x1C100] =	vst v63  }
0xd7: {  	s21 =	simm.s32 @!p1 $0x5320;
	s23 =	ssub.s32 @!p1 $0xED20, s20  }
0xd8: {  	[tilespmem:s23], [sflag:$0x1] =	stream.indirect.gather @!p1 [spmem:s3], $0x10, s21, s22, $0xb8;
	[tilespmem:$0x1C100] =	vst v63  }
0xd9: {  	s21 =	simm.s32 @!p1 $0x53A0;
	s23 =	ssub.s32 @!p1 $0xF520, s20  }
0xda: {  	[tilespmem:s23], [sflag:$0x1] =	stream.indirect.gather @!p1 [spmem:s3], $0x10, s21, s22, $0xb8;
	[tilespmem:$0x1C100] =	vst v63  }
0xdb: {  	s21 =	simm.s32 @!p1 $0x5420;
	s23 =	ssub.s32 @!p1 $0xFD20, s20  }
0xdc: {  	[tilespmem:s23], [sflag:$0x1] =	stream.indirect.gather @!p1 [spmem:s3], $0x10, s21, s22, $0xb8;
	[tilespmem:$0x1C100] =	vst v63  }
0xdd: {  	s21 =	simm.s32 @!p1 $0x54A0;
	s23 =	ssub.s32 @!p1 $0x10520, s20  }
0xde: {  	[tilespmem:s23], [sflag:$0x1] =	stream.indirect.gather @!p1 [spmem:s3], $0x10, s21, s22, $0xb8;
	[tilespmem:$0x1C100] =	vst v63  }
0xdf: {  	s21 =	simm.s32 @!p1 $0x5520;
	s23 =	ssub.s32 @!p1 $0x10D20, s20  }
0xe0: {  	[tilespmem:s23], [sflag:$0x1] =	stream.indirect.gather @!p1 [spmem:s3], $0x10, s21, s22, $0xb8;
	[tilespmem:$0x1C100] =	vst v63  }
0xe1: {  	s20 =	ssub.s32 @!p1 $0x11520, s20;
	s21 =	simm.s32 @!p1 $0x55A0  }
0xe2: {  	[tilespmem:s20], [sflag:$0x1] =	stream.indirect.gather @!p1 [spmem:s3], $0x10, s21, s22, $0xb8;
	[tilespmem:$0x1C100] =	vst v63  }
0xe3: {  	_ =	swait.ge [sflag:s2], $0x800  }
0xe4: {  	[sflag:s2] =	ssyncset.done $0x0  }
0xe5: {  	[sflag:s2] =	ssyncadd.s32 $0xFFFFF800  }
0xe6: {  	_ =	swait.ge [sflag:s2], $0x800  }
0xe7: {  	[sflag:s2] =	ssyncset.done $0x0  }
0xe8: {  	[sflag:s2] =	ssyncadd.s32 $0xFFFFF800  }
0xe9: {  	_ =	swait.ge [sflag:s2], $0x800  }
0xea: {  	[sflag:s2] =	ssyncset.done $0x0  }
0xeb: {  	[sflag:s2] =	ssyncadd.s32 $0xFFFFF800  }
0xec: {  	_ =	swait.ge [sflag:s2], $0x800  }
0xed: {  	[sflag:s2] =	ssyncset.done $0x0  }
0xee: {  	[sflag:s2] =	ssyncadd.s32 $0xFFFFF800  }
0xef: {  	_ =	swait.ge [sflag:s2], $0x800  }
0xf0: {  	[sflag:s2] =	ssyncset.done $0x0  }
0xf1: {  	[sflag:s2] =	ssyncadd.s32 $0xFFFFF800  }
0xf2: {  	_ =	swait.ge [sflag:s2], $0x800  }
0xf3: {  	[sflag:s2] =	ssyncset.done $0x0  }
0xf4: {  	[sflag:s2] =	ssyncadd.s32 $0xFFFFF800  }
0xf5: {  	_ =	swait.ge [sflag:s2], $0x800  }
0xf6: {  	[sflag:s2] =	ssyncset.done $0x0  }
0xf7: {  	s20 =	simm.s32 @!p0 $0x4F;
	[sflag:s2] =	ssyncadd.s32 $0xFFFFF800  }
0xf8: {  	s21 =	simm.s32 $0x1000;
	s20 =	simm.s32 @p0 $0x4E;
	_ =	swait.ge [sflag:s2], $0x800  }
.LBB2_8:
0xf9: {  	[sflag:s2] =	ssyncset.done $0x0  }
0xfa: {  	s19 =	sadd.s32 $0x4000, s19;
	s22 =	smov.u32 s21;
	s21 =	sadd.s32 $0x1000, s21  }
0xfb: {  	p1 =	sne.s32 s21, $0x9000;
	[sflag:s2] =	ssyncadd.s32 $0xFFFFF800  }
0xfc: {  	_ =	swait.ge [sflag:s0], $0x800  }
0xfd: {  	[sflag:s0] =	ssyncset.done $0x0  }
0xfe: {  	[sflag:s0] =	ssyncadd.s32 $0xFFFFF800  }
0xff: {  	_ =	swait.ge [sflag:s0], $0x800  }
0x100: {  	[sflag:s0] =	ssyncset.done $0x0  }
0x101: {  	[sflag:s0] =	ssyncadd.s32 $0xFFFFF800  }
0x102: {  	_ =	swait.ge [sflag:s0], $0x800  }
0x103: {  	[sflag:s0] =	ssyncset.done $0x0  }
0x104: {  	[sflag:s0] =	ssyncadd.s32 $0xFFFFF800  }
0x105: {  	_ =	swait.ge [sflag:s0], $0x800  }
0x106: {  	[sflag:s0] =	ssyncset.done $0x0  }
0x107: {  	[sflag:s0] =	ssyncadd.s32 $0xFFFFF800  }
0x108: {  	_ =	swait.ge [sflag:s0], $0x800  }
0x109: {  	[sflag:s0] =	ssyncset.done $0x0  }
0x10a: {  	[sflag:s0] =	ssyncadd.s32 $0xFFFFF800  }
0x10b: {  	_ =	swait.ge [sflag:s0], $0x800  }
0x10c: {  	[sflag:s0] =	ssyncset.done $0x0  }
0x10d: {  	[sflag:s0] =	ssyncadd.s32 $0xFFFFF800  }
0x10e: {  	_ =	swait.ge [sflag:s0], $0x800  }
0x10f: {  	[sflag:s0] =	ssyncset.done $0x0  }
0x110: {  	[sflag:s0] =	ssyncadd.s32 $0xFFFFF800  }
0x111: {  	_ =	swait.ge [sflag:s0], $0x800  }
0x112: {  	s23 =	sand.u32 $0x4000, s19;
	s25 =	sshra.s32 s22, $0x2;
	[sflag:s0] =	ssyncset.done $0x0  }
0x113: {  	s28 =	sor.u32 $0x9D20, s23;
	s30 =	sadd.s32 $0x75A0, s25;
	[sflag:s0] =	ssyncadd.s32 $0xFFFFF800  }
0x114: {  	[spmem:s4] =	stream.indirect.scatter.add.f32 [tilespmem:s28], [sflag:$0x2], $0x10, s30, s26, $0xb8;
	[tilespmem:$0x1C100] =	vst v63  }
0x115: {  	s28 =	sor.u32 $0xA520, s23;
	s30 =	sadd.s32 $0x7620, s25  }
0x116: {  	[spmem:s4] =	stream.indirect.scatter.add.f32 [tilespmem:s28], [sflag:$0x2], $0x10, s30, s26, $0xb8;
	[tilespmem:$0x1C100] =	vst v63  }
0x117: {  	s28 =	sor.u32 $0xAD20, s23;
	s30 =	sadd.s32 $0x76A0, s25  }
0x118: {  	[spmem:s4] =	stream.indirect.scatter.add.f32 [tilespmem:s28], [sflag:$0x2], $0x10, s30, s26, $0xb8;
	[tilespmem:$0x1C100] =	vst v63  }
0x119: {  	s28 =	sor.u32 $0xB520, s23;
	s30 =	sadd.s32 $0x7720, s25  }
0x11a: {  	[spmem:s4] =	stream.indirect.scatter.add.f32 [tilespmem:s28], [sflag:$0x2], $0x10, s30, s26, $0xb8;
	[tilespmem:$0x1C100] =	vst v63  }
0x11b: {  	s28 =	sor.u32 $0xBD20, s23;
	s30 =	sadd.s32 $0x77A0, s25  }
0x11c: {  	[spmem:s4] =	stream.indirect.scatter.add.f32 [tilespmem:s28], [sflag:$0x2], $0x10, s30, s26, $0xb8;
	[tilespmem:$0x1C100] =	vst v63  }
0x11d: {  	s28 =	sadd.s32 $0xC520, s23;
	s30 =	sadd.s32 $0x7820, s25  }
0x11e: {  	[spmem:s4] =	stream.indirect.scatter.add.f32 [tilespmem:s28], [sflag:$0x2], $0x10, s30, s26, $0xb8;
	[tilespmem:$0x1C100] =	vst v63  }
0x11f: {  	s28 =	sadd.s32 $0xCD20, s23;
	s30 =	sadd.s32 $0x78A0, s25  }
0x120: {  	[spmem:s4] =	stream.indirect.scatter.add.f32 [tilespmem:s28], [sflag:$0x2], $0x10, s30, s26, $0xb8;
	[tilespmem:$0x1C100] =	vst v63  }
0x121: {  	p2 =	seq.s32 s22, $0x8000;
	s25 =	sadd.s32 $0x7920, s25;
	s28 =	sadd.s32 $0xD520, s23  }
0x122: {  	[spmem:s4] =	stream.indirect.scatter.add.f32 [tilespmem:s28], [sflag:$0x2], $0x10, s25, s26, $0xb8;
	[tilespmem:$0x1C100] =	vst v63  }
0x123: {  	s22 =	sshra.s32 @!p2 s22, $0x2;
	s25 =	ssub.s32 @!p2 $0xDD20, s23;
	s28 =	simm.s32 @!p2 $0x80  }
0x124: {  	s31 =	sadd.s32 @!p2 $0x52A0, s22;
	s6 =	sadd.s32 @!p2 $0x5320, s22;
	s30 =	sadd.s32 @!p2 $0x5220, s22  }
0x125: {  	[tilespmem:s25], [sflag:$0x1] =	stream.indirect.gather @!p2 [spmem:s3], $0x10, s30, s28, $0xb8;
	[tilespmem:$0x1C100] =	vst v63  }
0x126: {  	s7 =	sadd.s32 @!p2 $0x53A0, s22;
	s25 =	ssub.s32 @!p2 $0xE520, s23;
	s30 =	ssub.s32 @!p2 $0xED20, s23  }
0x127: {  	[tilespmem:s25], [sflag:$0x1] =	stream.indirect.gather @!p2 [spmem:s3], $0x10, s31, s28, $0xb8;
	[tilespmem:$0x1C100] =	vst v63  }
0x128: {  	s8 =	sadd.s32 @!p2 $0x54A0, s22;
	s25 =	ssub.s32 @!p2 $0xF520, s23;
	s31 =	sadd.s32 @!p2 $0x5420, s22  }
0x129: {  	[tilespmem:s30], [sflag:$0x1] =	stream.indirect.gather @!p2 [spmem:s3], $0x10, s6, s28, $0xb8;
	[tilespmem:$0x1C100] =	vst v63  }
0x12a: {  	s9 =	sadd.s32 @!p2 $0x5520, s22;
	s6 =	ssub.s32 @!p2 $0xFD20, s23;
	s30 =	ssub.s32 @!p2 $0x10520, s23  }
0x12b: {  	[tilespmem:s25], [sflag:$0x1] =	stream.indirect.gather @!p2 [spmem:s3], $0x10, s7, s28, $0xb8;
	[tilespmem:$0x1C100] =	vst v63  }
0x12c: {  	s22 =	sadd.s32 @!p2 $0x55A0, s22;
	s7 =	ssub.s32 @!p2 $0x10D20, s23;
	s23 =	ssub.s32 @!p2 $0x11520, s23  }
0x12d: {  	[tilespmem:s6], [sflag:$0x1] =	stream.indirect.gather @!p2 [spmem:s3], $0x10, s31, s28, $0xb8;
	[tilespmem:$0x1C100] =	vst v63  }
0x12e: {  	_ = 	snop  }
0x12f: {  	[tilespmem:s30], [sflag:$0x1] =	stream.indirect.gather @!p2 [spmem:s3], $0x10, s8, s28, $0xb8;
	[tilespmem:$0x1C100] =	vst v63  }
0x130: {  	_ = 	snop  }
0x131: {  	[tilespmem:s7], [sflag:$0x1] =	stream.indirect.gather @!p2 [spmem:s3], $0x10, s9, s28, $0xb8;
	[tilespmem:$0x1C100] =	vst v63  }
0x132: {  	_ = 	snop  }
0x133: {  	[tilespmem:s23], [sflag:$0x1] =	stream.indirect.gather @!p2 [spmem:s3], $0x10, s22, s28, $0xb8;
	[tilespmem:$0x1C100] =	vst v63  }
0x134: {  	_ =	swait.ge [sflag:s2], $0x800  }
0x135: {  	[sflag:s2] =	ssyncset.done $0x0  }
0x136: {  	[sflag:s2] =	ssyncadd.s32 $0xFFFFF800  }
0x137: {  	_ =	swait.ge [sflag:s2], $0x800  }
0x138: {  	[sflag:s2] =	ssyncset.done $0x0  }
0x139: {  	[sflag:s2] =	ssyncadd.s32 $0xFFFFF800  }
0x13a: {  	_ =	swait.ge [sflag:s2], $0x800  }
0x13b: {  	[sflag:s2] =	ssyncset.done $0x0  }
0x13c: {  	[sflag:s2] =	ssyncadd.s32 $0xFFFFF800  }
0x13d: {  	_ =	swait.ge [sflag:s2], $0x800  }
0x13e: {  	[sflag:s2] =	ssyncset.done $0x0  }
0x13f: {  	[sflag:s2] =	ssyncadd.s32 $0xFFFFF800  }
0x140: {  	_ =	swait.ge [sflag:s2], $0x800  }
0x141: {  	[sflag:s2] =	ssyncset.done $0x0  }
0x142: {  	[sflag:s2] =	ssyncadd.s32 $0xFFFFF800  }
0x143: {  	_ =	swait.ge [sflag:s2], $0x800  }
0x144: {  	[sflag:s2] =	ssyncset.done $0x0  }
.Ltmp3:
0x145: {  	[sflag:s2] =	ssyncadd.s32 $0xFFFFF800;
	(pc) =	sbr.rel @p1 .LBB2_8-.Ltmp3, $4  }
0x146: {  	_ =	swait.ge [sflag:s2], $0x800  }
0x147: {  	[sflag:s2] =	ssyncset.done $0x0  }
0x148: {  	[sflag:s2] =	ssyncadd.s32 $0xFFFFF800  }
0x149: {  	_ =	swait.ge [sflag:s2], $0x800  }
0x14a: {  	[sflag:s2] =	ssyncset.done $0x0  }
0x14b: {  	s19 =	simm.s32 $0x7220;
	s6 =	sadd.s32 $0xFFFFFFB8, s20;
	[sflag:s2] =	ssyncadd.s32 $0xFFFFF800  }
0x14c: {  	[tilespmem:s29], [sflag:$0x1] =	stream.indirect.gather [spmem:s3], $0x10, s19, s26, $0xb8;
	[tilespmem:$0x1C100] =	vst v63  }
0x14d: {  	p1 =	sne.s32 s6, $0x1;
	_ =	swait.ge [sflag:s0], $0x800  }
.Ltmp4:
0x14e: {  	[sflag:s0] =	ssyncset.done $0x0;
	(pc) =	sbr.rel @!p1 .LBB2_11-.Ltmp4, $4  }
0x14f: {  	s20 =	simm.s32 $0x99A0;
	[sflag:s0] =	ssyncadd.s32 $0xFFFFF800  }
0x150: {  	[spmem:s4] =	stream.indirect.scatter.add.f32 [tilespmem:s29], [sflag:$0x3], $0x10, s20, s26, $0xb8;
	[tilespmem:$0x1C100] =	vst v63  }
0x151: {  	_ =	swait.ge [sflag:s18], $0x800  }
0x152: {  	s21 =	sadd.s32 $0xFFFFFFFF, s6;
	[sflag:s18] =	ssyncset.done $0x0  }
.LBB2_10:
0x153: {  	[sflag:s18] =	ssyncadd.s32 $0xFFFFF800;
	s19 =	sadd.s32 $0x80, s19;
	s20 =	sadd.s32 $0x80, s20  }
0x154: {  	[tilespmem:s29], [sflag:$0x1] =	stream.indirect.gather [spmem:s3], $0x10, s19, s26, $0xb8;
	[tilespmem:$0x1C100] =	vst v63  }
0x155: {  	p1 =	sne.s32 s21, $0x1;
	s21 =	sadd.s32 $0xFFFFFFFF, s21;
	_ =	swait.ge [sflag:s0], $0x800  }
.Ltmp5:
0x156: {  	[sflag:s0] =	ssyncset.done $0x0;
	(pc) =	sbr.rel @p1 .LBB2_10-.Ltmp5, $4  }
0x157: {  	[sflag:s0] =	ssyncadd.s32 $0xFFFFF800  }
0x158: {  	[spmem:s4] =	stream.indirect.scatter.add.f32 [tilespmem:s29], [sflag:$0x3], $0x10, s20, s26, $0xb8;
	[tilespmem:$0x1C100] =	vst v63  }
0x159: {  	_ =	swait.ge [sflag:s18], $0x800  }
0x15a: {  	[sflag:s18] =	ssyncset.done $0x0  }
.LBB2_11:
0x15b: {  	[sflag:s18] =	ssyncadd.s32 $0xFFFFF800  }
0x15c: {  	[bflag:$0x0] =	sbarrier.arrive $0xFFFF  }
0x15d: {  	[tilespmem:s17], [sflag:$0x3] =	stream.linear.gather [spmem:s13], $0x2710, $0x38;
	[tilespmem:$0x1C100] =	vst v63  }
0x15e: {  	s1 =	sadd.s32 $0x1, s1;
	_ =	swait.ge [sflag:s18], $0x2710  }
0x15f: {  	p1 =	sne.s32 s1, s16;
	[sflag:s18] =	ssyncset.done $0x0  }
.Ltmp6:
0x160: {  	[sflag:s18] =	ssyncadd.s32 $0xFFFFD8F0;
	(pc) =	sbr.rel @p1 .LBB2_1-.Ltmp6, $4  }
0x161: {  	[hbm4b:s15+s5] =	stream.linear.scatter [tilespmem:s17], [sflag:$0x3], $0x2710, $0x38;
	[tilespmem:$0x1C100] =	vst v63  }
0x162: {  	_ =	swait.ge [sflag:s18], $0x2710  }
0x163: {  	[sflag:s18] =	ssyncset.done $0x0  }
0x164: {  	[sflag:s18] =	ssyncadd.s32 $0xFFFFD8F0  }
0x165: {  	_ =	sfence.sel $0x180000  }
0x166: {  	[bflag:$0x0] =	sbarrier.arrive $0xFFFF  }
0x167: {  	_ =	strace $0x9000004D  }
0x168: {  	s0 =	stileid.u32;
	[bflag:$0x2] =	sbarrier.arrive $0xFFFF  }
0x169: {  	p0 =	sne.s32 s0, $0x0;
	s0 =	rddreg [dreg:$0x5]  }
0x16a: {  	s0 =	sadd.s32 @!p0 $0x100000, s0  }
0x16b: {  	[sflag:s0] =	ssyncadd.tile.s32 @!p0 $0x1;
	_ =	shalt  }
.Lfunc_end2:
_tile_overlayer_lowered:
.L_overlay_start_2:
0x16c: {  	(tag) =	ssettag $0x2  }
0x16d: {  	s0 =	rddreg [dreg:$0x0];
	s2 =	stileid.u32  }
0x16e: {  	s1 =	rddreg [dreg:$0x1];
	p0 =	sne.s32 s2, $0x0  }
0x16f: {  	s3 =	rddreg [dreg:$0x2];
	[bflag:$0x3] =	sbarrier.arrive $0xFFFF;
	s2 =	simm.s32 @!p0 $0x1C03  }
0x170: {  	[timem:s3], [sflag:s2] =	dma.local @!p0 [hbm:s0], s1  }
0x171: {  	s0 =	simm.s32 @!p0 $0x3  }
0x172: {  	_ =	swait.ge @!p0 [sflag:s0], s1  }
0x173: {  	s1 =	ssub.s32 @!p0 $0x0, s1;
	[sflag:s0] =	ssyncset.done @!p0 $0x0  }
0x174: {  	[sflag:s0] =	ssyncadd.s32 @!p0 s1  }
0x175: {  	[bflag:$0x3] =	sbarrier.arrive $0xFFFF  }
0x176: {  	_ =	shalt  }

// kernel: kernel.7.cloned.1.call-start
scs
__scs_entry_jumppad:
0x0: {  	(pc) =	sbr.rel $0x88, $3  }
0x1: {  	(tag) =	ssettag $0x0;
	lr =	simm.s32 $0x1  }
0x2: {  	[smem:$0x3F9B] =	sst lr;
	_ =	strace $0xD0000000  }
0x3: {  	_ = 	snop  }
0x4: {  	_ = 	snop  }
0x5: {  	_ = 	snop  }
0x6: {  	_ = 	snop  }
0x7: {  	_ = 	snop  }
__scs_overlays_trampoline_lowered:
0x8: {  	[smem:$0x3FAA] =	sst s0  }
0x9: {  	[smem:$0x3FAB] =	sst s1  }
0xa: {  	[smem:$0x3FAC] =	sst s2  }
0xb: {  	[smem:$0x3FAD] =	sst s3  }
0xc: {  	[smem:$0x3FAE] =	sst s4  }
0xd: {  	[smem:$0x3FAF] =	sst s5  }
0xe: {  	[smem:$0x3FB0] =	sst s6  }
0xf: {  	[smem:$0x3FB1] =	sst s7  }
0x10: {  	[smem:$0x3FB2] =	sst s8  }
0x11: {  	[smem:$0x3FB3] =	sst s9;
	s0 =	simm.s32 @!p0 $0x0  }
0x12: {  	s1 =	sld [smem:$0x3F99];
	s0 =	simm.s32 @p0 $0x1  }
0x13: {  	[smem:$0x3FB4] =	sst s0;
	s0 =	simm.s32 @!p1 $0x0  }
0x14: {  	s2 =	sld [smem:$0x3F98];
	s0 =	simm.s32 @p1 $0x1  }
0x15: {  	[smem:$0x3FB5] =	sst s0;
	s0 =	simm.s32 @!p2 $0x0  }
0x16: {  	s3 =	sld [smem:$0x3FDB];
	s0 =	simm.s32 @p2 $0x1  }
0x17: {  	s4 =	simm.s32 $0x1BF5;
	[smem:$0x3FB7] =	sst s0  }
0x18: {  	s0 =	sld [smem:$0x3F9A];
	_ =	swait.ge [sflag:s4], $0x0  }
0x19: {  	s7 =	sld [smem:$0x3F9B]  }
0x1a: {  	s8 =	sadd.s32 $0xFFFFE003, lr  }
0x1b: {  	s9 =	sadd.s32 $0xFFFFFEF7, lr;
	s5 =	simm.s32 $0xFFFFFFFF;
	p2 =	slt.u32 s8, $0xFFFFF086  }
0x1c: {  	p1 =	slt.u32 s9, $0xF7A;
	s5 =	simm.s32 @!p2 $0x0  }
0x1d: {  	s5 =	simm.s32 @p1 $0x1;
	p0 =	seq.s32 s7, s2  }
0x1e: {  	s7 =	smul.u32 @!p0 $0xF7A, s2;
	p2 =	seq.s32 @!p0 s5, $0x0  }
0x1f: {  	s9 =	smul.u32 $0xF7A, s1;
	s8 =	simm.s32 @!p0 $0x1BF5;
	p2 =	por !p2, p0  }
0x20: {  	[sflag:s8] =	ssyncset.s32 @!p0 $0xFFFFF086;
	s6 =	sadd.s32 @!p0 s3, s7;
	s7 =	simm.s32 @!p0 $0x108  }
0x21: {  	s3 =	sadd.s32 s3, s9;
	s6 =	sadd.s32 @!p0 $0x88, s6;
	s7 =	simm.s32 @p2 $0x1082  }
0x22: {  	[simem:s7], [sflag:s8] =	dma.local @!p0 [hbm:s6], $0xF7A  }
0x23: {  	s9 =	sor.u32 $0xD0000000, s2;
	s6 =	simm.s32 $0x108;
	_ =	swait.ge @!p0 [sflag:s8], $0x0  }
0x24: {  	s3 =	sadd.s32 $0x88, s3;
	s6 =	simm.s32 @!p1 $0x1082;
	[sflag:s4] =	ssyncset.s32 $0xFFFFF086  }
0x25: {  	[simem:s6], [sflag:s4] =	dma.local [hbm:s3], $0xF7A  }
0x26: {  	[smem:$0x3F9B] =	sst s1;
	(tag) =	ssettag s2;
	_ =	strace s9  }
0x27: {  	s1 =	sld [smem:$0x3FAB]  }
0x28: {  	s2 =	sld [smem:$0x3FAC]  }
0x29: {  	s4 =	sld [smem:$0x3FAE]  }
0x2a: {  	p0 =	seq.s32 s5, $0x0;
	s5 =	sld [smem:$0x3FAF]  }
0x2b: {  	s6 =	sld [smem:$0x3FB0]  }
0x2c: {  	s7 =	sld [smem:$0x3FB1]  }
0x2d: {  	s3 =	simm.s32 $0x108;
	s8 =	sld [smem:$0x3FB2]  }
0x2e: {  	s3 =	simm.s32 @!p0 $0x1082;
	s9 =	sld [smem:$0x3FB3]  }
0x2f: {  	lr =	sadd.s32 s0, s3;
	s0 =	sld [smem:$0x3FAA]  }
0x30: {  	s3 =	sld [smem:$0x3FAD]  }
0x31: {  	[smem:$0x3FB6] =	sst s10  }
0x32: {  	s10 =	sld [smem:$0x3FB4];
	_ =	sdelay $0x3  }
0x33: {  	p0 =	seq.s32 s10, $0x1;
	s10 =	sld [smem:$0x3FB6];
	_ =	sdelay $0x3  }
0x34: {  	[smem:$0x3FB6] =	sst s10  }
0x35: {  	s10 =	sld [smem:$0x3FB5];
	_ =	sdelay $0x3  }
0x36: {  	p1 =	seq.s32 s10, $0x1;
	s10 =	sld [smem:$0x3FB6];
	_ =	sdelay $0x3  }
0x37: {  	[smem:$0x3FB6] =	sst s10  }
0x38: {  	s10 =	sld [smem:$0x3FB7]  }
0x39: {  	_ = 	snop;
	(pc) =	sbr.ind lr, $3  }
0x3a: {  	_ = 	snop  }
0x3b: {  	_ = 	snop  }
0x3c: {  	p2 =	seq.s32 s10, $0x1;
	s10 =	sld [smem:$0x3FB6]  }
0x3d: {  	_ =	shalt  }
0x3e: {  	_ =	shalt  }
0x3f: {  	_ =	shalt  }
0x40: {  	_ =	shalt  }
0x41: {  	_ =	shalt  }
0x42: {  	_ =	shalt  }
0x43: {  	_ =	shalt  }
0x44: {  	_ =	shalt  }
0x45: {  	_ =	shalt  }
0x46: {  	_ =	shalt  }
0x47: {  	_ =	shalt  }
0x48: {  	_ =	shalt  }
0x49: {  	_ =	shalt  }
0x4a: {  	_ =	shalt  }
0x4b: {  	_ =	shalt  }
0x4c: {  	_ =	shalt  }
0x4d: {  	_ =	shalt  }
0x4e: {  	_ =	shalt  }
0x4f: {  	_ =	shalt  }
0x50: {  	_ =	shalt  }
0x51: {  	_ =	shalt  }
0x52: {  	_ =	shalt  }
0x53: {  	_ =	shalt  }
0x54: {  	_ =	shalt  }
0x55: {  	_ =	shalt  }
0x56: {  	_ =	shalt  }
0x57: {  	_ =	shalt  }
0x58: {  	_ =	shalt  }
0x59: {  	_ =	shalt  }
0x5a: {  	_ =	shalt  }
0x5b: {  	_ =	shalt  }
0x5c: {  	_ =	shalt  }
0x5d: {  	_ =	shalt  }
0x5e: {  	_ =	shalt  }
0x5f: {  	_ =	shalt  }
0x60: {  	_ =	shalt  }
0x61: {  	_ =	shalt  }
0x62: {  	_ =	shalt  }
0x63: {  	_ =	shalt  }
0x64: {  	_ =	shalt  }
0x65: {  	_ =	shalt  }
0x66: {  	_ =	shalt  }
0x67: {  	_ =	shalt  }
0x68: {  	_ =	shalt  }
0x69: {  	_ =	shalt  }
0x6a: {  	_ =	shalt  }
0x6b: {  	_ =	shalt  }
0x6c: {  	_ =	shalt  }
0x6d: {  	_ =	shalt  }
0x6e: {  	_ =	shalt  }
0x6f: {  	_ =	shalt  }
0x70: {  	_ =	shalt  }
0x71: {  	_ =	shalt  }
0x72: {  	_ =	shalt  }
0x73: {  	_ =	shalt  }
0x74: {  	_ =	shalt  }
0x75: {  	_ =	shalt  }
0x76: {  	_ =	shalt  }
0x77: {  	_ =	shalt  }
0x78: {  	_ =	shalt  }
0x79: {  	_ =	shalt  }
0x7a: {  	_ =	shalt  }
0x7b: {  	_ =	shalt  }
0x7c: {  	_ =	shalt  }
0x7d: {  	_ =	shalt  }
0x7e: {  	_ =	shalt  }
0x7f: {  	_ =	shalt  }
0x80: {  	_ =	shalt  }
0x81: {  	_ =	shalt  }
0x82: {  	_ =	shalt  }
0x83: {  	_ =	shalt  }
0x84: {  	_ =	shalt  }
0x85: {  	_ =	shalt  }
0x86: {  	_ =	shalt  }
0x87: {  	_ =	shalt  }
.Lfunc_end0:
.L_simem_size_0:
called_computation_lowered:
.L_overlay_start_0:
0x88: {  	s2 =	sld [smem:$0x3FD9]  }
0x89: {  	s3 =	sld [smem:$0x3FFE];
	_ =	sdelay $0x1  }
0x8a: {  	s1 =	srdreg.scid  }
0x8b: {  	s0 =	sand.u32 $0x1, s1  }
0x8c: {  	s17 =	sshll.u32 s0, $0xA;
	s2 =	sadd.s32 s3, s2  }
0x8d: {  	s2 =	sadd.s32 s2, s17  }
0x8e: {  	[smem:$0x3FC2] =	sst s2  }
0x8f: {  	_ = 	snop  }
0x90: {  	s2 =	sld [smem:$0x3FD0];
	(tm) =	ssettm $0x1  }
0x91: {  	s18 =	sld [smem:$0x3FFB];
	_ =	sdelay $0x3  }
0x92: {  	_ =	strace s18  }
0x93: {  	s3 =	sld [smem:$0x3FFC];
	_ =	sdelay $0x3  }
0x94: {  	_ =	strace s3  }
0x95: {  	s3 =	sld [smem:$0x3FFD];
	_ =	sdelay $0x3  }
0x96: {  	_ =	strace s3  }
0x97: {  	_ =	strace $0x8FFFFFFF  }
0x98: {  	s19 =	sld [smem:$0x3FDB];
	_ =	sdelay $0x1  }
0x99: {  	s4 =	simm.s32 $_scs_section_size  }
0x9a: {  	s5 =	simm.s32 $_size__tile_overlayer_lowered;
	s6 =	simm.s32 $_tile_overlayer_lowered  }
0x9b: {  	s22 =	simm.s32 $0x1BFF;
	s21 =	sshll.u32 s6, $0x1;
	s3 =	sadd.s32 s4, s19  }
0x9c: {  	s7 =	simm.s32 $0x0;
	s20 =	sshll.u32 s5, $0x1;
	s5 =	sadd.s32 s21, s3  }
0x9d: {  	[timem:s7], [sflag:s22] =	dma.local [hbm:s5], s20  }
0x9e: {  	_ =	swait.ge [sflag:s22], s20  }
0x9f: {  	s4 =	ssub.s32 $0x0, s20;
	[sflag:s22] =	ssyncset.done $0x0  }
0xa0: {  	[sflag:s22] =	ssyncadd.s32 s4;
	_ =	sdelay $0x1  }
0xa1: {  	s23 =	simm.s32 $0x1B8B  }
0xa2: {  	_ =	swait.ge [sflag:s23], $0x1  }
0xa3: {  	[sflag:s23] =	ssyncset.done $0x0  }
0xa4: {  	s25 =	simm.s32 $0x1B8E;
	s24 =	sld [smem:$0x3FFE];
	[sflag:s23] =	ssyncadd.s32 $0xFFFFFFFF  }
0xa5: {  	s26 =	simm.s32 $execute0_lowered;
	[smem:$0x3FD2] =	sst s25  }
0xa6: {  	s5 =	sshll.u32 s26, $0x1;
	_ =	strace $0x80000046;
	[dreg:$0x1] =	wrdreg $0xFFFFFFFF  }
0xa7: {  	s28 =	simm.s32 $_size_execute0_lowered;
	s3 =	sadd.s32 s3, s5;
	[dreg:$0x0] =	wrdreg $0x0  }
0xa8: {  	s5 =	sshll.u32 s28, $0x1;
	[dreg:$0x2] =	wrdreg s3  }
0xa9: {  	[dreg:$0x3] =	wrdreg s5  }
0xaa: {  	[dreg:$0x4] =	wrdreg $0xC0  }
0xab: {  	_ =	task [dreg:s7], $0x5FFFF  }
0xac: {  	[dreg:$0x1] =	wrdreg $0xFFFFFFFF  }
0xad: {  	[dreg:$0x0] =	wrdreg $0x60  }
0xae: {  	[dreg:$0x2] =	wrdreg s2  }
0xaf: {  	[dreg:$0x3] =	wrdreg s24  }
0xb0: {  	[dreg:$0x4] =	wrdreg $0x0  }
0xb1: {  	[dreg:$0x5] =	wrdreg $0x9  }
0xb2: {  	_ =	task.clear_ibuf [dreg:s7], $0x6FFFF;
	_ =	strace $0x90000046  }
0xb3: {  	s29 =	simm.s32 $0x9;
	_ =	strace $0x80000048  }
0xb4: {  	_ =	swait.ge [sflag:s29], $0x1  }
0xb5: {  	[sflag:s29] =	ssyncadd.s32 $0xFFFFFFFF  }
0xb6: {  	_ =	strace $0x90000048  }
0xb7: {  	_ =	sfence  }
0xb8: {  	s30 =	sld [smem:$0x0];
	_ =	sdelay $0x2  }
0xb9: {  	s31 =	sshll.u32 s1, $0xD;
	s1 =	sshrl.u32 s1, $0x2  }
0xba: {  	s3 =	sand.u32 $0x4000, s31;
	s1 =	sadd.s32 s1, s30  }
0xbb: {  	s0 =	sor.u32 s3, s0;
	s1 =	sshll.u32 s1, $0x11  }
0xbc: {  	s0 =	sor.u32 s1, s0  }
0xbd: {  	s0 =	sadd.s32 $0x8F2B, s0  }
0xbe: {  	[sflag:s0] =	ssyncadd.remote.s32 $0x1  }
0xbf: {  	_ =	sfence.sel $0xFFFF  }
0xc0: {  	[dreg:$0x0] =	wrdreg $0xFFFFFFFF;
	(pc) =	sbr.abs _section_cstart, $3  }
0xc1: {  	[dreg:$0x1] =	wrdreg $0xFFFFFFFF  }
0xc2: {  	_ =	task.clear_ibuf [dreg:s7], $0x2FFFF;
	_ =	strace $0x9FFFFFFF  }
0xc3: {  	(tm) =	ssettm $0x7FFFFFFF  }
tec
execute0_lowered:
.L_overlay_start_1:
0x0: {  	(tag) =	ssettag $0x1  }
0x1: {  	s5 =	rddreg [dreg:$0x0]  }
0x2: {  	s4 =	rddreg [dreg:$0x1]  }
0x3: {  	s2 =	rddreg [dreg:$0x2];
	s3 =	srdreg.scid  }
0x4: {  	s0 =	rddreg [dreg:$0x3];
	s1 =	stileid.u32  }
0x5: {  	s13 =	simm.s32 $0x1;
	s14 =	simm.s32 $0x0;
	s6 =	sand.u32 $0x1, s3  }
0x6: {  	s3 =	simm.s32 $0x0;
	s7 =	smul.u32 $0x280, s1;
	s8 =	sshll.u32 s6, $0x4  }
0x7: {  	[smem:$0x7FF] =	sst s3;
	s9 =	smul.u32 $0x2800, s6;
	s6 =	ssub.s32 $0x2, s6  }
0x8: {  	s10 =	sor.u32 s1, s8;
	_ =	strace $0x80000047;
	s12 =	sshrl.u32 s6, $0x1  }
0x9: {  	s8 =	smul.u32 $0x4E, s10;
	s9 =	sadd.s32 s7, s9;
	s11 =	smin.u32 s10, $0x4  }
0xa: {  	s30 =	ssub.s32 s6, s12;
	p0 =	slt.u32 s10, $0x4;
	s9 =	sshrl.u32 s9, $0x3  }
0xb: {  	s12 =	simm.s32 $0x2A00;
	s8 =	sadd.s32 s11, s8;
	s9 =	sadd.s32 s9, s4  }
0xc: {  	s4 =	simm.s32 $0x7;
	s11 =	simm.s32 $0x80;
	s31 =	sshll.u32 s8, $0x4  }
0xd: {  	s4 =	simm.s32 @!p0 $0x6;
	s8 =	smax.u32 s30, $0x1;
	p0 =	sgt.u32 s10, $0x3  }
0xe: {  	s10 =	simm.s32 $0x2;
	s6 =	sadd.s32 s31, s5;
	s5 =	sadd.s32 s7, s2  }
0xf: {  	v0 =	vimm.f32 $0.0e+00;
	v1 =	vimm.f32 $1.000000000e+00;
	s7 =	sadd.s32 $0x2000, s9;
	s9 =	simm.s32 $0x2A80;
	s6 =	sadd.s32 $0x9C40, s6  }
.LBB2_1:
0x10: {  	[tilespmem:$0x2A80] =	vst v0  }
0x11: {  	[tilespmem:$0x2A90] =	vst v0  }
0x12: {  	[tilespmem:$0x2AA0] =	vst v0  }
0x13: {  	[tilespmem:$0x2AB0] =	vst v0  }
0x14: {  	[tilespmem:$0x2AC0] =	vst v0  }
0x15: {  	[tilespmem:$0x2AD0] =	vst v0  }
0x16: {  	[tilespmem:$0x2AE0] =	vst v0  }
0x17: {  	[tilespmem:$0x2AF0] =	vst v0  }
0x18: {  	[tilespmem:$0x2B00] =	vst v0  }
0x19: {  	[tilespmem:$0x2B10] =	vst v0  }
0x1a: {  	[tilespmem:$0x2B20] =	vst v0  }
0x1b: {  	[tilespmem:$0x2B30] =	vst v0  }
0x1c: {  	[tilespmem:$0x2B40] =	vst v0  }
0x1d: {  	[tilespmem:$0x2B50] =	vst v0  }
0x1e: {  	[tilespmem:$0x2B60] =	vst v0  }
0x1f: {  	[tilespmem:$0x2B70] =	vst v0  }
0x20: {  	[tilespmem:$0x2B80] =	vst v0  }
0x21: {  	[tilespmem:$0x2B90] =	vst v0  }
0x22: {  	[tilespmem:$0x2BA0] =	vst v0  }
0x23: {  	[tilespmem:$0x2BB0] =	vst v0  }
0x24: {  	[tilespmem:$0x2BC0] =	vst v0  }
0x25: {  	[tilespmem:$0x2BD0] =	vst v0  }
0x26: {  	[tilespmem:$0x2BE0] =	vst v0  }
0x27: {  	[tilespmem:$0x2BF0] =	vst v0  }
0x28: {  	[tilespmem:$0x2C00] =	vst v0  }
0x29: {  	[tilespmem:$0x2C10] =	vst v0  }
0x2a: {  	[tilespmem:$0x2C20] =	vst v0  }
0x2b: {  	[tilespmem:$0x2C30] =	vst v0  }
0x2c: {  	[tilespmem:$0x2C40] =	vst v0  }
0x2d: {  	[tilespmem:$0x2C50] =	vst v0  }
0x2e: {  	[tilespmem:$0x2C60] =	vst v0  }
0x2f: {  	[tilespmem:$0x2C70] =	vst v0  }
0x30: {  	[tilespmem:$0x2C80] =	vst v0  }
0x31: {  	[tilespmem:$0x2C90] =	vst v0  }
0x32: {  	[tilespmem:$0x2CA0] =	vst v0  }
0x33: {  	[tilespmem:$0x2CB0] =	vst v0  }
0x34: {  	[tilespmem:$0x2CC0] =	vst v0  }
0x35: {  	[tilespmem:$0x2CD0] =	vst v0  }
0x36: {  	[tilespmem:$0x2CE0] =	vst v0  }
0x37: {  	[tilespmem:$0x2CF0] =	vst v0  }
0x38: {  	[tilespmem:$0x2A00] =	vst v1  }
0x39: {  	[tilespmem:$0x2A10] =	vst v1  }
0x3a: {  	[tilespmem:$0x2A20] =	vst v1  }
0x3b: {  	[tilespmem:$0x2A30] =	vst v1  }
0x3c: {  	[tilespmem:$0x2A40] =	vst v1  }
0x3d: {  	[tilespmem:$0x2A50] =	vst v1  }
0x3e: {  	[tilespmem:$0x2A60] =	vst v1  }
0x3f: {  	[tilespmem:$0x2A70] =	vst v1  }
0x40: {  	[spmem:s5] =	stream.linear.scatter [tilespmem:s9], [sflag:$0x2], $0x280, $0x38;
	[tilespmem:$0x2D00] =	vst v63  }
0x41: {  	_ =	swait.ge [sflag:s10], $0x280  }
0x42: {  	[sflag:s10] =	ssyncset.done $0x0  }
0x43: {  	s15 =	simm.s32 @p0 $0x0;
	s16 =	simm.s32 @p0 $0x280;
	[sflag:s10] =	ssyncadd.s32 $0xFFFFFD80  }
0x44: {  	[tilespmem:s16], [sflag:$0x2] =	stream.linear.gather @p0 [hbm4b:s6+s15], $0x2700, $0x38;
	[tilespmem:$0x2D00] =	vst v63  }
0x45: {  	s15 =	simm.s32 @p0 $0x2  }
0x46: {  	_ =	swait.ge @p0 [sflag:s15], $0x2700  }
0x47: {  	[sflag:s15] =	ssyncset.done @p0 $0x0  }
0x48: {  	s16 =	simm.s32 @!p0 $0x280;
	[sflag:s15] =	ssyncadd.s32 @p0 $0xFFFFD900;
	s15 =	simm.s32 @!p0 $0x0  }
0x49: {  	[tilespmem:s16], [sflag:$0x2] =	stream.linear.gather @!p0 [hbm4b:s6+s15], $0x2780, $0x38;
	[tilespmem:$0x2D00] =	vst v63  }
0x4a: {  	s15 =	simm.s32 @!p0 $0x2  }
0x4b: {  	_ =	swait.ge @!p0 [sflag:s15], $0x2780  }
0x4c: {  	[sflag:s15] =	ssyncset.done @!p0 $0x0  }
0x4d: {  	[sflag:s15] =	ssyncadd.s32 @!p0 $0xFFFFD880  }
0x4e: {  	s23 =	simm.s32 $0x280;
	[bflag:$0x0] =	sbarrier.arrive $0xFFFF  }
0x4f: {  	[spmem:s2] =	stream.indirect.scatter.add.f32 [tilespmem:s12], [sflag:$0x1], $0x1, s23, s11, $0xb8;
	[tilespmem:$0x2D00] =	vst v63  }
0x50: {  	s24 =	simm.s32 $0x300  }
0x51: {  	[spmem:s2] =	stream.indirect.scatter.add.f32 [tilespmem:s12], [sflag:$0x1], $0x1, s24, s11, $0xb8;
	[tilespmem:$0x2D00] =	vst v63  }
0x52: {  	s25 =	simm.s32 $0x380  }
0x53: {  	[spmem:s2] =	stream.indirect.scatter.add.f32 [tilespmem:s12], [sflag:$0x1], $0x1, s25, s11, $0xb8;
	[tilespmem:$0x2D00] =	vst v63  }
0x54: {  	s26 =	simm.s32 $0x400  }
0x55: {  	[spmem:s2] =	stream.indirect.scatter.add.f32 [tilespmem:s12], [sflag:$0x1], $0x1, s26, s11, $0xb8;
	[tilespmem:$0x2D00] =	vst v63  }
0x56: {  	s28 =	simm.s32 $0x480  }
0x57: {  	[spmem:s2] =	stream.indirect.scatter.add.f32 [tilespmem:s12], [sflag:$0x1], $0x1, s28, s11, $0xb8;
	[tilespmem:$0x2D00] =	vst v63  }
0x58: {  	s29 =	simm.s32 $0x500  }
0x59: {  	[spmem:s2] =	stream.indirect.scatter.add.f32 [tilespmem:s12], [sflag:$0x1], $0x1, s29, s11, $0xb8;
	[tilespmem:$0x2D00] =	vst v63  }
0x5a: {  	s30 =	simm.s32 $0x580  }
0x5b: {  	[spmem:s2] =	stream.indirect.scatter.add.f32 [tilespmem:s12], [sflag:$0x1], $0x1, s30, s11, $0xb8;
	[tilespmem:$0x2D00] =	vst v63  }
0x5c: {  	s31 =	simm.s32 $0x600  }
0x5d: {  	[spmem:s2] =	stream.indirect.scatter.add.f32 [tilespmem:s12], [sflag:$0x1], $0x1, s31, s11, $0xb8;
	[tilespmem:$0x2D00] =	vst v63  }
0x5e: {  	_ =	swait.ge [sflag:s13], $0x80  }
0x5f: {  	[sflag:s13] =	ssyncset.done $0x0  }
0x60: {  	[sflag:s13] =	ssyncadd.s32 $0xFFFFFF80  }
0x61: {  	_ =	swait.ge [sflag:s13], $0x80  }
0x62: {  	[sflag:s13] =	ssyncset.done $0x0  }
0x63: {  	[sflag:s13] =	ssyncadd.s32 $0xFFFFFF80  }
0x64: {  	_ =	swait.ge [sflag:s13], $0x80  }
0x65: {  	[sflag:s13] =	ssyncset.done $0x0  }
0x66: {  	[sflag:s13] =	ssyncadd.s32 $0xFFFFFF80  }
0x67: {  	_ =	swait.ge [sflag:s13], $0x80  }
0x68: {  	[sflag:s13] =	ssyncset.done $0x0  }
0x69: {  	[sflag:s13] =	ssyncadd.s32 $0xFFFFFF80  }
0x6a: {  	_ =	swait.ge [sflag:s13], $0x80  }
0x6b: {  	[sflag:s13] =	ssyncset.done $0x0  }
0x6c: {  	[sflag:s13] =	ssyncadd.s32 $0xFFFFFF80  }
0x6d: {  	_ =	swait.ge [sflag:s13], $0x80  }
0x6e: {  	[sflag:s13] =	ssyncset.done $0x0  }
0x6f: {  	[sflag:s13] =	ssyncadd.s32 $0xFFFFFF80  }
0x70: {  	_ =	swait.ge [sflag:s13], $0x80  }
0x71: {  	[sflag:s13] =	ssyncset.done $0x0  }
0x72: {  	[sflag:s13] =	ssyncadd.s32 $0xFFFFFF80  }
0x73: {  	_ =	swait.ge [sflag:s13], $0x80  }
0x74: {  	s18 =	simm.s32 $0x2000;
	s17 =	simm.s32 $0x400;
	[sflag:s13] =	ssyncset.done $0x0  }
.LBB2_2:
0x75: {  	s19 =	sadd.s32 $0x280, s17  }
0x76: {  	[sflag:s13] =	ssyncadd.s32 $0xFFFFFF80;
	s16 =	smov.u32 s18;
	s15 =	sadd.s32 $0x1000, s18  }
0x77: {  	[spmem:s2] =	stream.indirect.scatter.add.f32 [tilespmem:s12], [sflag:$0x1], $0x1, s19, s11, $0xb8;
	[tilespmem:$0x2D00] =	vst v63  }
0x78: {  	p1 =	sne.s32 s18, $0x8000;
	s18 =	sadd.s32 $0x300, s17  }
0x79: {  	[spmem:s2] =	stream.indirect.scatter.add.f32 [tilespmem:s12], [sflag:$0x1], $0x1, s18, s11, $0xb8;
	[tilespmem:$0x2D00] =	vst v63  }
0x7a: {  	s18 =	sadd.s32 $0x380, s17  }
0x7b: {  	[spmem:s2] =	stream.indirect.scatter.add.f32 [tilespmem:s12], [sflag:$0x1], $0x1, s18, s11, $0xb8;
	[tilespmem:$0x2D00] =	vst v63  }
0x7c: {  	s18 =	sadd.s32 $0x400, s17  }
0x7d: {  	[spmem:s2] =	stream.indirect.scatter.add.f32 [tilespmem:s12], [sflag:$0x1], $0x1, s18, s11, $0xb8;
	[tilespmem:$0x2D00] =	vst v63  }
0x7e: {  	s18 =	sadd.s32 $0x480, s17  }
0x7f: {  	[spmem:s2] =	stream.indirect.scatter.add.f32 [tilespmem:s12], [sflag:$0x1], $0x1, s18, s11, $0xb8;
	[tilespmem:$0x2D00] =	vst v63  }
0x80: {  	s18 =	sadd.s32 $0x500, s17  }
0x81: {  	[spmem:s2] =	stream.indirect.scatter.add.f32 [tilespmem:s12], [sflag:$0x1], $0x1, s18, s11, $0xb8;
	[tilespmem:$0x2D00] =	vst v63  }
0x82: {  	s18 =	sadd.s32 $0x580, s17  }
0x83: {  	[spmem:s2] =	stream.indirect.scatter.add.f32 [tilespmem:s12], [sflag:$0x1], $0x1, s18, s11, $0xb8;
	[tilespmem:$0x2D00] =	vst v63  }
0x84: {  	s17 =	sadd.s32 $0x600, s17  }
0x85: {  	[spmem:s2] =	stream.indirect.scatter.add.f32 [tilespmem:s12], [sflag:$0x1], $0x1, s17, s11, $0xb8;
	[tilespmem:$0x2D00] =	vst v63  }
0x86: {  	_ =	swait.ge [sflag:s13], $0x80  }
0x87: {  	[sflag:s13] =	ssyncset.done $0x0  }
0x88: {  	[sflag:s13] =	ssyncadd.s32 $0xFFFFFF80  }
0x89: {  	_ =	swait.ge [sflag:s13], $0x80  }
0x8a: {  	[sflag:s13] =	ssyncset.done $0x0  }
0x8b: {  	[sflag:s13] =	ssyncadd.s32 $0xFFFFFF80  }
0x8c: {  	_ =	swait.ge [sflag:s13], $0x80  }
0x8d: {  	[sflag:s13] =	ssyncset.done $0x0  }
0x8e: {  	[sflag:s13] =	ssyncadd.s32 $0xFFFFFF80  }
0x8f: {  	_ =	swait.ge [sflag:s13], $0x80  }
0x90: {  	[sflag:s13] =	ssyncset.done $0x0  }
0x91: {  	[sflag:s13] =	ssyncadd.s32 $0xFFFFFF80  }
0x92: {  	_ =	swait.ge [sflag:s13], $0x80  }
0x93: {  	[sflag:s13] =	ssyncset.done $0x0  }
0x94: {  	[sflag:s13] =	ssyncadd.s32 $0xFFFFFF80  }
0x95: {  	_ =	swait.ge [sflag:s13], $0x80  }
0x96: {  	[sflag:s13] =	ssyncset.done $0x0  }
0x97: {  	[sflag:s13] =	ssyncadd.s32 $0xFFFFFF80  }
.Ltmp0:
0x98: {  	_ =	swait.ge [sflag:s13], $0x80;
	(pc) =	sbr.rel @p1 .LBB2_2-.Ltmp0, $4  }
0x99: {  	[sflag:s13] =	ssyncset.done $0x0  }
0x9a: {  	[sflag:s13] =	ssyncadd.s32 $0xFFFFFF80  }
0x9b: {  	_ =	swait.ge [sflag:s13], $0x80  }
0x9c: {  	s18 =	smov.u32 s15;
	s17 =	sshra.s32 s16, $0x2;
	[sflag:s13] =	ssyncset.done $0x0  }
0x9d: {  	s15 =	sadd.s32 $0x280, s17;
	[sflag:s13] =	ssyncadd.s32 $0xFFFFFF80  }
0x9e: {  	[spmem:s2] =	stream.indirect.scatter.add.f32 [tilespmem:s12], [sflag:$0x1], $0x1, s15, s11, $0xb8;
	[tilespmem:$0x2D00] =	vst v63  }
0x9f: {  	s24 =	sadd.s32 $0x300, s17  }
0xa0: {  	[spmem:s2] =	stream.indirect.scatter.add.f32 [tilespmem:s12], [sflag:$0x1], $0x1, s24, s11, $0xb8;
	[tilespmem:$0x2D00] =	vst v63  }
0xa1: {  	s25 =	sadd.s32 $0x380, s17  }
0xa2: {  	[spmem:s2] =	stream.indirect.scatter.add.f32 [tilespmem:s12], [sflag:$0x1], $0x1, s25, s11, $0xb8;
	[tilespmem:$0x2D00] =	vst v63  }
0xa3: {  	s26 =	sadd.s32 $0x400, s17  }
0xa4: {  	[spmem:s2] =	stream.indirect.scatter.add.f32 [tilespmem:s12], [sflag:$0x1], $0x1, s26, s11, $0xb8;
	[tilespmem:$0x2D00] =	vst v63  }
0xa5: {  	s28 =	sadd.s32 $0x480, s17  }
0xa6: {  	[spmem:s2] =	stream.indirect.scatter.add.f32 [tilespmem:s12], [sflag:$0x1], $0x1, s28, s11, $0xb8;
	[tilespmem:$0x2D00] =	vst v63  }
0xa7: {  	s29 =	sadd.s32 $0x500, s17  }
0xa8: {  	[spmem:s2] =	stream.indirect.scatter.add.f32 [tilespmem:s12], [sflag:$0x1], $0x1, s29, s11, $0xb8;
	[tilespmem:$0x2D00] =	vst v63  }
0xa9: {  	s30 =	sadd.s32 $0x580, s17  }
0xaa: {  	[spmem:s2] =	stream.indirect.scatter.add.f32 [tilespmem:s12], [sflag:$0x1], $0x1, s30, s11, $0xb8;
	[tilespmem:$0x2D00] =	vst v63  }
0xab: {  	s31 =	sadd.s32 $0x600, s17  }
0xac: {  	[spmem:s2] =	stream.indirect.scatter.add.f32 [tilespmem:s12], [sflag:$0x1], $0x1, s31, s11, $0xb8;
	[tilespmem:$0x2D00] =	vst v63  }
0xad: {  	_ =	swait.ge [sflag:s13], $0x80  }
0xae: {  	[sflag:s13] =	ssyncset.done $0x0  }
0xaf: {  	[sflag:s13] =	ssyncadd.s32 $0xFFFFFF80  }
0xb0: {  	_ =	swait.ge [sflag:s13], $0x80  }
0xb1: {  	[sflag:s13] =	ssyncset.done $0x0  }
0xb2: {  	[sflag:s13] =	ssyncadd.s32 $0xFFFFFF80  }
0xb3: {  	_ =	swait.ge [sflag:s13], $0x80  }
0xb4: {  	[sflag:s13] =	ssyncset.done $0x0  }
0xb5: {  	[sflag:s13] =	ssyncadd.s32 $0xFFFFFF80  }
0xb6: {  	_ =	swait.ge [sflag:s13], $0x80  }
0xb7: {  	[sflag:s13] =	ssyncset.done $0x0  }
0xb8: {  	[sflag:s13] =	ssyncadd.s32 $0xFFFFFF80  }
0xb9: {  	_ =	swait.ge [sflag:s13], $0x80  }
0xba: {  	[sflag:s13] =	ssyncset.done $0x0  }
0xbb: {  	[sflag:s13] =	ssyncadd.s32 $0xFFFFFF80  }
0xbc: {  	_ =	swait.ge [sflag:s13], $0x80  }
0xbd: {  	[sflag:s13] =	ssyncset.done $0x0  }
0xbe: {  	[sflag:s13] =	ssyncadd.s32 $0xFFFFFF80  }
0xbf: {  	_ =	swait.ge [sflag:s13], $0x80  }
0xc0: {  	[sflag:s13] =	ssyncset.done $0x0  }
0xc1: {  	[sflag:s13] =	ssyncadd.s32 $0xFFFFFF80  }
0xc2: {  	p1 =	sne.s32 s4, $0x1;
	_ =	swait.ge [sflag:s13], $0x80  }
.Ltmp1:
0xc3: {  	[sflag:s13] =	ssyncset.done $0x0;
	(pc) =	sbr.rel @!p1 .LBB2_5-.Ltmp1, $4  }
0xc4: {  	s15 =	simm.s32 $0x2680;
	[sflag:s13] =	ssyncadd.s32 $0xFFFFFF80  }
0xc5: {  	[spmem:s2] =	stream.indirect.scatter.add.f32 [tilespmem:s12], [sflag:$0x2], $0x1, s15, s11, $0xb8;
	[tilespmem:$0x2D00] =	vst v63  }
0xc6: {  	_ =	swait.ge [sflag:s10], $0x80  }
0xc7: {  	s16 =	sadd.s32 $0xFFFFFFFF, s4;
	[sflag:s10] =	ssyncset.done $0x0  }
.LBB2_4:
0xc8: {  	p1 =	sne.s32 s16, $0x1;
	[sflag:s10] =	ssyncadd.s32 $0xFFFFFF80;
	s15 =	sadd.s32 $0x80, s15  }
.Ltmp2:
0xc9: {  	s16 =	sadd.s32 $0xFFFFFFFF, s16;
	(pc) =	sbr.rel @p1 .LBB2_4-.Ltmp2, $4  }
0xca: {  	_ = 	snop  }
0xcb: {  	[spmem:s2] =	stream.indirect.scatter.add.f32 [tilespmem:s12], [sflag:$0x2], $0x1, s15, s11, $0xb8;
	[tilespmem:$0x2D00] =	vst v63  }
0xcc: {  	_ =	swait.ge [sflag:s10], $0x80  }
0xcd: {  	[sflag:s10] =	ssyncset.done $0x0  }
.LBB2_5:
0xce: {  	[sflag:s10] =	ssyncadd.s32 $0xFFFFFF80  }
0xcf: {  	[bflag:$0x0] =	sbarrier.arrive $0xFFFF  }
0xd0: {  	[tilespmem:s9], [sflag:$0x2] =	stream.linear.gather [spmem:s5], $0x280, $0x38;
	[tilespmem:$0x2D00] =	vst v63  }
0xd1: {  	s14 =	sadd.s32 $0x1, s14;
	_ =	swait.ge [sflag:s10], $0x280  }
0xd2: {  	p1 =	sne.s32 s14, s8;
	[sflag:s10] =	ssyncset.done $0x0  }
.Ltmp3:
0xd3: {  	[sflag:s10] =	ssyncadd.s32 $0xFFFFFD80;
	(pc) =	sbr.rel @p1 .LBB2_1-.Ltmp3, $4  }
0xd4: {  	[hbm4b:s7+s3] =	stream.linear.scatter [tilespmem:s9], [sflag:$0x2], $0x280, $0x38;
	[tilespmem:$0x2D00] =	vst v63  }
0xd5: {  	_ =	swait.ge [sflag:s10], $0x280  }
0xd6: {  	[sflag:s10] =	ssyncset.done $0x0  }
0xd7: {  	[sflag:s10] =	ssyncadd.s32 $0xFFFFFD80  }
0xd8: {  	_ =	sfence.sel $0x180000  }
0xd9: {  	[bflag:$0x0] =	sbarrier.arrive $0xFFFF  }
0xda: {  	p0 =	sne.s32 s1, $0x0;
	_ =	strace $0x90000047  }
0xdb: {  	s0 =	sadd.s32 @!p0 $0x100000, s0;
	[bflag:$0x2] =	sbarrier.arrive $0xFFFF  }
0xdc: {  	[sflag:s0] =	ssyncadd.tile.s32 @!p0 $0x1;
	_ =	shalt  }
.Lfunc_end2:
_tile_overlayer_lowered:
.L_overlay_start_2:
0xdd: {  	(tag) =	ssettag $0x2  }
0xde: {  	s0 =	rddreg [dreg:$0x0];
	s2 =	stileid.u32  }
0xdf: {  	s1 =	rddreg [dreg:$0x1];
	p0 =	sne.s32 s2, $0x0  }
0xe0: {  	s3 =	rddreg [dreg:$0x2];
	[bflag:$0x3] =	sbarrier.arrive $0xFFFF;
	s2 =	simm.s32 @!p0 $0x1C02  }
0xe1: {  	[timem:s3], [sflag:s2] =	dma.local @!p0 [hbm:s0], s1  }
0xe2: {  	s0 =	simm.s32 @!p0 $0x2  }
0xe3: {  	_ =	swait.ge @!p0 [sflag:s0], s1  }
0xe4: {  	s1 =	ssub.s32 @!p0 $0x0, s1;
	[sflag:s0] =	ssyncset.done @!p0 $0x0  }
0xe5: {  	[sflag:s0] =	ssyncadd.s32 @!p0 s1  }
0xe6: {  	[bflag:$0x3] =	sbarrier.arrive $0xFFFF  }
0xe7: {  	_ =	shalt  }

</sc_bundles>
